<compile_context>
chip_gen: v7x
topology: tpu7x:2x2x1
jax: 0.10.2.dev20260603
libtpu: 0.0.44.dev20260713+nightly
codegen_flags: <defaults>
</compile_context>

<pallas_src>
import functools

import jax
import jax.numpy as jnp
from jax import lax
from jax.experimental import pallas as pl
from jax.experimental.pallas import tpu as pltpu
from jax.experimental.pallas import tpu_sc as plsc

N = 10000
E = 160000
D = 128
NP = 10240
NT = 16
ROWS_PER_TILE = NP // NT
K = 128
NCH = 80
GB = 8
NGRP = NCH // GB
EPAD = NT * NCH * K


def _deg_kernel_body(ed0_hbm, ed1_hbm, zero1_hbm, ones_hbm, deg_hbm,
                     dst_v, ones_v, hist_sh):
    c = lax.axis_index("c")
    s = lax.axis_index("s")

    @pl.when(c == 0)
    def _l0():
        pltpu.sync_copy(ed0_hbm.at[1, s], dst_v)

    @pl.when(c == 1)
    def _l1():
        pltpu.sync_copy(ed1_hbm.at[1, s], dst_v)

    pltpu.sync_copy(ones_hbm, ones_v)
    pltpu.sync_copy(zero1_hbm.at[pl.ds(s * ROWS_PER_TILE, ROWS_PER_TILE)],
                    hist_sh.at[pl.ds(s * ROWS_PER_TILE, ROWS_PER_TILE)])
    plsc.subcore_barrier()

    def body(j, carry):
        g = lax.div(j, GB)
        b = lax.rem(j, GB)
        pltpu.sync_copy(ones_v.at[0], hist_sh.at[dst_v.at[g, b]], add=True)
        return carry

    lax.fori_loop(0, NCH, body, 0)
    plsc.subcore_barrier()
    pltpu.sync_copy(hist_sh.at[pl.ds(s * ROWS_PER_TILE, ROWS_PER_TILE)],
                    deg_hbm.at[c, pl.ds(s * ROWS_PER_TILE, ROWS_PER_TILE)])


def _scatter_kernel_body(hcat_hbm, ed0_hbm, ed1_hbm, out_hbm,
                         idx_v, rows0, rows1, acc_sh, sem0, sem1, semi, ssem):
    c = lax.axis_index("c")
    s = lax.axis_index("s")

    def run(h_hbm, ed_hbm):
        rows = (rows0, rows1)
        sems = (sem0, sem1)

        def _wait_scatter():
            pltpu.make_async_copy(rows0, acc_sh.at[idx_v.at[0, 1, 0]],
                                  ssem).wait()

        pltpu.sync_copy(ed_hbm.at[0, s, 0], idx_v.at[0, 0])
        pltpu.async_copy(ed_hbm.at[1, s, 0], idx_v.at[0, 1], semi)
        pltpu.async_copy(h_hbm.at[idx_v.at[0, 0, 0]], rows0, sem0)

        def zbody(j, carry):
            for i in range(D // 16):
                rows1[j, pl.ds(i * 16, 16)] = jnp.zeros((16,), jnp.float32)
            return carry

        lax.fori_loop(0, K, zbody, 0)
        for t in range(ROWS_PER_TILE // K):
            pltpu.sync_copy(
                rows1, acc_sh.at[pl.ds(s * ROWS_PER_TILE + t * K, K)])
        pltpu.make_async_copy(ed_hbm.at[1, s, 0], idx_v.at[0, 1], semi).wait()
        plsc.subcore_barrier()

        def body(g, carry):
            pg = lax.rem(g, 2)
            png = 1 - pg

            @pl.when(g < NGRP - 1)
            def _prefetch():
                pltpu.async_copy(ed_hbm.at[0, s, g + 1], idx_v.at[png, 0],
                                 semi)
                pltpu.async_copy(ed_hbm.at[1, s, g + 1], idx_v.at[png, 1],
                                 semi)

            for b in range(GB):
                rb, sb = rows[b % 2], sems[b % 2]
                nb = (b + 1) % 2
                if b == 0:
                    @pl.when(g > 0)
                    def _ws0():
                        _wait_scatter()
                else:
                    _wait_scatter()
                if b < GB - 1:
                    pltpu.async_copy(h_hbm.at[idx_v.at[pg, 0, b + 1]],
                                     rows[nb], sems[nb])
                else:
                    @pl.when(g < NGRP - 1)
                    def _next_group():
                        pltpu.make_async_copy(ed_hbm.at[0, s, g + 1],
                                              idx_v.at[png, 0], semi).wait()
                        pltpu.make_async_copy(ed_hbm.at[1, s, g + 1],
                                              idx_v.at[png, 1], semi).wait()
                        pltpu.async_copy(h_hbm.at[idx_v.at[png, 0, 0]],
                                         rows[nb], sems[nb])
                pltpu.make_async_copy(h_hbm.at[idx_v.at[pg, 0, b]],
                                      rb, sb).wait()
                pltpu.async_copy(rb, acc_sh.at[idx_v.at[pg, 1, b]], ssem,
                                 add=True)
            return carry

        lax.fori_loop(0, NGRP, body, 0)
        _wait_scatter()

    @pl.when(c == 0)
    def _r0():
        run(hcat_hbm.at[0], ed0_hbm)

    @pl.when(c == 1)
    def _r1():
        run(hcat_hbm.at[1], ed1_hbm)

    plsc.subcore_barrier()
    pltpu.sync_copy(acc_sh.at[pl.ds(s * ROWS_PER_TILE, ROWS_PER_TILE)],
                    out_hbm.at[c, pl.ds(s * ROWS_PER_TILE, ROWS_PER_TILE)])


@functools.lru_cache(maxsize=None)
def _sc_kernels():
    mesh = plsc.VectorSubcoreMesh(core_axis_name="c", subcore_axis_name="s")
    deg_k = pl.kernel(
        _deg_kernel_body,
        out_type=jax.ShapeDtypeStruct((2, NP), jnp.float32),
        mesh=mesh,
        scratch_types=[
            pltpu.VMEM((NGRP, GB, K), jnp.int32),
            pltpu.VMEM((GB, K), jnp.float32),
            pltpu.VMEM_SHARED((NP,), jnp.float32),
        ],
    )
    scatter_k = pl.kernel(
        _scatter_kernel_body,
        out_type=jax.ShapeDtypeStruct((2, NP, D), jnp.float32),
        mesh=mesh,
        scratch_types=[
            pltpu.VMEM((2, 2, GB, K), jnp.int32),
            pltpu.VMEM((K, D), jnp.float32),
            pltpu.VMEM((K, D), jnp.float32),
            pltpu.VMEM_SHARED((NP, D), jnp.float32),
            pltpu.SemaphoreType.DMA,
            pltpu.SemaphoreType.DMA,
            pltpu.SemaphoreType.DMA,
            pltpu.SemaphoreType.DMA,
        ],
    )
    return deg_k, scatter_k



_BM = 2048
_GRID = 5


def _prep_body(x_ref, w0_ref, w1_ref, deg_ref, hcat_ref, dinv_ref):
    dv = lax.rsqrt(deg_ref[...] + 1.0)
    dinv_ref[...] = dv
    xb = x_ref[...]
    hcat_ref[0] = jnp.dot(xb, w0_ref[...],
                          preferred_element_type=jnp.float32) * dv[0][:, None]
    hcat_ref[1] = jnp.dot(xb, w1_ref[...],
                          preferred_element_type=jnp.float32) * dv[1][:, None]


def _combine(out_ref, hcat_ref, dinv_ref, b0_ref, b1_ref, g_ref, beta_ref):
    dv = dinv_ref[...]
    sm = (out_ref[0] + hcat_ref[0]) * dv[0][:, None] + b0_ref[...]
    sm = sm + (out_ref[1] + hcat_ref[1]) * dv[1][:, None] + b1_ref[...]
    mu = jnp.mean(sm, axis=1, keepdims=True)
    var = jnp.mean((sm - mu) ** 2, axis=1, keepdims=True)
    hn = (sm - mu) * lax.rsqrt(var + 1e-5) * g_ref[...] + beta_ref[...]
    return jnp.maximum(hn, 0.0), dv


def _mid_body(out_ref, hcat_ref, dinv_ref, b0_ref, b1_ref, g_ref, beta_ref,
              w0_ref, w1_ref, hcat2_ref):
    h, dv = _combine(out_ref, hcat_ref, dinv_ref, b0_ref, b1_ref, g_ref,
                     beta_ref)
    hcat2_ref[0] = jnp.dot(h, w0_ref[...],
                           preferred_element_type=jnp.float32) * dv[0][:, None]
    hcat2_ref[1] = jnp.dot(h, w1_ref[...],
                           preferred_element_type=jnp.float32) * dv[1][:, None]


def _final_body(out_ref, hcat_ref, dinv_ref, b0_ref, b1_ref, g_ref, beta_ref,
                h_ref):
    h, _ = _combine(out_ref, hcat_ref, dinv_ref, b0_ref, b1_ref, g_ref,
                    beta_ref)
    h_ref[...] = h


_spec_nodes = pl.BlockSpec((_BM, D), lambda i: (i, 0))
_spec_w = pl.BlockSpec((D, D), lambda i: (0, 0))
_spec_vecD = pl.BlockSpec((1, D), lambda i: (0, 0))
_spec_2n = pl.BlockSpec((2, _BM), lambda i: (0, i))
_spec_2nd = pl.BlockSpec((2, _BM, D), lambda i: (0, i, 0))

_prep_call = pl.pallas_call(
    _prep_body,
    grid=(_GRID,),
    in_specs=[_spec_nodes, _spec_w, _spec_w, _spec_2n],
    out_specs=[_spec_2nd, _spec_2n],
    out_shape=[jax.ShapeDtypeStruct((2, N, D), jnp.float32),
               jax.ShapeDtypeStruct((2, NP), jnp.float32)],
)

_mid_call = pl.pallas_call(
    _mid_body,
    grid=(_GRID,),
    in_specs=[_spec_2nd, _spec_2nd, _spec_2n, _spec_vecD, _spec_vecD,
              _spec_vecD, _spec_vecD, _spec_w, _spec_w],
    out_specs=_spec_2nd,
    out_shape=jax.ShapeDtypeStruct((2, N, D), jnp.float32),
)

_final_call = pl.pallas_call(
    _final_body,
    grid=(_GRID,),
    in_specs=[_spec_2nd, _spec_2nd, _spec_2n, _spec_vecD, _spec_vecD,
              _spec_vecD, _spec_vecD],
    out_specs=_spec_nodes,
    out_shape=jax.ShapeDtypeStruct((N, D), jnp.float32),
)


def kernel(x, edge_index_r0, edge_index_r1, W0_r0, b0_r0, W0_r1, b0_r1,
           W1_r0, b1_r0, W1_r1, b1_r1, ln0_g, ln0_b, ln1_g, ln1_b):
    f32 = jnp.float32
    pads = jnp.stack([jnp.arange(EPAD - E, dtype=jnp.int32) % N,
                      jnp.full((EPAD - E,), NP - 1, jnp.int32)])
    ed0 = jnp.concatenate([edge_index_r0, pads], axis=1).reshape(
        2, NT, NGRP, GB, K)
    ed1 = jnp.concatenate([edge_index_r1, pads], axis=1).reshape(
        2, NT, NGRP, GB, K)
    zero1 = jnp.zeros((NP,), f32)
    ones_b = jnp.ones((GB, K), f32)

    _deg_kernel, _scatter_kernel = _sc_kernels()
    deg = _deg_kernel(ed0, ed1, zero1, ones_b)

    hcat1, dinv = _prep_call(x, W0_r0, W0_r1, deg)
    out1 = _scatter_kernel(hcat1, ed0, ed1)
    hcat2 = _mid_call(out1, hcat1, dinv,
                      b0_r0.reshape(1, D), b0_r1.reshape(1, D),
                      ln0_g.reshape(1, D), ln0_b.reshape(1, D), W1_r0, W1_r1)
    out2 = _scatter_kernel(hcat2, ed0, ed1)
    h = _final_call(out2, hcat2, dinv,
                    b1_r0.reshape(1, D), b1_r1.reshape(1, D),
                    ln1_g.reshape(1, D), ln1_b.reshape(1, D))
    return h

# --- scband reference (transcript-rebuilt; emitter-appended) ---
"""Pipeline reference for scband-baseline-model-59708635349462 (READ-ONLY COPY).

The authoritative reference and input builder live on the scoring server;
editing this copy changes nothing except your own understanding.
"""

import jax, jax.numpy as jnp
import numpy as np

N = 10000
E = 160000
D = 128

def _gcn_conv(x, W, b, src, dst):
    n = x.shape[0]
    loop = jnp.arange(n, dtype=src.dtype)
    src_sl = jnp.concatenate([src, loop])
    dst_sl = jnp.concatenate([dst, loop])
    deg = jnp.zeros((n,), x.dtype).at[dst_sl].add(1.0)
    deg_safe = jnp.where(deg > 0, deg, 1.0)
    dinv = jnp.where(deg > 0, 1.0 / jnp.sqrt(deg_safe), 0.0)
    norm = dinv[src_sl] * dinv[dst_sl]
    h = x @ W
    msgs = h[src_sl] * norm[:, None]
    out = jnp.zeros((n, h.shape[1]), h.dtype).at[dst_sl].add(msgs)
    return out + b

def _layer_norm(x, g, b):
    mu = jnp.mean(x, axis=-1, keepdims=True)
    var = jnp.mean((x - mu) ** 2, axis=-1, keepdims=True)
    return (x - mu) / jnp.sqrt(var + 1e-5) * g + b

def setup_inputs(seed: int = 0):
    key = jax.random.key(seed)
    ks = jax.random.split(key, 16)
    scale = 1.0 / np.sqrt(D)
    inp = {}
    inp['x'] = jax.random.normal(ks[0], (N, D), dtype=jnp.float32)
    inp['edge_index_r0'] = jax.random.randint(ks[1], (2, E), 0, N, dtype=jnp.int32)
    inp['edge_index_r1'] = jax.random.randint(ks[2], (2, E), 0, N, dtype=jnp.int32)
    inp['W0_r0'] = jax.random.normal(ks[3], (D, D), dtype=jnp.float32) * scale
    inp['b0_r0'] = jnp.zeros((D,), dtype=jnp.float32)
    inp['W0_r1'] = jax.random.normal(ks[4], (D, D), dtype=jnp.float32) * scale
    inp['b0_r1'] = jnp.zeros((D,), dtype=jnp.float32)
    inp['W1_r0'] = jax.random.normal(ks[5], (D, D), dtype=jnp.float32) * scale
    inp['b1_r0'] = jnp.zeros((D,), dtype=jnp.float32)
    inp['W1_r1'] = jax.random.normal(ks[6], (D, D), dtype=jnp.float32) * scale
    inp['b1_r1'] = jnp.zeros((D,), dtype=jnp.float32)
    inp['ln0_g'] = jnp.ones((D,), dtype=jnp.float32)
    inp['ln0_b'] = jnp.zeros((D,), dtype=jnp.float32)
    inp['ln1_g'] = jnp.ones((D,), dtype=jnp.float32)
    inp['ln1_b'] = jnp.zeros((D,), dtype=jnp.float32)
    return inp

def reference(x, edge_index_r0, edge_index_r1, W0_r0, b0_r0, W0_r1, b0_r1, W1_r0, b1_r0, W1_r1, b1_r1, ln0_g, ln0_b, ln1_g, ln1_b):
    src0, dst0 = edge_index_r0[0], edge_index_r0[1]
    src1, dst1 = edge_index_r1[0], edge_index_r1[1]
    # Layer 1: per-relation GCNConv summed (HeteroConv aggr='sum'), then node LayerNorm + ReLU
    s = _gcn_conv(x, W0_r0, b0_r0, src0, dst0) + _gcn_conv(x, W0_r1, b0_r1, src1, dst1)
    h = jax.nn.relu(_layer_norm(s, ln0_g, ln0_b))
    # Layer 2
    s = _gcn_conv(h, W1_r0, b1_r0, src0, dst0) + _gcn_conv(h, W1_r1, b1_r1, src1, dst1)
    h = jax.nn.relu(_layer_norm(s, ln1_g, ln1_b))
    return h

if __name__ == "__main__":
    import jax
    _d = setup_inputs()
    print(jax.jit(kernel)(*tuple(_d.values())))

</pallas_src>

<mosaic_0001>
#map = affine_map<(d0, d1) -> (0, 0, 0)>
#map1 = affine_map<(d0, d1) -> (0, 0, 0, 0, 0)>
module attributes {stable_mosaic.version = 14 : i64} {
  func.func @_scatter_kernel_body(%arg0: i32, %arg1: i32, %arg2: memref<2x10000x128xf32, #tpu.memory_space<hbm>>, %arg3: memref<2x16x10x8x128xi32, #tpu.memory_space<hbm>>, %arg4: memref<2x16x10x8x128xi32, #tpu.memory_space<hbm>>, %arg5: memref<2x10240x128xf32, #tpu.memory_space<hbm>>, %arg6: memref<2x2x8x128xi32, #tpu.memory_space<vmem>>, %arg7: memref<128x128xf32, #tpu.memory_space<vmem>>, %arg8: memref<128x128xf32, #tpu.memory_space<vmem>>, %arg9: memref<10240x128xf32, #tpu.memory_space<vmem_shared>>, %arg10: memref<!tpu.dma_semaphore, #tpu.memory_space<semaphore_mem>>, %arg11: memref<!tpu.dma_semaphore, #tpu.memory_space<semaphore_mem>>, %arg12: memref<!tpu.dma_semaphore, #tpu.memory_space<semaphore_mem>>, %arg13: memref<!tpu.dma_semaphore, #tpu.memory_space<semaphore_mem>>) attributes {dimension_semantics = [#tpu.dimension_semantics<core_parallel>, #tpu.dimension_semantics<subcore_parallel>], iteration_bounds = array<i64: 2, 16>, scalar_prefetch = 0 : i64, scratch_operands = 8 : i64, tpu.core_type = #tpu.core_type<sc_vector_subcore>, window_params = [{transform_indices = #map}, {transform_indices = #map1}, {transform_indices = #map1}, {transform_indices = #map}]} {
    %eq3A = arith.constant 0 : i32
    %eq3A_0 = arith.cmpi eq, %arg0, %eq3A : i32
    %convert_element_type3A = arith.extui %eq3A_0 : i1 to i32
    %cond3A = arith.constant 0 : i32
    %cond3A_1 = arith.cmpi ne, %convert_element_type3A, %cond3A : i32
    scf.if %cond3A_1 {
      %run_scoped3A = arith.constant 0 : i32
      %run_scoped3A_10 = arith.constant 0 : i32
      %run_scoped3A_11 = arith.constant 0 : i32
      %run_scoped3A_12 = arith.constant 0 : i32
      "tpu.region"() ({
        %run_scoped3A_106 = tpu.sem_alloc : memref<!tpu.dma_semaphore, #tpu.memory_space<semaphore_mem>>
        %dma_start3A_107 = arith.constant 0 : i32
        %dma_start3A_108 = arith.constant 0 : i32
        %dma_start3A_109 = tpu.memref_slice %arg6[%run_scoped3A_11, %run_scoped3A_12, %dma_start3A_107, %dma_start3A_108] : memref<2x2x8x128xi32, #tpu.memory_space<vmem>> -> memref<1x1x8x128xi32, #tpu.memory_space<vmem>>
        %dma_start3A_110 = tpu.memref_squeeze %dma_start3A_109 : memref<1x1x8x128xi32, #tpu.memory_space<vmem>> -> memref<8x128xi32, #tpu.memory_space<vmem>>
        %dma_start3A_111 = arith.constant 0 : i32
        %dma_start3A_112 = arith.constant 0 : i32
        %dma_start3A_113 = tpu.memref_slice %arg3[%run_scoped3A, %arg1, %run_scoped3A_10, %dma_start3A_111, %dma_start3A_112] : memref<2x16x10x8x128xi32, #tpu.memory_space<hbm>> -> memref<1x1x1x8x128xi32, #tpu.memory_space<hbm>>
        %dma_start3A_114 = tpu.memref_squeeze %dma_start3A_113 : memref<1x1x1x8x128xi32, #tpu.memory_space<hbm>> -> memref<8x128xi32, #tpu.memory_space<hbm>>
        %dma_start3A_115 = arith.constant 0 : i32
        %dma_start3A_116 = arith.constant 0 : i32
        %dma_start3A_117 = tpu.memref_slice %arg6[%run_scoped3A_11, %run_scoped3A_12, %dma_start3A_115, %dma_start3A_116] : memref<2x2x8x128xi32, #tpu.memory_space<vmem>> -> memref<1x1x8x128xi32, #tpu.memory_space<vmem>>
        %dma_start3A_118 = tpu.memref_squeeze %dma_start3A_117 : memref<1x1x8x128xi32, #tpu.memory_space<vmem>> -> memref<8x128xi32, #tpu.memory_space<vmem>>
        %dma_start3A_119 = arith.constant 0 : i32
        %dma_start3A_120 = arith.constant 0 : i32
        %dma_start3A_121 = tpu.memref_slice %arg3[%run_scoped3A, %arg1, %run_scoped3A_10, %dma_start3A_119, %dma_start3A_120] : memref<2x16x10x8x128xi32, #tpu.memory_space<hbm>> -> memref<1x1x1x8x128xi32, #tpu.memory_space<hbm>>
        %dma_start3A_122 = tpu.memref_squeeze %dma_start3A_121 : memref<1x1x1x8x128xi32, #tpu.memory_space<hbm>> -> memref<8x128xi32, #tpu.memory_space<hbm>>
        tpu.enqueue_dma source(%dma_start3A_122 : memref<8x128xi32, #tpu.memory_space<hbm>>) target(%dma_start3A_118 : memref<8x128xi32, #tpu.memory_space<vmem>>) target_semaphore(%run_scoped3A_106 : memref<!tpu.dma_semaphore, #tpu.memory_space<semaphore_mem>>)
        %dma_wait3A_123 = arith.constant 0 : i32
        %dma_wait3A_124 = arith.constant 0 : i32
        %dma_wait3A_125 = tpu.memref_slice %arg6[%run_scoped3A_11, %run_scoped3A_12, %dma_wait3A_123, %dma_wait3A_124] : memref<2x2x8x128xi32, #tpu.memory_space<vmem>> -> memref<1x1x8x128xi32, #tpu.memory_space<vmem>>
        %dma_wait3A_126 = tpu.memref_squeeze %dma_wait3A_125 : memref<1x1x8x128xi32, #tpu.memory_space<vmem>> -> memref<8x128xi32, #tpu.memory_space<vmem>>
        %dma_wait3A_127 = arith.constant 0 : i32
        %dma_wait3A_128 = arith.constant 0 : i32
        %dma_wait3A_129 = tpu.memref_slice %arg3[%run_scoped3A, %arg1, %run_scoped3A_10, %dma_wait3A_127, %dma_wait3A_128] : memref<2x16x10x8x128xi32, #tpu.memory_space<hbm>> -> memref<1x1x1x8x128xi32, #tpu.memory_space<hbm>>
        %dma_wait3A_130 = tpu.memref_squeeze %dma_wait3A_129 : memref<1x1x1x8x128xi32, #tpu.memory_space<hbm>> -> memref<8x128xi32, #tpu.memory_space<hbm>>
        %dma_wait3A_131 = arith.constant 0 : i32
        %dma_wait3A_132 = arith.constant 0 : i32
        %dma_wait3A_133 = tpu.memref_slice %arg6[%run_scoped3A_11, %run_scoped3A_12, %dma_wait3A_131, %dma_wait3A_132] : memref<2x2x8x128xi32, #tpu.memory_space<vmem>> -> memref<1x1x8x128xi32, #tpu.memory_space<vmem>>
        %dma_wait3A_134 = tpu.memref_squeeze %dma_wait3A_133 : memref<1x1x8x128xi32, #tpu.memory_space<vmem>> -> memref<8x128xi32, #tpu.memory_space<vmem>>
        %dma_wait3A_135 = arith.constant 0 : i32
        %dma_wait3A_136 = arith.constant 0 : i32
        %dma_wait3A_137 = tpu.memref_slice %arg3[%run_scoped3A, %arg1, %run_scoped3A_10, %dma_wait3A_135, %dma_wait3A_136] : memref<2x16x10x8x128xi32, #tpu.memory_space<hbm>> -> memref<1x1x1x8x128xi32, #tpu.memory_space<hbm>>
        %dma_wait3A_138 = tpu.memref_squeeze %dma_wait3A_137 : memref<1x1x1x8x128xi32, #tpu.memory_space<hbm>> -> memref<8x128xi32, #tpu.memory_space<hbm>>
        tpu.wait_dma2 semaphore(%run_scoped3A_106 : memref<!tpu.dma_semaphore, #tpu.memory_space<semaphore_mem>>) src(%dma_wait3A_138 : memref<8x128xi32, #tpu.memory_space<hbm>>) dst(%dma_wait3A_134 : memref<8x128xi32, #tpu.memory_space<vmem>>)
        tpu.yield
      }) : () -> ()
      %dma_start3A = arith.constant 1 : i32
      %dma_start3A_13 = arith.constant 0 : i32
      %dma_start3A_14 = arith.constant 0 : i32
      %dma_start3A_15 = arith.constant 1 : i32
      %dma_start3A_16 = arith.constant 0 : i32
      %dma_start3A_17 = arith.constant 0 : i32
      %dma_start3A_18 = tpu.memref_slice %arg6[%dma_start3A_14, %dma_start3A_15, %dma_start3A_16, %dma_start3A_17] : memref<2x2x8x128xi32, #tpu.memory_space<vmem>> -> memref<1x1x8x128xi32, #tpu.memory_space<vmem>>
      %dma_start3A_19 = tpu.memref_squeeze %dma_start3A_18 : memref<1x1x8x128xi32, #tpu.memory_space<vmem>> -> memref<8x128xi32, #tpu.memory_space<vmem>>
      %dma_start3A_20 = arith.constant 0 : i32
      %dma_start3A_21 = arith.constant 0 : i32
      %dma_start3A_22 = tpu.memref_slice %arg3[%dma_start3A, %arg1, %dma_start3A_13, %dma_start3A_20, %dma_start3A_21] : memref<2x16x10x8x128xi32, #tpu.memory_space<hbm>> -> memref<1x1x1x8x128xi32, #tpu.memory_space<hbm>>
      %dma_start3A_23 = tpu.memref_squeeze %dma_start3A_22 : memref<1x1x1x8x128xi32, #tpu.memory_space<hbm>> -> memref<8x128xi32, #tpu.memory_space<hbm>>
      %dma_start3A_24 = arith.constant 0 : i32
      %dma_start3A_25 = arith.constant 0 : i32
      %dma_start3A_26 = tpu.memref_slice %arg6[%dma_start3A_14, %dma_start3A_15, %dma_start3A_24, %dma_start3A_25] : memref<2x2x8x128xi32, #tpu.memory_space<vmem>> -> memref<1x1x8x128xi32, #tpu.memory_space<vmem>>
      %dma_start3A_27 = tpu.memref_squeeze %dma_start3A_26 : memref<1x1x8x128xi32, #tpu.memory_space<vmem>> -> memref<8x128xi32, #tpu.memory_space<vmem>>
      %dma_start3A_28 = arith.constant 0 : i32
      %dma_start3A_29 = arith.constant 0 : i32
      %dma_start3A_30 = tpu.memref_slice %arg3[%dma_start3A, %arg1, %dma_start3A_13, %dma_start3A_28, %dma_start3A_29] : memref<2x16x10x8x128xi32, #tpu.memory_space<hbm>> -> memref<1x1x1x8x128xi32, #tpu.memory_space<hbm>>
      %dma_start3A_31 = tpu.memref_squeeze %dma_start3A_30 : memref<1x1x1x8x128xi32, #tpu.memory_space<hbm>> -> memref<8x128xi32, #tpu.memory_space<hbm>>
      tpu.enqueue_dma source(%dma_start3A_31 : memref<8x128xi32, #tpu.memory_space<hbm>>) target(%dma_start3A_27 : memref<8x128xi32, #tpu.memory_space<vmem>>) target_semaphore(%arg12 : memref<!tpu.dma_semaphore, #tpu.memory_space<semaphore_mem>>)
      %dma_start3A_32 = arith.constant 0 : i32
      %dma_start3A_33 = arith.constant 0 : i32
      %dma_start3A_34 = arith.constant 0 : i32
      %dma_start3A_35 = arith.constant 0 : i32
      %dma_start3A_36 = arith.constant 0 : i32
      %dma_start3A_37 = tpu.memref_slice %arg6[%dma_start3A_33, %dma_start3A_34, %dma_start3A_35, %dma_start3A_36] : memref<2x2x8x128xi32, #tpu.memory_space<vmem>> -> memref<1x1x1x128xi32, #tpu.memory_space<vmem>>
      %dma_start3A_38 = tpu.memref_squeeze %dma_start3A_37 : memref<1x1x1x128xi32, #tpu.memory_space<vmem>> -> memref<128xi32, #tpu.memory_space<vmem>>
      %dma_start3A_39 = arith.constant 0 : i32
      %dma_start3A_40 = arith.constant 0 : i32
      %dma_start3A_41 = tpu.memref_slice %arg2[%dma_start3A_32, %dma_start3A_39, %dma_start3A_40] : memref<2x10000x128xf32, #tpu.memory_space<hbm>> -> memref<1x10000x128xf32, #tpu.memory_space<hbm>>
      %dma_start3A_42 = tpu.memref_squeeze %dma_start3A_41 : memref<1x10000x128xf32, #tpu.memory_space<hbm>> -> memref<10000x128xf32, #tpu.memory_space<hbm>>
      %dma_start3A_43 = arith.constant 0 : i32
      %dma_start3A_44 = arith.constant 0 : i32
      %dma_start3A_45 = tpu.memref_slice %dma_start3A_42[%dma_start3A_43, %dma_start3A_44] : memref<10000x128xf32, #tpu.memory_space<hbm>> -> memref<10000x128xf32, #tpu.memory_space<hbm>>
      tpu.enqueue_indirect_dma source(%dma_start3A_45 : memref<10000x128xf32, #tpu.memory_space<hbm>>) target(%arg7 : memref<128x128xf32, #tpu.memory_space<vmem>>) offsets(%dma_start3A_38 : memref<128xi32, #tpu.memory_space<vmem>>) semaphore(%arg10 : memref<!tpu.dma_semaphore, #tpu.memory_space<semaphore_mem>>)
      %scan3A = arith.constant 0 : i32
      %scan3A_46 = arith.constant 0 : i32
      %scan3A_47 = arith.constant 128 : i32
      %scan3A_48 = arith.addi %scan3A_46, %scan3A_47 : i32
      %scan3A_49 = arith.constant 1 : i32
      scf.for %scan3A_106 = %scan3A_46 to %scan3A_48 step %scan3A_49  : i32 {
        %broadcast_in_dim3A = arith.constant 0.000000e+00 : f32
        %broadcast_in_dim3A_107 = vector.broadcast %broadcast_in_dim3A : f32 to vector<16xf32>
        %swap3A = arith.index_cast %scan3A_106 : i32 to index
        %swap3A_108 = arith.constant 0 : index
        %swap3A_109 = tpu.vector_load %arg8[%swap3A, %swap3A_108] {strides = array<i32>} : memref<128x128xf32, #tpu.memory_space<vmem>>, vector<1x16xf32>,
        %swap3A_110 = vector.shape_cast %swap3A_109 : vector<1x16xf32> to vector<16xf32>
        %swap3A_111 = vector.shape_cast %broadcast_in_dim3A_107 : vector<16xf32> to vector<1x16xf32>
        tpu.vector_store %arg8[%swap3A, %swap3A_108], %swap3A_111 {strides = array<i32>} : memref<128x128xf32, #tpu.memory_space<vmem>>, vector<1x16xf32>,
        %broadcast_in_dim3A_112 = arith.constant 0.000000e+00 : f32
        %broadcast_in_dim3A_113 = vector.broadcast %broadcast_in_dim3A_112 : f32 to vector<16xf32>
        %swap3A_114 = arith.index_cast %scan3A_106 : i32 to index
        %swap3A_115 = arith.constant 16 : index
        %swap3A_116 = tpu.vector_load %arg8[%swap3A_114, %swap3A_115] {strides = array<i32>} : memref<128x128xf32, #tpu.memory_space<vmem>>, vector<1x16xf32>,
        %swap3A_117 = vector.shape_cast %swap3A_116 : vector<1x16xf32> to vector<16xf32>
        %swap3A_118 = vector.shape_cast %broadcast_in_dim3A_113 : vector<16xf32> to vector<1x16xf32>
        tpu.vector_store %arg8[%swap3A_114, %swap3A_115], %swap3A_118 {strides = array<i32>} : memref<128x128xf32, #tpu.memory_space<vmem>>, vector<1x16xf32>,
        %broadcast_in_dim3A_119 = arith.constant 0.000000e+00 : f32
        %broadcast_in_dim3A_120 = vector.broadcast %broadcast_in_dim3A_119 : f32 to vector<16xf32>
        %swap3A_121 = arith.index_cast %scan3A_106 : i32 to index
        %swap3A_122 = arith.constant 32 : index
        %swap3A_123 = tpu.vector_load %arg8[%swap3A_121, %swap3A_122] {strides = array<i32>} : memref<128x128xf32, #tpu.memory_space<vmem>>, vector<1x16xf32>,
        %swap3A_124 = vector.shape_cast %swap3A_123 : vector<1x16xf32> to vector<16xf32>
        %swap3A_125 = vector.shape_cast %broadcast_in_dim3A_120 : vector<16xf32> to vector<1x16xf32>
        tpu.vector_store %arg8[%swap3A_121, %swap3A_122], %swap3A_125 {strides = array<i32>} : memref<128x128xf32, #tpu.memory_space<vmem>>, vector<1x16xf32>,
        %broadcast_in_dim3A_126 = arith.constant 0.000000e+00 : f32
        %broadcast_in_dim3A_127 = vector.broadcast %broadcast_in_dim3A_126 : f32 to vector<16xf32>
        %swap3A_128 = arith.index_cast %scan3A_106 : i32 to index
        %swap3A_129 = arith.constant 48 : index
        %swap3A_130 = tpu.vector_load %arg8[%swap3A_128, %swap3A_129] {strides = array<i32>} : memref<128x128xf32, #tpu.memory_space<vmem>>, vector<1x16xf32>,
        %swap3A_131 = vector.shape_cast %swap3A_130 : vector<1x16xf32> to vector<16xf32>
        %swap3A_132 = vector.shape_cast %broadcast_in_dim3A_127 : vector<16xf32> to vector<1x16xf32>
        tpu.vector_store %arg8[%swap3A_128, %swap3A_129], %swap3A_132 {strides = array<i32>} : memref<128x128xf32, #tpu.memory_space<vmem>>, vector<1x16xf32>,
        %broadcast_in_dim3A_133 = arith.constant 0.000000e+00 : f32
        %broadcast_in_dim3A_134 = vector.broadcast %broadcast_in_dim3A_133 : f32 to vector<16xf32>
        %swap3A_135 = arith.index_cast %scan3A_106 : i32 to index
        %swap3A_136 = arith.constant 64 : index
        %swap3A_137 = tpu.vector_load %arg8[%swap3A_135, %swap3A_136] {strides = array<i32>} : memref<128x128xf32, #tpu.memory_space<vmem>>, vector<1x16xf32>,
        %swap3A_138 = vector.shape_cast %swap3A_137 : vector<1x16xf32> to vector<16xf32>
        %swap3A_139 = vector.shape_cast %broadcast_in_dim3A_134 : vector<16xf32> to vector<1x16xf32>
        tpu.vector_store %arg8[%swap3A_135, %swap3A_136], %swap3A_139 {strides = array<i32>} : memref<128x128xf32, #tpu.memory_space<vmem>>, vector<1x16xf32>,
        %broadcast_in_dim3A_140 = arith.constant 0.000000e+00 : f32
        %broadcast_in_dim3A_141 = vector.broadcast %broadcast_in_dim3A_140 : f32 to vector<16xf32>
        %swap3A_142 = arith.index_cast %scan3A_106 : i32 to index
        %swap3A_143 = arith.constant 80 : index
        %swap3A_144 = tpu.vector_load %arg8[%swap3A_142, %swap3A_143] {strides = array<i32>} : memref<128x128xf32, #tpu.memory_space<vmem>>, vector<1x16xf32>,
        %swap3A_145 = vector.shape_cast %swap3A_144 : vector<1x16xf32> to vector<16xf32>
        %swap3A_146 = vector.shape_cast %broadcast_in_dim3A_141 : vector<16xf32> to vector<1x16xf32>
        tpu.vector_store %arg8[%swap3A_142, %swap3A_143], %swap3A_146 {strides = array<i32>} : memref<128x128xf32, #tpu.memory_space<vmem>>, vector<1x16xf32>,
        %broadcast_in_dim3A_147 = arith.constant 0.000000e+00 : f32
        %broadcast_in_dim3A_148 = vector.broadcast %broadcast_in_dim3A_147 : f32 to vector<16xf32>
        %swap3A_149 = arith.index_cast %scan3A_106 : i32 to index
        %swap3A_150 = arith.constant 96 : index
        %swap3A_151 = tpu.vector_load %arg8[%swap3A_149, %swap3A_150] {strides = array<i32>} : memref<128x128xf32, #tpu.memory_space<vmem>>, vector<1x16xf32>,
        %swap3A_152 = vector.shape_cast %swap3A_151 : vector<1x16xf32> to vector<16xf32>
        %swap3A_153 = vector.shape_cast %broadcast_in_dim3A_148 : vector<16xf32> to vector<1x16xf32>
        tpu.vector_store %arg8[%swap3A_149, %swap3A_150], %swap3A_153 {strides = array<i32>} : memref<128x128xf32, #tpu.memory_space<vmem>>, vector<1x16xf32>,
        %broadcast_in_dim3A_154 = arith.constant 0.000000e+00 : f32
        %broadcast_in_dim3A_155 = vector.broadcast %broadcast_in_dim3A_154 : f32 to vector<16xf32>
        %swap3A_156 = arith.index_cast %scan3A_106 : i32 to index
        %swap3A_157 = arith.constant 112 : index
        %swap3A_158 = tpu.vector_load %arg8[%swap3A_156, %swap3A_157] {strides = array<i32>} : memref<128x128xf32, #tpu.memory_space<vmem>>, vector<1x16xf32>,
        %swap3A_159 = vector.shape_cast %swap3A_158 : vector<1x16xf32> to vector<16xf32>
        %swap3A_160 = vector.shape_cast %broadcast_in_dim3A_155 : vector<16xf32> to vector<1x16xf32>
        tpu.vector_store %arg8[%swap3A_156, %swap3A_157], %swap3A_160 {strides = array<i32>} : memref<128x128xf32, #tpu.memory_space<vmem>>, vector<1x16xf32>,
      }
      %scan3A_50 = arith.constant 128 : i32
      %mul3A_51 = arith.constant 640 : i32
      %mul3A_52 = arith.muli %arg1, %mul3A_51 : i32
      %add3A = arith.constant 0 : i32
      %add3A_53 = arith.addi %mul3A_52, %add3A : i32
      "tpu.region"() ({
        %run_scoped3A_106 = tpu.sem_alloc : memref<!tpu.dma_semaphore, #tpu.memory_space<semaphore_mem>>
        %dma_start3A_107 = arith.constant 0 : i32
        %dma_start3A_108 = tpu.memref_slice %arg9[%add3A_53, %dma_start3A_107] : memref<10240x128xf32, #tpu.memory_space<vmem_shared>> -> memref<128x128xf32, #tpu.memory_space<vmem_shared>>
        %dma_start3A_109 = arith.constant 0 : i32
        %dma_start3A_110 = tpu.memref_slice %arg9[%add3A_53, %dma_start3A_109] : memref<10240x128xf32, #tpu.memory_space<vmem_shared>> -> memref<128x128xf32, #tpu.memory_space<vmem_shared>>
        tpu.enqueue_dma source(%arg8 : memref<128x128xf32, #tpu.memory_space<vmem>>) target(%dma_start3A_110 : memref<128x128xf32, #tpu.memory_space<vmem_shared>>) target_semaphore(%run_scoped3A_106 : memref<!tpu.dma_semaphore, #tpu.memory_space<semaphore_mem>>)
        %dma_wait3A_111 = arith.constant 0 : i32
        %dma_wait3A_112 = tpu.memref_slice %arg9[%add3A_53, %dma_wait3A_111] : memref<10240x128xf32, #tpu.memory_space<vmem_shared>> -> memref<128x128xf32, #tpu.memory_space<vmem_shared>>
        %dma_wait3A_113 = arith.constant 0 : i32
        %dma_wait3A_114 = tpu.memref_slice %arg9[%add3A_53, %dma_wait3A_113] : memref<10240x128xf32, #tpu.memory_space<vmem_shared>> -> memref<128x128xf32, #tpu.memory_space<vmem_shared>>
        tpu.wait_dma2 semaphore(%run_scoped3A_106 : memref<!tpu.dma_semaphore, #tpu.memory_space<semaphore_mem>>) src(%arg8 : memref<128x128xf32, #tpu.memory_space<vmem>>) dst(%dma_wait3A_114 : memref<128x128xf32, #tpu.memory_space<vmem_shared>>)
        tpu.yield
      }) : () -> ()
      %mul3A_54 = arith.constant 640 : i32
      %mul3A_55 = arith.muli %arg1, %mul3A_54 : i32
      %add3A_56 = arith.constant 128 : i32
      %add3A_57 = arith.addi %mul3A_55, %add3A_56 : i32
      "tpu.region"() ({
        %run_scoped3A_106 = tpu.sem_alloc : memref<!tpu.dma_semaphore, #tpu.memory_space<semaphore_mem>>
        %dma_start3A_107 = arith.constant 0 : i32
        %dma_start3A_108 = tpu.memref_slice %arg9[%add3A_57, %dma_start3A_107] : memref<10240x128xf32, #tpu.memory_space<vmem_shared>> -> memref<128x128xf32, #tpu.memory_space<vmem_shared>>
        %dma_start3A_109 = arith.constant 0 : i32
        %dma_start3A_110 = tpu.memref_slice %arg9[%add3A_57, %dma_start3A_109] : memref<10240x128xf32, #tpu.memory_space<vmem_shared>> -> memref<128x128xf32, #tpu.memory_space<vmem_shared>>
        tpu.enqueue_dma source(%arg8 : memref<128x128xf32, #tpu.memory_space<vmem>>) target(%dma_start3A_110 : memref<128x128xf32, #tpu.memory_space<vmem_shared>>) target_semaphore(%run_scoped3A_106 : memref<!tpu.dma_semaphore, #tpu.memory_space<semaphore_mem>>)
        %dma_wait3A_111 = arith.constant 0 : i32
        %dma_wait3A_112 = tpu.memref_slice %arg9[%add3A_57, %dma_wait3A_111] : memref<10240x128xf32, #tpu.memory_space<vmem_shared>> -> memref<128x128xf32, #tpu.memory_space<vmem_shared>>
        %dma_wait3A_113 = arith.constant 0 : i32
        %dma_wait3A_114 = tpu.memref_slice %arg9[%add3A_57, %dma_wait3A_113] : memref<10240x128xf32, #tpu.memory_space<vmem_shared>> -> memref<128x128xf32, #tpu.memory_space<vmem_shared>>
        tpu.wait_dma2 semaphore(%run_scoped3A_106 : memref<!tpu.dma_semaphore, #tpu.memory_space<semaphore_mem>>) src(%arg8 : memref<128x128xf32, #tpu.memory_space<vmem>>) dst(%dma_wait3A_114 : memref<128x128xf32, #tpu.memory_space<vmem_shared>>)
        tpu.yield
      }) : () -> ()
      %mul3A_58 = arith.constant 640 : i32
      %mul3A_59 = arith.muli %arg1, %mul3A_58 : i32
      %add3A_60 = arith.constant 256 : i32
      %add3A_61 = arith.addi %mul3A_59, %add3A_60 : i32
      "tpu.region"() ({
        %run_scoped3A_106 = tpu.sem_alloc : memref<!tpu.dma_semaphore, #tpu.memory_space<semaphore_mem>>
        %dma_start3A_107 = arith.constant 0 : i32
        %dma_start3A_108 = tpu.memref_slice %arg9[%add3A_61, %dma_start3A_107] : memref<10240x128xf32, #tpu.memory_space<vmem_shared>> -> memref<128x128xf32, #tpu.memory_space<vmem_shared>>
        %dma_start3A_109 = arith.constant 0 : i32
        %dma_start3A_110 = tpu.memref_slice %arg9[%add3A_61, %dma_start3A_109] : memref<10240x128xf32, #tpu.memory_space<vmem_shared>> -> memref<128x128xf32, #tpu.memory_space<vmem_shared>>
        tpu.enqueue_dma source(%arg8 : memref<128x128xf32, #tpu.memory_space<vmem>>) target(%dma_start3A_110 : memref<128x128xf32, #tpu.memory_space<vmem_shared>>) target_semaphore(%run_scoped3A_106 : memref<!tpu.dma_semaphore, #tpu.memory_space<semaphore_mem>>)
        %dma_wait3A_111 = arith.constant 0 : i32
        %dma_wait3A_112 = tpu.memref_slice %arg9[%add3A_61, %dma_wait3A_111] : memref<10240x128xf32, #tpu.memory_space<vmem_shared>> -> memref<128x128xf32, #tpu.memory_space<vmem_shared>>
        %dma_wait3A_113 = arith.constant 0 : i32
        %dma_wait3A_114 = tpu.memref_slice %arg9[%add3A_61, %dma_wait3A_113] : memref<10240x128xf32, #tpu.memory_space<vmem_shared>> -> memref<128x128xf32, #tpu.memory_space<vmem_shared>>
        tpu.wait_dma2 semaphore(%run_scoped3A_106 : memref<!tpu.dma_semaphore, #tpu.memory_space<semaphore_mem>>) src(%arg8 : memref<128x128xf32, #tpu.memory_space<vmem>>) dst(%dma_wait3A_114 : memref<128x128xf32, #tpu.memory_space<vmem_shared>>)
        tpu.yield
      }) : () -> ()
      %mul3A_62 = arith.constant 640 : i32
      %mul3A_63 = arith.muli %arg1, %mul3A_62 : i32
      %add3A_64 = arith.constant 384 : i32
      %add3A_65 = arith.addi %mul3A_63, %add3A_64 : i32
      "tpu.region"() ({
        %run_scoped3A_106 = tpu.sem_alloc : memref<!tpu.dma_semaphore, #tpu.memory_space<semaphore_mem>>
        %dma_start3A_107 = arith.constant 0 : i32
        %dma_start3A_108 = tpu.memref_slice %arg9[%add3A_65, %dma_start3A_107] : memref<10240x128xf32, #tpu.memory_space<vmem_shared>> -> memref<128x128xf32, #tpu.memory_space<vmem_shared>>
        %dma_start3A_109 = arith.constant 0 : i32
        %dma_start3A_110 = tpu.memref_slice %arg9[%add3A_65, %dma_start3A_109] : memref<10240x128xf32, #tpu.memory_space<vmem_shared>> -> memref<128x128xf32, #tpu.memory_space<vmem_shared>>
        tpu.enqueue_dma source(%arg8 : memref<128x128xf32, #tpu.memory_space<vmem>>) target(%dma_start3A_110 : memref<128x128xf32, #tpu.memory_space<vmem_shared>>) target_semaphore(%run_scoped3A_106 : memref<!tpu.dma_semaphore, #tpu.memory_space<semaphore_mem>>)
        %dma_wait3A_111 = arith.constant 0 : i32
        %dma_wait3A_112 = tpu.memref_slice %arg9[%add3A_65, %dma_wait3A_111] : memref<10240x128xf32, #tpu.memory_space<vmem_shared>> -> memref<128x128xf32, #tpu.memory_space<vmem_shared>>
        %dma_wait3A_113 = arith.constant 0 : i32
        %dma_wait3A_114 = tpu.memref_slice %arg9[%add3A_65, %dma_wait3A_113] : memref<10240x128xf32, #tpu.memory_space<vmem_shared>> -> memref<128x128xf32, #tpu.memory_space<vmem_shared>>
        tpu.wait_dma2 semaphore(%run_scoped3A_106 : memref<!tpu.dma_semaphore, #tpu.memory_space<semaphore_mem>>) src(%arg8 : memref<128x128xf32, #tpu.memory_space<vmem>>) dst(%dma_wait3A_114 : memref<128x128xf32, #tpu.memory_space<vmem_shared>>)
        tpu.yield
      }) : () -> ()
      %mul3A_66 = arith.constant 640 : i32
      %mul3A_67 = arith.muli %arg1, %mul3A_66 : i32
      %add3A_68 = arith.constant 512 : i32
      %add3A_69 = arith.addi %mul3A_67, %add3A_68 : i32
      "tpu.region"() ({
        %run_scoped3A_106 = tpu.sem_alloc : memref<!tpu.dma_semaphore, #tpu.memory_space<semaphore_mem>>
        %dma_start3A_107 = arith.constant 0 : i32
        %dma_start3A_108 = tpu.memref_slice %arg9[%add3A_69, %dma_start3A_107] : memref<10240x128xf32, #tpu.memory_space<vmem_shared>> -> memref<128x128xf32, #tpu.memory_space<vmem_shared>>
        %dma_start3A_109 = arith.constant 0 : i32
        %dma_start3A_110 = tpu.memref_slice %arg9[%add3A_69, %dma_start3A_109] : memref<10240x128xf32, #tpu.memory_space<vmem_shared>> -> memref<128x128xf32, #tpu.memory_space<vmem_shared>>
        tpu.enqueue_dma source(%arg8 : memref<128x128xf32, #tpu.memory_space<vmem>>) target(%dma_start3A_110 : memref<128x128xf32, #tpu.memory_space<vmem_shared>>) target_semaphore(%run_scoped3A_106 : memref<!tpu.dma_semaphore, #tpu.memory_space<semaphore_mem>>)
        %dma_wait3A_111 = arith.constant 0 : i32
        %dma_wait3A_112 = tpu.memref_slice %arg9[%add3A_69, %dma_wait3A_111] : memref<10240x128xf32, #tpu.memory_space<vmem_shared>> -> memref<128x128xf32, #tpu.memory_space<vmem_shared>>
        %dma_wait3A_113 = arith.constant 0 : i32
        %dma_wait3A_114 = tpu.memref_slice %arg9[%add3A_69, %dma_wait3A_113] : memref<10240x128xf32, #tpu.memory_space<vmem_shared>> -> memref<128x128xf32, #tpu.memory_space<vmem_shared>>
        tpu.wait_dma2 semaphore(%run_scoped3A_106 : memref<!tpu.dma_semaphore, #tpu.memory_space<semaphore_mem>>) src(%arg8 : memref<128x128xf32, #tpu.memory_space<vmem>>) dst(%dma_wait3A_114 : memref<128x128xf32, #tpu.memory_space<vmem_shared>>)
        tpu.yield
      }) : () -> ()
      %dma_wait3A = arith.constant 1 : i32
      %dma_wait3A_70 = arith.constant 0 : i32
      %dma_wait3A_71 = arith.constant 0 : i32
      %dma_wait3A_72 = arith.constant 1 : i32
      %dma_wait3A_73 = arith.constant 0 : i32
      %dma_wait3A_74 = arith.constant 0 : i32
      %dma_wait3A_75 = tpu.memref_slice %arg6[%dma_wait3A_71, %dma_wait3A_72, %dma_wait3A_73, %dma_wait3A_74] : memref<2x2x8x128xi32, #tpu.memory_space<vmem>> -> memref<1x1x8x128xi32, #tpu.memory_space<vmem>>
      %dma_wait3A_76 = tpu.memref_squeeze %dma_wait3A_75 : memref<1x1x8x128xi32, #tpu.memory_space<vmem>> -> memref<8x128xi32, #tpu.memory_space<vmem>>
      %dma_wait3A_77 = arith.constant 0 : i32
      %dma_wait3A_78 = arith.constant 0 : i32
      %dma_wait3A_79 = tpu.memref_slice %arg3[%dma_wait3A, %arg1, %dma_wait3A_70, %dma_wait3A_77, %dma_wait3A_78] : memref<2x16x10x8x128xi32, #tpu.memory_space<hbm>> -> memref<1x1x1x8x128xi32, #tpu.memory_space<hbm>>
      %dma_wait3A_80 = tpu.memref_squeeze %dma_wait3A_79 : memref<1x1x1x8x128xi32, #tpu.memory_space<hbm>> -> memref<8x128xi32, #tpu.memory_space<hbm>>
      %dma_wait3A_81 = arith.constant 0 : i32
      %dma_wait3A_82 = arith.constant 0 : i32
      %dma_wait3A_83 = tpu.memref_slice %arg6[%dma_wait3A_71, %dma_wait3A_72, %dma_wait3A_81, %dma_wait3A_82] : memref<2x2x8x128xi32, #tpu.memory_space<vmem>> -> memref<1x1x8x128xi32, #tpu.memory_space<vmem>>
      %dma_wait3A_84 = tpu.memref_squeeze %dma_wait3A_83 : memref<1x1x8x128xi32, #tpu.memory_space<vmem>> -> memref<8x128xi32, #tpu.memory_space<vmem>>
      %dma_wait3A_85 = arith.constant 0 : i32
      %dma_wait3A_86 = arith.constant 0 : i32
      %dma_wait3A_87 = tpu.memref_slice %arg3[%dma_wait3A, %arg1, %dma_wait3A_70, %dma_wait3A_85, %dma_wait3A_86] : memref<2x16x10x8x128xi32, #tpu.memory_space<hbm>> -> memref<1x1x1x8x128xi32, #tpu.memory_space<hbm>>
      %dma_wait3A_88 = tpu.memref_squeeze %dma_wait3A_87 : memref<1x1x1x8x128xi32, #tpu.memory_space<hbm>> -> memref<8x128xi32, #tpu.memory_space<hbm>>
      tpu.wait_dma2 semaphore(%arg12 : memref<!tpu.dma_semaphore, #tpu.memory_space<semaphore_mem>>) src(%dma_wait3A_88 : memref<8x128xi32, #tpu.memory_space<hbm>>) dst(%dma_wait3A_84 : memref<8x128xi32, #tpu.memory_space<vmem>>)
      %barrier3A_89 = arith.constant 0 : index
      tpu.barrier barrier_id(%barrier3A_89)
      %scan3A_90 = arith.constant 0 : i32
      %scan3A_91 = arith.constant 0 : i32
      %scan3A_92 = arith.constant 0 : i32
      %scan3A_93 = arith.constant 10 : i32
      %scan3A_94 = arith.addi %scan3A_92, %scan3A_93 : i32
      %scan3A_95 = arith.constant 1 : i32
      scf.for %scan3A_106 = %scan3A_92 to %scan3A_94 step %scan3A_95  : i32 {
        %rem3A = arith.constant 2 : i32
        %rem3A_107 = arith.remsi %scan3A_106, %rem3A : i32
        %sub3A = arith.constant 1 : i32
        %sub3A_108 = arith.subi %sub3A, %rem3A_107 : i32
        %lt3A = arith.constant 9 : i32
        %lt3A_109 = arith.cmpi slt, %scan3A_106, %lt3A : i32
        %convert_element_type3A_110 = arith.extui %lt3A_109 : i1 to i32
        %cond3A_111 = arith.constant 0 : i32
        %cond3A_112 = arith.cmpi ne, %convert_element_type3A_110, %cond3A_111 : i32
        scf.if %cond3A_112 {
          %add3A_429 = arith.constant 1 : i32
          %add3A_430 = arith.addi %scan3A_106, %add3A_429 : i32
          %dma_start3A_431 = arith.constant 0 : i32
          %dma_start3A_432 = arith.constant 0 : i32
          %dma_start3A_433 = arith.constant 0 : i32
          %dma_start3A_434 = arith.constant 0 : i32
          %dma_start3A_435 = tpu.memref_slice %arg6[%sub3A_108, %dma_start3A_432, %dma_start3A_433, %dma_start3A_434] : memref<2x2x8x128xi32, #tpu.memory_space<vmem>> -> memref<1x1x8x128xi32, #tpu.memory_space<vmem>>
          %dma_start3A_436 = tpu.memref_squeeze %dma_start3A_435 : memref<1x1x8x128xi32, #tpu.memory_space<vmem>> -> memref<8x128xi32, #tpu.memory_space<vmem>>
          %dma_start3A_437 = arith.constant 0 : i32
          %dma_start3A_438 = arith.constant 0 : i32
          %dma_start3A_439 = tpu.memref_slice %arg3[%dma_start3A_431, %arg1, %add3A_430, %dma_start3A_437, %dma_start3A_438] : memref<2x16x10x8x128xi32, #tpu.memory_space<hbm>> -> memref<1x1x1x8x128xi32, #tpu.memory_space<hbm>>
          %dma_start3A_440 = tpu.memref_squeeze %dma_start3A_439 : memref<1x1x1x8x128xi32, #tpu.memory_space<hbm>> -> memref<8x128xi32, #tpu.memory_space<hbm>>
          %dma_start3A_441 = arith.constant 0 : i32
          %dma_start3A_442 = arith.constant 0 : i32
          %dma_start3A_443 = tpu.memref_slice %arg6[%sub3A_108, %dma_start3A_432, %dma_start3A_441, %dma_start3A_442] : memref<2x2x8x128xi32, #tpu.memory_space<vmem>> -> memref<1x1x8x128xi32, #tpu.memory_space<vmem>>
          %dma_start3A_444 = tpu.memref_squeeze %dma_start3A_443 : memref<1x1x8x128xi32, #tpu.memory_space<vmem>> -> memref<8x128xi32, #tpu.memory_space<vmem>>
          %dma_start3A_445 = arith.constant 0 : i32
          %dma_start3A_446 = arith.constant 0 : i32
          %dma_start3A_447 = tpu.memref_slice %arg3[%dma_start3A_431, %arg1, %add3A_430, %dma_start3A_445, %dma_start3A_446] : memref<2x16x10x8x128xi32, #tpu.memory_space<hbm>> -> memref<1x1x1x8x128xi32, #tpu.memory_space<hbm>>
          %dma_start3A_448 = tpu.memref_squeeze %dma_start3A_447 : memref<1x1x1x8x128xi32, #tpu.memory_space<hbm>> -> memref<8x128xi32, #tpu.memory_space<hbm>>
          tpu.enqueue_dma source(%dma_start3A_448 : memref<8x128xi32, #tpu.memory_space<hbm>>) target(%dma_start3A_444 : memref<8x128xi32, #tpu.memory_space<vmem>>) target_semaphore(%arg12 : memref<!tpu.dma_semaphore, #tpu.memory_space<semaphore_mem>>)
          %add3A_449 = arith.constant 1 : i32
          %add3A_450 = arith.addi %scan3A_106, %add3A_449 : i32
          %dma_start3A_451 = arith.constant 1 : i32
          %dma_start3A_452 = arith.constant 1 : i32
          %dma_start3A_453 = arith.constant 0 : i32
          %dma_start3A_454 = arith.constant 0 : i32
          %dma_start3A_455 = tpu.memref_slice %arg6[%sub3A_108, %dma_start3A_452, %dma_start3A_453, %dma_start3A_454] : memref<2x2x8x128xi32, #tpu.memory_space<vmem>> -> memref<1x1x8x128xi32, #tpu.memory_space<vmem>>
          %dma_start3A_456 = tpu.memref_squeeze %dma_start3A_455 : memref<1x1x8x128xi32, #tpu.memory_space<vmem>> -> memref<8x128xi32, #tpu.memory_space<vmem>>
          %dma_start3A_457 = arith.constant 0 : i32
          %dma_start3A_458 = arith.constant 0 : i32
          %dma_start3A_459 = tpu.memref_slice %arg3[%dma_start3A_451, %arg1, %add3A_450, %dma_start3A_457, %dma_start3A_458] : memref<2x16x10x8x128xi32, #tpu.memory_space<hbm>> -> memref<1x1x1x8x128xi32, #tpu.memory_space<hbm>>
          %dma_start3A_460 = tpu.memref_squeeze %dma_start3A_459 : memref<1x1x1x8x128xi32, #tpu.memory_space<hbm>> -> memref<8x128xi32, #tpu.memory_space<hbm>>
          %dma_start3A_461 = arith.constant 0 : i32
          %dma_start3A_462 = arith.constant 0 : i32
          %dma_start3A_463 = tpu.memref_slice %arg6[%sub3A_108, %dma_start3A_452, %dma_start3A_461, %dma_start3A_462] : memref<2x2x8x128xi32, #tpu.memory_space<vmem>> -> memref<1x1x8x128xi32, #tpu.memory_space<vmem>>
          %dma_start3A_464 = tpu.memref_squeeze %dma_start3A_463 : memref<1x1x8x128xi32, #tpu.memory_space<vmem>> -> memref<8x128xi32, #tpu.memory_space<vmem>>
          %dma_start3A_465 = arith.constant 0 : i32
          %dma_start3A_466 = arith.constant 0 : i32
          %dma_start3A_467 = tpu.memref_slice %arg3[%dma_start3A_451, %arg1, %add3A_450, %dma_start3A_465, %dma_start3A_466] : memref<2x16x10x8x128xi32, #tpu.memory_space<hbm>> -> memref<1x1x1x8x128xi32, #tpu.memory_space<hbm>>
          %dma_start3A_468 = tpu.memref_squeeze %dma_start3A_467 : memref<1x1x1x8x128xi32, #tpu.memory_space<hbm>> -> memref<8x128xi32, #tpu.memory_space<hbm>>
          tpu.enqueue_dma source(%dma_start3A_468 : memref<8x128xi32, #tpu.memory_space<hbm>>) target(%dma_start3A_464 : memref<8x128xi32, #tpu.memory_space<vmem>>) target_semaphore(%arg12 : memref<!tpu.dma_semaphore, #tpu.memory_space<semaphore_mem>>)
        } else {
        }
        %gt3A = arith.constant 0 : i32
        %gt3A_113 = arith.cmpi sgt, %scan3A_106, %gt3A : i32
        %convert_element_type3A_114 = arith.extui %gt3A_113 : i1 to i32
        %cond3A_115 = arith.constant 0 : i32
        %cond3A_116 = arith.cmpi ne, %convert_element_type3A_114, %cond3A_115 : i32
        scf.if %cond3A_116 {
          %dma_wait3A_429 = arith.constant 0 : i32
          %dma_wait3A_430 = arith.constant 1 : i32
          %dma_wait3A_431 = arith.constant 0 : i32
          %dma_wait3A_432 = arith.constant 0 : i32
          %dma_wait3A_433 = tpu.memref_slice %arg6[%dma_wait3A_429, %dma_wait3A_430, %dma_wait3A_431, %dma_wait3A_432] : memref<2x2x8x128xi32, #tpu.memory_space<vmem>> -> memref<1x1x1x128xi32, #tpu.memory_space<vmem>>
          %dma_wait3A_434 = tpu.memref_squeeze %dma_wait3A_433 : memref<1x1x1x128xi32, #tpu.memory_space<vmem>> -> memref<128xi32, #tpu.memory_space<vmem>>
          %dma_wait3A_435 = arith.constant 0 : i32
          %dma_wait3A_436 = arith.constant 0 : i32
          %dma_wait3A_437 = tpu.memref_slice %arg9[%dma_wait3A_435, %dma_wait3A_436] : memref<10240x128xf32, #tpu.memory_space<vmem_shared>> -> memref<10240x128xf32, #tpu.memory_space<vmem_shared>>
          tpu.wait_indirect_dma semaphore(%arg13 : memref<!tpu.dma_semaphore, #tpu.memory_space<semaphore_mem>>) src(%arg7 : memref<128x128xf32, #tpu.memory_space<vmem>>) dst(%dma_wait3A_437 : memref<10240x128xf32, #tpu.memory_space<vmem_shared>>)
        } else {
        }
        %dma_start3A_117 = arith.constant 0 : i32
        %dma_start3A_118 = arith.constant 1 : i32
        %dma_start3A_119 = arith.constant 0 : i32
        %dma_start3A_120 = tpu.memref_slice %arg6[%rem3A_107, %dma_start3A_117, %dma_start3A_118, %dma_start3A_119] : memref<2x2x8x128xi32, #tpu.memory_space<vmem>> -> memref<1x1x1x128xi32, #tpu.memory_space<vmem>>
        %dma_start3A_121 = tpu.memref_squeeze %dma_start3A_120 : memref<1x1x1x128xi32, #tpu.memory_space<vmem>> -> memref<128xi32, #tpu.memory_space<vmem>>
        %dma_start3A_122 = arith.constant 0 : i32
        %dma_start3A_123 = arith.constant 0 : i32
        %dma_start3A_124 = tpu.memref_slice %arg2[%scan3A_91, %dma_start3A_122, %dma_start3A_123] : memref<2x10000x128xf32, #tpu.memory_space<hbm>> -> memref<1x10000x128xf32, #tpu.memory_space<hbm>>
        %dma_start3A_125 = tpu.memref_squeeze %dma_start3A_124 : memref<1x10000x128xf32, #tpu.memory_space<hbm>> -> memref<10000x128xf32, #tpu.memory_space<hbm>>
        %dma_start3A_126 = arith.constant 0 : i32
        %dma_start3A_127 = arith.constant 0 : i32
        %dma_start3A_128 = tpu.memref_slice %dma_start3A_125[%dma_start3A_126, %dma_start3A_127] : memref<10000x128xf32, #tpu.memory_space<hbm>> -> memref<10000x128xf32, #tpu.memory_space<hbm>>
        tpu.enqueue_indirect_dma source(%dma_start3A_128 : memref<10000x128xf32, #tpu.memory_space<hbm>>) target(%arg8 : memref<128x128xf32, #tpu.memory_space<vmem>>) offsets(%dma_start3A_121 : memref<128xi32, #tpu.memory_space<vmem>>) semaphore(%arg11 : memref<!tpu.dma_semaphore, #tpu.memory_space<semaphore_mem>>)
        %dma_wait3A_129 = arith.constant 0 : i32
        %dma_wait3A_130 = arith.constant 0 : i32
        %dma_wait3A_131 = arith.constant 0 : i32
        %dma_wait3A_132 = tpu.memref_slice %arg6[%rem3A_107, %dma_wait3A_129, %dma_wait3A_130, %dma_wait3A_131] : memref<2x2x8x128xi32, #tpu.memory_space<vmem>> -> memref<1x1x1x128xi32, #tpu.memory_space<vmem>>
        %dma_wait3A_133 = tpu.memref_squeeze %dma_wait3A_132 : memref<1x1x1x128xi32, #tpu.memory_space<vmem>> -> memref<128xi32, #tpu.memory_space<vmem>>
        %dma_wait3A_134 = arith.constant 0 : i32
        %dma_wait3A_135 = arith.constant 0 : i32
        %dma_wait3A_136 = tpu.memref_slice %arg2[%scan3A_91, %dma_wait3A_134, %dma_wait3A_135] : memref<2x10000x128xf32, #tpu.memory_space<hbm>> -> memref<1x10000x128xf32, #tpu.memory_space<hbm>>
        %dma_wait3A_137 = tpu.memref_squeeze %dma_wait3A_136 : memref<1x10000x128xf32, #tpu.memory_space<hbm>> -> memref<10000x128xf32, #tpu.memory_space<hbm>>
        %dma_wait3A_138 = arith.constant 0 : i32
        %dma_wait3A_139 = arith.constant 0 : i32
        %dma_wait3A_140 = tpu.memref_slice %dma_wait3A_137[%dma_wait3A_138, %dma_wait3A_139] : memref<10000x128xf32, #tpu.memory_space<hbm>> -> memref<10000x128xf32, #tpu.memory_space<hbm>>
        tpu.wait_indirect_dma semaphore(%arg10 : memref<!tpu.dma_semaphore, #tpu.memory_space<semaphore_mem>>) src(%dma_wait3A_140 : memref<10000x128xf32, #tpu.memory_space<hbm>>) dst(%arg7 : memref<128x128xf32, #tpu.memory_space<vmem>>)
        %dma_start3A_141 = arith.constant 1 : i32
        %dma_start3A_142 = arith.constant 0 : i32
        %dma_start3A_143 = arith.constant 0 : i32
        %dma_start3A_144 = tpu.memref_slice %arg6[%rem3A_107, %dma_start3A_141, %dma_start3A_142, %dma_start3A_143] : memref<2x2x8x128xi32, #tpu.memory_space<vmem>> -> memref<1x1x1x128xi32, #tpu.memory_space<vmem>>
        %dma_start3A_145 = tpu.memref_squeeze %dma_start3A_144 : memref<1x1x1x128xi32, #tpu.memory_space<vmem>> -> memref<128xi32, #tpu.memory_space<vmem>>
        %dma_start3A_146 = arith.constant 0 : i32
        %dma_start3A_147 = arith.constant 0 : i32
        %dma_start3A_148 = tpu.memref_slice %arg9[%dma_start3A_146, %dma_start3A_147] : memref<10240x128xf32, #tpu.memory_space<vmem_shared>> -> memref<10240x128xf32, #tpu.memory_space<vmem_shared>>
        tpu.enqueue_indirect_dma source(%arg7 : memref<128x128xf32, #tpu.memory_space<vmem>>) target(%dma_start3A_148 : memref<10240x128xf32, #tpu.memory_space<vmem_shared>>) offsets(%dma_start3A_145 : memref<128xi32, #tpu.memory_space<vmem>>) semaphore(%arg13 : memref<!tpu.dma_semaphore, #tpu.memory_space<semaphore_mem>>) {add = true}
        %dma_wait3A_149 = arith.constant 0 : i32
        %dma_wait3A_150 = arith.constant 1 : i32
        %dma_wait3A_151 = arith.constant 0 : i32
        %dma_wait3A_152 = arith.constant 0 : i32
        %dma_wait3A_153 = tpu.memref_slice %arg6[%dma_wait3A_149, %dma_wait3A_150, %dma_wait3A_151, %dma_wait3A_152] : memref<2x2x8x128xi32, #tpu.memory_space<vmem>> -> memref<1x1x1x128xi32, #tpu.memory_space<vmem>>
        %dma_wait3A_154 = tpu.memref_squeeze %dma_wait3A_153 : memref<1x1x1x128xi32, #tpu.memory_space<vmem>> -> memref<128xi32, #tpu.memory_space<vmem>>
        %dma_wait3A_155 = arith.constant 0 : i32
        %dma_wait3A_156 = arith.constant 0 : i32
        %dma_wait3A_157 = tpu.memref_slice %arg9[%dma_wait3A_155, %dma_wait3A_156] : memref<10240x128xf32, #tpu.memory_space<vmem_shared>> -> memref<10240x128xf32, #tpu.memory_space<vmem_shared>>
        tpu.wait_indirect_dma semaphore(%arg13 : memref<!tpu.dma_semaphore, #tpu.memory_space<semaphore_mem>>) src(%arg7 : memref<128x128xf32, #tpu.memory_space<vmem>>) dst(%dma_wait3A_157 : memref<10240x128xf32, #tpu.memory_space<vmem_shared>>)
        %dma_start3A_158 = arith.constant 0 : i32
        %dma_start3A_159 = arith.constant 2 : i32
        %dma_start3A_160 = arith.constant 0 : i32
        %dma_start3A_161 = tpu.memref_slice %arg6[%rem3A_107, %dma_start3A_158, %dma_start3A_159, %dma_start3A_160] : memref<2x2x8x128xi32, #tpu.memory_space<vmem>> -> memref<1x1x1x128xi32, #tpu.memory_space<vmem>>
        %dma_start3A_162 = tpu.memref_squeeze %dma_start3A_161 : memref<1x1x1x128xi32, #tpu.memory_space<vmem>> -> memref<128xi32, #tpu.memory_space<vmem>>
        %dma_start3A_163 = arith.constant 0 : i32
        %dma_start3A_164 = arith.constant 0 : i32
        %dma_start3A_165 = tpu.memref_slice %arg2[%scan3A_91, %dma_start3A_163, %dma_start3A_164] : memref<2x10000x128xf32, #tpu.memory_space<hbm>> -> memref<1x10000x128xf32, #tpu.memory_space<hbm>>
        %dma_start3A_166 = tpu.memref_squeeze %dma_start3A_165 : memref<1x10000x128xf32, #tpu.memory_space<hbm>> -> memref<10000x128xf32, #tpu.memory_space<hbm>>
        %dma_start3A_167 = arith.constant 0 : i32
        %dma_start3A_168 = arith.constant 0 : i32
        %dma_start3A_169 = tpu.memref_slice %dma_start3A_166[%dma_start3A_167, %dma_start3A_168] : memref<10000x128xf32, #tpu.memory_space<hbm>> -> memref<10000x128xf32, #tpu.memory_space<hbm>>
        tpu.enqueue_indirect_dma source(%dma_start3A_169 : memref<10000x128xf32, #tpu.memory_space<hbm>>) target(%arg7 : memref<128x128xf32, #tpu.memory_space<vmem>>) offsets(%dma_start3A_162 : memref<128xi32, #tpu.memory_space<vmem>>) semaphore(%arg10 : memref<!tpu.dma_semaphore, #tpu.memory_space<semaphore_mem>>)
        %dma_wait3A_170 = arith.constant 0 : i32
        %dma_wait3A_171 = arith.constant 1 : i32
        %dma_wait3A_172 = arith.constant 0 : i32
        %dma_wait3A_173 = tpu.memref_slice %arg6[%rem3A_107, %dma_wait3A_170, %dma_wait3A_171, %dma_wait3A_172] : memref<2x2x8x128xi32, #tpu.memory_space<vmem>> -> memref<1x1x1x128xi32, #tpu.memory_space<vmem>>
        %dma_wait3A_174 = tpu.memref_squeeze %dma_wait3A_173 : memref<1x1x1x128xi32, #tpu.memory_space<vmem>> -> memref<128xi32, #tpu.memory_space<vmem>>
        %dma_wait3A_175 = arith.constant 0 : i32
        %dma_wait3A_176 = arith.constant 0 : i32
        %dma_wait3A_177 = tpu.memref_slice %arg2[%scan3A_91, %dma_wait3A_175, %dma_wait3A_176] : memref<2x10000x128xf32, #tpu.memory_space<hbm>> -> memref<1x10000x128xf32, #tpu.memory_space<hbm>>
        %dma_wait3A_178 = tpu.memref_squeeze %dma_wait3A_177 : memref<1x10000x128xf32, #tpu.memory_space<hbm>> -> memref<10000x128xf32, #tpu.memory_space<hbm>>
        %dma_wait3A_179 = arith.constant 0 : i32
        %dma_wait3A_180 = arith.constant 0 : i32
        %dma_wait3A_181 = tpu.memref_slice %dma_wait3A_178[%dma_wait3A_179, %dma_wait3A_180] : memref<10000x128xf32, #tpu.memory_space<hbm>> -> memref<10000x128xf32, #tpu.memory_space<hbm>>
        tpu.wait_indirect_dma semaphore(%arg11 : memref<!tpu.dma_semaphore, #tpu.memory_space<semaphore_mem>>) src(%dma_wait3A_181 : memref<10000x128xf32, #tpu.memory_space<hbm>>) dst(%arg8 : memref<128x128xf32, #tpu.memory_space<vmem>>)
        %dma_start3A_182 = arith.constant 1 : i32
        %dma_start3A_183 = arith.constant 1 : i32
        %dma_start3A_184 = arith.constant 0 : i32
        %dma_start3A_185 = tpu.memref_slice %arg6[%rem3A_107, %dma_start3A_182, %dma_start3A_183, %dma_start3A_184] : memref<2x2x8x128xi32, #tpu.memory_space<vmem>> -> memref<1x1x1x128xi32, #tpu.memory_space<vmem>>
        %dma_start3A_186 = tpu.memref_squeeze %dma_start3A_185 : memref<1x1x1x128xi32, #tpu.memory_space<vmem>> -> memref<128xi32, #tpu.memory_space<vmem>>
        %dma_start3A_187 = arith.constant 0 : i32
        %dma_start3A_188 = arith.constant 0 : i32
        %dma_start3A_189 = tpu.memref_slice %arg9[%dma_start3A_187, %dma_start3A_188] : memref<10240x128xf32, #tpu.memory_space<vmem_shared>> -> memref<10240x128xf32, #tpu.memory_space<vmem_shared>>
        tpu.enqueue_indirect_dma source(%arg8 : memref<128x128xf32, #tpu.memory_space<vmem>>) target(%dma_start3A_189 : memref<10240x128xf32, #tpu.memory_space<vmem_shared>>) offsets(%dma_start3A_186 : memref<128xi32, #tpu.memory_space<vmem>>) semaphore(%arg13 : memref<!tpu.dma_semaphore, #tpu.memory_space<semaphore_mem>>) {add = true}
        %dma_wait3A_190 = arith.constant 0 : i32
        %dma_wait3A_191 = arith.constant 1 : i32
        %dma_wait3A_192 = arith.constant 0 : i32
        %dma_wait3A_193 = arith.constant 0 : i32
        %dma_wait3A_194 = tpu.memref_slice %arg6[%dma_wait3A_190, %dma_wait3A_191, %dma_wait3A_192, %dma_wait3A_193] : memref<2x2x8x128xi32, #tpu.memory_space<vmem>> -> memref<1x1x1x128xi32, #tpu.memory_space<vmem>>
        %dma_wait3A_195 = tpu.memref_squeeze %dma_wait3A_194 : memref<1x1x1x128xi32, #tpu.memory_space<vmem>> -> memref<128xi32, #tpu.memory_space<vmem>>
        %dma_wait3A_196 = arith.constant 0 : i32
        %dma_wait3A_197 = arith.constant 0 : i32
        %dma_wait3A_198 = tpu.memref_slice %arg9[%dma_wait3A_196, %dma_wait3A_197] : memref<10240x128xf32, #tpu.memory_space<vmem_shared>> -> memref<10240x128xf32, #tpu.memory_space<vmem_shared>>
        tpu.wait_indirect_dma semaphore(%arg13 : memref<!tpu.dma_semaphore, #tpu.memory_space<semaphore_mem>>) src(%arg7 : memref<128x128xf32, #tpu.memory_space<vmem>>) dst(%dma_wait3A_198 : memref<10240x128xf32, #tpu.memory_space<vmem_shared>>)
        %dma_start3A_199 = arith.constant 0 : i32
        %dma_start3A_200 = arith.constant 3 : i32
        %dma_start3A_201 = arith.constant 0 : i32
        %dma_start3A_202 = tpu.memref_slice %arg6[%rem3A_107, %dma_start3A_199, %dma_start3A_200, %dma_start3A_201] : memref<2x2x8x128xi32, #tpu.memory_space<vmem>> -> memref<1x1x1x128xi32, #tpu.memory_space<vmem>>
        %dma_start3A_203 = tpu.memref_squeeze %dma_start3A_202 : memref<1x1x1x128xi32, #tpu.memory_space<vmem>> -> memref<128xi32, #tpu.memory_space<vmem>>
        %dma_start3A_204 = arith.constant 0 : i32
        %dma_start3A_205 = arith.constant 0 : i32
        %dma_start3A_206 = tpu.memref_slice %arg2[%scan3A_91, %dma_start3A_204, %dma_start3A_205] : memref<2x10000x128xf32, #tpu.memory_space<hbm>> -> memref<1x10000x128xf32, #tpu.memory_space<hbm>>
        %dma_start3A_207 = tpu.memref_squeeze %dma_start3A_206 : memref<1x10000x128xf32, #tpu.memory_space<hbm>> -> memref<10000x128xf32, #tpu.memory_space<hbm>>
        %dma_start3A_208 = arith.constant 0 : i32
        %dma_start3A_209 = arith.constant 0 : i32
        %dma_start3A_210 = tpu.memref_slice %dma_start3A_207[%dma_start3A_208, %dma_start3A_209] : memref<10000x128xf32, #tpu.memory_space<hbm>> -> memref<10000x128xf32, #tpu.memory_space<hbm>>
        tpu.enqueue_indirect_dma source(%dma_start3A_210 : memref<10000x128xf32, #tpu.memory_space<hbm>>) target(%arg8 : memref<128x128xf32, #tpu.memory_space<vmem>>) offsets(%dma_start3A_203 : memref<128xi32, #tpu.memory_space<vmem>>) semaphore(%arg11 : memref<!tpu.dma_semaphore, #tpu.memory_space<semaphore_mem>>)
        %dma_wait3A_211 = arith.constant 0 : i32
        %dma_wait3A_212 = arith.constant 2 : i32
        %dma_wait3A_213 = arith.constant 0 : i32
        %dma_wait3A_214 = tpu.memref_slice %arg6[%rem3A_107, %dma_wait3A_211, %dma_wait3A_212, %dma_wait3A_213] : memref<2x2x8x128xi32, #tpu.memory_space<vmem>> -> memref<1x1x1x128xi32, #tpu.memory_space<vmem>>
        %dma_wait3A_215 = tpu.memref_squeeze %dma_wait3A_214 : memref<1x1x1x128xi32, #tpu.memory_space<vmem>> -> memref<128xi32, #tpu.memory_space<vmem>>
        %dma_wait3A_216 = arith.constant 0 : i32
        %dma_wait3A_217 = arith.constant 0 : i32
        %dma_wait3A_218 = tpu.memref_slice %arg2[%scan3A_91, %dma_wait3A_216, %dma_wait3A_217] : memref<2x10000x128xf32, #tpu.memory_space<hbm>> -> memref<1x10000x128xf32, #tpu.memory_space<hbm>>
        %dma_wait3A_219 = tpu.memref_squeeze %dma_wait3A_218 : memref<1x10000x128xf32, #tpu.memory_space<hbm>> -> memref<10000x128xf32, #tpu.memory_space<hbm>>
        %dma_wait3A_220 = arith.constant 0 : i32
        %dma_wait3A_221 = arith.constant 0 : i32
        %dma_wait3A_222 = tpu.memref_slice %dma_wait3A_219[%dma_wait3A_220, %dma_wait3A_221] : memref<10000x128xf32, #tpu.memory_space<hbm>> -> memref<10000x128xf32, #tpu.memory_space<hbm>>
        tpu.wait_indirect_dma semaphore(%arg10 : memref<!tpu.dma_semaphore, #tpu.memory_space<semaphore_mem>>) src(%dma_wait3A_222 : memref<10000x128xf32, #tpu.memory_space<hbm>>) dst(%arg7 : memref<128x128xf32, #tpu.memory_space<vmem>>)
        %dma_start3A_223 = arith.constant 1 : i32
        %dma_start3A_224 = arith.constant 2 : i32
        %dma_start3A_225 = arith.constant 0 : i32
        %dma_start3A_226 = tpu.memref_slice %arg6[%rem3A_107, %dma_start3A_223, %dma_start3A_224, %dma_start3A_225] : memref<2x2x8x128xi32, #tpu.memory_space<vmem>> -> memref<1x1x1x128xi32, #tpu.memory_space<vmem>>
        %dma_start3A_227 = tpu.memref_squeeze %dma_start3A_226 : memref<1x1x1x128xi32, #tpu.memory_space<vmem>> -> memref<128xi32, #tpu.memory_space<vmem>>
        %dma_start3A_228 = arith.constant 0 : i32
        %dma_start3A_229 = arith.constant 0 : i32
        %dma_start3A_230 = tpu.memref_slice %arg9[%dma_start3A_228, %dma_start3A_229] : memref<10240x128xf32, #tpu.memory_space<vmem_shared>> -> memref<10240x128xf32, #tpu.memory_space<vmem_shared>>
        tpu.enqueue_indirect_dma source(%arg7 : memref<128x128xf32, #tpu.memory_space<vmem>>) target(%dma_start3A_230 : memref<10240x128xf32, #tpu.memory_space<vmem_shared>>) offsets(%dma_start3A_227 : memref<128xi32, #tpu.memory_space<vmem>>) semaphore(%arg13 : memref<!tpu.dma_semaphore, #tpu.memory_space<semaphore_mem>>) {add = true}
        %dma_wait3A_231 = arith.constant 0 : i32
        %dma_wait3A_232 = arith.constant 1 : i32
        %dma_wait3A_233 = arith.constant 0 : i32
        %dma_wait3A_234 = arith.constant 0 : i32
        %dma_wait3A_235 = tpu.memref_slice %arg6[%dma_wait3A_231, %dma_wait3A_232, %dma_wait3A_233, %dma_wait3A_234] : memref<2x2x8x128xi32, #tpu.memory_space<vmem>> -> memref<1x1x1x128xi32, #tpu.memory_space<vmem>>
        %dma_wait3A_236 = tpu.memref_squeeze %dma_wait3A_235 : memref<1x1x1x128xi32, #tpu.memory_space<vmem>> -> memref<128xi32, #tpu.memory_space<vmem>>
        %dma_wait3A_237 = arith.constant 0 : i32
        %dma_wait3A_238 = arith.constant 0 : i32
        %dma_wait3A_239 = tpu.memref_slice %arg9[%dma_wait3A_237, %dma_wait3A_238] : memref<10240x128xf32, #tpu.memory_space<vmem_shared>> -> memref<10240x128xf32, #tpu.memory_space<vmem_shared>>
        tpu.wait_indirect_dma semaphore(%arg13 : memref<!tpu.dma_semaphore, #tpu.memory_space<semaphore_mem>>) src(%arg7 : memref<128x128xf32, #tpu.memory_space<vmem>>) dst(%dma_wait3A_239 : memref<10240x128xf32, #tpu.memory_space<vmem_shared>>)
        %dma_start3A_240 = arith.constant 0 : i32
        %dma_start3A_241 = arith.constant 4 : i32
        %dma_start3A_242 = arith.constant 0 : i32
        %dma_start3A_243 = tpu.memref_slice %arg6[%rem3A_107, %dma_start3A_240, %dma_start3A_241, %dma_start3A_242] : memref<2x2x8x128xi32, #tpu.memory_space<vmem>> -> memref<1x1x1x128xi32, #tpu.memory_space<vmem>>
        %dma_start3A_244 = tpu.memref_squeeze %dma_start3A_243 : memref<1x1x1x128xi32, #tpu.memory_space<vmem>> -> memref<128xi32, #tpu.memory_space<vmem>>
        %dma_start3A_245 = arith.constant 0 : i32
        %dma_start3A_246 = arith.constant 0 : i32
        %dma_start3A_247 = tpu.memref_slice %arg2[%scan3A_91, %dma_start3A_245, %dma_start3A_246] : memref<2x10000x128xf32, #tpu.memory_space<hbm>> -> memref<1x10000x128xf32, #tpu.memory_space<hbm>>
        %dma_start3A_248 = tpu.memref_squeeze %dma_start3A_247 : memref<1x10000x128xf32, #tpu.memory_space<hbm>> -> memref<10000x128xf32, #tpu.memory_space<hbm>>
        %dma_start3A_249 = arith.constant 0 : i32
        %dma_start3A_250 = arith.constant 0 : i32
        %dma_start3A_251 = tpu.memref_slice %dma_start3A_248[%dma_start3A_249, %dma_start3A_250] : memref<10000x128xf32, #tpu.memory_space<hbm>> -> memref<10000x128xf32, #tpu.memory_space<hbm>>
        tpu.enqueue_indirect_dma source(%dma_start3A_251 : memref<10000x128xf32, #tpu.memory_space<hbm>>) target(%arg7 : memref<128x128xf32, #tpu.memory_space<vmem>>) offsets(%dma_start3A_244 : memref<128xi32, #tpu.memory_space<vmem>>) semaphore(%arg10 : memref<!tpu.dma_semaphore, #tpu.memory_space<semaphore_mem>>)
        %dma_wait3A_252 = arith.constant 0 : i32
        %dma_wait3A_253 = arith.constant 3 : i32
        %dma_wait3A_254 = arith.constant 0 : i32
        %dma_wait3A_255 = tpu.memref_slice %arg6[%rem3A_107, %dma_wait3A_252, %dma_wait3A_253, %dma_wait3A_254] : memref<2x2x8x128xi32, #tpu.memory_space<vmem>> -> memref<1x1x1x128xi32, #tpu.memory_space<vmem>>
        %dma_wait3A_256 = tpu.memref_squeeze %dma_wait3A_255 : memref<1x1x1x128xi32, #tpu.memory_space<vmem>> -> memref<128xi32, #tpu.memory_space<vmem>>
        %dma_wait3A_257 = arith.constant 0 : i32
        %dma_wait3A_258 = arith.constant 0 : i32
        %dma_wait3A_259 = tpu.memref_slice %arg2[%scan3A_91, %dma_wait3A_257, %dma_wait3A_258] : memref<2x10000x128xf32, #tpu.memory_space<hbm>> -> memref<1x10000x128xf32, #tpu.memory_space<hbm>>
        %dma_wait3A_260 = tpu.memref_squeeze %dma_wait3A_259 : memref<1x10000x128xf32, #tpu.memory_space<hbm>> -> memref<10000x128xf32, #tpu.memory_space<hbm>>
        %dma_wait3A_261 = arith.constant 0 : i32
        %dma_wait3A_262 = arith.constant 0 : i32
        %dma_wait3A_263 = tpu.memref_slice %dma_wait3A_260[%dma_wait3A_261, %dma_wait3A_262] : memref<10000x128xf32, #tpu.memory_space<hbm>> -> memref<10000x128xf32, #tpu.memory_space<hbm>>
        tpu.wait_indirect_dma semaphore(%arg11 : memref<!tpu.dma_semaphore, #tpu.memory_space<semaphore_mem>>) src(%dma_wait3A_263 : memref<10000x128xf32, #tpu.memory_space<hbm>>) dst(%arg8 : memref<128x128xf32, #tpu.memory_space<vmem>>)
        %dma_start3A_264 = arith.constant 1 : i32
        %dma_start3A_265 = arith.constant 3 : i32
        %dma_start3A_266 = arith.constant 0 : i32
        %dma_start3A_267 = tpu.memref_slice %arg6[%rem3A_107, %dma_start3A_264, %dma_start3A_265, %dma_start3A_266] : memref<2x2x8x128xi32, #tpu.memory_space<vmem>> -> memref<1x1x1x128xi32, #tpu.memory_space<vmem>>
        %dma_start3A_268 = tpu.memref_squeeze %dma_start3A_267 : memref<1x1x1x128xi32, #tpu.memory_space<vmem>> -> memref<128xi32, #tpu.memory_space<vmem>>
        %dma_start3A_269 = arith.constant 0 : i32
        %dma_start3A_270 = arith.constant 0 : i32
        %dma_start3A_271 = tpu.memref_slice %arg9[%dma_start3A_269, %dma_start3A_270] : memref<10240x128xf32, #tpu.memory_space<vmem_shared>> -> memref<10240x128xf32, #tpu.memory_space<vmem_shared>>
        tpu.enqueue_indirect_dma source(%arg8 : memref<128x128xf32, #tpu.memory_space<vmem>>) target(%dma_start3A_271 : memref<10240x128xf32, #tpu.memory_space<vmem_shared>>) offsets(%dma_start3A_268 : memref<128xi32, #tpu.memory_space<vmem>>) semaphore(%arg13 : memref<!tpu.dma_semaphore, #tpu.memory_space<semaphore_mem>>) {add = true}
        %dma_wait3A_272 = arith.constant 0 : i32
        %dma_wait3A_273 = arith.constant 1 : i32
        %dma_wait3A_274 = arith.constant 0 : i32
        %dma_wait3A_275 = arith.constant 0 : i32
        %dma_wait3A_276 = tpu.memref_slice %arg6[%dma_wait3A_272, %dma_wait3A_273, %dma_wait3A_274, %dma_wait3A_275] : memref<2x2x8x128xi32, #tpu.memory_space<vmem>> -> memref<1x1x1x128xi32, #tpu.memory_space<vmem>>
        %dma_wait3A_277 = tpu.memref_squeeze %dma_wait3A_276 : memref<1x1x1x128xi32, #tpu.memory_space<vmem>> -> memref<128xi32, #tpu.memory_space<vmem>>
        %dma_wait3A_278 = arith.constant 0 : i32
        %dma_wait3A_279 = arith.constant 0 : i32
        %dma_wait3A_280 = tpu.memref_slice %arg9[%dma_wait3A_278, %dma_wait3A_279] : memref<10240x128xf32, #tpu.memory_space<vmem_shared>> -> memref<10240x128xf32, #tpu.memory_space<vmem_shared>>
        tpu.wait_indirect_dma semaphore(%arg13 : memref<!tpu.dma_semaphore, #tpu.memory_space<semaphore_mem>>) src(%arg7 : memref<128x128xf32, #tpu.memory_space<vmem>>) dst(%dma_wait3A_280 : memref<10240x128xf32, #tpu.memory_space<vmem_shared>>)
        %dma_start3A_281 = arith.constant 0 : i32
        %dma_start3A_282 = arith.constant 5 : i32
        %dma_start3A_283 = arith.constant 0 : i32
        %dma_start3A_284 = tpu.memref_slice %arg6[%rem3A_107, %dma_start3A_281, %dma_start3A_282, %dma_start3A_283] : memref<2x2x8x128xi32, #tpu.memory_space<vmem>> -> memref<1x1x1x128xi32, #tpu.memory_space<vmem>>
        %dma_start3A_285 = tpu.memref_squeeze %dma_start3A_284 : memref<1x1x1x128xi32, #tpu.memory_space<vmem>> -> memref<128xi32, #tpu.memory_space<vmem>>
        %dma_start3A_286 = arith.constant 0 : i32
        %dma_start3A_287 = arith.constant 0 : i32
        %dma_start3A_288 = tpu.memref_slice %arg2[%scan3A_91, %dma_start3A_286, %dma_start3A_287] : memref<2x10000x128xf32, #tpu.memory_space<hbm>> -> memref<1x10000x128xf32, #tpu.memory_space<hbm>>
        %dma_start3A_289 = tpu.memref_squeeze %dma_start3A_288 : memref<1x10000x128xf32, #tpu.memory_space<hbm>> -> memref<10000x128xf32, #tpu.memory_space<hbm>>
        %dma_start3A_290 = arith.constant 0 : i32
        %dma_start3A_291 = arith.constant 0 : i32
        %dma_start3A_292 = tpu.memref_slice %dma_start3A_289[%dma_start3A_290, %dma_start3A_291] : memref<10000x128xf32, #tpu.memory_space<hbm>> -> memref<10000x128xf32, #tpu.memory_space<hbm>>
        tpu.enqueue_indirect_dma source(%dma_start3A_292 : memref<10000x128xf32, #tpu.memory_space<hbm>>) target(%arg8 : memref<128x128xf32, #tpu.memory_space<vmem>>) offsets(%dma_start3A_285 : memref<128xi32, #tpu.memory_space<vmem>>) semaphore(%arg11 : memref<!tpu.dma_semaphore, #tpu.memory_space<semaphore_mem>>)
        %dma_wait3A_293 = arith.constant 0 : i32
        %dma_wait3A_294 = arith.constant 4 : i32
        %dma_wait3A_295 = arith.constant 0 : i32
        %dma_wait3A_296 = tpu.memref_slice %arg6[%rem3A_107, %dma_wait3A_293, %dma_wait3A_294, %dma_wait3A_295] : memref<2x2x8x128xi32, #tpu.memory_space<vmem>> -> memref<1x1x1x128xi32, #tpu.memory_space<vmem>>
        %dma_wait3A_297 = tpu.memref_squeeze %dma_wait3A_296 : memref<1x1x1x128xi32, #tpu.memory_space<vmem>> -> memref<128xi32, #tpu.memory_space<vmem>>
        %dma_wait3A_298 = arith.constant 0 : i32
        %dma_wait3A_299 = arith.constant 0 : i32
        %dma_wait3A_300 = tpu.memref_slice %arg2[%scan3A_91, %dma_wait3A_298, %dma_wait3A_299] : memref<2x10000x128xf32, #tpu.memory_space<hbm>> -> memref<1x10000x128xf32, #tpu.memory_space<hbm>>
        %dma_wait3A_301 = tpu.memref_squeeze %dma_wait3A_300 : memref<1x10000x128xf32, #tpu.memory_space<hbm>> -> memref<10000x128xf32, #tpu.memory_space<hbm>>
        %dma_wait3A_302 = arith.constant 0 : i32
        %dma_wait3A_303 = arith.constant 0 : i32
        %dma_wait3A_304 = tpu.memref_slice %dma_wait3A_301[%dma_wait3A_302, %dma_wait3A_303] : memref<10000x128xf32, #tpu.memory_space<hbm>> -> memref<10000x128xf32, #tpu.memory_space<hbm>>
        tpu.wait_indirect_dma semaphore(%arg10 : memref<!tpu.dma_semaphore, #tpu.memory_space<semaphore_mem>>) src(%dma_wait3A_304 : memref<10000x128xf32, #tpu.memory_space<hbm>>) dst(%arg7 : memref<128x128xf32, #tpu.memory_space<vmem>>)
        %dma_start3A_305 = arith.constant 1 : i32
        %dma_start3A_306 = arith.constant 4 : i32
        %dma_start3A_307 = arith.constant 0 : i32
        %dma_start3A_308 = tpu.memref_slice %arg6[%rem3A_107, %dma_start3A_305, %dma_start3A_306, %dma_start3A_307] : memref<2x2x8x128xi32, #tpu.memory_space<vmem>> -> memref<1x1x1x128xi32, #tpu.memory_space<vmem>>
        %dma_start3A_309 = tpu.memref_squeeze %dma_start3A_308 : memref<1x1x1x128xi32, #tpu.memory_space<vmem>> -> memref<128xi32, #tpu.memory_space<vmem>>
        %dma_start3A_310 = arith.constant 0 : i32
        %dma_start3A_311 = arith.constant 0 : i32
        %dma_start3A_312 = tpu.memref_slice %arg9[%dma_start3A_310, %dma_start3A_311] : memref<10240x128xf32, #tpu.memory_space<vmem_shared>> -> memref<10240x128xf32, #tpu.memory_space<vmem_shared>>
        tpu.enqueue_indirect_dma source(%arg7 : memref<128x128xf32, #tpu.memory_space<vmem>>) target(%dma_start3A_312 : memref<10240x128xf32, #tpu.memory_space<vmem_shared>>) offsets(%dma_start3A_309 : memref<128xi32, #tpu.memory_space<vmem>>) semaphore(%arg13 : memref<!tpu.dma_semaphore, #tpu.memory_space<semaphore_mem>>) {add = true}
        %dma_wait3A_313 = arith.constant 0 : i32
        %dma_wait3A_314 = arith.constant 1 : i32
        %dma_wait3A_315 = arith.constant 0 : i32
        %dma_wait3A_316 = arith.constant 0 : i32
        %dma_wait3A_317 = tpu.memref_slice %arg6[%dma_wait3A_313, %dma_wait3A_314, %dma_wait3A_315, %dma_wait3A_316] : memref<2x2x8x128xi32, #tpu.memory_space<vmem>> -> memref<1x1x1x128xi32, #tpu.memory_space<vmem>>
        %dma_wait3A_318 = tpu.memref_squeeze %dma_wait3A_317 : memref<1x1x1x128xi32, #tpu.memory_space<vmem>> -> memref<128xi32, #tpu.memory_space<vmem>>
        %dma_wait3A_319 = arith.constant 0 : i32
        %dma_wait3A_320 = arith.constant 0 : i32
        %dma_wait3A_321 = tpu.memref_slice %arg9[%dma_wait3A_319, %dma_wait3A_320] : memref<10240x128xf32, #tpu.memory_space<vmem_shared>> -> memref<10240x128xf32, #tpu.memory_space<vmem_shared>>
        tpu.wait_indirect_dma semaphore(%arg13 : memref<!tpu.dma_semaphore, #tpu.memory_space<semaphore_mem>>) src(%arg7 : memref<128x128xf32, #tpu.memory_space<vmem>>) dst(%dma_wait3A_321 : memref<10240x128xf32, #tpu.memory_space<vmem_shared>>)
        %dma_start3A_322 = arith.constant 0 : i32
        %dma_start3A_323 = arith.constant 6 : i32
        %dma_start3A_324 = arith.constant 0 : i32
        %dma_start3A_325 = tpu.memref_slice %arg6[%rem3A_107, %dma_start3A_322, %dma_start3A_323, %dma_start3A_324] : memref<2x2x8x128xi32, #tpu.memory_space<vmem>> -> memref<1x1x1x128xi32, #tpu.memory_space<vmem>>
        %dma_start3A_326 = tpu.memref_squeeze %dma_start3A_325 : memref<1x1x1x128xi32, #tpu.memory_space<vmem>> -> memref<128xi32, #tpu.memory_space<vmem>>
        %dma_start3A_327 = arith.constant 0 : i32
        %dma_start3A_328 = arith.constant 0 : i32
        %dma_start3A_329 = tpu.memref_slice %arg2[%scan3A_91, %dma_start3A_327, %dma_start3A_328] : memref<2x10000x128xf32, #tpu.memory_space<hbm>> -> memref<1x10000x128xf32, #tpu.memory_space<hbm>>
        %dma_start3A_330 = tpu.memref_squeeze %dma_start3A_329 : memref<1x10000x128xf32, #tpu.memory_space<hbm>> -> memref<10000x128xf32, #tpu.memory_space<hbm>>
        %dma_start3A_331 = arith.constant 0 : i32
        %dma_start3A_332 = arith.constant 0 : i32
        %dma_start3A_333 = tpu.memref_slice %dma_start3A_330[%dma_start3A_331, %dma_start3A_332] : memref<10000x128xf32, #tpu.memory_space<hbm>> -> memref<10000x128xf32, #tpu.memory_space<hbm>>
        tpu.enqueue_indirect_dma source(%dma_start3A_333 : memref<10000x128xf32, #tpu.memory_space<hbm>>) target(%arg7 : memref<128x128xf32, #tpu.memory_space<vmem>>) offsets(%dma_start3A_326 : memref<128xi32, #tpu.memory_space<vmem>>) semaphore(%arg10 : memref<!tpu.dma_semaphore, #tpu.memory_space<semaphore_mem>>)
        %dma_wait3A_334 = arith.constant 0 : i32
        %dma_wait3A_335 = arith.constant 5 : i32
        %dma_wait3A_336 = arith.constant 0 : i32
        %dma_wait3A_337 = tpu.memref_slice %arg6[%rem3A_107, %dma_wait3A_334, %dma_wait3A_335, %dma_wait3A_336] : memref<2x2x8x128xi32, #tpu.memory_space<vmem>> -> memref<1x1x1x128xi32, #tpu.memory_space<vmem>>
        %dma_wait3A_338 = tpu.memref_squeeze %dma_wait3A_337 : memref<1x1x1x128xi32, #tpu.memory_space<vmem>> -> memref<128xi32, #tpu.memory_space<vmem>>
        %dma_wait3A_339 = arith.constant 0 : i32
        %dma_wait3A_340 = arith.constant 0 : i32
        %dma_wait3A_341 = tpu.memref_slice %arg2[%scan3A_91, %dma_wait3A_339, %dma_wait3A_340] : memref<2x10000x128xf32, #tpu.memory_space<hbm>> -> memref<1x10000x128xf32, #tpu.memory_space<hbm>>
        %dma_wait3A_342 = tpu.memref_squeeze %dma_wait3A_341 : memref<1x10000x128xf32, #tpu.memory_space<hbm>> -> memref<10000x128xf32, #tpu.memory_space<hbm>>
        %dma_wait3A_343 = arith.constant 0 : i32
        %dma_wait3A_344 = arith.constant 0 : i32
        %dma_wait3A_345 = tpu.memref_slice %dma_wait3A_342[%dma_wait3A_343, %dma_wait3A_344] : memref<10000x128xf32, #tpu.memory_space<hbm>> -> memref<10000x128xf32, #tpu.memory_space<hbm>>
        tpu.wait_indirect_dma semaphore(%arg11 : memref<!tpu.dma_semaphore, #tpu.memory_space<semaphore_mem>>) src(%dma_wait3A_345 : memref<10000x128xf32, #tpu.memory_space<hbm>>) dst(%arg8 : memref<128x128xf32, #tpu.memory_space<vmem>>)
        %dma_start3A_346 = arith.constant 1 : i32
        %dma_start3A_347 = arith.constant 5 : i32
        %dma_start3A_348 = arith.constant 0 : i32
        %dma_start3A_349 = tpu.memref_slice %arg6[%rem3A_107, %dma_start3A_346, %dma_start3A_347, %dma_start3A_348] : memref<2x2x8x128xi32, #tpu.memory_space<vmem>> -> memref<1x1x1x128xi32, #tpu.memory_space<vmem>>
        %dma_start3A_350 = tpu.memref_squeeze %dma_start3A_349 : memref<1x1x1x128xi32, #tpu.memory_space<vmem>> -> memref<128xi32, #tpu.memory_space<vmem>>
        %dma_start3A_351 = arith.constant 0 : i32
        %dma_start3A_352 = arith.constant 0 : i32
        %dma_start3A_353 = tpu.memref_slice %arg9[%dma_start3A_351, %dma_start3A_352] : memref<10240x128xf32, #tpu.memory_space<vmem_shared>> -> memref<10240x128xf32, #tpu.memory_space<vmem_shared>>
        tpu.enqueue_indirect_dma source(%arg8 : memref<128x128xf32, #tpu.memory_space<vmem>>) target(%dma_start3A_353 : memref<10240x128xf32, #tpu.memory_space<vmem_shared>>) offsets(%dma_start3A_350 : memref<128xi32, #tpu.memory_space<vmem>>) semaphore(%arg13 : memref<!tpu.dma_semaphore, #tpu.memory_space<semaphore_mem>>) {add = true}
        %dma_wait3A_354 = arith.constant 0 : i32
        %dma_wait3A_355 = arith.constant 1 : i32
        %dma_wait3A_356 = arith.constant 0 : i32
        %dma_wait3A_357 = arith.constant 0 : i32
        %dma_wait3A_358 = tpu.memref_slice %arg6[%dma_wait3A_354, %dma_wait3A_355, %dma_wait3A_356, %dma_wait3A_357] : memref<2x2x8x128xi32, #tpu.memory_space<vmem>> -> memref<1x1x1x128xi32, #tpu.memory_space<vmem>>
        %dma_wait3A_359 = tpu.memref_squeeze %dma_wait3A_358 : memref<1x1x1x128xi32, #tpu.memory_space<vmem>> -> memref<128xi32, #tpu.memory_space<vmem>>
        %dma_wait3A_360 = arith.constant 0 : i32
        %dma_wait3A_361 = arith.constant 0 : i32
        %dma_wait3A_362 = tpu.memref_slice %arg9[%dma_wait3A_360, %dma_wait3A_361] : memref<10240x128xf32, #tpu.memory_space<vmem_shared>> -> memref<10240x128xf32, #tpu.memory_space<vmem_shared>>
        tpu.wait_indirect_dma semaphore(%arg13 : memref<!tpu.dma_semaphore, #tpu.memory_space<semaphore_mem>>) src(%arg7 : memref<128x128xf32, #tpu.memory_space<vmem>>) dst(%dma_wait3A_362 : memref<10240x128xf32, #tpu.memory_space<vmem_shared>>)
        %dma_start3A_363 = arith.constant 0 : i32
        %dma_start3A_364 = arith.constant 7 : i32
        %dma_start3A_365 = arith.constant 0 : i32
        %dma_start3A_366 = tpu.memref_slice %arg6[%rem3A_107, %dma_start3A_363, %dma_start3A_364, %dma_start3A_365] : memref<2x2x8x128xi32, #tpu.memory_space<vmem>> -> memref<1x1x1x128xi32, #tpu.memory_space<vmem>>
        %dma_start3A_367 = tpu.memref_squeeze %dma_start3A_366 : memref<1x1x1x128xi32, #tpu.memory_space<vmem>> -> memref<128xi32, #tpu.memory_space<vmem>>
        %dma_start3A_368 = arith.constant 0 : i32
        %dma_start3A_369 = arith.constant 0 : i32
        %dma_start3A_370 = tpu.memref_slice %arg2[%scan3A_91, %dma_start3A_368, %dma_start3A_369] : memref<2x10000x128xf32, #tpu.memory_space<hbm>> -> memref<1x10000x128xf32, #tpu.memory_space<hbm>>
        %dma_start3A_371 = tpu.memref_squeeze %dma_start3A_370 : memref<1x10000x128xf32, #tpu.memory_space<hbm>> -> memref<10000x128xf32, #tpu.memory_space<hbm>>
        %dma_start3A_372 = arith.constant 0 : i32
        %dma_start3A_373 = arith.constant 0 : i32
        %dma_start3A_374 = tpu.memref_slice %dma_start3A_371[%dma_start3A_372, %dma_start3A_373] : memref<10000x128xf32, #tpu.memory_space<hbm>> -> memref<10000x128xf32, #tpu.memory_space<hbm>>
        tpu.enqueue_indirect_dma source(%dma_start3A_374 : memref<10000x128xf32, #tpu.memory_space<hbm>>) target(%arg8 : memref<128x128xf32, #tpu.memory_space<vmem>>) offsets(%dma_start3A_367 : memref<128xi32, #tpu.memory_space<vmem>>) semaphore(%arg11 : memref<!tpu.dma_semaphore, #tpu.memory_space<semaphore_mem>>)
        %dma_wait3A_375 = arith.constant 0 : i32
        %dma_wait3A_376 = arith.constant 6 : i32
        %dma_wait3A_377 = arith.constant 0 : i32
        %dma_wait3A_378 = tpu.memref_slice %arg6[%rem3A_107, %dma_wait3A_375, %dma_wait3A_376, %dma_wait3A_377] : memref<2x2x8x128xi32, #tpu.memory_space<vmem>> -> memref<1x1x1x128xi32, #tpu.memory_space<vmem>>
        %dma_wait3A_379 = tpu.memref_squeeze %dma_wait3A_378 : memref<1x1x1x128xi32, #tpu.memory_space<vmem>> -> memref<128xi32, #tpu.memory_space<vmem>>
        %dma_wait3A_380 = arith.constant 0 : i32
        %dma_wait3A_381 = arith.constant 0 : i32
        %dma_wait3A_382 = tpu.memref_slice %arg2[%scan3A_91, %dma_wait3A_380, %dma_wait3A_381] : memref<2x10000x128xf32, #tpu.memory_space<hbm>> -> memref<1x10000x128xf32, #tpu.memory_space<hbm>>
        %dma_wait3A_383 = tpu.memref_squeeze %dma_wait3A_382 : memref<1x10000x128xf32, #tpu.memory_space<hbm>> -> memref<10000x128xf32, #tpu.memory_space<hbm>>
        %dma_wait3A_384 = arith.constant 0 : i32
        %dma_wait3A_385 = arith.constant 0 : i32
        %dma_wait3A_386 = tpu.memref_slice %dma_wait3A_383[%dma_wait3A_384, %dma_wait3A_385] : memref<10000x128xf32, #tpu.memory_space<hbm>> -> memref<10000x128xf32, #tpu.memory_space<hbm>>
        tpu.wait_indirect_dma semaphore(%arg10 : memref<!tpu.dma_semaphore, #tpu.memory_space<semaphore_mem>>) src(%dma_wait3A_386 : memref<10000x128xf32, #tpu.memory_space<hbm>>) dst(%arg7 : memref<128x128xf32, #tpu.memory_space<vmem>>)
        %dma_start3A_387 = arith.constant 1 : i32
        %dma_start3A_388 = arith.constant 6 : i32
        %dma_start3A_389 = arith.constant 0 : i32
        %dma_start3A_390 = tpu.memref_slice %arg6[%rem3A_107, %dma_start3A_387, %dma_start3A_388, %dma_start3A_389] : memref<2x2x8x128xi32, #tpu.memory_space<vmem>> -> memref<1x1x1x128xi32, #tpu.memory_space<vmem>>
        %dma_start3A_391 = tpu.memref_squeeze %dma_start3A_390 : memref<1x1x1x128xi32, #tpu.memory_space<vmem>> -> memref<128xi32, #tpu.memory_space<vmem>>
        %dma_start3A_392 = arith.constant 0 : i32
        %dma_start3A_393 = arith.constant 0 : i32
        %dma_start3A_394 = tpu.memref_slice %arg9[%dma_start3A_392, %dma_start3A_393] : memref<10240x128xf32, #tpu.memory_space<vmem_shared>> -> memref<10240x128xf32, #tpu.memory_space<vmem_shared>>
        tpu.enqueue_indirect_dma source(%arg7 : memref<128x128xf32, #tpu.memory_space<vmem>>) target(%dma_start3A_394 : memref<10240x128xf32, #tpu.memory_space<vmem_shared>>) offsets(%dma_start3A_391 : memref<128xi32, #tpu.memory_space<vmem>>) semaphore(%arg13 : memref<!tpu.dma_semaphore, #tpu.memory_space<semaphore_mem>>) {add = true}
        %dma_wait3A_395 = arith.constant 0 : i32
        %dma_wait3A_396 = arith.constant 1 : i32
        %dma_wait3A_397 = arith.constant 0 : i32
        %dma_wait3A_398 = arith.constant 0 : i32
        %dma_wait3A_399 = tpu.memref_slice %arg6[%dma_wait3A_395, %dma_wait3A_396, %dma_wait3A_397, %dma_wait3A_398] : memref<2x2x8x128xi32, #tpu.memory_space<vmem>> -> memref<1x1x1x128xi32, #tpu.memory_space<vmem>>
        %dma_wait3A_400 = tpu.memref_squeeze %dma_wait3A_399 : memref<1x1x1x128xi32, #tpu.memory_space<vmem>> -> memref<128xi32, #tpu.memory_space<vmem>>
        %dma_wait3A_401 = arith.constant 0 : i32
        %dma_wait3A_402 = arith.constant 0 : i32
        %dma_wait3A_403 = tpu.memref_slice %arg9[%dma_wait3A_401, %dma_wait3A_402] : memref<10240x128xf32, #tpu.memory_space<vmem_shared>> -> memref<10240x128xf32, #tpu.memory_space<vmem_shared>>
        tpu.wait_indirect_dma semaphore(%arg13 : memref<!tpu.dma_semaphore, #tpu.memory_space<semaphore_mem>>) src(%arg7 : memref<128x128xf32, #tpu.memory_space<vmem>>) dst(%dma_wait3A_403 : memref<10240x128xf32, #tpu.memory_space<vmem_shared>>)
        %lt3A_404 = arith.constant 9 : i32
        %lt3A_405 = arith.cmpi slt, %scan3A_106, %lt3A_404 : i32
        %convert_element_type3A_406 = arith.extui %lt3A_405 : i1 to i32
        %cond3A_407 = arith.constant 0 : i32
        %cond3A_408 = arith.cmpi ne, %convert_element_type3A_406, %cond3A_407 : i32
        scf.if %cond3A_408 {
          %add3A_429 = arith.constant 1 : i32
          %add3A_430 = arith.addi %scan3A_106, %add3A_429 : i32
          %dma_wait3A_431 = arith.constant 0 : i32
          %dma_wait3A_432 = arith.constant 0 : i32
          %dma_wait3A_433 = arith.constant 0 : i32
          %dma_wait3A_434 = arith.constant 0 : i32
          %dma_wait3A_435 = tpu.memref_slice %arg6[%sub3A_108, %dma_wait3A_432, %dma_wait3A_433, %dma_wait3A_434] : memref<2x2x8x128xi32, #tpu.memory_space<vmem>> -> memref<1x1x8x128xi32, #tpu.memory_space<vmem>>
          %dma_wait3A_436 = tpu.memref_squeeze %dma_wait3A_435 : memref<1x1x8x128xi32, #tpu.memory_space<vmem>> -> memref<8x128xi32, #tpu.memory_space<vmem>>
          %dma_wait3A_437 = arith.constant 0 : i32
          %dma_wait3A_438 = arith.constant 0 : i32
          %dma_wait3A_439 = tpu.memref_slice %arg3[%dma_wait3A_431, %arg1, %add3A_430, %dma_wait3A_437, %dma_wait3A_438] : memref<2x16x10x8x128xi32, #tpu.memory_space<hbm>> -> memref<1x1x1x8x128xi32, #tpu.memory_space<hbm>>
          %dma_wait3A_440 = tpu.memref_squeeze %dma_wait3A_439 : memref<1x1x1x8x128xi32, #tpu.memory_space<hbm>> -> memref<8x128xi32, #tpu.memory_space<hbm>>
          %dma_wait3A_441 = arith.constant 0 : i32
          %dma_wait3A_442 = arith.constant 0 : i32
          %dma_wait3A_443 = tpu.memref_slice %arg6[%sub3A_108, %dma_wait3A_432, %dma_wait3A_441, %dma_wait3A_442] : memref<2x2x8x128xi32, #tpu.memory_space<vmem>> -> memref<1x1x8x128xi32, #tpu.memory_space<vmem>>
          %dma_wait3A_444 = tpu.memref_squeeze %dma_wait3A_443 : memref<1x1x8x128xi32, #tpu.memory_space<vmem>> -> memref<8x128xi32, #tpu.memory_space<vmem>>
          %dma_wait3A_445 = arith.constant 0 : i32
          %dma_wait3A_446 = arith.constant 0 : i32
          %dma_wait3A_447 = tpu.memref_slice %arg3[%dma_wait3A_431, %arg1, %add3A_430, %dma_wait3A_445, %dma_wait3A_446] : memref<2x16x10x8x128xi32, #tpu.memory_space<hbm>> -> memref<1x1x1x8x128xi32, #tpu.memory_space<hbm>>
          %dma_wait3A_448 = tpu.memref_squeeze %dma_wait3A_447 : memref<1x1x1x8x128xi32, #tpu.memory_space<hbm>> -> memref<8x128xi32, #tpu.memory_space<hbm>>
          tpu.wait_dma2 semaphore(%arg12 : memref<!tpu.dma_semaphore, #tpu.memory_space<semaphore_mem>>) src(%dma_wait3A_448 : memref<8x128xi32, #tpu.memory_space<hbm>>) dst(%dma_wait3A_444 : memref<8x128xi32, #tpu.memory_space<vmem>>)
          %add3A_449 = arith.constant 1 : i32
          %add3A_450 = arith.addi %scan3A_106, %add3A_449 : i32
          %dma_wait3A_451 = arith.constant 1 : i32
          %dma_wait3A_452 = arith.constant 1 : i32
          %dma_wait3A_453 = arith.constant 0 : i32
          %dma_wait3A_454 = arith.constant 0 : i32
          %dma_wait3A_455 = tpu.memref_slice %arg6[%sub3A_108, %dma_wait3A_452, %dma_wait3A_453, %dma_wait3A_454] : memref<2x2x8x128xi32, #tpu.memory_space<vmem>> -> memref<1x1x8x128xi32, #tpu.memory_space<vmem>>
          %dma_wait3A_456 = tpu.memref_squeeze %dma_wait3A_455 : memref<1x1x8x128xi32, #tpu.memory_space<vmem>> -> memref<8x128xi32, #tpu.memory_space<vmem>>
          %dma_wait3A_457 = arith.constant 0 : i32
          %dma_wait3A_458 = arith.constant 0 : i32
          %dma_wait3A_459 = tpu.memref_slice %arg3[%dma_wait3A_451, %arg1, %add3A_450, %dma_wait3A_457, %dma_wait3A_458] : memref<2x16x10x8x128xi32, #tpu.memory_space<hbm>> -> memref<1x1x1x8x128xi32, #tpu.memory_space<hbm>>
          %dma_wait3A_460 = tpu.memref_squeeze %dma_wait3A_459 : memref<1x1x1x8x128xi32, #tpu.memory_space<hbm>> -> memref<8x128xi32, #tpu.memory_space<hbm>>
          %dma_wait3A_461 = arith.constant 0 : i32
          %dma_wait3A_462 = arith.constant 0 : i32
          %dma_wait3A_463 = tpu.memref_slice %arg6[%sub3A_108, %dma_wait3A_452, %dma_wait3A_461, %dma_wait3A_462] : memref<2x2x8x128xi32, #tpu.memory_space<vmem>> -> memref<1x1x8x128xi32, #tpu.memory_space<vmem>>
          %dma_wait3A_464 = tpu.memref_squeeze %dma_wait3A_463 : memref<1x1x8x128xi32, #tpu.memory_space<vmem>> -> memref<8x128xi32, #tpu.memory_space<vmem>>
          %dma_wait3A_465 = arith.constant 0 : i32
          %dma_wait3A_466 = arith.constant 0 : i32
          %dma_wait3A_467 = tpu.memref_slice %arg3[%dma_wait3A_451, %arg1, %add3A_450, %dma_wait3A_465, %dma_wait3A_466] : memref<2x16x10x8x128xi32, #tpu.memory_space<hbm>> -> memref<1x1x1x8x128xi32, #tpu.memory_space<hbm>>
          %dma_wait3A_468 = tpu.memref_squeeze %dma_wait3A_467 : memref<1x1x1x8x128xi32, #tpu.memory_space<hbm>> -> memref<8x128xi32, #tpu.memory_space<hbm>>
          tpu.wait_dma2 semaphore(%arg12 : memref<!tpu.dma_semaphore, #tpu.memory_space<semaphore_mem>>) src(%dma_wait3A_468 : memref<8x128xi32, #tpu.memory_space<hbm>>) dst(%dma_wait3A_464 : memref<8x128xi32, #tpu.memory_space<vmem>>)
          %dma_start3A_469 = arith.constant 0 : i32
          %dma_start3A_470 = arith.constant 0 : i32
          %dma_start3A_471 = arith.constant 0 : i32
          %dma_start3A_472 = tpu.memref_slice %arg6[%sub3A_108, %dma_start3A_469, %dma_start3A_470, %dma_start3A_471] : memref<2x2x8x128xi32, #tpu.memory_space<vmem>> -> memref<1x1x1x128xi32, #tpu.memory_space<vmem>>
          %dma_start3A_473 = tpu.memref_squeeze %dma_start3A_472 : memref<1x1x1x128xi32, #tpu.memory_space<vmem>> -> memref<128xi32, #tpu.memory_space<vmem>>
          %dma_start3A_474 = arith.constant 0 : i32
          %dma_start3A_475 = arith.constant 0 : i32
          %dma_start3A_476 = tpu.memref_slice %arg2[%scan3A_91, %dma_start3A_474, %dma_start3A_475] : memref<2x10000x128xf32, #tpu.memory_space<hbm>> -> memref<1x10000x128xf32, #tpu.memory_space<hbm>>
          %dma_start3A_477 = tpu.memref_squeeze %dma_start3A_476 : memref<1x10000x128xf32, #tpu.memory_space<hbm>> -> memref<10000x128xf32, #tpu.memory_space<hbm>>
          %dma_start3A_478 = arith.constant 0 : i32
          %dma_start3A_479 = arith.constant 0 : i32
          %dma_start3A_480 = tpu.memref_slice %dma_start3A_477[%dma_start3A_478, %dma_start3A_479] : memref<10000x128xf32, #tpu.memory_space<hbm>> -> memref<10000x128xf32, #tpu.memory_space<hbm>>
          tpu.enqueue_indirect_dma source(%dma_start3A_480 : memref<10000x128xf32, #tpu.memory_space<hbm>>) target(%arg7 : memref<128x128xf32, #tpu.memory_space<vmem>>) offsets(%dma_start3A_473 : memref<128xi32, #tpu.memory_space<vmem>>) semaphore(%arg10 : memref<!tpu.dma_semaphore, #tpu.memory_space<semaphore_mem>>)
        } else {
        }
        %dma_wait3A_409 = arith.constant 0 : i32
        %dma_wait3A_410 = arith.constant 7 : i32
        %dma_wait3A_411 = arith.constant 0 : i32
        %dma_wait3A_412 = tpu.memref_slice %arg6[%rem3A_107, %dma_wait3A_409, %dma_wait3A_410, %dma_wait3A_411] : memref<2x2x8x128xi32, #tpu.memory_space<vmem>> -> memref<1x1x1x128xi32, #tpu.memory_space<vmem>>
        %dma_wait3A_413 = tpu.memref_squeeze %dma_wait3A_412 : memref<1x1x1x128xi32, #tpu.memory_space<vmem>> -> memref<128xi32, #tpu.memory_space<vmem>>
        %dma_wait3A_414 = arith.constant 0 : i32
        %dma_wait3A_415 = arith.constant 0 : i32
        %dma_wait3A_416 = tpu.memref_slice %arg2[%scan3A_91, %dma_wait3A_414, %dma_wait3A_415] : memref<2x10000x128xf32, #tpu.memory_space<hbm>> -> memref<1x10000x128xf32, #tpu.memory_space<hbm>>
        %dma_wait3A_417 = tpu.memref_squeeze %dma_wait3A_416 : memref<1x10000x128xf32, #tpu.memory_space<hbm>> -> memref<10000x128xf32, #tpu.memory_space<hbm>>
        %dma_wait3A_418 = arith.constant 0 : i32
        %dma_wait3A_419 = arith.constant 0 : i32
        %dma_wait3A_420 = tpu.memref_slice %dma_wait3A_417[%dma_wait3A_418, %dma_wait3A_419] : memref<10000x128xf32, #tpu.memory_space<hbm>> -> memref<10000x128xf32, #tpu.memory_space<hbm>>
        tpu.wait_indirect_dma semaphore(%arg11 : memref<!tpu.dma_semaphore, #tpu.memory_space<semaphore_mem>>) src(%dma_wait3A_420 : memref<10000x128xf32, #tpu.memory_space<hbm>>) dst(%arg8 : memref<128x128xf32, #tpu.memory_space<vmem>>)
        %dma_start3A_421 = arith.constant 1 : i32
        %dma_start3A_422 = arith.constant 7 : i32
        %dma_start3A_423 = arith.constant 0 : i32
        %dma_start3A_424 = tpu.memref_slice %arg6[%rem3A_107, %dma_start3A_421, %dma_start3A_422, %dma_start3A_423] : memref<2x2x8x128xi32, #tpu.memory_space<vmem>> -> memref<1x1x1x128xi32, #tpu.memory_space<vmem>>
        %dma_start3A_425 = tpu.memref_squeeze %dma_start3A_424 : memref<1x1x1x128xi32, #tpu.memory_space<vmem>> -> memref<128xi32, #tpu.memory_space<vmem>>
        %dma_start3A_426 = arith.constant 0 : i32
        %dma_start3A_427 = arith.constant 0 : i32
        %dma_start3A_428 = tpu.memref_slice %arg9[%dma_start3A_426, %dma_start3A_427] : memref<10240x128xf32, #tpu.memory_space<vmem_shared>> -> memref<10240x128xf32, #tpu.memory_space<vmem_shared>>
        tpu.enqueue_indirect_dma source(%arg8 : memref<128x128xf32, #tpu.memory_space<vmem>>) target(%dma_start3A_428 : memref<10240x128xf32, #tpu.memory_space<vmem_shared>>) offsets(%dma_start3A_425 : memref<128xi32, #tpu.memory_space<vmem>>) semaphore(%arg13 : memref<!tpu.dma_semaphore, #tpu.memory_space<semaphore_mem>>) {add = true}
      }
      %scan3A_96 = arith.constant 10 : i32
      %dma_wait3A_97 = arith.constant 0 : i32
      %dma_wait3A_98 = arith.constant 1 : i32
      %dma_wait3A_99 = arith.constant 0 : i32
      %dma_wait3A_100 = arith.constant 0 : i32
      %dma_wait3A_101 = tpu.memref_slice %arg6[%dma_wait3A_97, %dma_wait3A_98, %dma_wait3A_99, %dma_wait3A_100] : memref<2x2x8x128xi32, #tpu.memory_space<vmem>> -> memref<1x1x1x128xi32, #tpu.memory_space<vmem>>
      %dma_wait3A_102 = tpu.memref_squeeze %dma_wait3A_101 : memref<1x1x1x128xi32, #tpu.memory_space<vmem>> -> memref<128xi32, #tpu.memory_space<vmem>>
      %dma_wait3A_103 = arith.constant 0 : i32
      %dma_wait3A_104 = arith.constant 0 : i32
      %dma_wait3A_105 = tpu.memref_slice %arg9[%dma_wait3A_103, %dma_wait3A_104] : memref<10240x128xf32, #tpu.memory_space<vmem_shared>> -> memref<10240x128xf32, #tpu.memory_space<vmem_shared>>
      tpu.wait_indirect_dma semaphore(%arg13 : memref<!tpu.dma_semaphore, #tpu.memory_space<semaphore_mem>>) src(%arg7 : memref<128x128xf32, #tpu.memory_space<vmem>>) dst(%dma_wait3A_105 : memref<10240x128xf32, #tpu.memory_space<vmem_shared>>)
    } else {
    }
    %eq3A_2 = arith.constant 1 : i32
    %eq3A_3 = arith.cmpi eq, %arg0, %eq3A_2 : i32
    %convert_element_type3A_4 = arith.extui %eq3A_3 : i1 to i32
    %cond3A_5 = arith.constant 0 : i32
    %cond3A_6 = arith.cmpi ne, %convert_element_type3A_4, %cond3A_5 : i32
    scf.if %cond3A_6 {
      %run_scoped3A = arith.constant 0 : i32
      %run_scoped3A_10 = arith.constant 0 : i32
      %run_scoped3A_11 = arith.constant 0 : i32
      %run_scoped3A_12 = arith.constant 0 : i32
      "tpu.region"() ({
        %run_scoped3A_106 = tpu.sem_alloc : memref<!tpu.dma_semaphore, #tpu.memory_space<semaphore_mem>>
        %dma_start3A_107 = arith.constant 0 : i32
        %dma_start3A_108 = arith.constant 0 : i32
        %dma_start3A_109 = tpu.memref_slice %arg6[%run_scoped3A_11, %run_scoped3A_12, %dma_start3A_107, %dma_start3A_108] : memref<2x2x8x128xi32, #tpu.memory_space<vmem>> -> memref<1x1x8x128xi32, #tpu.memory_space<vmem>>
        %dma_start3A_110 = tpu.memref_squeeze %dma_start3A_109 : memref<1x1x8x128xi32, #tpu.memory_space<vmem>> -> memref<8x128xi32, #tpu.memory_space<vmem>>
        %dma_start3A_111 = arith.constant 0 : i32
        %dma_start3A_112 = arith.constant 0 : i32
        %dma_start3A_113 = tpu.memref_slice %arg4[%run_scoped3A, %arg1, %run_scoped3A_10, %dma_start3A_111, %dma_start3A_112] : memref<2x16x10x8x128xi32, #tpu.memory_space<hbm>> -> memref<1x1x1x8x128xi32, #tpu.memory_space<hbm>>
        %dma_start3A_114 = tpu.memref_squeeze %dma_start3A_113 : memref<1x1x1x8x128xi32, #tpu.memory_space<hbm>> -> memref<8x128xi32, #tpu.memory_space<hbm>>
        %dma_start3A_115 = arith.constant 0 : i32
        %dma_start3A_116 = arith.constant 0 : i32
        %dma_start3A_117 = tpu.memref_slice %arg6[%run_scoped3A_11, %run_scoped3A_12, %dma_start3A_115, %dma_start3A_116] : memref<2x2x8x128xi32, #tpu.memory_space<vmem>> -> memref<1x1x8x128xi32, #tpu.memory_space<vmem>>
        %dma_start3A_118 = tpu.memref_squeeze %dma_start3A_117 : memref<1x1x8x128xi32, #tpu.memory_space<vmem>> -> memref<8x128xi32, #tpu.memory_space<vmem>>
        %dma_start3A_119 = arith.constant 0 : i32
        %dma_start3A_120 = arith.constant 0 : i32
        %dma_start3A_121 = tpu.memref_slice %arg4[%run_scoped3A, %arg1, %run_scoped3A_10, %dma_start3A_119, %dma_start3A_120] : memref<2x16x10x8x128xi32, #tpu.memory_space<hbm>> -> memref<1x1x1x8x128xi32, #tpu.memory_space<hbm>>
        %dma_start3A_122 = tpu.memref_squeeze %dma_start3A_121 : memref<1x1x1x8x128xi32, #tpu.memory_space<hbm>> -> memref<8x128xi32, #tpu.memory_space<hbm>>
        tpu.enqueue_dma source(%dma_start3A_122 : memref<8x128xi32, #tpu.memory_space<hbm>>) target(%dma_start3A_118 : memref<8x128xi32, #tpu.memory_space<vmem>>) target_semaphore(%run_scoped3A_106 : memref<!tpu.dma_semaphore, #tpu.memory_space<semaphore_mem>>)
        %dma_wait3A_123 = arith.constant 0 : i32
        %dma_wait3A_124 = arith.constant 0 : i32
        %dma_wait3A_125 = tpu.memref_slice %arg6[%run_scoped3A_11, %run_scoped3A_12, %dma_wait3A_123, %dma_wait3A_124] : memref<2x2x8x128xi32, #tpu.memory_space<vmem>> -> memref<1x1x8x128xi32, #tpu.memory_space<vmem>>
        %dma_wait3A_126 = tpu.memref_squeeze %dma_wait3A_125 : memref<1x1x8x128xi32, #tpu.memory_space<vmem>> -> memref<8x128xi32, #tpu.memory_space<vmem>>
        %dma_wait3A_127 = arith.constant 0 : i32
        %dma_wait3A_128 = arith.constant 0 : i32
        %dma_wait3A_129 = tpu.memref_slice %arg4[%run_scoped3A, %arg1, %run_scoped3A_10, %dma_wait3A_127, %dma_wait3A_128] : memref<2x16x10x8x128xi32, #tpu.memory_space<hbm>> -> memref<1x1x1x8x128xi32, #tpu.memory_space<hbm>>
        %dma_wait3A_130 = tpu.memref_squeeze %dma_wait3A_129 : memref<1x1x1x8x128xi32, #tpu.memory_space<hbm>> -> memref<8x128xi32, #tpu.memory_space<hbm>>
        %dma_wait3A_131 = arith.constant 0 : i32
        %dma_wait3A_132 = arith.constant 0 : i32
        %dma_wait3A_133 = tpu.memref_slice %arg6[%run_scoped3A_11, %run_scoped3A_12, %dma_wait3A_131, %dma_wait3A_132] : memref<2x2x8x128xi32, #tpu.memory_space<vmem>> -> memref<1x1x8x128xi32, #tpu.memory_space<vmem>>
        %dma_wait3A_134 = tpu.memref_squeeze %dma_wait3A_133 : memref<1x1x8x128xi32, #tpu.memory_space<vmem>> -> memref<8x128xi32, #tpu.memory_space<vmem>>
        %dma_wait3A_135 = arith.constant 0 : i32
        %dma_wait3A_136 = arith.constant 0 : i32
        %dma_wait3A_137 = tpu.memref_slice %arg4[%run_scoped3A, %arg1, %run_scoped3A_10, %dma_wait3A_135, %dma_wait3A_136] : memref<2x16x10x8x128xi32, #tpu.memory_space<hbm>> -> memref<1x1x1x8x128xi32, #tpu.memory_space<hbm>>
        %dma_wait3A_138 = tpu.memref_squeeze %dma_wait3A_137 : memref<1x1x1x8x128xi32, #tpu.memory_space<hbm>> -> memref<8x128xi32, #tpu.memory_space<hbm>>
        tpu.wait_dma2 semaphore(%run_scoped3A_106 : memref<!tpu.dma_semaphore, #tpu.memory_space<semaphore_mem>>) src(%dma_wait3A_138 : memref<8x128xi32, #tpu.memory_space<hbm>>) dst(%dma_wait3A_134 : memref<8x128xi32, #tpu.memory_space<vmem>>)
        tpu.yield
      }) : () -> ()
      %dma_start3A = arith.constant 1 : i32
      %dma_start3A_13 = arith.constant 0 : i32
      %dma_start3A_14 = arith.constant 0 : i32
      %dma_start3A_15 = arith.constant 1 : i32
      %dma_start3A_16 = arith.constant 0 : i32
      %dma_start3A_17 = arith.constant 0 : i32
      %dma_start3A_18 = tpu.memref_slice %arg6[%dma_start3A_14, %dma_start3A_15, %dma_start3A_16, %dma_start3A_17] : memref<2x2x8x128xi32, #tpu.memory_space<vmem>> -> memref<1x1x8x128xi32, #tpu.memory_space<vmem>>
      %dma_start3A_19 = tpu.memref_squeeze %dma_start3A_18 : memref<1x1x8x128xi32, #tpu.memory_space<vmem>> -> memref<8x128xi32, #tpu.memory_space<vmem>>
      %dma_start3A_20 = arith.constant 0 : i32
      %dma_start3A_21 = arith.constant 0 : i32
      %dma_start3A_22 = tpu.memref_slice %arg4[%dma_start3A, %arg1, %dma_start3A_13, %dma_start3A_20, %dma_start3A_21] : memref<2x16x10x8x128xi32, #tpu.memory_space<hbm>> -> memref<1x1x1x8x128xi32, #tpu.memory_space<hbm>>
      %dma_start3A_23 = tpu.memref_squeeze %dma_start3A_22 : memref<1x1x1x8x128xi32, #tpu.memory_space<hbm>> -> memref<8x128xi32, #tpu.memory_space<hbm>>
      %dma_start3A_24 = arith.constant 0 : i32
      %dma_start3A_25 = arith.constant 0 : i32
      %dma_start3A_26 = tpu.memref_slice %arg6[%dma_start3A_14, %dma_start3A_15, %dma_start3A_24, %dma_start3A_25] : memref<2x2x8x128xi32, #tpu.memory_space<vmem>> -> memref<1x1x8x128xi32, #tpu.memory_space<vmem>>
      %dma_start3A_27 = tpu.memref_squeeze %dma_start3A_26 : memref<1x1x8x128xi32, #tpu.memory_space<vmem>> -> memref<8x128xi32, #tpu.memory_space<vmem>>
      %dma_start3A_28 = arith.constant 0 : i32
      %dma_start3A_29 = arith.constant 0 : i32
      %dma_start3A_30 = tpu.memref_slice %arg4[%dma_start3A, %arg1, %dma_start3A_13, %dma_start3A_28, %dma_start3A_29] : memref<2x16x10x8x128xi32, #tpu.memory_space<hbm>> -> memref<1x1x1x8x128xi32, #tpu.memory_space<hbm>>
      %dma_start3A_31 = tpu.memref_squeeze %dma_start3A_30 : memref<1x1x1x8x128xi32, #tpu.memory_space<hbm>> -> memref<8x128xi32, #tpu.memory_space<hbm>>
      tpu.enqueue_dma source(%dma_start3A_31 : memref<8x128xi32, #tpu.memory_space<hbm>>) target(%dma_start3A_27 : memref<8x128xi32, #tpu.memory_space<vmem>>) target_semaphore(%arg12 : memref<!tpu.dma_semaphore, #tpu.memory_space<semaphore_mem>>)
      %dma_start3A_32 = arith.constant 1 : i32
      %dma_start3A_33 = arith.constant 0 : i32
      %dma_start3A_34 = arith.constant 0 : i32
      %dma_start3A_35 = arith.constant 0 : i32
      %dma_start3A_36 = arith.constant 0 : i32
      %dma_start3A_37 = tpu.memref_slice %arg6[%dma_start3A_33, %dma_start3A_34, %dma_start3A_35, %dma_start3A_36] : memref<2x2x8x128xi32, #tpu.memory_space<vmem>> -> memref<1x1x1x128xi32, #tpu.memory_space<vmem>>
      %dma_start3A_38 = tpu.memref_squeeze %dma_start3A_37 : memref<1x1x1x128xi32, #tpu.memory_space<vmem>> -> memref<128xi32, #tpu.memory_space<vmem>>
      %dma_start3A_39 = arith.constant 0 : i32
      %dma_start3A_40 = arith.constant 0 : i32
      %dma_start3A_41 = tpu.memref_slice %arg2[%dma_start3A_32, %dma_start3A_39, %dma_start3A_40] : memref<2x10000x128xf32, #tpu.memory_space<hbm>> -> memref<1x10000x128xf32, #tpu.memory_space<hbm>>
      %dma_start3A_42 = tpu.memref_squeeze %dma_start3A_41 : memref<1x10000x128xf32, #tpu.memory_space<hbm>> -> memref<10000x128xf32, #tpu.memory_space<hbm>>
      %dma_start3A_43 = arith.constant 0 : i32
      %dma_start3A_44 = arith.constant 0 : i32
      %dma_start3A_45 = tpu.memref_slice %dma_start3A_42[%dma_start3A_43, %dma_start3A_44] : memref<10000x128xf32, #tpu.memory_space<hbm>> -> memref<10000x128xf32, #tpu.memory_space<hbm>>
      tpu.enqueue_indirect_dma source(%dma_start3A_45 : memref<10000x128xf32, #tpu.memory_space<hbm>>) target(%arg7 : memref<128x128xf32, #tpu.memory_space<vmem>>) offsets(%dma_start3A_38 : memref<128xi32, #tpu.memory_space<vmem>>) semaphore(%arg10 : memref<!tpu.dma_semaphore, #tpu.memory_space<semaphore_mem>>)
      %scan3A = arith.constant 0 : i32
      %scan3A_46 = arith.constant 0 : i32
      %scan3A_47 = arith.constant 128 : i32
      %scan3A_48 = arith.addi %scan3A_46, %scan3A_47 : i32
      %scan3A_49 = arith.constant 1 : i32
      scf.for %scan3A_106 = %scan3A_46 to %scan3A_48 step %scan3A_49  : i32 {
        %broadcast_in_dim3A = arith.constant 0.000000e+00 : f32
        %broadcast_in_dim3A_107 = vector.broadcast %broadcast_in_dim3A : f32 to vector<16xf32>
        %swap3A = arith.index_cast %scan3A_106 : i32 to index
        %swap3A_108 = arith.constant 0 : index
        %swap3A_109 = tpu.vector_load %arg8[%swap3A, %swap3A_108] {strides = array<i32>} : memref<128x128xf32, #tpu.memory_space<vmem>>, vector<1x16xf32>,
        %swap3A_110 = vector.shape_cast %swap3A_109 : vector<1x16xf32> to vector<16xf32>
        %swap3A_111 = vector.shape_cast %broadcast_in_dim3A_107 : vector<16xf32> to vector<1x16xf32>
        tpu.vector_store %arg8[%swap3A, %swap3A_108], %swap3A_111 {strides = array<i32>} : memref<128x128xf32, #tpu.memory_space<vmem>>, vector<1x16xf32>,
        %broadcast_in_dim3A_112 = arith.constant 0.000000e+00 : f32
        %broadcast_in_dim3A_113 = vector.broadcast %broadcast_in_dim3A_112 : f32 to vector<16xf32>
        %swap3A_114 = arith.index_cast %scan3A_106 : i32 to index
        %swap3A_115 = arith.constant 16 : index
        %swap3A_116 = tpu.vector_load %arg8[%swap3A_114, %swap3A_115] {strides = array<i32>} : memref<128x128xf32, #tpu.memory_space<vmem>>, vector<1x16xf32>,
        %swap3A_117 = vector.shape_cast %swap3A_116 : vector<1x16xf32> to vector<16xf32>
        %swap3A_118 = vector.shape_cast %broadcast_in_dim3A_113 : vector<16xf32> to vector<1x16xf32>
        tpu.vector_store %arg8[%swap3A_114, %swap3A_115], %swap3A_118 {strides = array<i32>} : memref<128x128xf32, #tpu.memory_space<vmem>>, vector<1x16xf32>,
        %broadcast_in_dim3A_119 = arith.constant 0.000000e+00 : f32
        %broadcast_in_dim3A_120 = vector.broadcast %broadcast_in_dim3A_119 : f32 to vector<16xf32>
        %swap3A_121 = arith.index_cast %scan3A_106 : i32 to index
        %swap3A_122 = arith.constant 32 : index
        %swap3A_123 = tpu.vector_load %arg8[%swap3A_121, %swap3A_122] {strides = array<i32>} : memref<128x128xf32, #tpu.memory_space<vmem>>, vector<1x16xf32>,
        %swap3A_124 = vector.shape_cast %swap3A_123 : vector<1x16xf32> to vector<16xf32>
        %swap3A_125 = vector.shape_cast %broadcast_in_dim3A_120 : vector<16xf32> to vector<1x16xf32>
        tpu.vector_store %arg8[%swap3A_121, %swap3A_122], %swap3A_125 {strides = array<i32>} : memref<128x128xf32, #tpu.memory_space<vmem>>, vector<1x16xf32>,
        %broadcast_in_dim3A_126 = arith.constant 0.000000e+00 : f32
        %broadcast_in_dim3A_127 = vector.broadcast %broadcast_in_dim3A_126 : f32 to vector<16xf32>
        %swap3A_128 = arith.index_cast %scan3A_106 : i32 to index
        %swap3A_129 = arith.constant 48 : index
        %swap3A_130 = tpu.vector_load %arg8[%swap3A_128, %swap3A_129] {strides = array<i32>} : memref<128x128xf32, #tpu.memory_space<vmem>>, vector<1x16xf32>,
        %swap3A_131 = vector.shape_cast %swap3A_130 : vector<1x16xf32> to vector<16xf32>
        %swap3A_132 = vector.shape_cast %broadcast_in_dim3A_127 : vector<16xf32> to vector<1x16xf32>
        tpu.vector_store %arg8[%swap3A_128, %swap3A_129], %swap3A_132 {strides = array<i32>} : memref<128x128xf32, #tpu.memory_space<vmem>>, vector<1x16xf32>,
        %broadcast_in_dim3A_133 = arith.constant 0.000000e+00 : f32
        %broadcast_in_dim3A_134 = vector.broadcast %broadcast_in_dim3A_133 : f32 to vector<16xf32>
        %swap3A_135 = arith.index_cast %scan3A_106 : i32 to index
        %swap3A_136 = arith.constant 64 : index
        %swap3A_137 = tpu.vector_load %arg8[%swap3A_135, %swap3A_136] {strides = array<i32>} : memref<128x128xf32, #tpu.memory_space<vmem>>, vector<1x16xf32>,
        %swap3A_138 = vector.shape_cast %swap3A_137 : vector<1x16xf32> to vector<16xf32>
        %swap3A_139 = vector.shape_cast %broadcast_in_dim3A_134 : vector<16xf32> to vector<1x16xf32>
        tpu.vector_store %arg8[%swap3A_135, %swap3A_136], %swap3A_139 {strides = array<i32>} : memref<128x128xf32, #tpu.memory_space<vmem>>, vector<1x16xf32>,
        %broadcast_in_dim3A_140 = arith.constant 0.000000e+00 : f32
        %broadcast_in_dim3A_141 = vector.broadcast %broadcast_in_dim3A_140 : f32 to vector<16xf32>
        %swap3A_142 = arith.index_cast %scan3A_106 : i32 to index
        %swap3A_143 = arith.constant 80 : index
        %swap3A_144 = tpu.vector_load %arg8[%swap3A_142, %swap3A_143] {strides = array<i32>} : memref<128x128xf32, #tpu.memory_space<vmem>>, vector<1x16xf32>,
        %swap3A_145 = vector.shape_cast %swap3A_144 : vector<1x16xf32> to vector<16xf32>
        %swap3A_146 = vector.shape_cast %broadcast_in_dim3A_141 : vector<16xf32> to vector<1x16xf32>
        tpu.vector_store %arg8[%swap3A_142, %swap3A_143], %swap3A_146 {strides = array<i32>} : memref<128x128xf32, #tpu.memory_space<vmem>>, vector<1x16xf32>,
        %broadcast_in_dim3A_147 = arith.constant 0.000000e+00 : f32
        %broadcast_in_dim3A_148 = vector.broadcast %broadcast_in_dim3A_147 : f32 to vector<16xf32>
        %swap3A_149 = arith.index_cast %scan3A_106 : i32 to index
        %swap3A_150 = arith.constant 96 : index
        %swap3A_151 = tpu.vector_load %arg8[%swap3A_149, %swap3A_150] {strides = array<i32>} : memref<128x128xf32, #tpu.memory_space<vmem>>, vector<1x16xf32>,
        %swap3A_152 = vector.shape_cast %swap3A_151 : vector<1x16xf32> to vector<16xf32>
        %swap3A_153 = vector.shape_cast %broadcast_in_dim3A_148 : vector<16xf32> to vector<1x16xf32>
        tpu.vector_store %arg8[%swap3A_149, %swap3A_150], %swap3A_153 {strides = array<i32>} : memref<128x128xf32, #tpu.memory_space<vmem>>, vector<1x16xf32>,
        %broadcast_in_dim3A_154 = arith.constant 0.000000e+00 : f32
        %broadcast_in_dim3A_155 = vector.broadcast %broadcast_in_dim3A_154 : f32 to vector<16xf32>
        %swap3A_156 = arith.index_cast %scan3A_106 : i32 to index
        %swap3A_157 = arith.constant 112 : index
        %swap3A_158 = tpu.vector_load %arg8[%swap3A_156, %swap3A_157] {strides = array<i32>} : memref<128x128xf32, #tpu.memory_space<vmem>>, vector<1x16xf32>,
        %swap3A_159 = vector.shape_cast %swap3A_158 : vector<1x16xf32> to vector<16xf32>
        %swap3A_160 = vector.shape_cast %broadcast_in_dim3A_155 : vector<16xf32> to vector<1x16xf32>
        tpu.vector_store %arg8[%swap3A_156, %swap3A_157], %swap3A_160 {strides = array<i32>} : memref<128x128xf32, #tpu.memory_space<vmem>>, vector<1x16xf32>,
      }
      %scan3A_50 = arith.constant 128 : i32
      %mul3A_51 = arith.constant 640 : i32
      %mul3A_52 = arith.muli %arg1, %mul3A_51 : i32
      %add3A = arith.constant 0 : i32
      %add3A_53 = arith.addi %mul3A_52, %add3A : i32
      "tpu.region"() ({
        %run_scoped3A_106 = tpu.sem_alloc : memref<!tpu.dma_semaphore, #tpu.memory_space<semaphore_mem>>
        %dma_start3A_107 = arith.constant 0 : i32
        %dma_start3A_108 = tpu.memref_slice %arg9[%add3A_53, %dma_start3A_107] : memref<10240x128xf32, #tpu.memory_space<vmem_shared>> -> memref<128x128xf32, #tpu.memory_space<vmem_shared>>
        %dma_start3A_109 = arith.constant 0 : i32
        %dma_start3A_110 = tpu.memref_slice %arg9[%add3A_53, %dma_start3A_109] : memref<10240x128xf32, #tpu.memory_space<vmem_shared>> -> memref<128x128xf32, #tpu.memory_space<vmem_shared>>
        tpu.enqueue_dma source(%arg8 : memref<128x128xf32, #tpu.memory_space<vmem>>) target(%dma_start3A_110 : memref<128x128xf32, #tpu.memory_space<vmem_shared>>) target_semaphore(%run_scoped3A_106 : memref<!tpu.dma_semaphore, #tpu.memory_space<semaphore_mem>>)
        %dma_wait3A_111 = arith.constant 0 : i32
        %dma_wait3A_112 = tpu.memref_slice %arg9[%add3A_53, %dma_wait3A_111] : memref<10240x128xf32, #tpu.memory_space<vmem_shared>> -> memref<128x128xf32, #tpu.memory_space<vmem_shared>>
        %dma_wait3A_113 = arith.constant 0 : i32
        %dma_wait3A_114 = tpu.memref_slice %arg9[%add3A_53, %dma_wait3A_113] : memref<10240x128xf32, #tpu.memory_space<vmem_shared>> -> memref<128x128xf32, #tpu.memory_space<vmem_shared>>
        tpu.wait_dma2 semaphore(%run_scoped3A_106 : memref<!tpu.dma_semaphore, #tpu.memory_space<semaphore_mem>>) src(%arg8 : memref<128x128xf32, #tpu.memory_space<vmem>>) dst(%dma_wait3A_114 : memref<128x128xf32, #tpu.memory_space<vmem_shared>>)
        tpu.yield
      }) : () -> ()
      %mul3A_54 = arith.constant 640 : i32
      %mul3A_55 = arith.muli %arg1, %mul3A_54 : i32
      %add3A_56 = arith.constant 128 : i32
      %add3A_57 = arith.addi %mul3A_55, %add3A_56 : i32
      "tpu.region"() ({
        %run_scoped3A_106 = tpu.sem_alloc : memref<!tpu.dma_semaphore, #tpu.memory_space<semaphore_mem>>
        %dma_start3A_107 = arith.constant 0 : i32
        %dma_start3A_108 = tpu.memref_slice %arg9[%add3A_57, %dma_start3A_107] : memref<10240x128xf32, #tpu.memory_space<vmem_shared>> -> memref<128x128xf32, #tpu.memory_space<vmem_shared>>
        %dma_start3A_109 = arith.constant 0 : i32
        %dma_start3A_110 = tpu.memref_slice %arg9[%add3A_57, %dma_start3A_109] : memref<10240x128xf32, #tpu.memory_space<vmem_shared>> -> memref<128x128xf32, #tpu.memory_space<vmem_shared>>
        tpu.enqueue_dma source(%arg8 : memref<128x128xf32, #tpu.memory_space<vmem>>) target(%dma_start3A_110 : memref<128x128xf32, #tpu.memory_space<vmem_shared>>) target_semaphore(%run_scoped3A_106 : memref<!tpu.dma_semaphore, #tpu.memory_space<semaphore_mem>>)
        %dma_wait3A_111 = arith.constant 0 : i32
        %dma_wait3A_112 = tpu.memref_slice %arg9[%add3A_57, %dma_wait3A_111] : memref<10240x128xf32, #tpu.memory_space<vmem_shared>> -> memref<128x128xf32, #tpu.memory_space<vmem_shared>>
        %dma_wait3A_113 = arith.constant 0 : i32
        %dma_wait3A_114 = tpu.memref_slice %arg9[%add3A_57, %dma_wait3A_113] : memref<10240x128xf32, #tpu.memory_space<vmem_shared>> -> memref<128x128xf32, #tpu.memory_space<vmem_shared>>
        tpu.wait_dma2 semaphore(%run_scoped3A_106 : memref<!tpu.dma_semaphore, #tpu.memory_space<semaphore_mem>>) src(%arg8 : memref<128x128xf32, #tpu.memory_space<vmem>>) dst(%dma_wait3A_114 : memref<128x128xf32, #tpu.memory_space<vmem_shared>>)
        tpu.yield
      }) : () -> ()
      %mul3A_58 = arith.constant 640 : i32
      %mul3A_59 = arith.muli %arg1, %mul3A_58 : i32
      %add3A_60 = arith.constant 256 : i32
      %add3A_61 = arith.addi %mul3A_59, %add3A_60 : i32
      "tpu.region"() ({
        %run_scoped3A_106 = tpu.sem_alloc : memref<!tpu.dma_semaphore, #tpu.memory_space<semaphore_mem>>
        %dma_start3A_107 = arith.constant 0 : i32
        %dma_start3A_108 = tpu.memref_slice %arg9[%add3A_61, %dma_start3A_107] : memref<10240x128xf32, #tpu.memory_space<vmem_shared>> -> memref<128x128xf32, #tpu.memory_space<vmem_shared>>
        %dma_start3A_109 = arith.constant 0 : i32
        %dma_start3A_110 = tpu.memref_slice %arg9[%add3A_61, %dma_start3A_109] : memref<10240x128xf32, #tpu.memory_space<vmem_shared>> -> memref<128x128xf32, #tpu.memory_space<vmem_shared>>
        tpu.enqueue_dma source(%arg8 : memref<128x128xf32, #tpu.memory_space<vmem>>) target(%dma_start3A_110 : memref<128x128xf32, #tpu.memory_space<vmem_shared>>) target_semaphore(%run_scoped3A_106 : memref<!tpu.dma_semaphore, #tpu.memory_space<semaphore_mem>>)
        %dma_wait3A_111 = arith.constant 0 : i32
        %dma_wait3A_112 = tpu.memref_slice %arg9[%add3A_61, %dma_wait3A_111] : memref<10240x128xf32, #tpu.memory_space<vmem_shared>> -> memref<128x128xf32, #tpu.memory_space<vmem_shared>>
        %dma_wait3A_113 = arith.constant 0 : i32
        %dma_wait3A_114 = tpu.memref_slice %arg9[%add3A_61, %dma_wait3A_113] : memref<10240x128xf32, #tpu.memory_space<vmem_shared>> -> memref<128x128xf32, #tpu.memory_space<vmem_shared>>
        tpu.wait_dma2 semaphore(%run_scoped3A_106 : memref<!tpu.dma_semaphore, #tpu.memory_space<semaphore_mem>>) src(%arg8 : memref<128x128xf32, #tpu.memory_space<vmem>>) dst(%dma_wait3A_114 : memref<128x128xf32, #tpu.memory_space<vmem_shared>>)
        tpu.yield
      }) : () -> ()
      %mul3A_62 = arith.constant 640 : i32
      %mul3A_63 = arith.muli %arg1, %mul3A_62 : i32
      %add3A_64 = arith.constant 384 : i32
      %add3A_65 = arith.addi %mul3A_63, %add3A_64 : i32
      "tpu.region"() ({
        %run_scoped3A_106 = tpu.sem_alloc : memref<!tpu.dma_semaphore, #tpu.memory_space<semaphore_mem>>
        %dma_start3A_107 = arith.constant 0 : i32
        %dma_start3A_108 = tpu.memref_slice %arg9[%add3A_65, %dma_start3A_107] : memref<10240x128xf32, #tpu.memory_space<vmem_shared>> -> memref<128x128xf32, #tpu.memory_space<vmem_shared>>
        %dma_start3A_109 = arith.constant 0 : i32
        %dma_start3A_110 = tpu.memref_slice %arg9[%add3A_65, %dma_start3A_109] : memref<10240x128xf32, #tpu.memory_space<vmem_shared>> -> memref<128x128xf32, #tpu.memory_space<vmem_shared>>
        tpu.enqueue_dma source(%arg8 : memref<128x128xf32, #tpu.memory_space<vmem>>) target(%dma_start3A_110 : memref<128x128xf32, #tpu.memory_space<vmem_shared>>) target_semaphore(%run_scoped3A_106 : memref<!tpu.dma_semaphore, #tpu.memory_space<semaphore_mem>>)
        %dma_wait3A_111 = arith.constant 0 : i32
        %dma_wait3A_112 = tpu.memref_slice %arg9[%add3A_65, %dma_wait3A_111] : memref<10240x128xf32, #tpu.memory_space<vmem_shared>> -> memref<128x128xf32, #tpu.memory_space<vmem_shared>>
        %dma_wait3A_113 = arith.constant 0 : i32
        %dma_wait3A_114 = tpu.memref_slice %arg9[%add3A_65, %dma_wait3A_113] : memref<10240x128xf32, #tpu.memory_space<vmem_shared>> -> memref<128x128xf32, #tpu.memory_space<vmem_shared>>
        tpu.wait_dma2 semaphore(%run_scoped3A_106 : memref<!tpu.dma_semaphore, #tpu.memory_space<semaphore_mem>>) src(%arg8 : memref<128x128xf32, #tpu.memory_space<vmem>>) dst(%dma_wait3A_114 : memref<128x128xf32, #tpu.memory_space<vmem_shared>>)
        tpu.yield
      }) : () -> ()
      %mul3A_66 = arith.constant 640 : i32
      %mul3A_67 = arith.muli %arg1, %mul3A_66 : i32
      %add3A_68 = arith.constant 512 : i32
      %add3A_69 = arith.addi %mul3A_67, %add3A_68 : i32
      "tpu.region"() ({
        %run_scoped3A_106 = tpu.sem_alloc : memref<!tpu.dma_semaphore, #tpu.memory_space<semaphore_mem>>
        %dma_start3A_107 = arith.constant 0 : i32
        %dma_start3A_108 = tpu.memref_slice %arg9[%add3A_69, %dma_start3A_107] : memref<10240x128xf32, #tpu.memory_space<vmem_shared>> -> memref<128x128xf32, #tpu.memory_space<vmem_shared>>
        %dma_start3A_109 = arith.constant 0 : i32
        %dma_start3A_110 = tpu.memref_slice %arg9[%add3A_69, %dma_start3A_109] : memref<10240x128xf32, #tpu.memory_space<vmem_shared>> -> memref<128x128xf32, #tpu.memory_space<vmem_shared>>
        tpu.enqueue_dma source(%arg8 : memref<128x128xf32, #tpu.memory_space<vmem>>) target(%dma_start3A_110 : memref<128x128xf32, #tpu.memory_space<vmem_shared>>) target_semaphore(%run_scoped3A_106 : memref<!tpu.dma_semaphore, #tpu.memory_space<semaphore_mem>>)
        %dma_wait3A_111 = arith.constant 0 : i32
        %dma_wait3A_112 = tpu.memref_slice %arg9[%add3A_69, %dma_wait3A_111] : memref<10240x128xf32, #tpu.memory_space<vmem_shared>> -> memref<128x128xf32, #tpu.memory_space<vmem_shared>>
        %dma_wait3A_113 = arith.constant 0 : i32
        %dma_wait3A_114 = tpu.memref_slice %arg9[%add3A_69, %dma_wait3A_113] : memref<10240x128xf32, #tpu.memory_space<vmem_shared>> -> memref<128x128xf32, #tpu.memory_space<vmem_shared>>
        tpu.wait_dma2 semaphore(%run_scoped3A_106 : memref<!tpu.dma_semaphore, #tpu.memory_space<semaphore_mem>>) src(%arg8 : memref<128x128xf32, #tpu.memory_space<vmem>>) dst(%dma_wait3A_114 : memref<128x128xf32, #tpu.memory_space<vmem_shared>>)
        tpu.yield
      }) : () -> ()
      %dma_wait3A = arith.constant 1 : i32
      %dma_wait3A_70 = arith.constant 0 : i32
      %dma_wait3A_71 = arith.constant 0 : i32
      %dma_wait3A_72 = arith.constant 1 : i32
      %dma_wait3A_73 = arith.constant 0 : i32
      %dma_wait3A_74 = arith.constant 0 : i32
      %dma_wait3A_75 = tpu.memref_slice %arg6[%dma_wait3A_71, %dma_wait3A_72, %dma_wait3A_73, %dma_wait3A_74] : memref<2x2x8x128xi32, #tpu.memory_space<vmem>> -> memref<1x1x8x128xi32, #tpu.memory_space<vmem>>
      %dma_wait3A_76 = tpu.memref_squeeze %dma_wait3A_75 : memref<1x1x8x128xi32, #tpu.memory_space<vmem>> -> memref<8x128xi32, #tpu.memory_space<vmem>>
      %dma_wait3A_77 = arith.constant 0 : i32
      %dma_wait3A_78 = arith.constant 0 : i32
      %dma_wait3A_79 = tpu.memref_slice %arg4[%dma_wait3A, %arg1, %dma_wait3A_70, %dma_wait3A_77, %dma_wait3A_78] : memref<2x16x10x8x128xi32, #tpu.memory_space<hbm>> -> memref<1x1x1x8x128xi32, #tpu.memory_space<hbm>>
      %dma_wait3A_80 = tpu.memref_squeeze %dma_wait3A_79 : memref<1x1x1x8x128xi32, #tpu.memory_space<hbm>> -> memref<8x128xi32, #tpu.memory_space<hbm>>
      %dma_wait3A_81 = arith.constant 0 : i32
      %dma_wait3A_82 = arith.constant 0 : i32
      %dma_wait3A_83 = tpu.memref_slice %arg6[%dma_wait3A_71, %dma_wait3A_72, %dma_wait3A_81, %dma_wait3A_82] : memref<2x2x8x128xi32, #tpu.memory_space<vmem>> -> memref<1x1x8x128xi32, #tpu.memory_space<vmem>>
      %dma_wait3A_84 = tpu.memref_squeeze %dma_wait3A_83 : memref<1x1x8x128xi32, #tpu.memory_space<vmem>> -> memref<8x128xi32, #tpu.memory_space<vmem>>
      %dma_wait3A_85 = arith.constant 0 : i32
      %dma_wait3A_86 = arith.constant 0 : i32
      %dma_wait3A_87 = tpu.memref_slice %arg4[%dma_wait3A, %arg1, %dma_wait3A_70, %dma_wait3A_85, %dma_wait3A_86] : memref<2x16x10x8x128xi32, #tpu.memory_space<hbm>> -> memref<1x1x1x8x128xi32, #tpu.memory_space<hbm>>
      %dma_wait3A_88 = tpu.memref_squeeze %dma_wait3A_87 : memref<1x1x1x8x128xi32, #tpu.memory_space<hbm>> -> memref<8x128xi32, #tpu.memory_space<hbm>>
      tpu.wait_dma2 semaphore(%arg12 : memref<!tpu.dma_semaphore, #tpu.memory_space<semaphore_mem>>) src(%dma_wait3A_88 : memref<8x128xi32, #tpu.memory_space<hbm>>) dst(%dma_wait3A_84 : memref<8x128xi32, #tpu.memory_space<vmem>>)
      %barrier3A_89 = arith.constant 0 : index
      tpu.barrier barrier_id(%barrier3A_89)
      %scan3A_90 = arith.constant 0 : i32
      %scan3A_91 = arith.constant 1 : i32
      %scan3A_92 = arith.constant 0 : i32
      %scan3A_93 = arith.constant 10 : i32
      %scan3A_94 = arith.addi %scan3A_92, %scan3A_93 : i32
      %scan3A_95 = arith.constant 1 : i32
      scf.for %scan3A_106 = %scan3A_92 to %scan3A_94 step %scan3A_95  : i32 {
        %rem3A = arith.constant 2 : i32
        %rem3A_107 = arith.remsi %scan3A_106, %rem3A : i32
        %sub3A = arith.constant 1 : i32
        %sub3A_108 = arith.subi %sub3A, %rem3A_107 : i32
        %lt3A = arith.constant 9 : i32
        %lt3A_109 = arith.cmpi slt, %scan3A_106, %lt3A : i32
        %convert_element_type3A_110 = arith.extui %lt3A_109 : i1 to i32
        %cond3A_111 = arith.constant 0 : i32
        %cond3A_112 = arith.cmpi ne, %convert_element_type3A_110, %cond3A_111 : i32
        scf.if %cond3A_112 {
          %add3A_429 = arith.constant 1 : i32
          %add3A_430 = arith.addi %scan3A_106, %add3A_429 : i32
          %dma_start3A_431 = arith.constant 0 : i32
          %dma_start3A_432 = arith.constant 0 : i32
          %dma_start3A_433 = arith.constant 0 : i32
          %dma_start3A_434 = arith.constant 0 : i32
          %dma_start3A_435 = tpu.memref_slice %arg6[%sub3A_108, %dma_start3A_432, %dma_start3A_433, %dma_start3A_434] : memref<2x2x8x128xi32, #tpu.memory_space<vmem>> -> memref<1x1x8x128xi32, #tpu.memory_space<vmem>>
          %dma_start3A_436 = tpu.memref_squeeze %dma_start3A_435 : memref<1x1x8x128xi32, #tpu.memory_space<vmem>> -> memref<8x128xi32, #tpu.memory_space<vmem>>
          %dma_start3A_437 = arith.constant 0 : i32
          %dma_start3A_438 = arith.constant 0 : i32
          %dma_start3A_439 = tpu.memref_slice %arg4[%dma_start3A_431, %arg1, %add3A_430, %dma_start3A_437, %dma_start3A_438] : memref<2x16x10x8x128xi32, #tpu.memory_space<hbm>> -> memref<1x1x1x8x128xi32, #tpu.memory_space<hbm>>
          %dma_start3A_440 = tpu.memref_squeeze %dma_start3A_439 : memref<1x1x1x8x128xi32, #tpu.memory_space<hbm>> -> memref<8x128xi32, #tpu.memory_space<hbm>>
          %dma_start3A_441 = arith.constant 0 : i32
          %dma_start3A_442 = arith.constant 0 : i32
          %dma_start3A_443 = tpu.memref_slice %arg6[%sub3A_108, %dma_start3A_432, %dma_start3A_441, %dma_start3A_442] : memref<2x2x8x128xi32, #tpu.memory_space<vmem>> -> memref<1x1x8x128xi32, #tpu.memory_space<vmem>>
          %dma_start3A_444 = tpu.memref_squeeze %dma_start3A_443 : memref<1x1x8x128xi32, #tpu.memory_space<vmem>> -> memref<8x128xi32, #tpu.memory_space<vmem>>
          %dma_start3A_445 = arith.constant 0 : i32
          %dma_start3A_446 = arith.constant 0 : i32
          %dma_start3A_447 = tpu.memref_slice %arg4[%dma_start3A_431, %arg1, %add3A_430, %dma_start3A_445, %dma_start3A_446] : memref<2x16x10x8x128xi32, #tpu.memory_space<hbm>> -> memref<1x1x1x8x128xi32, #tpu.memory_space<hbm>>
          %dma_start3A_448 = tpu.memref_squeeze %dma_start3A_447 : memref<1x1x1x8x128xi32, #tpu.memory_space<hbm>> -> memref<8x128xi32, #tpu.memory_space<hbm>>
          tpu.enqueue_dma source(%dma_start3A_448 : memref<8x128xi32, #tpu.memory_space<hbm>>) target(%dma_start3A_444 : memref<8x128xi32, #tpu.memory_space<vmem>>) target_semaphore(%arg12 : memref<!tpu.dma_semaphore, #tpu.memory_space<semaphore_mem>>)
          %add3A_449 = arith.constant 1 : i32
          %add3A_450 = arith.addi %scan3A_106, %add3A_449 : i32
          %dma_start3A_451 = arith.constant 1 : i32
          %dma_start3A_452 = arith.constant 1 : i32
          %dma_start3A_453 = arith.constant 0 : i32
          %dma_start3A_454 = arith.constant 0 : i32
          %dma_start3A_455 = tpu.memref_slice %arg6[%sub3A_108, %dma_start3A_452, %dma_start3A_453, %dma_start3A_454] : memref<2x2x8x128xi32, #tpu.memory_space<vmem>> -> memref<1x1x8x128xi32, #tpu.memory_space<vmem>>
          %dma_start3A_456 = tpu.memref_squeeze %dma_start3A_455 : memref<1x1x8x128xi32, #tpu.memory_space<vmem>> -> memref<8x128xi32, #tpu.memory_space<vmem>>
          %dma_start3A_457 = arith.constant 0 : i32
          %dma_start3A_458 = arith.constant 0 : i32
          %dma_start3A_459 = tpu.memref_slice %arg4[%dma_start3A_451, %arg1, %add3A_450, %dma_start3A_457, %dma_start3A_458] : memref<2x16x10x8x128xi32, #tpu.memory_space<hbm>> -> memref<1x1x1x8x128xi32, #tpu.memory_space<hbm>>
          %dma_start3A_460 = tpu.memref_squeeze %dma_start3A_459 : memref<1x1x1x8x128xi32, #tpu.memory_space<hbm>> -> memref<8x128xi32, #tpu.memory_space<hbm>>
          %dma_start3A_461 = arith.constant 0 : i32
          %dma_start3A_462 = arith.constant 0 : i32
          %dma_start3A_463 = tpu.memref_slice %arg6[%sub3A_108, %dma_start3A_452, %dma_start3A_461, %dma_start3A_462] : memref<2x2x8x128xi32, #tpu.memory_space<vmem>> -> memref<1x1x8x128xi32, #tpu.memory_space<vmem>>
          %dma_start3A_464 = tpu.memref_squeeze %dma_start3A_463 : memref<1x1x8x128xi32, #tpu.memory_space<vmem>> -> memref<8x128xi32, #tpu.memory_space<vmem>>
          %dma_start3A_465 = arith.constant 0 : i32
          %dma_start3A_466 = arith.constant 0 : i32
          %dma_start3A_467 = tpu.memref_slice %arg4[%dma_start3A_451, %arg1, %add3A_450, %dma_start3A_465, %dma_start3A_466] : memref<2x16x10x8x128xi32, #tpu.memory_space<hbm>> -> memref<1x1x1x8x128xi32, #tpu.memory_space<hbm>>
          %dma_start3A_468 = tpu.memref_squeeze %dma_start3A_467 : memref<1x1x1x8x128xi32, #tpu.memory_space<hbm>> -> memref<8x128xi32, #tpu.memory_space<hbm>>
          tpu.enqueue_dma source(%dma_start3A_468 : memref<8x128xi32, #tpu.memory_space<hbm>>) target(%dma_start3A_464 : memref<8x128xi32, #tpu.memory_space<vmem>>) target_semaphore(%arg12 : memref<!tpu.dma_semaphore, #tpu.memory_space<semaphore_mem>>)
        } else {
        }
        %gt3A = arith.constant 0 : i32
        %gt3A_113 = arith.cmpi sgt, %scan3A_106, %gt3A : i32
        %convert_element_type3A_114 = arith.extui %gt3A_113 : i1 to i32
        %cond3A_115 = arith.constant 0 : i32
        %cond3A_116 = arith.cmpi ne, %convert_element_type3A_114, %cond3A_115 : i32
        scf.if %cond3A_116 {
          %dma_wait3A_429 = arith.constant 0 : i32
          %dma_wait3A_430 = arith.constant 1 : i32
          %dma_wait3A_431 = arith.constant 0 : i32
          %dma_wait3A_432 = arith.constant 0 : i32
          %dma_wait3A_433 = tpu.memref_slice %arg6[%dma_wait3A_429, %dma_wait3A_430, %dma_wait3A_431, %dma_wait3A_432] : memref<2x2x8x128xi32, #tpu.memory_space<vmem>> -> memref<1x1x1x128xi32, #tpu.memory_space<vmem>>
          %dma_wait3A_434 = tpu.memref_squeeze %dma_wait3A_433 : memref<1x1x1x128xi32, #tpu.memory_space<vmem>> -> memref<128xi32, #tpu.memory_space<vmem>>
          %dma_wait3A_435 = arith.constant 0 : i32
          %dma_wait3A_436 = arith.constant 0 : i32
          %dma_wait3A_437 = tpu.memref_slice %arg9[%dma_wait3A_435, %dma_wait3A_436] : memref<10240x128xf32, #tpu.memory_space<vmem_shared>> -> memref<10240x128xf32, #tpu.memory_space<vmem_shared>>
          tpu.wait_indirect_dma semaphore(%arg13 : memref<!tpu.dma_semaphore, #tpu.memory_space<semaphore_mem>>) src(%arg7 : memref<128x128xf32, #tpu.memory_space<vmem>>) dst(%dma_wait3A_437 : memref<10240x128xf32, #tpu.memory_space<vmem_shared>>)
        } else {
        }
        %dma_start3A_117 = arith.constant 0 : i32
        %dma_start3A_118 = arith.constant 1 : i32
        %dma_start3A_119 = arith.constant 0 : i32
        %dma_start3A_120 = tpu.memref_slice %arg6[%rem3A_107, %dma_start3A_117, %dma_start3A_118, %dma_start3A_119] : memref<2x2x8x128xi32, #tpu.memory_space<vmem>> -> memref<1x1x1x128xi32, #tpu.memory_space<vmem>>
        %dma_start3A_121 = tpu.memref_squeeze %dma_start3A_120 : memref<1x1x1x128xi32, #tpu.memory_space<vmem>> -> memref<128xi32, #tpu.memory_space<vmem>>
        %dma_start3A_122 = arith.constant 0 : i32
        %dma_start3A_123 = arith.constant 0 : i32
        %dma_start3A_124 = tpu.memref_slice %arg2[%scan3A_91, %dma_start3A_122, %dma_start3A_123] : memref<2x10000x128xf32, #tpu.memory_space<hbm>> -> memref<1x10000x128xf32, #tpu.memory_space<hbm>>
        %dma_start3A_125 = tpu.memref_squeeze %dma_start3A_124 : memref<1x10000x128xf32, #tpu.memory_space<hbm>> -> memref<10000x128xf32, #tpu.memory_space<hbm>>
        %dma_start3A_126 = arith.constant 0 : i32
        %dma_start3A_127 = arith.constant 0 : i32
        %dma_start3A_128 = tpu.memref_slice %dma_start3A_125[%dma_start3A_126, %dma_start3A_127] : memref<10000x128xf32, #tpu.memory_space<hbm>> -> memref<10000x128xf32, #tpu.memory_space<hbm>>
        tpu.enqueue_indirect_dma source(%dma_start3A_128 : memref<10000x128xf32, #tpu.memory_space<hbm>>) target(%arg8 : memref<128x128xf32, #tpu.memory_space<vmem>>) offsets(%dma_start3A_121 : memref<128xi32, #tpu.memory_space<vmem>>) semaphore(%arg11 : memref<!tpu.dma_semaphore, #tpu.memory_space<semaphore_mem>>)
        %dma_wait3A_129 = arith.constant 0 : i32
        %dma_wait3A_130 = arith.constant 0 : i32
        %dma_wait3A_131 = arith.constant 0 : i32
        %dma_wait3A_132 = tpu.memref_slice %arg6[%rem3A_107, %dma_wait3A_129, %dma_wait3A_130, %dma_wait3A_131] : memref<2x2x8x128xi32, #tpu.memory_space<vmem>> -> memref<1x1x1x128xi32, #tpu.memory_space<vmem>>
        %dma_wait3A_133 = tpu.memref_squeeze %dma_wait3A_132 : memref<1x1x1x128xi32, #tpu.memory_space<vmem>> -> memref<128xi32, #tpu.memory_space<vmem>>
        %dma_wait3A_134 = arith.constant 0 : i32
        %dma_wait3A_135 = arith.constant 0 : i32
        %dma_wait3A_136 = tpu.memref_slice %arg2[%scan3A_91, %dma_wait3A_134, %dma_wait3A_135] : memref<2x10000x128xf32, #tpu.memory_space<hbm>> -> memref<1x10000x128xf32, #tpu.memory_space<hbm>>
        %dma_wait3A_137 = tpu.memref_squeeze %dma_wait3A_136 : memref<1x10000x128xf32, #tpu.memory_space<hbm>> -> memref<10000x128xf32, #tpu.memory_space<hbm>>
        %dma_wait3A_138 = arith.constant 0 : i32
        %dma_wait3A_139 = arith.constant 0 : i32
        %dma_wait3A_140 = tpu.memref_slice %dma_wait3A_137[%dma_wait3A_138, %dma_wait3A_139] : memref<10000x128xf32, #tpu.memory_space<hbm>> -> memref<10000x128xf32, #tpu.memory_space<hbm>>
        tpu.wait_indirect_dma semaphore(%arg10 : memref<!tpu.dma_semaphore, #tpu.memory_space<semaphore_mem>>) src(%dma_wait3A_140 : memref<10000x128xf32, #tpu.memory_space<hbm>>) dst(%arg7 : memref<128x128xf32, #tpu.memory_space<vmem>>)
        %dma_start3A_141 = arith.constant 1 : i32
        %dma_start3A_142 = arith.constant 0 : i32
        %dma_start3A_143 = arith.constant 0 : i32
        %dma_start3A_144 = tpu.memref_slice %arg6[%rem3A_107, %dma_start3A_141, %dma_start3A_142, %dma_start3A_143] : memref<2x2x8x128xi32, #tpu.memory_space<vmem>> -> memref<1x1x1x128xi32, #tpu.memory_space<vmem>>
        %dma_start3A_145 = tpu.memref_squeeze %dma_start3A_144 : memref<1x1x1x128xi32, #tpu.memory_space<vmem>> -> memref<128xi32, #tpu.memory_space<vmem>>
        %dma_start3A_146 = arith.constant 0 : i32
        %dma_start3A_147 = arith.constant 0 : i32
        %dma_start3A_148 = tpu.memref_slice %arg9[%dma_start3A_146, %dma_start3A_147] : memref<10240x128xf32, #tpu.memory_space<vmem_shared>> -> memref<10240x128xf32, #tpu.memory_space<vmem_shared>>
        tpu.enqueue_indirect_dma source(%arg7 : memref<128x128xf32, #tpu.memory_space<vmem>>) target(%dma_start3A_148 : memref<10240x128xf32, #tpu.memory_space<vmem_shared>>) offsets(%dma_start3A_145 : memref<128xi32, #tpu.memory_space<vmem>>) semaphore(%arg13 : memref<!tpu.dma_semaphore, #tpu.memory_space<semaphore_mem>>) {add = true}
        %dma_wait3A_149 = arith.constant 0 : i32
        %dma_wait3A_150 = arith.constant 1 : i32
        %dma_wait3A_151 = arith.constant 0 : i32
        %dma_wait3A_152 = arith.constant 0 : i32
        %dma_wait3A_153 = tpu.memref_slice %arg6[%dma_wait3A_149, %dma_wait3A_150, %dma_wait3A_151, %dma_wait3A_152] : memref<2x2x8x128xi32, #tpu.memory_space<vmem>> -> memref<1x1x1x128xi32, #tpu.memory_space<vmem>>
        %dma_wait3A_154 = tpu.memref_squeeze %dma_wait3A_153 : memref<1x1x1x128xi32, #tpu.memory_space<vmem>> -> memref<128xi32, #tpu.memory_space<vmem>>
        %dma_wait3A_155 = arith.constant 0 : i32
        %dma_wait3A_156 = arith.constant 0 : i32
        %dma_wait3A_157 = tpu.memref_slice %arg9[%dma_wait3A_155, %dma_wait3A_156] : memref<10240x128xf32, #tpu.memory_space<vmem_shared>> -> memref<10240x128xf32, #tpu.memory_space<vmem_shared>>
        tpu.wait_indirect_dma semaphore(%arg13 : memref<!tpu.dma_semaphore, #tpu.memory_space<semaphore_mem>>) src(%arg7 : memref<128x128xf32, #tpu.memory_space<vmem>>) dst(%dma_wait3A_157 : memref<10240x128xf32, #tpu.memory_space<vmem_shared>>)
        %dma_start3A_158 = arith.constant 0 : i32
        %dma_start3A_159 = arith.constant 2 : i32
        %dma_start3A_160 = arith.constant 0 : i32
        %dma_start3A_161 = tpu.memref_slice %arg6[%rem3A_107, %dma_start3A_158, %dma_start3A_159, %dma_start3A_160] : memref<2x2x8x128xi32, #tpu.memory_space<vmem>> -> memref<1x1x1x128xi32, #tpu.memory_space<vmem>>
        %dma_start3A_162 = tpu.memref_squeeze %dma_start3A_161 : memref<1x1x1x128xi32, #tpu.memory_space<vmem>> -> memref<128xi32, #tpu.memory_space<vmem>>
        %dma_start3A_163 = arith.constant 0 : i32
        %dma_start3A_164 = arith.constant 0 : i32
        %dma_start3A_165 = tpu.memref_slice %arg2[%scan3A_91, %dma_start3A_163, %dma_start3A_164] : memref<2x10000x128xf32, #tpu.memory_space<hbm>> -> memref<1x10000x128xf32, #tpu.memory_space<hbm>>
        %dma_start3A_166 = tpu.memref_squeeze %dma_start3A_165 : memref<1x10000x128xf32, #tpu.memory_space<hbm>> -> memref<10000x128xf32, #tpu.memory_space<hbm>>
        %dma_start3A_167 = arith.constant 0 : i32
        %dma_start3A_168 = arith.constant 0 : i32
        %dma_start3A_169 = tpu.memref_slice %dma_start3A_166[%dma_start3A_167, %dma_start3A_168] : memref<10000x128xf32, #tpu.memory_space<hbm>> -> memref<10000x128xf32, #tpu.memory_space<hbm>>
        tpu.enqueue_indirect_dma source(%dma_start3A_169 : memref<10000x128xf32, #tpu.memory_space<hbm>>) target(%arg7 : memref<128x128xf32, #tpu.memory_space<vmem>>) offsets(%dma_start3A_162 : memref<128xi32, #tpu.memory_space<vmem>>) semaphore(%arg10 : memref<!tpu.dma_semaphore, #tpu.memory_space<semaphore_mem>>)
        %dma_wait3A_170 = arith.constant 0 : i32
        %dma_wait3A_171 = arith.constant 1 : i32
        %dma_wait3A_172 = arith.constant 0 : i32
        %dma_wait3A_173 = tpu.memref_slice %arg6[%rem3A_107, %dma_wait3A_170, %dma_wait3A_171, %dma_wait3A_172] : memref<2x2x8x128xi32, #tpu.memory_space<vmem>> -> memref<1x1x1x128xi32, #tpu.memory_space<vmem>>
        %dma_wait3A_174 = tpu.memref_squeeze %dma_wait3A_173 : memref<1x1x1x128xi32, #tpu.memory_space<vmem>> -> memref<128xi32, #tpu.memory_space<vmem>>
        %dma_wait3A_175 = arith.constant 0 : i32
        %dma_wait3A_176 = arith.constant 0 : i32
        %dma_wait3A_177 = tpu.memref_slice %arg2[%scan3A_91, %dma_wait3A_175, %dma_wait3A_176] : memref<2x10000x128xf32, #tpu.memory_space<hbm>> -> memref<1x10000x128xf32, #tpu.memory_space<hbm>>
        %dma_wait3A_178 = tpu.memref_squeeze %dma_wait3A_177 : memref<1x10000x128xf32, #tpu.memory_space<hbm>> -> memref<10000x128xf32, #tpu.memory_space<hbm>>
        %dma_wait3A_179 = arith.constant 0 : i32
        %dma_wait3A_180 = arith.constant 0 : i32
        %dma_wait3A_181 = tpu.memref_slice %dma_wait3A_178[%dma_wait3A_179, %dma_wait3A_180] : memref<10000x128xf32, #tpu.memory_space<hbm>> -> memref<10000x128xf32, #tpu.memory_space<hbm>>
        tpu.wait_indirect_dma semaphore(%arg11 : memref<!tpu.dma_semaphore, #tpu.memory_space<semaphore_mem>>) src(%dma_wait3A_181 : memref<10000x128xf32, #tpu.memory_space<hbm>>) dst(%arg8 : memref<128x128xf32, #tpu.memory_space<vmem>>)
        %dma_start3A_182 = arith.constant 1 : i32
        %dma_start3A_183 = arith.constant 1 : i32
        %dma_start3A_184 = arith.constant 0 : i32
        %dma_start3A_185 = tpu.memref_slice %arg6[%rem3A_107, %dma_start3A_182, %dma_start3A_183, %dma_start3A_184] : memref<2x2x8x128xi32, #tpu.memory_space<vmem>> -> memref<1x1x1x128xi32, #tpu.memory_space<vmem>>
        %dma_start3A_186 = tpu.memref_squeeze %dma_start3A_185 : memref<1x1x1x128xi32, #tpu.memory_space<vmem>> -> memref<128xi32, #tpu.memory_space<vmem>>
        %dma_start3A_187 = arith.constant 0 : i32
        %dma_start3A_188 = arith.constant 0 : i32
        %dma_start3A_189 = tpu.memref_slice %arg9[%dma_start3A_187, %dma_start3A_188] : memref<10240x128xf32, #tpu.memory_space<vmem_shared>> -> memref<10240x128xf32, #tpu.memory_space<vmem_shared>>
        tpu.enqueue_indirect_dma source(%arg8 : memref<128x128xf32, #tpu.memory_space<vmem>>) target(%dma_start3A_189 : memref<10240x128xf32, #tpu.memory_space<vmem_shared>>) offsets(%dma_start3A_186 : memref<128xi32, #tpu.memory_space<vmem>>) semaphore(%arg13 : memref<!tpu.dma_semaphore, #tpu.memory_space<semaphore_mem>>) {add = true}
        %dma_wait3A_190 = arith.constant 0 : i32
        %dma_wait3A_191 = arith.constant 1 : i32
        %dma_wait3A_192 = arith.constant 0 : i32
        %dma_wait3A_193 = arith.constant 0 : i32
        %dma_wait3A_194 = tpu.memref_slice %arg6[%dma_wait3A_190, %dma_wait3A_191, %dma_wait3A_192, %dma_wait3A_193] : memref<2x2x8x128xi32, #tpu.memory_space<vmem>> -> memref<1x1x1x128xi32, #tpu.memory_space<vmem>>
        %dma_wait3A_195 = tpu.memref_squeeze %dma_wait3A_194 : memref<1x1x1x128xi32, #tpu.memory_space<vmem>> -> memref<128xi32, #tpu.memory_space<vmem>>
        %dma_wait3A_196 = arith.constant 0 : i32
        %dma_wait3A_197 = arith.constant 0 : i32
        %dma_wait3A_198 = tpu.memref_slice %arg9[%dma_wait3A_196, %dma_wait3A_197] : memref<10240x128xf32, #tpu.memory_space<vmem_shared>> -> memref<10240x128xf32, #tpu.memory_space<vmem_shared>>
        tpu.wait_indirect_dma semaphore(%arg13 : memref<!tpu.dma_semaphore, #tpu.memory_space<semaphore_mem>>) src(%arg7 : memref<128x128xf32, #tpu.memory_space<vmem>>) dst(%dma_wait3A_198 : memref<10240x128xf32, #tpu.memory_space<vmem_shared>>)
        %dma_start3A_199 = arith.constant 0 : i32
        %dma_start3A_200 = arith.constant 3 : i32
        %dma_start3A_201 = arith.constant 0 : i32
        %dma_start3A_202 = tpu.memref_slice %arg6[%rem3A_107, %dma_start3A_199, %dma_start3A_200, %dma_start3A_201] : memref<2x2x8x128xi32, #tpu.memory_space<vmem>> -> memref<1x1x1x128xi32, #tpu.memory_space<vmem>>
        %dma_start3A_203 = tpu.memref_squeeze %dma_start3A_202 : memref<1x1x1x128xi32, #tpu.memory_space<vmem>> -> memref<128xi32, #tpu.memory_space<vmem>>
        %dma_start3A_204 = arith.constant 0 : i32
        %dma_start3A_205 = arith.constant 0 : i32
        %dma_start3A_206 = tpu.memref_slice %arg2[%scan3A_91, %dma_start3A_204, %dma_start3A_205] : memref<2x10000x128xf32, #tpu.memory_space<hbm>> -> memref<1x10000x128xf32, #tpu.memory_space<hbm>>
        %dma_start3A_207 = tpu.memref_squeeze %dma_start3A_206 : memref<1x10000x128xf32, #tpu.memory_space<hbm>> -> memref<10000x128xf32, #tpu.memory_space<hbm>>
        %dma_start3A_208 = arith.constant 0 : i32
        %dma_start3A_209 = arith.constant 0 : i32
        %dma_start3A_210 = tpu.memref_slice %dma_start3A_207[%dma_start3A_208, %dma_start3A_209] : memref<10000x128xf32, #tpu.memory_space<hbm>> -> memref<10000x128xf32, #tpu.memory_space<hbm>>
        tpu.enqueue_indirect_dma source(%dma_start3A_210 : memref<10000x128xf32, #tpu.memory_space<hbm>>) target(%arg8 : memref<128x128xf32, #tpu.memory_space<vmem>>) offsets(%dma_start3A_203 : memref<128xi32, #tpu.memory_space<vmem>>) semaphore(%arg11 : memref<!tpu.dma_semaphore, #tpu.memory_space<semaphore_mem>>)
        %dma_wait3A_211 = arith.constant 0 : i32
        %dma_wait3A_212 = arith.constant 2 : i32
        %dma_wait3A_213 = arith.constant 0 : i32
        %dma_wait3A_214 = tpu.memref_slice %arg6[%rem3A_107, %dma_wait3A_211, %dma_wait3A_212, %dma_wait3A_213] : memref<2x2x8x128xi32, #tpu.memory_space<vmem>> -> memref<1x1x1x128xi32, #tpu.memory_space<vmem>>
        %dma_wait3A_215 = tpu.memref_squeeze %dma_wait3A_214 : memref<1x1x1x128xi32, #tpu.memory_space<vmem>> -> memref<128xi32, #tpu.memory_space<vmem>>
        %dma_wait3A_216 = arith.constant 0 : i32
        %dma_wait3A_217 = arith.constant 0 : i32
        %dma_wait3A_218 = tpu.memref_slice %arg2[%scan3A_91, %dma_wait3A_216, %dma_wait3A_217] : memref<2x10000x128xf32, #tpu.memory_space<hbm>> -> memref<1x10000x128xf32, #tpu.memory_space<hbm>>
        %dma_wait3A_219 = tpu.memref_squeeze %dma_wait3A_218 : memref<1x10000x128xf32, #tpu.memory_space<hbm>> -> memref<10000x128xf32, #tpu.memory_space<hbm>>
        %dma_wait3A_220 = arith.constant 0 : i32
        %dma_wait3A_221 = arith.constant 0 : i32
        %dma_wait3A_222 = tpu.memref_slice %dma_wait3A_219[%dma_wait3A_220, %dma_wait3A_221] : memref<10000x128xf32, #tpu.memory_space<hbm>> -> memref<10000x128xf32, #tpu.memory_space<hbm>>
        tpu.wait_indirect_dma semaphore(%arg10 : memref<!tpu.dma_semaphore, #tpu.memory_space<semaphore_mem>>) src(%dma_wait3A_222 : memref<10000x128xf32, #tpu.memory_space<hbm>>) dst(%arg7 : memref<128x128xf32, #tpu.memory_space<vmem>>)
        %dma_start3A_223 = arith.constant 1 : i32
        %dma_start3A_224 = arith.constant 2 : i32
        %dma_start3A_225 = arith.constant 0 : i32
        %dma_start3A_226 = tpu.memref_slice %arg6[%rem3A_107, %dma_start3A_223, %dma_start3A_224, %dma_start3A_225] : memref<2x2x8x128xi32, #tpu.memory_space<vmem>> -> memref<1x1x1x128xi32, #tpu.memory_space<vmem>>
        %dma_start3A_227 = tpu.memref_squeeze %dma_start3A_226 : memref<1x1x1x128xi32, #tpu.memory_space<vmem>> -> memref<128xi32, #tpu.memory_space<vmem>>
        %dma_start3A_228 = arith.constant 0 : i32
        %dma_start3A_229 = arith.constant 0 : i32
        %dma_start3A_230 = tpu.memref_slice %arg9[%dma_start3A_228, %dma_start3A_229] : memref<10240x128xf32, #tpu.memory_space<vmem_shared>> -> memref<10240x128xf32, #tpu.memory_space<vmem_shared>>
        tpu.enqueue_indirect_dma source(%arg7 : memref<128x128xf32, #tpu.memory_space<vmem>>) target(%dma_start3A_230 : memref<10240x128xf32, #tpu.memory_space<vmem_shared>>) offsets(%dma_start3A_227 : memref<128xi32, #tpu.memory_space<vmem>>) semaphore(%arg13 : memref<!tpu.dma_semaphore, #tpu.memory_space<semaphore_mem>>) {add = true}
        %dma_wait3A_231 = arith.constant 0 : i32
        %dma_wait3A_232 = arith.constant 1 : i32
        %dma_wait3A_233 = arith.constant 0 : i32
        %dma_wait3A_234 = arith.constant 0 : i32
        %dma_wait3A_235 = tpu.memref_slice %arg6[%dma_wait3A_231, %dma_wait3A_232, %dma_wait3A_233, %dma_wait3A_234] : memref<2x2x8x128xi32, #tpu.memory_space<vmem>> -> memref<1x1x1x128xi32, #tpu.memory_space<vmem>>
        %dma_wait3A_236 = tpu.memref_squeeze %dma_wait3A_235 : memref<1x1x1x128xi32, #tpu.memory_space<vmem>> -> memref<128xi32, #tpu.memory_space<vmem>>
        %dma_wait3A_237 = arith.constant 0 : i32
        %dma_wait3A_238 = arith.constant 0 : i32
        %dma_wait3A_239 = tpu.memref_slice %arg9[%dma_wait3A_237, %dma_wait3A_238] : memref<10240x128xf32, #tpu.memory_space<vmem_shared>> -> memref<10240x128xf32, #tpu.memory_space<vmem_shared>>
        tpu.wait_indirect_dma semaphore(%arg13 : memref<!tpu.dma_semaphore, #tpu.memory_space<semaphore_mem>>) src(%arg7 : memref<128x128xf32, #tpu.memory_space<vmem>>) dst(%dma_wait3A_239 : memref<10240x128xf32, #tpu.memory_space<vmem_shared>>)
        %dma_start3A_240 = arith.constant 0 : i32
        %dma_start3A_241 = arith.constant 4 : i32
        %dma_start3A_242 = arith.constant 0 : i32
        %dma_start3A_243 = tpu.memref_slice %arg6[%rem3A_107, %dma_start3A_240, %dma_start3A_241, %dma_start3A_242] : memref<2x2x8x128xi32, #tpu.memory_space<vmem>> -> memref<1x1x1x128xi32, #tpu.memory_space<vmem>>
        %dma_start3A_244 = tpu.memref_squeeze %dma_start3A_243 : memref<1x1x1x128xi32, #tpu.memory_space<vmem>> -> memref<128xi32, #tpu.memory_space<vmem>>
        %dma_start3A_245 = arith.constant 0 : i32
        %dma_start3A_246 = arith.constant 0 : i32
        %dma_start3A_247 = tpu.memref_slice %arg2[%scan3A_91, %dma_start3A_245, %dma_start3A_246] : memref<2x10000x128xf32, #tpu.memory_space<hbm>> -> memref<1x10000x128xf32, #tpu.memory_space<hbm>>
        %dma_start3A_248 = tpu.memref_squeeze %dma_start3A_247 : memref<1x10000x128xf32, #tpu.memory_space<hbm>> -> memref<10000x128xf32, #tpu.memory_space<hbm>>
        %dma_start3A_249 = arith.constant 0 : i32
        %dma_start3A_250 = arith.constant 0 : i32
        %dma_start3A_251 = tpu.memref_slice %dma_start3A_248[%dma_start3A_249, %dma_start3A_250] : memref<10000x128xf32, #tpu.memory_space<hbm>> -> memref<10000x128xf32, #tpu.memory_space<hbm>>
        tpu.enqueue_indirect_dma source(%dma_start3A_251 : memref<10000x128xf32, #tpu.memory_space<hbm>>) target(%arg7 : memref<128x128xf32, #tpu.memory_space<vmem>>) offsets(%dma_start3A_244 : memref<128xi32, #tpu.memory_space<vmem>>) semaphore(%arg10 : memref<!tpu.dma_semaphore, #tpu.memory_space<semaphore_mem>>)
        %dma_wait3A_252 = arith.constant 0 : i32
        %dma_wait3A_253 = arith.constant 3 : i32
        %dma_wait3A_254 = arith.constant 0 : i32
        %dma_wait3A_255 = tpu.memref_slice %arg6[%rem3A_107, %dma_wait3A_252, %dma_wait3A_253, %dma_wait3A_254] : memref<2x2x8x128xi32, #tpu.memory_space<vmem>> -> memref<1x1x1x128xi32, #tpu.memory_space<vmem>>
        %dma_wait3A_256 = tpu.memref_squeeze %dma_wait3A_255 : memref<1x1x1x128xi32, #tpu.memory_space<vmem>> -> memref<128xi32, #tpu.memory_space<vmem>>
        %dma_wait3A_257 = arith.constant 0 : i32
        %dma_wait3A_258 = arith.constant 0 : i32
        %dma_wait3A_259 = tpu.memref_slice %arg2[%scan3A_91, %dma_wait3A_257, %dma_wait3A_258] : memref<2x10000x128xf32, #tpu.memory_space<hbm>> -> memref<1x10000x128xf32, #tpu.memory_space<hbm>>
        %dma_wait3A_260 = tpu.memref_squeeze %dma_wait3A_259 : memref<1x10000x128xf32, #tpu.memory_space<hbm>> -> memref<10000x128xf32, #tpu.memory_space<hbm>>
        %dma_wait3A_261 = arith.constant 0 : i32
        %dma_wait3A_262 = arith.constant 0 : i32
        %dma_wait3A_263 = tpu.memref_slice %dma_wait3A_260[%dma_wait3A_261, %dma_wait3A_262] : memref<10000x128xf32, #tpu.memory_space<hbm>> -> memref<10000x128xf32, #tpu.memory_space<hbm>>
        tpu.wait_indirect_dma semaphore(%arg11 : memref<!tpu.dma_semaphore, #tpu.memory_space<semaphore_mem>>) src(%dma_wait3A_263 : memref<10000x128xf32, #tpu.memory_space<hbm>>) dst(%arg8 : memref<128x128xf32, #tpu.memory_space<vmem>>)
        %dma_start3A_264 = arith.constant 1 : i32
        %dma_start3A_265 = arith.constant 3 : i32
        %dma_start3A_266 = arith.constant 0 : i32
        %dma_start3A_267 = tpu.memref_slice %arg6[%rem3A_107, %dma_start3A_264, %dma_start3A_265, %dma_start3A_266] : memref<2x2x8x128xi32, #tpu.memory_space<vmem>> -> memref<1x1x1x128xi32, #tpu.memory_space<vmem>>
        %dma_start3A_268 = tpu.memref_squeeze %dma_start3A_267 : memref<1x1x1x128xi32, #tpu.memory_space<vmem>> -> memref<128xi32, #tpu.memory_space<vmem>>
        %dma_start3A_269 = arith.constant 0 : i32
        %dma_start3A_270 = arith.constant 0 : i32
        %dma_start3A_271 = tpu.memref_slice %arg9[%dma_start3A_269, %dma_start3A_270] : memref<10240x128xf32, #tpu.memory_space<vmem_shared>> -> memref<10240x128xf32, #tpu.memory_space<vmem_shared>>
        tpu.enqueue_indirect_dma source(%arg8 : memref<128x128xf32, #tpu.memory_space<vmem>>) target(%dma_start3A_271 : memref<10240x128xf32, #tpu.memory_space<vmem_shared>>) offsets(%dma_start3A_268 : memref<128xi32, #tpu.memory_space<vmem>>) semaphore(%arg13 : memref<!tpu.dma_semaphore, #tpu.memory_space<semaphore_mem>>) {add = true}
        %dma_wait3A_272 = arith.constant 0 : i32
        %dma_wait3A_273 = arith.constant 1 : i32
        %dma_wait3A_274 = arith.constant 0 : i32
        %dma_wait3A_275 = arith.constant 0 : i32
        %dma_wait3A_276 = tpu.memref_slice %arg6[%dma_wait3A_272, %dma_wait3A_273, %dma_wait3A_274, %dma_wait3A_275] : memref<2x2x8x128xi32, #tpu.memory_space<vmem>> -> memref<1x1x1x128xi32, #tpu.memory_space<vmem>>
        %dma_wait3A_277 = tpu.memref_squeeze %dma_wait3A_276 : memref<1x1x1x128xi32, #tpu.memory_space<vmem>> -> memref<128xi32, #tpu.memory_space<vmem>>
        %dma_wait3A_278 = arith.constant 0 : i32
        %dma_wait3A_279 = arith.constant 0 : i32
        %dma_wait3A_280 = tpu.memref_slice %arg9[%dma_wait3A_278, %dma_wait3A_279] : memref<10240x128xf32, #tpu.memory_space<vmem_shared>> -> memref<10240x128xf32, #tpu.memory_space<vmem_shared>>
        tpu.wait_indirect_dma semaphore(%arg13 : memref<!tpu.dma_semaphore, #tpu.memory_space<semaphore_mem>>) src(%arg7 : memref<128x128xf32, #tpu.memory_space<vmem>>) dst(%dma_wait3A_280 : memref<10240x128xf32, #tpu.memory_space<vmem_shared>>)
        %dma_start3A_281 = arith.constant 0 : i32
        %dma_start3A_282 = arith.constant 5 : i32
        %dma_start3A_283 = arith.constant 0 : i32
        %dma_start3A_284 = tpu.memref_slice %arg6[%rem3A_107, %dma_start3A_281, %dma_start3A_282, %dma_start3A_283] : memref<2x2x8x128xi32, #tpu.memory_space<vmem>> -> memref<1x1x1x128xi32, #tpu.memory_space<vmem>>
        %dma_start3A_285 = tpu.memref_squeeze %dma_start3A_284 : memref<1x1x1x128xi32, #tpu.memory_space<vmem>> -> memref<128xi32, #tpu.memory_space<vmem>>
        %dma_start3A_286 = arith.constant 0 : i32
        %dma_start3A_287 = arith.constant 0 : i32
        %dma_start3A_288 = tpu.memref_slice %arg2[%scan3A_91, %dma_start3A_286, %dma_start3A_287] : memref<2x10000x128xf32, #tpu.memory_space<hbm>> -> memref<1x10000x128xf32, #tpu.memory_space<hbm>>
        %dma_start3A_289 = tpu.memref_squeeze %dma_start3A_288 : memref<1x10000x128xf32, #tpu.memory_space<hbm>> -> memref<10000x128xf32, #tpu.memory_space<hbm>>
        %dma_start3A_290 = arith.constant 0 : i32
        %dma_start3A_291 = arith.constant 0 : i32
        %dma_start3A_292 = tpu.memref_slice %dma_start3A_289[%dma_start3A_290, %dma_start3A_291] : memref<10000x128xf32, #tpu.memory_space<hbm>> -> memref<10000x128xf32, #tpu.memory_space<hbm>>
        tpu.enqueue_indirect_dma source(%dma_start3A_292 : memref<10000x128xf32, #tpu.memory_space<hbm>>) target(%arg8 : memref<128x128xf32, #tpu.memory_space<vmem>>) offsets(%dma_start3A_285 : memref<128xi32, #tpu.memory_space<vmem>>) semaphore(%arg11 : memref<!tpu.dma_semaphore, #tpu.memory_space<semaphore_mem>>)
        %dma_wait3A_293 = arith.constant 0 : i32
        %dma_wait3A_294 = arith.constant 4 : i32
        %dma_wait3A_295 = arith.constant 0 : i32
        %dma_wait3A_296 = tpu.memref_slice %arg6[%rem3A_107, %dma_wait3A_293, %dma_wait3A_294, %dma_wait3A_295] : memref<2x2x8x128xi32, #tpu.memory_space<vmem>> -> memref<1x1x1x128xi32, #tpu.memory_space<vmem>>
        %dma_wait3A_297 = tpu.memref_squeeze %dma_wait3A_296 : memref<1x1x1x128xi32, #tpu.memory_space<vmem>> -> memref<128xi32, #tpu.memory_space<vmem>>
        %dma_wait3A_298 = arith.constant 0 : i32
        %dma_wait3A_299 = arith.constant 0 : i32
        %dma_wait3A_300 = tpu.memref_slice %arg2[%scan3A_91, %dma_wait3A_298, %dma_wait3A_299] : memref<2x10000x128xf32, #tpu.memory_space<hbm>> -> memref<1x10000x128xf32, #tpu.memory_space<hbm>>
        %dma_wait3A_301 = tpu.memref_squeeze %dma_wait3A_300 : memref<1x10000x128xf32, #tpu.memory_space<hbm>> -> memref<10000x128xf32, #tpu.memory_space<hbm>>
        %dma_wait3A_302 = arith.constant 0 : i32
        %dma_wait3A_303 = arith.constant 0 : i32
        %dma_wait3A_304 = tpu.memref_slice %dma_wait3A_301[%dma_wait3A_302, %dma_wait3A_303] : memref<10000x128xf32, #tpu.memory_space<hbm>> -> memref<10000x128xf32, #tpu.memory_space<hbm>>
        tpu.wait_indirect_dma semaphore(%arg10 : memref<!tpu.dma_semaphore, #tpu.memory_space<semaphore_mem>>) src(%dma_wait3A_304 : memref<10000x128xf32, #tpu.memory_space<hbm>>) dst(%arg7 : memref<128x128xf32, #tpu.memory_space<vmem>>)
        %dma_start3A_305 = arith.constant 1 : i32
        %dma_start3A_306 = arith.constant 4 : i32
        %dma_start3A_307 = arith.constant 0 : i32
        %dma_start3A_308 = tpu.memref_slice %arg6[%rem3A_107, %dma_start3A_305, %dma_start3A_306, %dma_start3A_307] : memref<2x2x8x128xi32, #tpu.memory_space<vmem>> -> memref<1x1x1x128xi32, #tpu.memory_space<vmem>>
        %dma_start3A_309 = tpu.memref_squeeze %dma_start3A_308 : memref<1x1x1x128xi32, #tpu.memory_space<vmem>> -> memref<128xi32, #tpu.memory_space<vmem>>
        %dma_start3A_310 = arith.constant 0 : i32
        %dma_start3A_311 = arith.constant 0 : i32
        %dma_start3A_312 = tpu.memref_slice %arg9[%dma_start3A_310, %dma_start3A_311] : memref<10240x128xf32, #tpu.memory_space<vmem_shared>> -> memref<10240x128xf32, #tpu.memory_space<vmem_shared>>
        tpu.enqueue_indirect_dma source(%arg7 : memref<128x128xf32, #tpu.memory_space<vmem>>) target(%dma_start3A_312 : memref<10240x128xf32, #tpu.memory_space<vmem_shared>>) offsets(%dma_start3A_309 : memref<128xi32, #tpu.memory_space<vmem>>) semaphore(%arg13 : memref<!tpu.dma_semaphore, #tpu.memory_space<semaphore_mem>>) {add = true}
        %dma_wait3A_313 = arith.constant 0 : i32
        %dma_wait3A_314 = arith.constant 1 : i32
        %dma_wait3A_315 = arith.constant 0 : i32
        %dma_wait3A_316 = arith.constant 0 : i32
        %dma_wait3A_317 = tpu.memref_slice %arg6[%dma_wait3A_313, %dma_wait3A_314, %dma_wait3A_315, %dma_wait3A_316] : memref<2x2x8x128xi32, #tpu.memory_space<vmem>> -> memref<1x1x1x128xi32, #tpu.memory_space<vmem>>
        %dma_wait3A_318 = tpu.memref_squeeze %dma_wait3A_317 : memref<1x1x1x128xi32, #tpu.memory_space<vmem>> -> memref<128xi32, #tpu.memory_space<vmem>>
        %dma_wait3A_319 = arith.constant 0 : i32
        %dma_wait3A_320 = arith.constant 0 : i32
        %dma_wait3A_321 = tpu.memref_slice %arg9[%dma_wait3A_319, %dma_wait3A_320] : memref<10240x128xf32, #tpu.memory_space<vmem_shared>> -> memref<10240x128xf32, #tpu.memory_space<vmem_shared>>
        tpu.wait_indirect_dma semaphore(%arg13 : memref<!tpu.dma_semaphore, #tpu.memory_space<semaphore_mem>>) src(%arg7 : memref<128x128xf32, #tpu.memory_space<vmem>>) dst(%dma_wait3A_321 : memref<10240x128xf32, #tpu.memory_space<vmem_shared>>)
        %dma_start3A_322 = arith.constant 0 : i32
        %dma_start3A_323 = arith.constant 6 : i32
        %dma_start3A_324 = arith.constant 0 : i32
        %dma_start3A_325 = tpu.memref_slice %arg6[%rem3A_107, %dma_start3A_322, %dma_start3A_323, %dma_start3A_324] : memref<2x2x8x128xi32, #tpu.memory_space<vmem>> -> memref<1x1x1x128xi32, #tpu.memory_space<vmem>>
        %dma_start3A_326 = tpu.memref_squeeze %dma_start3A_325 : memref<1x1x1x128xi32, #tpu.memory_space<vmem>> -> memref<128xi32, #tpu.memory_space<vmem>>
        %dma_start3A_327 = arith.constant 0 : i32
        %dma_start3A_328 = arith.constant 0 : i32
        %dma_start3A_329 = tpu.memref_slice %arg2[%scan3A_91, %dma_start3A_327, %dma_start3A_328] : memref<2x10000x128xf32, #tpu.memory_space<hbm>> -> memref<1x10000x128xf32, #tpu.memory_space<hbm>>
        %dma_start3A_330 = tpu.memref_squeeze %dma_start3A_329 : memref<1x10000x128xf32, #tpu.memory_space<hbm>> -> memref<10000x128xf32, #tpu.memory_space<hbm>>
        %dma_start3A_331 = arith.constant 0 : i32
        %dma_start3A_332 = arith.constant 0 : i32
        %dma_start3A_333 = tpu.memref_slice %dma_start3A_330[%dma_start3A_331, %dma_start3A_332] : memref<10000x128xf32, #tpu.memory_space<hbm>> -> memref<10000x128xf32, #tpu.memory_space<hbm>>
        tpu.enqueue_indirect_dma source(%dma_start3A_333 : memref<10000x128xf32, #tpu.memory_space<hbm>>) target(%arg7 : memref<128x128xf32, #tpu.memory_space<vmem>>) offsets(%dma_start3A_326 : memref<128xi32, #tpu.memory_space<vmem>>) semaphore(%arg10 : memref<!tpu.dma_semaphore, #tpu.memory_space<semaphore_mem>>)
        %dma_wait3A_334 = arith.constant 0 : i32
        %dma_wait3A_335 = arith.constant 5 : i32
        %dma_wait3A_336 = arith.constant 0 : i32
        %dma_wait3A_337 = tpu.memref_slice %arg6[%rem3A_107, %dma_wait3A_334, %dma_wait3A_335, %dma_wait3A_336] : memref<2x2x8x128xi32, #tpu.memory_space<vmem>> -> memref<1x1x1x128xi32, #tpu.memory_space<vmem>>
        %dma_wait3A_338 = tpu.memref_squeeze %dma_wait3A_337 : memref<1x1x1x128xi32, #tpu.memory_space<vmem>> -> memref<128xi32, #tpu.memory_space<vmem>>
        %dma_wait3A_339 = arith.constant 0 : i32
        %dma_wait3A_340 = arith.constant 0 : i32
        %dma_wait3A_341 = tpu.memref_slice %arg2[%scan3A_91, %dma_wait3A_339, %dma_wait3A_340] : memref<2x10000x128xf32, #tpu.memory_space<hbm>> -> memref<1x10000x128xf32, #tpu.memory_space<hbm>>
        %dma_wait3A_342 = tpu.memref_squeeze %dma_wait3A_341 : memref<1x10000x128xf32, #tpu.memory_space<hbm>> -> memref<10000x128xf32, #tpu.memory_space<hbm>>
        %dma_wait3A_343 = arith.constant 0 : i32
        %dma_wait3A_344 = arith.constant 0 : i32
        %dma_wait3A_345 = tpu.memref_slice %dma_wait3A_342[%dma_wait3A_343, %dma_wait3A_344] : memref<10000x128xf32, #tpu.memory_space<hbm>> -> memref<10000x128xf32, #tpu.memory_space<hbm>>
        tpu.wait_indirect_dma semaphore(%arg11 : memref<!tpu.dma_semaphore, #tpu.memory_space<semaphore_mem>>) src(%dma_wait3A_345 : memref<10000x128xf32, #tpu.memory_space<hbm>>) dst(%arg8 : memref<128x128xf32, #tpu.memory_space<vmem>>)
        %dma_start3A_346 = arith.constant 1 : i32
        %dma_start3A_347 = arith.constant 5 : i32
        %dma_start3A_348 = arith.constant 0 : i32
        %dma_start3A_349 = tpu.memref_slice %arg6[%rem3A_107, %dma_start3A_346, %dma_start3A_347, %dma_start3A_348] : memref<2x2x8x128xi32, #tpu.memory_space<vmem>> -> memref<1x1x1x128xi32, #tpu.memory_space<vmem>>
        %dma_start3A_350 = tpu.memref_squeeze %dma_start3A_349 : memref<1x1x1x128xi32, #tpu.memory_space<vmem>> -> memref<128xi32, #tpu.memory_space<vmem>>
        %dma_start3A_351 = arith.constant 0 : i32
        %dma_start3A_352 = arith.constant 0 : i32
        %dma_start3A_353 = tpu.memref_slice %arg9[%dma_start3A_351, %dma_start3A_352] : memref<10240x128xf32, #tpu.memory_space<vmem_shared>> -> memref<10240x128xf32, #tpu.memory_space<vmem_shared>>
        tpu.enqueue_indirect_dma source(%arg8 : memref<128x128xf32, #tpu.memory_space<vmem>>) target(%dma_start3A_353 : memref<10240x128xf32, #tpu.memory_space<vmem_shared>>) offsets(%dma_start3A_350 : memref<128xi32, #tpu.memory_space<vmem>>) semaphore(%arg13 : memref<!tpu.dma_semaphore, #tpu.memory_space<semaphore_mem>>) {add = true}
        %dma_wait3A_354 = arith.constant 0 : i32
        %dma_wait3A_355 = arith.constant 1 : i32
        %dma_wait3A_356 = arith.constant 0 : i32
        %dma_wait3A_357 = arith.constant 0 : i32
        %dma_wait3A_358 = tpu.memref_slice %arg6[%dma_wait3A_354, %dma_wait3A_355, %dma_wait3A_356, %dma_wait3A_357] : memref<2x2x8x128xi32, #tpu.memory_space<vmem>> -> memref<1x1x1x128xi32, #tpu.memory_space<vmem>>
        %dma_wait3A_359 = tpu.memref_squeeze %dma_wait3A_358 : memref<1x1x1x128xi32, #tpu.memory_space<vmem>> -> memref<128xi32, #tpu.memory_space<vmem>>
        %dma_wait3A_360 = arith.constant 0 : i32
        %dma_wait3A_361 = arith.constant 0 : i32
        %dma_wait3A_362 = tpu.memref_slice %arg9[%dma_wait3A_360, %dma_wait3A_361] : memref<10240x128xf32, #tpu.memory_space<vmem_shared>> -> memref<10240x128xf32, #tpu.memory_space<vmem_shared>>
        tpu.wait_indirect_dma semaphore(%arg13 : memref<!tpu.dma_semaphore, #tpu.memory_space<semaphore_mem>>) src(%arg7 : memref<128x128xf32, #tpu.memory_space<vmem>>) dst(%dma_wait3A_362 : memref<10240x128xf32, #tpu.memory_space<vmem_shared>>)
        %dma_start3A_363 = arith.constant 0 : i32
        %dma_start3A_364 = arith.constant 7 : i32
        %dma_start3A_365 = arith.constant 0 : i32
        %dma_start3A_366 = tpu.memref_slice %arg6[%rem3A_107, %dma_start3A_363, %dma_start3A_364, %dma_start3A_365] : memref<2x2x8x128xi32, #tpu.memory_space<vmem>> -> memref<1x1x1x128xi32, #tpu.memory_space<vmem>>
        %dma_start3A_367 = tpu.memref_squeeze %dma_start3A_366 : memref<1x1x1x128xi32, #tpu.memory_space<vmem>> -> memref<128xi32, #tpu.memory_space<vmem>>
        %dma_start3A_368 = arith.constant 0 : i32
        %dma_start3A_369 = arith.constant 0 : i32
        %dma_start3A_370 = tpu.memref_slice %arg2[%scan3A_91, %dma_start3A_368, %dma_start3A_369] : memref<2x10000x128xf32, #tpu.memory_space<hbm>> -> memref<1x10000x128xf32, #tpu.memory_space<hbm>>
        %dma_start3A_371 = tpu.memref_squeeze %dma_start3A_370 : memref<1x10000x128xf32, #tpu.memory_space<hbm>> -> memref<10000x128xf32, #tpu.memory_space<hbm>>
        %dma_start3A_372 = arith.constant 0 : i32
        %dma_start3A_373 = arith.constant 0 : i32
        %dma_start3A_374 = tpu.memref_slice %dma_start3A_371[%dma_start3A_372, %dma_start3A_373] : memref<10000x128xf32, #tpu.memory_space<hbm>> -> memref<10000x128xf32, #tpu.memory_space<hbm>>
        tpu.enqueue_indirect_dma source(%dma_start3A_374 : memref<10000x128xf32, #tpu.memory_space<hbm>>) target(%arg8 : memref<128x128xf32, #tpu.memory_space<vmem>>) offsets(%dma_start3A_367 : memref<128xi32, #tpu.memory_space<vmem>>) semaphore(%arg11 : memref<!tpu.dma_semaphore, #tpu.memory_space<semaphore_mem>>)
        %dma_wait3A_375 = arith.constant 0 : i32
        %dma_wait3A_376 = arith.constant 6 : i32
        %dma_wait3A_377 = arith.constant 0 : i32
        %dma_wait3A_378 = tpu.memref_slice %arg6[%rem3A_107, %dma_wait3A_375, %dma_wait3A_376, %dma_wait3A_377] : memref<2x2x8x128xi32, #tpu.memory_space<vmem>> -> memref<1x1x1x128xi32, #tpu.memory_space<vmem>>
        %dma_wait3A_379 = tpu.memref_squeeze %dma_wait3A_378 : memref<1x1x1x128xi32, #tpu.memory_space<vmem>> -> memref<128xi32, #tpu.memory_space<vmem>>
        %dma_wait3A_380 = arith.constant 0 : i32
        %dma_wait3A_381 = arith.constant 0 : i32
        %dma_wait3A_382 = tpu.memref_slice %arg2[%scan3A_91, %dma_wait3A_380, %dma_wait3A_381] : memref<2x10000x128xf32, #tpu.memory_space<hbm>> -> memref<1x10000x128xf32, #tpu.memory_space<hbm>>
        %dma_wait3A_383 = tpu.memref_squeeze %dma_wait3A_382 : memref<1x10000x128xf32, #tpu.memory_space<hbm>> -> memref<10000x128xf32, #tpu.memory_space<hbm>>
        %dma_wait3A_384 = arith.constant 0 : i32
        %dma_wait3A_385 = arith.constant 0 : i32
        %dma_wait3A_386 = tpu.memref_slice %dma_wait3A_383[%dma_wait3A_384, %dma_wait3A_385] : memref<10000x128xf32, #tpu.memory_space<hbm>> -> memref<10000x128xf32, #tpu.memory_space<hbm>>
        tpu.wait_indirect_dma semaphore(%arg10 : memref<!tpu.dma_semaphore, #tpu.memory_space<semaphore_mem>>) src(%dma_wait3A_386 : memref<10000x128xf32, #tpu.memory_space<hbm>>) dst(%arg7 : memref<128x128xf32, #tpu.memory_space<vmem>>)
        %dma_start3A_387 = arith.constant 1 : i32
        %dma_start3A_388 = arith.constant 6 : i32
        %dma_start3A_389 = arith.constant 0 : i32
        %dma_start3A_390 = tpu.memref_slice %arg6[%rem3A_107, %dma_start3A_387, %dma_start3A_388, %dma_start3A_389] : memref<2x2x8x128xi32, #tpu.memory_space<vmem>> -> memref<1x1x1x128xi32, #tpu.memory_space<vmem>>
        %dma_start3A_391 = tpu.memref_squeeze %dma_start3A_390 : memref<1x1x1x128xi32, #tpu.memory_space<vmem>> -> memref<128xi32, #tpu.memory_space<vmem>>
        %dma_start3A_392 = arith.constant 0 : i32
        %dma_start3A_393 = arith.constant 0 : i32
        %dma_start3A_394 = tpu.memref_slice %arg9[%dma_start3A_392, %dma_start3A_393] : memref<10240x128xf32, #tpu.memory_space<vmem_shared>> -> memref<10240x128xf32, #tpu.memory_space<vmem_shared>>
        tpu.enqueue_indirect_dma source(%arg7 : memref<128x128xf32, #tpu.memory_space<vmem>>) target(%dma_start3A_394 : memref<10240x128xf32, #tpu.memory_space<vmem_shared>>) offsets(%dma_start3A_391 : memref<128xi32, #tpu.memory_space<vmem>>) semaphore(%arg13 : memref<!tpu.dma_semaphore, #tpu.memory_space<semaphore_mem>>) {add = true}
        %dma_wait3A_395 = arith.constant 0 : i32
        %dma_wait3A_396 = arith.constant 1 : i32
        %dma_wait3A_397 = arith.constant 0 : i32
        %dma_wait3A_398 = arith.constant 0 : i32
        %dma_wait3A_399 = tpu.memref_slice %arg6[%dma_wait3A_395, %dma_wait3A_396, %dma_wait3A_397, %dma_wait3A_398] : memref<2x2x8x128xi32, #tpu.memory_space<vmem>> -> memref<1x1x1x128xi32, #tpu.memory_space<vmem>>
        %dma_wait3A_400 = tpu.memref_squeeze %dma_wait3A_399 : memref<1x1x1x128xi32, #tpu.memory_space<vmem>> -> memref<128xi32, #tpu.memory_space<vmem>>
        %dma_wait3A_401 = arith.constant 0 : i32
        %dma_wait3A_402 = arith.constant 0 : i32
        %dma_wait3A_403 = tpu.memref_slice %arg9[%dma_wait3A_401, %dma_wait3A_402] : memref<10240x128xf32, #tpu.memory_space<vmem_shared>> -> memref<10240x128xf32, #tpu.memory_space<vmem_shared>>
        tpu.wait_indirect_dma semaphore(%arg13 : memref<!tpu.dma_semaphore, #tpu.memory_space<semaphore_mem>>) src(%arg7 : memref<128x128xf32, #tpu.memory_space<vmem>>) dst(%dma_wait3A_403 : memref<10240x128xf32, #tpu.memory_space<vmem_shared>>)
        %lt3A_404 = arith.constant 9 : i32
        %lt3A_405 = arith.cmpi slt, %scan3A_106, %lt3A_404 : i32
        %convert_element_type3A_406 = arith.extui %lt3A_405 : i1 to i32
        %cond3A_407 = arith.constant 0 : i32
        %cond3A_408 = arith.cmpi ne, %convert_element_type3A_406, %cond3A_407 : i32
        scf.if %cond3A_408 {
          %add3A_429 = arith.constant 1 : i32
          %add3A_430 = arith.addi %scan3A_106, %add3A_429 : i32
          %dma_wait3A_431 = arith.constant 0 : i32
          %dma_wait3A_432 = arith.constant 0 : i32
          %dma_wait3A_433 = arith.constant 0 : i32
          %dma_wait3A_434 = arith.constant 0 : i32
          %dma_wait3A_435 = tpu.memref_slice %arg6[%sub3A_108, %dma_wait3A_432, %dma_wait3A_433, %dma_wait3A_434] : memref<2x2x8x128xi32, #tpu.memory_space<vmem>> -> memref<1x1x8x128xi32, #tpu.memory_space<vmem>>
          %dma_wait3A_436 = tpu.memref_squeeze %dma_wait3A_435 : memref<1x1x8x128xi32, #tpu.memory_space<vmem>> -> memref<8x128xi32, #tpu.memory_space<vmem>>
          %dma_wait3A_437 = arith.constant 0 : i32
          %dma_wait3A_438 = arith.constant 0 : i32
          %dma_wait3A_439 = tpu.memref_slice %arg4[%dma_wait3A_431, %arg1, %add3A_430, %dma_wait3A_437, %dma_wait3A_438] : memref<2x16x10x8x128xi32, #tpu.memory_space<hbm>> -> memref<1x1x1x8x128xi32, #tpu.memory_space<hbm>>
          %dma_wait3A_440 = tpu.memref_squeeze %dma_wait3A_439 : memref<1x1x1x8x128xi32, #tpu.memory_space<hbm>> -> memref<8x128xi32, #tpu.memory_space<hbm>>
          %dma_wait3A_441 = arith.constant 0 : i32
          %dma_wait3A_442 = arith.constant 0 : i32
          %dma_wait3A_443 = tpu.memref_slice %arg6[%sub3A_108, %dma_wait3A_432, %dma_wait3A_441, %dma_wait3A_442] : memref<2x2x8x128xi32, #tpu.memory_space<vmem>> -> memref<1x1x8x128xi32, #tpu.memory_space<vmem>>
          %dma_wait3A_444 = tpu.memref_squeeze %dma_wait3A_443 : memref<1x1x8x128xi32, #tpu.memory_space<vmem>> -> memref<8x128xi32, #tpu.memory_space<vmem>>
          %dma_wait3A_445 = arith.constant 0 : i32
          %dma_wait3A_446 = arith.constant 0 : i32
          %dma_wait3A_447 = tpu.memref_slice %arg4[%dma_wait3A_431, %arg1, %add3A_430, %dma_wait3A_445, %dma_wait3A_446] : memref<2x16x10x8x128xi32, #tpu.memory_space<hbm>> -> memref<1x1x1x8x128xi32, #tpu.memory_space<hbm>>
          %dma_wait3A_448 = tpu.memref_squeeze %dma_wait3A_447 : memref<1x1x1x8x128xi32, #tpu.memory_space<hbm>> -> memref<8x128xi32, #tpu.memory_space<hbm>>
          tpu.wait_dma2 semaphore(%arg12 : memref<!tpu.dma_semaphore, #tpu.memory_space<semaphore_mem>>) src(%dma_wait3A_448 : memref<8x128xi32, #tpu.memory_space<hbm>>) dst(%dma_wait3A_444 : memref<8x128xi32, #tpu.memory_space<vmem>>)
          %add3A_449 = arith.constant 1 : i32
          %add3A_450 = arith.addi %scan3A_106, %add3A_449 : i32
          %dma_wait3A_451 = arith.constant 1 : i32
          %dma_wait3A_452 = arith.constant 1 : i32
          %dma_wait3A_453 = arith.constant 0 : i32
          %dma_wait3A_454 = arith.constant 0 : i32
          %dma_wait3A_455 = tpu.memref_slice %arg6[%sub3A_108, %dma_wait3A_452, %dma_wait3A_453, %dma_wait3A_454] : memref<2x2x8x128xi32, #tpu.memory_space<vmem>> -> memref<1x1x8x128xi32, #tpu.memory_space<vmem>>
          %dma_wait3A_456 = tpu.memref_squeeze %dma_wait3A_455 : memref<1x1x8x128xi32, #tpu.memory_space<vmem>> -> memref<8x128xi32, #tpu.memory_space<vmem>>
          %dma_wait3A_457 = arith.constant 0 : i32
          %dma_wait3A_458 = arith.constant 0 : i32
          %dma_wait3A_459 = tpu.memref_slice %arg4[%dma_wait3A_451, %arg1, %add3A_450, %dma_wait3A_457, %dma_wait3A_458] : memref<2x16x10x8x128xi32, #tpu.memory_space<hbm>> -> memref<1x1x1x8x128xi32, #tpu.memory_space<hbm>>
          %dma_wait3A_460 = tpu.memref_squeeze %dma_wait3A_459 : memref<1x1x1x8x128xi32, #tpu.memory_space<hbm>> -> memref<8x128xi32, #tpu.memory_space<hbm>>
          %dma_wait3A_461 = arith.constant 0 : i32
          %dma_wait3A_462 = arith.constant 0 : i32
          %dma_wait3A_463 = tpu.memref_slice %arg6[%sub3A_108, %dma_wait3A_452, %dma_wait3A_461, %dma_wait3A_462] : memref<2x2x8x128xi32, #tpu.memory_space<vmem>> -> memref<1x1x8x128xi32, #tpu.memory_space<vmem>>
          %dma_wait3A_464 = tpu.memref_squeeze %dma_wait3A_463 : memref<1x1x8x128xi32, #tpu.memory_space<vmem>> -> memref<8x128xi32, #tpu.memory_space<vmem>>
          %dma_wait3A_465 = arith.constant 0 : i32
          %dma_wait3A_466 = arith.constant 0 : i32
          %dma_wait3A_467 = tpu.memref_slice %arg4[%dma_wait3A_451, %arg1, %add3A_450, %dma_wait3A_465, %dma_wait3A_466] : memref<2x16x10x8x128xi32, #tpu.memory_space<hbm>> -> memref<1x1x1x8x128xi32, #tpu.memory_space<hbm>>
          %dma_wait3A_468 = tpu.memref_squeeze %dma_wait3A_467 : memref<1x1x1x8x128xi32, #tpu.memory_space<hbm>> -> memref<8x128xi32, #tpu.memory_space<hbm>>
          tpu.wait_dma2 semaphore(%arg12 : memref<!tpu.dma_semaphore, #tpu.memory_space<semaphore_mem>>) src(%dma_wait3A_468 : memref<8x128xi32, #tpu.memory_space<hbm>>) dst(%dma_wait3A_464 : memref<8x128xi32, #tpu.memory_space<vmem>>)
          %dma_start3A_469 = arith.constant 0 : i32
          %dma_start3A_470 = arith.constant 0 : i32
          %dma_start3A_471 = arith.constant 0 : i32
          %dma_start3A_472 = tpu.memref_slice %arg6[%sub3A_108, %dma_start3A_469, %dma_start3A_470, %dma_start3A_471] : memref<2x2x8x128xi32, #tpu.memory_space<vmem>> -> memref<1x1x1x128xi32, #tpu.memory_space<vmem>>
          %dma_start3A_473 = tpu.memref_squeeze %dma_start3A_472 : memref<1x1x1x128xi32, #tpu.memory_space<vmem>> -> memref<128xi32, #tpu.memory_space<vmem>>
          %dma_start3A_474 = arith.constant 0 : i32
          %dma_start3A_475 = arith.constant 0 : i32
          %dma_start3A_476 = tpu.memref_slice %arg2[%scan3A_91, %dma_start3A_474, %dma_start3A_475] : memref<2x10000x128xf32, #tpu.memory_space<hbm>> -> memref<1x10000x128xf32, #tpu.memory_space<hbm>>
          %dma_start3A_477 = tpu.memref_squeeze %dma_start3A_476 : memref<1x10000x128xf32, #tpu.memory_space<hbm>> -> memref<10000x128xf32, #tpu.memory_space<hbm>>
          %dma_start3A_478 = arith.constant 0 : i32
          %dma_start3A_479 = arith.constant 0 : i32
          %dma_start3A_480 = tpu.memref_slice %dma_start3A_477[%dma_start3A_478, %dma_start3A_479] : memref<10000x128xf32, #tpu.memory_space<hbm>> -> memref<10000x128xf32, #tpu.memory_space<hbm>>
          tpu.enqueue_indirect_dma source(%dma_start3A_480 : memref<10000x128xf32, #tpu.memory_space<hbm>>) target(%arg7 : memref<128x128xf32, #tpu.memory_space<vmem>>) offsets(%dma_start3A_473 : memref<128xi32, #tpu.memory_space<vmem>>) semaphore(%arg10 : memref<!tpu.dma_semaphore, #tpu.memory_space<semaphore_mem>>)
        } else {
        }
        %dma_wait3A_409 = arith.constant 0 : i32
        %dma_wait3A_410 = arith.constant 7 : i32
        %dma_wait3A_411 = arith.constant 0 : i32
        %dma_wait3A_412 = tpu.memref_slice %arg6[%rem3A_107, %dma_wait3A_409, %dma_wait3A_410, %dma_wait3A_411] : memref<2x2x8x128xi32, #tpu.memory_space<vmem>> -> memref<1x1x1x128xi32, #tpu.memory_space<vmem>>
        %dma_wait3A_413 = tpu.memref_squeeze %dma_wait3A_412 : memref<1x1x1x128xi32, #tpu.memory_space<vmem>> -> memref<128xi32, #tpu.memory_space<vmem>>
        %dma_wait3A_414 = arith.constant 0 : i32
        %dma_wait3A_415 = arith.constant 0 : i32
        %dma_wait3A_416 = tpu.memref_slice %arg2[%scan3A_91, %dma_wait3A_414, %dma_wait3A_415] : memref<2x10000x128xf32, #tpu.memory_space<hbm>> -> memref<1x10000x128xf32, #tpu.memory_space<hbm>>
        %dma_wait3A_417 = tpu.memref_squeeze %dma_wait3A_416 : memref<1x10000x128xf32, #tpu.memory_space<hbm>> -> memref<10000x128xf32, #tpu.memory_space<hbm>>
        %dma_wait3A_418 = arith.constant 0 : i32
        %dma_wait3A_419 = arith.constant 0 : i32
        %dma_wait3A_420 = tpu.memref_slice %dma_wait3A_417[%dma_wait3A_418, %dma_wait3A_419] : memref<10000x128xf32, #tpu.memory_space<hbm>> -> memref<10000x128xf32, #tpu.memory_space<hbm>>
        tpu.wait_indirect_dma semaphore(%arg11 : memref<!tpu.dma_semaphore, #tpu.memory_space<semaphore_mem>>) src(%dma_wait3A_420 : memref<10000x128xf32, #tpu.memory_space<hbm>>) dst(%arg8 : memref<128x128xf32, #tpu.memory_space<vmem>>)
        %dma_start3A_421 = arith.constant 1 : i32
        %dma_start3A_422 = arith.constant 7 : i32
        %dma_start3A_423 = arith.constant 0 : i32
        %dma_start3A_424 = tpu.memref_slice %arg6[%rem3A_107, %dma_start3A_421, %dma_start3A_422, %dma_start3A_423] : memref<2x2x8x128xi32, #tpu.memory_space<vmem>> -> memref<1x1x1x128xi32, #tpu.memory_space<vmem>>
        %dma_start3A_425 = tpu.memref_squeeze %dma_start3A_424 : memref<1x1x1x128xi32, #tpu.memory_space<vmem>> -> memref<128xi32, #tpu.memory_space<vmem>>
        %dma_start3A_426 = arith.constant 0 : i32
        %dma_start3A_427 = arith.constant 0 : i32
        %dma_start3A_428 = tpu.memref_slice %arg9[%dma_start3A_426, %dma_start3A_427] : memref<10240x128xf32, #tpu.memory_space<vmem_shared>> -> memref<10240x128xf32, #tpu.memory_space<vmem_shared>>
        tpu.enqueue_indirect_dma source(%arg8 : memref<128x128xf32, #tpu.memory_space<vmem>>) target(%dma_start3A_428 : memref<10240x128xf32, #tpu.memory_space<vmem_shared>>) offsets(%dma_start3A_425 : memref<128xi32, #tpu.memory_space<vmem>>) semaphore(%arg13 : memref<!tpu.dma_semaphore, #tpu.memory_space<semaphore_mem>>) {add = true}
      }
      %scan3A_96 = arith.constant 10 : i32
      %dma_wait3A_97 = arith.constant 0 : i32
      %dma_wait3A_98 = arith.constant 1 : i32
      %dma_wait3A_99 = arith.constant 0 : i32
      %dma_wait3A_100 = arith.constant 0 : i32
      %dma_wait3A_101 = tpu.memref_slice %arg6[%dma_wait3A_97, %dma_wait3A_98, %dma_wait3A_99, %dma_wait3A_100] : memref<2x2x8x128xi32, #tpu.memory_space<vmem>> -> memref<1x1x1x128xi32, #tpu.memory_space<vmem>>
      %dma_wait3A_102 = tpu.memref_squeeze %dma_wait3A_101 : memref<1x1x1x128xi32, #tpu.memory_space<vmem>> -> memref<128xi32, #tpu.memory_space<vmem>>
      %dma_wait3A_103 = arith.constant 0 : i32
      %dma_wait3A_104 = arith.constant 0 : i32
      %dma_wait3A_105 = tpu.memref_slice %arg9[%dma_wait3A_103, %dma_wait3A_104] : memref<10240x128xf32, #tpu.memory_space<vmem_shared>> -> memref<10240x128xf32, #tpu.memory_space<vmem_shared>>
      tpu.wait_indirect_dma semaphore(%arg13 : memref<!tpu.dma_semaphore, #tpu.memory_space<semaphore_mem>>) src(%arg7 : memref<128x128xf32, #tpu.memory_space<vmem>>) dst(%dma_wait3A_105 : memref<10240x128xf32, #tpu.memory_space<vmem_shared>>)
    } else {
    }
    %barrier3A = arith.constant 0 : index
    tpu.barrier barrier_id(%barrier3A)
    %mul3A = arith.constant 640 : i32
    %mul3A_7 = arith.muli %arg1, %mul3A : i32
    %mul3A_8 = arith.constant 640 : i32
    %mul3A_9 = arith.muli %arg1, %mul3A_8 : i32
    "tpu.region"() ({
      %run_scoped3A = tpu.sem_alloc : memref<!tpu.dma_semaphore, #tpu.memory_space<semaphore_mem>>
      %dma_start3A = arith.constant 0 : i32
      %dma_start3A_10 = tpu.memref_slice %arg5[%arg0, %mul3A_9, %dma_start3A] : memref<2x10240x128xf32, #tpu.memory_space<hbm>> -> memref<1x640x128xf32, #tpu.memory_space<hbm>>
      %dma_start3A_11 = tpu.memref_squeeze %dma_start3A_10 : memref<1x640x128xf32, #tpu.memory_space<hbm>> -> memref<640x128xf32, #tpu.memory_space<hbm>>
      %dma_start3A_12 = arith.constant 0 : i32
      %dma_start3A_13 = tpu.memref_slice %arg9[%mul3A_7, %dma_start3A_12] : memref<10240x128xf32, #tpu.memory_space<vmem_shared>> -> memref<640x128xf32, #tpu.memory_space<vmem_shared>>
      tpu.enqueue_dma source(%dma_start3A_13 : memref<640x128xf32, #tpu.memory_space<vmem_shared>>) target(%dma_start3A_11 : memref<640x128xf32, #tpu.memory_space<hbm>>) target_semaphore(%run_scoped3A : memref<!tpu.dma_semaphore, #tpu.memory_space<semaphore_mem>>)
      %dma_wait3A = arith.constant 0 : i32
      %dma_wait3A_14 = tpu.memref_slice %arg5[%arg0, %mul3A_9, %dma_wait3A] : memref<2x10240x128xf32, #tpu.memory_space<hbm>> -> memref<1x640x128xf32, #tpu.memory_space<hbm>>
      %dma_wait3A_15 = tpu.memref_squeeze %dma_wait3A_14 : memref<1x640x128xf32, #tpu.memory_space<hbm>> -> memref<640x128xf32, #tpu.memory_space<hbm>>
      %dma_wait3A_16 = arith.constant 0 : i32
      %dma_wait3A_17 = tpu.memref_slice %arg9[%mul3A_7, %dma_wait3A_16] : memref<10240x128xf32, #tpu.memory_space<vmem_shared>> -> memref<640x128xf32, #tpu.memory_space<vmem_shared>>
      tpu.wait_dma2 semaphore(%run_scoped3A : memref<!tpu.dma_semaphore, #tpu.memory_space<semaphore_mem>>) src(%dma_wait3A_17 : memref<640x128xf32, #tpu.memory_space<vmem_shared>>) dst(%dma_wait3A_15 : memref<640x128xf32, #tpu.memory_space<hbm>>)
      tpu.yield
    }) : () -> ()
    return
  }
}

#map = affine_map<(d0, d1) -> (0, 0, 0, 0, 0)>
#map1 = affine_map<(d0, d1) -> (0)>
#map2 = affine_map<(d0, d1) -> (0, 0)>
module attributes {stable_mosaic.version = 14 : i64} {
  func.func @_deg_kernel_body(%arg0: i32, %arg1: i32, %arg2: memref<2x16x10x8x128xi32, #tpu.memory_space<hbm>>, %arg3: memref<2x16x10x8x128xi32, #tpu.memory_space<hbm>>, %arg4: memref<10240xf32, #tpu.memory_space<hbm>>, %arg5: memref<8x128xf32, #tpu.memory_space<hbm>>, %arg6: memref<2x10240xf32, #tpu.memory_space<hbm>>, %arg7: memref<10x8x128xi32, #tpu.memory_space<vmem>>, %arg8: memref<8x128xf32, #tpu.memory_space<vmem>>, %arg9: memref<10240xf32, #tpu.memory_space<vmem_shared>>) attributes {dimension_semantics = [#tpu.dimension_semantics<core_parallel>, #tpu.dimension_semantics<subcore_parallel>], iteration_bounds = array<i64: 2, 16>, scalar_prefetch = 0 : i64, scratch_operands = 3 : i64, tpu.core_type = #tpu.core_type<sc_vector_subcore>, window_params = [{transform_indices = #map}, {transform_indices = #map}, {transform_indices = #map1}, {transform_indices = #map2}, {transform_indices = #map2}]} {
    %eq3A = arith.constant 0 : i32
    %eq3A_0 = arith.cmpi eq, %arg0, %eq3A : i32
    %convert_element_type3A = arith.extui %eq3A_0 : i1 to i32
    %cond3A = arith.constant 0 : i32
    %cond3A_1 = arith.cmpi ne, %convert_element_type3A, %cond3A : i32
    scf.if %cond3A_1 {
      %run_scoped3A = arith.constant 1 : i32
      "tpu.region"() ({
        %run_scoped3A_20 = tpu.sem_alloc : memref<!tpu.dma_semaphore, #tpu.memory_space<semaphore_mem>>
        %dma_start3A = arith.constant 0 : i32
        %dma_start3A_21 = arith.constant 0 : i32
        %dma_start3A_22 = arith.constant 0 : i32
        %dma_start3A_23 = tpu.memref_slice %arg2[%run_scoped3A, %arg1, %dma_start3A, %dma_start3A_21, %dma_start3A_22] : memref<2x16x10x8x128xi32, #tpu.memory_space<hbm>> -> memref<1x1x10x8x128xi32, #tpu.memory_space<hbm>>
        %dma_start3A_24 = tpu.memref_squeeze %dma_start3A_23 : memref<1x1x10x8x128xi32, #tpu.memory_space<hbm>> -> memref<10x8x128xi32, #tpu.memory_space<hbm>>
        %dma_start3A_25 = arith.constant 0 : i32
        %dma_start3A_26 = arith.constant 0 : i32
        %dma_start3A_27 = arith.constant 0 : i32
        %dma_start3A_28 = tpu.memref_slice %arg2[%run_scoped3A, %arg1, %dma_start3A_25, %dma_start3A_26, %dma_start3A_27] : memref<2x16x10x8x128xi32, #tpu.memory_space<hbm>> -> memref<1x1x10x8x128xi32, #tpu.memory_space<hbm>>
        %dma_start3A_29 = tpu.memref_squeeze %dma_start3A_28 : memref<1x1x10x8x128xi32, #tpu.memory_space<hbm>> -> memref<10x8x128xi32, #tpu.memory_space<hbm>>
        tpu.enqueue_dma source(%dma_start3A_29 : memref<10x8x128xi32, #tpu.memory_space<hbm>>) target(%arg7 : memref<10x8x128xi32, #tpu.memory_space<vmem>>) target_semaphore(%run_scoped3A_20 : memref<!tpu.dma_semaphore, #tpu.memory_space<semaphore_mem>>)
        %dma_wait3A = arith.constant 0 : i32
        %dma_wait3A_30 = arith.constant 0 : i32
        %dma_wait3A_31 = arith.constant 0 : i32
        %dma_wait3A_32 = tpu.memref_slice %arg2[%run_scoped3A, %arg1, %dma_wait3A, %dma_wait3A_30, %dma_wait3A_31] : memref<2x16x10x8x128xi32, #tpu.memory_space<hbm>> -> memref<1x1x10x8x128xi32, #tpu.memory_space<hbm>>
        %dma_wait3A_33 = tpu.memref_squeeze %dma_wait3A_32 : memref<1x1x10x8x128xi32, #tpu.memory_space<hbm>> -> memref<10x8x128xi32, #tpu.memory_space<hbm>>
        %dma_wait3A_34 = arith.constant 0 : i32
        %dma_wait3A_35 = arith.constant 0 : i32
        %dma_wait3A_36 = arith.constant 0 : i32
        %dma_wait3A_37 = tpu.memref_slice %arg2[%run_scoped3A, %arg1, %dma_wait3A_34, %dma_wait3A_35, %dma_wait3A_36] : memref<2x16x10x8x128xi32, #tpu.memory_space<hbm>> -> memref<1x1x10x8x128xi32, #tpu.memory_space<hbm>>
        %dma_wait3A_38 = tpu.memref_squeeze %dma_wait3A_37 : memref<1x1x10x8x128xi32, #tpu.memory_space<hbm>> -> memref<10x8x128xi32, #tpu.memory_space<hbm>>
        tpu.wait_dma2 semaphore(%run_scoped3A_20 : memref<!tpu.dma_semaphore, #tpu.memory_space<semaphore_mem>>) src(%dma_wait3A_38 : memref<10x8x128xi32, #tpu.memory_space<hbm>>) dst(%arg7 : memref<10x8x128xi32, #tpu.memory_space<vmem>>)
        tpu.yield
      }) : () -> ()
    } else {
    }
    %eq3A_2 = arith.constant 1 : i32
    %eq3A_3 = arith.cmpi eq, %arg0, %eq3A_2 : i32
    %convert_element_type3A_4 = arith.extui %eq3A_3 : i1 to i32
    %cond3A_5 = arith.constant 0 : i32
    %cond3A_6 = arith.cmpi ne, %convert_element_type3A_4, %cond3A_5 : i32
    scf.if %cond3A_6 {
      %run_scoped3A = arith.constant 1 : i32
      "tpu.region"() ({
        %run_scoped3A_20 = tpu.sem_alloc : memref<!tpu.dma_semaphore, #tpu.memory_space<semaphore_mem>>
        %dma_start3A = arith.constant 0 : i32
        %dma_start3A_21 = arith.constant 0 : i32
        %dma_start3A_22 = arith.constant 0 : i32
        %dma_start3A_23 = tpu.memref_slice %arg3[%run_scoped3A, %arg1, %dma_start3A, %dma_start3A_21, %dma_start3A_22] : memref<2x16x10x8x128xi32, #tpu.memory_space<hbm>> -> memref<1x1x10x8x128xi32, #tpu.memory_space<hbm>>
        %dma_start3A_24 = tpu.memref_squeeze %dma_start3A_23 : memref<1x1x10x8x128xi32, #tpu.memory_space<hbm>> -> memref<10x8x128xi32, #tpu.memory_space<hbm>>
        %dma_start3A_25 = arith.constant 0 : i32
        %dma_start3A_26 = arith.constant 0 : i32
        %dma_start3A_27 = arith.constant 0 : i32
        %dma_start3A_28 = tpu.memref_slice %arg3[%run_scoped3A, %arg1, %dma_start3A_25, %dma_start3A_26, %dma_start3A_27] : memref<2x16x10x8x128xi32, #tpu.memory_space<hbm>> -> memref<1x1x10x8x128xi32, #tpu.memory_space<hbm>>
        %dma_start3A_29 = tpu.memref_squeeze %dma_start3A_28 : memref<1x1x10x8x128xi32, #tpu.memory_space<hbm>> -> memref<10x8x128xi32, #tpu.memory_space<hbm>>
        tpu.enqueue_dma source(%dma_start3A_29 : memref<10x8x128xi32, #tpu.memory_space<hbm>>) target(%arg7 : memref<10x8x128xi32, #tpu.memory_space<vmem>>) target_semaphore(%run_scoped3A_20 : memref<!tpu.dma_semaphore, #tpu.memory_space<semaphore_mem>>)
        %dma_wait3A = arith.constant 0 : i32
        %dma_wait3A_30 = arith.constant 0 : i32
        %dma_wait3A_31 = arith.constant 0 : i32
        %dma_wait3A_32 = tpu.memref_slice %arg3[%run_scoped3A, %arg1, %dma_wait3A, %dma_wait3A_30, %dma_wait3A_31] : memref<2x16x10x8x128xi32, #tpu.memory_space<hbm>> -> memref<1x1x10x8x128xi32, #tpu.memory_space<hbm>>
        %dma_wait3A_33 = tpu.memref_squeeze %dma_wait3A_32 : memref<1x1x10x8x128xi32, #tpu.memory_space<hbm>> -> memref<10x8x128xi32, #tpu.memory_space<hbm>>
        %dma_wait3A_34 = arith.constant 0 : i32
        %dma_wait3A_35 = arith.constant 0 : i32
        %dma_wait3A_36 = arith.constant 0 : i32
        %dma_wait3A_37 = tpu.memref_slice %arg3[%run_scoped3A, %arg1, %dma_wait3A_34, %dma_wait3A_35, %dma_wait3A_36] : memref<2x16x10x8x128xi32, #tpu.memory_space<hbm>> -> memref<1x1x10x8x128xi32, #tpu.memory_space<hbm>>
        %dma_wait3A_38 = tpu.memref_squeeze %dma_wait3A_37 : memref<1x1x10x8x128xi32, #tpu.memory_space<hbm>> -> memref<10x8x128xi32, #tpu.memory_space<hbm>>
        tpu.wait_dma2 semaphore(%run_scoped3A_20 : memref<!tpu.dma_semaphore, #tpu.memory_space<semaphore_mem>>) src(%dma_wait3A_38 : memref<10x8x128xi32, #tpu.memory_space<hbm>>) dst(%arg7 : memref<10x8x128xi32, #tpu.memory_space<vmem>>)
        tpu.yield
      }) : () -> ()
    } else {
    }
    "tpu.region"() ({
      %run_scoped3A = tpu.sem_alloc : memref<!tpu.dma_semaphore, #tpu.memory_space<semaphore_mem>>
      tpu.enqueue_dma source(%arg5 : memref<8x128xf32, #tpu.memory_space<hbm>>) target(%arg8 : memref<8x128xf32, #tpu.memory_space<vmem>>) target_semaphore(%run_scoped3A : memref<!tpu.dma_semaphore, #tpu.memory_space<semaphore_mem>>)
      tpu.wait_dma2 semaphore(%run_scoped3A : memref<!tpu.dma_semaphore, #tpu.memory_space<semaphore_mem>>) src(%arg5 : memref<8x128xf32, #tpu.memory_space<hbm>>) dst(%arg8 : memref<8x128xf32, #tpu.memory_space<vmem>>)
      tpu.yield
    }) : () -> ()
    %mul3A = arith.constant 640 : i32
    %mul3A_7 = arith.muli %arg1, %mul3A : i32
    %mul3A_8 = arith.constant 640 : i32
    %mul3A_9 = arith.muli %arg1, %mul3A_8 : i32
    "tpu.region"() ({
      %run_scoped3A = tpu.sem_alloc : memref<!tpu.dma_semaphore, #tpu.memory_space<semaphore_mem>>
      %dma_start3A = tpu.memref_slice %arg9[%mul3A_9] : memref<10240xf32, #tpu.memory_space<vmem_shared>> -> memref<640xf32, #tpu.memory_space<vmem_shared>>
      %dma_start3A_20 = tpu.memref_slice %arg4[%mul3A_7] : memref<10240xf32, #tpu.memory_space<hbm>> -> memref<640xf32, #tpu.memory_space<hbm>>
      tpu.enqueue_dma source(%dma_start3A_20 : memref<640xf32, #tpu.memory_space<hbm>>) target(%dma_start3A : memref<640xf32, #tpu.memory_space<vmem_shared>>) target_semaphore(%run_scoped3A : memref<!tpu.dma_semaphore, #tpu.memory_space<semaphore_mem>>)
      %dma_wait3A = tpu.memref_slice %arg9[%mul3A_9] : memref<10240xf32, #tpu.memory_space<vmem_shared>> -> memref<640xf32, #tpu.memory_space<vmem_shared>>
      %dma_wait3A_21 = tpu.memref_slice %arg4[%mul3A_7] : memref<10240xf32, #tpu.memory_space<hbm>> -> memref<640xf32, #tpu.memory_space<hbm>>
      tpu.wait_dma2 semaphore(%run_scoped3A : memref<!tpu.dma_semaphore, #tpu.memory_space<semaphore_mem>>) src(%dma_wait3A_21 : memref<640xf32, #tpu.memory_space<hbm>>) dst(%dma_wait3A : memref<640xf32, #tpu.memory_space<vmem_shared>>)
      tpu.yield
    }) : () -> ()
    %barrier3A = arith.constant 0 : index
    tpu.barrier barrier_id(%barrier3A)
    %scan3A = arith.constant 0 : i32
    %scan3A_10 = arith.constant 0 : i32
    %scan3A_11 = arith.constant 80 : i32
    %scan3A_12 = arith.addi %scan3A_10, %scan3A_11 : i32
    %scan3A_13 = arith.constant 1 : i32
    scf.for %scan3A_20 = %scan3A_10 to %scan3A_12 step %scan3A_13  : i32 {
      %div3A = arith.constant 8 : i32
      %div3A_21 = arith.divsi %scan3A_20, %div3A : i32
      %rem3A = arith.constant 8 : i32
      %rem3A_22 = arith.remsi %scan3A_20, %rem3A : i32
      %run_scoped3A = arith.constant 0 : i32
      "tpu.region"() ({
        %run_scoped3A_23 = tpu.sem_alloc : memref<!tpu.dma_semaphore, #tpu.memory_space<semaphore_mem>>
        %dma_start3A = arith.constant 0 : i32
        %dma_start3A_24 = tpu.memref_slice %arg8[%run_scoped3A, %dma_start3A] : memref<8x128xf32, #tpu.memory_space<vmem>> -> memref<1x128xf32, #tpu.memory_space<vmem>>
        %dma_start3A_25 = tpu.memref_squeeze %dma_start3A_24 : memref<1x128xf32, #tpu.memory_space<vmem>> -> memref<128xf32, #tpu.memory_space<vmem>>
        %dma_start3A_26 = arith.constant 0 : i32
        %dma_start3A_27 = tpu.memref_slice %arg7[%div3A_21, %rem3A_22, %dma_start3A_26] : memref<10x8x128xi32, #tpu.memory_space<vmem>> -> memref<1x1x128xi32, #tpu.memory_space<vmem>>
        %dma_start3A_28 = tpu.memref_squeeze %dma_start3A_27 : memref<1x1x128xi32, #tpu.memory_space<vmem>> -> memref<128xi32, #tpu.memory_space<vmem>>
        %dma_start3A_29 = arith.constant 0 : i32
        %dma_start3A_30 = tpu.memref_slice %arg9[%dma_start3A_29] : memref<10240xf32, #tpu.memory_space<vmem_shared>> -> memref<10240xf32, #tpu.memory_space<vmem_shared>>
        tpu.enqueue_indirect_dma source(%dma_start3A_25 : memref<128xf32, #tpu.memory_space<vmem>>) target(%dma_start3A_30 : memref<10240xf32, #tpu.memory_space<vmem_shared>>) offsets(%dma_start3A_28 : memref<128xi32, #tpu.memory_space<vmem>>) semaphore(%run_scoped3A_23 : memref<!tpu.dma_semaphore, #tpu.memory_space<semaphore_mem>>) {add = true}
        %dma_wait3A = arith.constant 0 : i32
        %dma_wait3A_31 = tpu.memref_slice %arg8[%run_scoped3A, %dma_wait3A] : memref<8x128xf32, #tpu.memory_space<vmem>> -> memref<1x128xf32, #tpu.memory_space<vmem>>
        %dma_wait3A_32 = tpu.memref_squeeze %dma_wait3A_31 : memref<1x128xf32, #tpu.memory_space<vmem>> -> memref<128xf32, #tpu.memory_space<vmem>>
        %dma_wait3A_33 = arith.constant 0 : i32
        %dma_wait3A_34 = tpu.memref_slice %arg7[%div3A_21, %rem3A_22, %dma_wait3A_33] : memref<10x8x128xi32, #tpu.memory_space<vmem>> -> memref<1x1x128xi32, #tpu.memory_space<vmem>>
        %dma_wait3A_35 = tpu.memref_squeeze %dma_wait3A_34 : memref<1x1x128xi32, #tpu.memory_space<vmem>> -> memref<128xi32, #tpu.memory_space<vmem>>
        %dma_wait3A_36 = arith.constant 0 : i32
        %dma_wait3A_37 = tpu.memref_slice %arg9[%dma_wait3A_36] : memref<10240xf32, #tpu.memory_space<vmem_shared>> -> memref<10240xf32, #tpu.memory_space<vmem_shared>>
        tpu.wait_indirect_dma semaphore(%run_scoped3A_23 : memref<!tpu.dma_semaphore, #tpu.memory_space<semaphore_mem>>) src(%dma_wait3A_32 : memref<128xf32, #tpu.memory_space<vmem>>) dst(%dma_wait3A_37 : memref<10240xf32, #tpu.memory_space<vmem_shared>>)
        tpu.yield
      }) : () -> ()
    }
    %scan3A_14 = arith.constant 80 : i32
    %barrier3A_15 = arith.constant 0 : index
    tpu.barrier barrier_id(%barrier3A_15)
    %mul3A_16 = arith.constant 640 : i32
    %mul3A_17 = arith.muli %arg1, %mul3A_16 : i32
    %mul3A_18 = arith.constant 640 : i32
    %mul3A_19 = arith.muli %arg1, %mul3A_18 : i32
    "tpu.region"() ({
      %run_scoped3A = tpu.sem_alloc : memref<!tpu.dma_semaphore, #tpu.memory_space<semaphore_mem>>
      %dma_start3A = tpu.memref_slice %arg6[%arg0, %mul3A_19] : memref<2x10240xf32, #tpu.memory_space<hbm>> -> memref<1x640xf32, #tpu.memory_space<hbm>>
      %dma_start3A_20 = tpu.memref_squeeze %dma_start3A : memref<1x640xf32, #tpu.memory_space<hbm>> -> memref<640xf32, #tpu.memory_space<hbm>>
      %dma_start3A_21 = tpu.memref_slice %arg9[%mul3A_17] : memref<10240xf32, #tpu.memory_space<vmem_shared>> -> memref<640xf32, #tpu.memory_space<vmem_shared>>
      tpu.enqueue_dma source(%dma_start3A_21 : memref<640xf32, #tpu.memory_space<vmem_shared>>) target(%dma_start3A_20 : memref<640xf32, #tpu.memory_space<hbm>>) target_semaphore(%run_scoped3A : memref<!tpu.dma_semaphore, #tpu.memory_space<semaphore_mem>>)
      %dma_wait3A = tpu.memref_slice %arg6[%arg0, %mul3A_19] : memref<2x10240xf32, #tpu.memory_space<hbm>> -> memref<1x640xf32, #tpu.memory_space<hbm>>
      %dma_wait3A_22 = tpu.memref_squeeze %dma_wait3A : memref<1x640xf32, #tpu.memory_space<hbm>> -> memref<640xf32, #tpu.memory_space<hbm>>
      %dma_wait3A_23 = tpu.memref_slice %arg9[%mul3A_17] : memref<10240xf32, #tpu.memory_space<vmem_shared>> -> memref<640xf32, #tpu.memory_space<vmem_shared>>
      tpu.wait_dma2 semaphore(%run_scoped3A : memref<!tpu.dma_semaphore, #tpu.memory_space<semaphore_mem>>) src(%dma_wait3A_23 : memref<640xf32, #tpu.memory_space<vmem_shared>>) dst(%dma_wait3A_22 : memref<640xf32, #tpu.memory_space<hbm>>)
      tpu.yield
    }) : () -> ()
    return
  }
}

#map = affine_map<(d0, d1) -> (0, 0, 0)>
#map1 = affine_map<(d0, d1) -> (0, 0, 0, 0, 0)>
module attributes {stable_mosaic.version = 14 : i64} {
  func.func @_scatter_kernel_body(%arg0: i32, %arg1: i32, %arg2: memref<2x10000x128xf32, #tpu.memory_space<hbm>>, %arg3: memref<2x16x10x8x128xi32, #tpu.memory_space<hbm>>, %arg4: memref<2x16x10x8x128xi32, #tpu.memory_space<hbm>>, %arg5: memref<2x10240x128xf32, #tpu.memory_space<hbm>>, %arg6: memref<2x2x8x128xi32, #tpu.memory_space<vmem>>, %arg7: memref<128x128xf32, #tpu.memory_space<vmem>>, %arg8: memref<128x128xf32, #tpu.memory_space<vmem>>, %arg9: memref<10240x128xf32, #tpu.memory_space<vmem_shared>>, %arg10: memref<!tpu.dma_semaphore, #tpu.memory_space<semaphore_mem>>, %arg11: memref<!tpu.dma_semaphore, #tpu.memory_space<semaphore_mem>>, %arg12: memref<!tpu.dma_semaphore, #tpu.memory_space<semaphore_mem>>, %arg13: memref<!tpu.dma_semaphore, #tpu.memory_space<semaphore_mem>>) attributes {dimension_semantics = [#tpu.dimension_semantics<core_parallel>, #tpu.dimension_semantics<subcore_parallel>], iteration_bounds = array<i64: 2, 16>, scalar_prefetch = 0 : i64, scratch_operands = 8 : i64, tpu.core_type = #tpu.core_type<sc_vector_subcore>, window_params = [{transform_indices = #map}, {transform_indices = #map1}, {transform_indices = #map1}, {transform_indices = #map}]} {
    %eq3A = arith.constant 0 : i32
    %eq3A_0 = arith.cmpi eq, %arg0, %eq3A : i32
    %convert_element_type3A = arith.extui %eq3A_0 : i1 to i32
    %cond3A = arith.constant 0 : i32
    %cond3A_1 = arith.cmpi ne, %convert_element_type3A, %cond3A : i32
    scf.if %cond3A_1 {
      %run_scoped3A = arith.constant 0 : i32
      %run_scoped3A_10 = arith.constant 0 : i32
      %run_scoped3A_11 = arith.constant 0 : i32
      %run_scoped3A_12 = arith.constant 0 : i32
      "tpu.region"() ({
        %run_scoped3A_106 = tpu.sem_alloc : memref<!tpu.dma_semaphore, #tpu.memory_space<semaphore_mem>>
        %dma_start3A_107 = arith.constant 0 : i32
        %dma_start3A_108 = arith.constant 0 : i32
        %dma_start3A_109 = tpu.memref_slice %arg6[%run_scoped3A_11, %run_scoped3A_12, %dma_start3A_107, %dma_start3A_108] : memref<2x2x8x128xi32, #tpu.memory_space<vmem>> -> memref<1x1x8x128xi32, #tpu.memory_space<vmem>>
        %dma_start3A_110 = tpu.memref_squeeze %dma_start3A_109 : memref<1x1x8x128xi32, #tpu.memory_space<vmem>> -> memref<8x128xi32, #tpu.memory_space<vmem>>
        %dma_start3A_111 = arith.constant 0 : i32
        %dma_start3A_112 = arith.constant 0 : i32
        %dma_start3A_113 = tpu.memref_slice %arg3[%run_scoped3A, %arg1, %run_scoped3A_10, %dma_start3A_111, %dma_start3A_112] : memref<2x16x10x8x128xi32, #tpu.memory_space<hbm>> -> memref<1x1x1x8x128xi32, #tpu.memory_space<hbm>>
        %dma_start3A_114 = tpu.memref_squeeze %dma_start3A_113 : memref<1x1x1x8x128xi32, #tpu.memory_space<hbm>> -> memref<8x128xi32, #tpu.memory_space<hbm>>
        %dma_start3A_115 = arith.constant 0 : i32
        %dma_start3A_116 = arith.constant 0 : i32
        %dma_start3A_117 = tpu.memref_slice %arg6[%run_scoped3A_11, %run_scoped3A_12, %dma_start3A_115, %dma_start3A_116] : memref<2x2x8x128xi32, #tpu.memory_space<vmem>> -> memref<1x1x8x128xi32, #tpu.memory_space<vmem>>
        %dma_start3A_118 = tpu.memref_squeeze %dma_start3A_117 : memref<1x1x8x128xi32, #tpu.memory_space<vmem>> -> memref<8x128xi32, #tpu.memory_space<vmem>>
        %dma_start3A_119 = arith.constant 0 : i32
        %dma_start3A_120 = arith.constant 0 : i32
        %dma_start3A_121 = tpu.memref_slice %arg3[%run_scoped3A, %arg1, %run_scoped3A_10, %dma_start3A_119, %dma_start3A_120] : memref<2x16x10x8x128xi32, #tpu.memory_space<hbm>> -> memref<1x1x1x8x128xi32, #tpu.memory_space<hbm>>
        %dma_start3A_122 = tpu.memref_squeeze %dma_start3A_121 : memref<1x1x1x8x128xi32, #tpu.memory_space<hbm>> -> memref<8x128xi32, #tpu.memory_space<hbm>>
        tpu.enqueue_dma source(%dma_start3A_122 : memref<8x128xi32, #tpu.memory_space<hbm>>) target(%dma_start3A_118 : memref<8x128xi32, #tpu.memory_space<vmem>>) target_semaphore(%run_scoped3A_106 : memref<!tpu.dma_semaphore, #tpu.memory_space<semaphore_mem>>)
        %dma_wait3A_123 = arith.constant 0 : i32
        %dma_wait3A_124 = arith.constant 0 : i32
        %dma_wait3A_125 = tpu.memref_slice %arg6[%run_scoped3A_11, %run_scoped3A_12, %dma_wait3A_123, %dma_wait3A_124] : memref<2x2x8x128xi32, #tpu.memory_space<vmem>> -> memref<1x1x8x128xi32, #tpu.memory_space<vmem>>
        %dma_wait3A_126 = tpu.memref_squeeze %dma_wait3A_125 : memref<1x1x8x128xi32, #tpu.memory_space<vmem>> -> memref<8x128xi32, #tpu.memory_space<vmem>>
        %dma_wait3A_127 = arith.constant 0 : i32
        %dma_wait3A_128 = arith.constant 0 : i32
        %dma_wait3A_129 = tpu.memref_slice %arg3[%run_scoped3A, %arg1, %run_scoped3A_10, %dma_wait3A_127, %dma_wait3A_128] : memref<2x16x10x8x128xi32, #tpu.memory_space<hbm>> -> memref<1x1x1x8x128xi32, #tpu.memory_space<hbm>>
        %dma_wait3A_130 = tpu.memref_squeeze %dma_wait3A_129 : memref<1x1x1x8x128xi32, #tpu.memory_space<hbm>> -> memref<8x128xi32, #tpu.memory_space<hbm>>
        %dma_wait3A_131 = arith.constant 0 : i32
        %dma_wait3A_132 = arith.constant 0 : i32
        %dma_wait3A_133 = tpu.memref_slice %arg6[%run_scoped3A_11, %run_scoped3A_12, %dma_wait3A_131, %dma_wait3A_132] : memref<2x2x8x128xi32, #tpu.memory_space<vmem>> -> memref<1x1x8x128xi32, #tpu.memory_space<vmem>>
        %dma_wait3A_134 = tpu.memref_squeeze %dma_wait3A_133 : memref<1x1x8x128xi32, #tpu.memory_space<vmem>> -> memref<8x128xi32, #tpu.memory_space<vmem>>
        %dma_wait3A_135 = arith.constant 0 : i32
        %dma_wait3A_136 = arith.constant 0 : i32
        %dma_wait3A_137 = tpu.memref_slice %arg3[%run_scoped3A, %arg1, %run_scoped3A_10, %dma_wait3A_135, %dma_wait3A_136] : memref<2x16x10x8x128xi32, #tpu.memory_space<hbm>> -> memref<1x1x1x8x128xi32, #tpu.memory_space<hbm>>
        %dma_wait3A_138 = tpu.memref_squeeze %dma_wait3A_137 : memref<1x1x1x8x128xi32, #tpu.memory_space<hbm>> -> memref<8x128xi32, #tpu.memory_space<hbm>>
        tpu.wait_dma2 semaphore(%run_scoped3A_106 : memref<!tpu.dma_semaphore, #tpu.memory_space<semaphore_mem>>) src(%dma_wait3A_138 : memref<8x128xi32, #tpu.memory_space<hbm>>) dst(%dma_wait3A_134 : memref<8x128xi32, #tpu.memory_space<vmem>>)
        tpu.yield
      }) : () -> ()
      %dma_start3A = arith.constant 1 : i32
      %dma_start3A_13 = arith.constant 0 : i32
      %dma_start3A_14 = arith.constant 0 : i32
      %dma_start3A_15 = arith.constant 1 : i32
      %dma_start3A_16 = arith.constant 0 : i32
      %dma_start3A_17 = arith.constant 0 : i32
      %dma_start3A_18 = tpu.memref_slice %arg6[%dma_start3A_14, %dma_start3A_15, %dma_start3A_16, %dma_start3A_17] : memref<2x2x8x128xi32, #tpu.memory_space<vmem>> -> memref<1x1x8x128xi32, #tpu.memory_space<vmem>>
      %dma_start3A_19 = tpu.memref_squeeze %dma_start3A_18 : memref<1x1x8x128xi32, #tpu.memory_space<vmem>> -> memref<8x128xi32, #tpu.memory_space<vmem>>
      %dma_start3A_20 = arith.constant 0 : i32
      %dma_start3A_21 = arith.constant 0 : i32
      %dma_start3A_22 = tpu.memref_slice %arg3[%dma_start3A, %arg1, %dma_start3A_13, %dma_start3A_20, %dma_start3A_21] : memref<2x16x10x8x128xi32, #tpu.memory_space<hbm>> -> memref<1x1x1x8x128xi32, #tpu.memory_space<hbm>>
      %dma_start3A_23 = tpu.memref_squeeze %dma_start3A_22 : memref<1x1x1x8x128xi32, #tpu.memory_space<hbm>> -> memref<8x128xi32, #tpu.memory_space<hbm>>
      %dma_start3A_24 = arith.constant 0 : i32
      %dma_start3A_25 = arith.constant 0 : i32
      %dma_start3A_26 = tpu.memref_slice %arg6[%dma_start3A_14, %dma_start3A_15, %dma_start3A_24, %dma_start3A_25] : memref<2x2x8x128xi32, #tpu.memory_space<vmem>> -> memref<1x1x8x128xi32, #tpu.memory_space<vmem>>
      %dma_start3A_27 = tpu.memref_squeeze %dma_start3A_26 : memref<1x1x8x128xi32, #tpu.memory_space<vmem>> -> memref<8x128xi32, #tpu.memory_space<vmem>>
      %dma_start3A_28 = arith.constant 0 : i32
      %dma_start3A_29 = arith.constant 0 : i32
      %dma_start3A_30 = tpu.memref_slice %arg3[%dma_start3A, %arg1, %dma_start3A_13, %dma_start3A_28, %dma_start3A_29] : memref<2x16x10x8x128xi32, #tpu.memory_space<hbm>> -> memref<1x1x1x8x128xi32, #tpu.memory_space<hbm>>
      %dma_start3A_31 = tpu.memref_squeeze %dma_start3A_30 : memref<1x1x1x8x128xi32, #tpu.memory_space<hbm>> -> memref<8x128xi32, #tpu.memory_space<hbm>>
      tpu.enqueue_dma source(%dma_start3A_31 : memref<8x128xi32, #tpu.memory_space<hbm>>) target(%dma_start3A_27 : memref<8x128xi32, #tpu.memory_space<vmem>>) target_semaphore(%arg12 : memref<!tpu.dma_semaphore, #tpu.memory_space<semaphore_mem>>)
      %dma_start3A_32 = arith.constant 0 : i32
      %dma_start3A_33 = arith.constant 0 : i32
      %dma_start3A_34 = arith.constant 0 : i32
      %dma_start3A_35 = arith.constant 0 : i32
      %dma_start3A_36 = arith.constant 0 : i32
      %dma_start3A_37 = tpu.memref_slice %arg6[%dma_start3A_33, %dma_start3A_34, %dma_start3A_35, %dma_start3A_36] : memref<2x2x8x128xi32, #tpu.memory_space<vmem>> -> memref<1x1x1x128xi32, #tpu.memory_space<vmem>>
      %dma_start3A_38 = tpu.memref_squeeze %dma_start3A_37 : memref<1x1x1x128xi32, #tpu.memory_space<vmem>> -> memref<128xi32, #tpu.memory_space<vmem>>
      %dma_start3A_39 = arith.constant 0 : i32
      %dma_start3A_40 = arith.constant 0 : i32
      %dma_start3A_41 = tpu.memref_slice %arg2[%dma_start3A_32, %dma_start3A_39, %dma_start3A_40] : memref<2x10000x128xf32, #tpu.memory_space<hbm>> -> memref<1x10000x128xf32, #tpu.memory_space<hbm>>
      %dma_start3A_42 = tpu.memref_squeeze %dma_start3A_41 : memref<1x10000x128xf32, #tpu.memory_space<hbm>> -> memref<10000x128xf32, #tpu.memory_space<hbm>>
      %dma_start3A_43 = arith.constant 0 : i32
      %dma_start3A_44 = arith.constant 0 : i32
      %dma_start3A_45 = tpu.memref_slice %dma_start3A_42[%dma_start3A_43, %dma_start3A_44] : memref<10000x128xf32, #tpu.memory_space<hbm>> -> memref<10000x128xf32, #tpu.memory_space<hbm>>
      tpu.enqueue_indirect_dma source(%dma_start3A_45 : memref<10000x128xf32, #tpu.memory_space<hbm>>) target(%arg7 : memref<128x128xf32, #tpu.memory_space<vmem>>) offsets(%dma_start3A_38 : memref<128xi32, #tpu.memory_space<vmem>>) semaphore(%arg10 : memref<!tpu.dma_semaphore, #tpu.memory_space<semaphore_mem>>)
      %scan3A = arith.constant 0 : i32
      %scan3A_46 = arith.constant 0 : i32
      %scan3A_47 = arith.constant 128 : i32
      %scan3A_48 = arith.addi %scan3A_46, %scan3A_47 : i32
      %scan3A_49 = arith.constant 1 : i32
      scf.for %scan3A_106 = %scan3A_46 to %scan3A_48 step %scan3A_49  : i32 {
        %broadcast_in_dim3A = arith.constant 0.000000e+00 : f32
        %broadcast_in_dim3A_107 = vector.broadcast %broadcast_in_dim3A : f32 to vector<16xf32>
        %swap3A = arith.index_cast %scan3A_106 : i32 to index
        %swap3A_108 = arith.constant 0 : index
        %swap3A_109 = tpu.vector_load %arg8[%swap3A, %swap3A_108] {strides = array<i32>} : memref<128x128xf32, #tpu.memory_space<vmem>>, vector<1x16xf32>,
        %swap3A_110 = vector.shape_cast %swap3A_109 : vector<1x16xf32> to vector<16xf32>
        %swap3A_111 = vector.shape_cast %broadcast_in_dim3A_107 : vector<16xf32> to vector<1x16xf32>
        tpu.vector_store %arg8[%swap3A, %swap3A_108], %swap3A_111 {strides = array<i32>} : memref<128x128xf32, #tpu.memory_space<vmem>>, vector<1x16xf32>,
        %broadcast_in_dim3A_112 = arith.constant 0.000000e+00 : f32
        %broadcast_in_dim3A_113 = vector.broadcast %broadcast_in_dim3A_112 : f32 to vector<16xf32>
        %swap3A_114 = arith.index_cast %scan3A_106 : i32 to index
        %swap3A_115 = arith.constant 16 : index
        %swap3A_116 = tpu.vector_load %arg8[%swap3A_114, %swap3A_115] {strides = array<i32>} : memref<128x128xf32, #tpu.memory_space<vmem>>, vector<1x16xf32>,
        %swap3A_117 = vector.shape_cast %swap3A_116 : vector<1x16xf32> to vector<16xf32>
        %swap3A_118 = vector.shape_cast %broadcast_in_dim3A_113 : vector<16xf32> to vector<1x16xf32>
        tpu.vector_store %arg8[%swap3A_114, %swap3A_115], %swap3A_118 {strides = array<i32>} : memref<128x128xf32, #tpu.memory_space<vmem>>, vector<1x16xf32>,
        %broadcast_in_dim3A_119 = arith.constant 0.000000e+00 : f32
        %broadcast_in_dim3A_120 = vector.broadcast %broadcast_in_dim3A_119 : f32 to vector<16xf32>
        %swap3A_121 = arith.index_cast %scan3A_106 : i32 to index
        %swap3A_122 = arith.constant 32 : index
        %swap3A_123 = tpu.vector_load %arg8[%swap3A_121, %swap3A_122] {strides = array<i32>} : memref<128x128xf32, #tpu.memory_space<vmem>>, vector<1x16xf32>,
        %swap3A_124 = vector.shape_cast %swap3A_123 : vector<1x16xf32> to vector<16xf32>
        %swap3A_125 = vector.shape_cast %broadcast_in_dim3A_120 : vector<16xf32> to vector<1x16xf32>
        tpu.vector_store %arg8[%swap3A_121, %swap3A_122], %swap3A_125 {strides = array<i32>} : memref<128x128xf32, #tpu.memory_space<vmem>>, vector<1x16xf32>,
        %broadcast_in_dim3A_126 = arith.constant 0.000000e+00 : f32
        %broadcast_in_dim3A_127 = vector.broadcast %broadcast_in_dim3A_126 : f32 to vector<16xf32>
        %swap3A_128 = arith.index_cast %scan3A_106 : i32 to index
        %swap3A_129 = arith.constant 48 : index
        %swap3A_130 = tpu.vector_load %arg8[%swap3A_128, %swap3A_129] {strides = array<i32>} : memref<128x128xf32, #tpu.memory_space<vmem>>, vector<1x16xf32>,
        %swap3A_131 = vector.shape_cast %swap3A_130 : vector<1x16xf32> to vector<16xf32>
        %swap3A_132 = vector.shape_cast %broadcast_in_dim3A_127 : vector<16xf32> to vector<1x16xf32>
        tpu.vector_store %arg8[%swap3A_128, %swap3A_129], %swap3A_132 {strides = array<i32>} : memref<128x128xf32, #tpu.memory_space<vmem>>, vector<1x16xf32>,
        %broadcast_in_dim3A_133 = arith.constant 0.000000e+00 : f32
        %broadcast_in_dim3A_134 = vector.broadcast %broadcast_in_dim3A_133 : f32 to vector<16xf32>
        %swap3A_135 = arith.index_cast %scan3A_106 : i32 to index
        %swap3A_136 = arith.constant 64 : index
        %swap3A_137 = tpu.vector_load %arg8[%swap3A_135, %swap3A_136] {strides = array<i32>} : memref<128x128xf32, #tpu.memory_space<vmem>>, vector<1x16xf32>,
        %swap3A_138 = vector.shape_cast %swap3A_137 : vector<1x16xf32> to vector<16xf32>
        %swap3A_139 = vector.shape_cast %broadcast_in_dim3A_134 : vector<16xf32> to vector<1x16xf32>
        tpu.vector_store %arg8[%swap3A_135, %swap3A_136], %swap3A_139 {strides = array<i32>} : memref<128x128xf32, #tpu.memory_space<vmem>>, vector<1x16xf32>,
        %broadcast_in_dim3A_140 = arith.constant 0.000000e+00 : f32
        %broadcast_in_dim3A_141 = vector.broadcast %broadcast_in_dim3A_140 : f32 to vector<16xf32>
        %swap3A_142 = arith.index_cast %scan3A_106 : i32 to index
        %swap3A_143 = arith.constant 80 : index
        %swap3A_144 = tpu.vector_load %arg8[%swap3A_142, %swap3A_143] {strides = array<i32>} : memref<128x128xf32, #tpu.memory_space<vmem>>, vector<1x16xf32>,
        %swap3A_145 = vector.shape_cast %swap3A_144 : vector<1x16xf32> to vector<16xf32>
        %swap3A_146 = vector.shape_cast %broadcast_in_dim3A_141 : vector<16xf32> to vector<1x16xf32>
        tpu.vector_store %arg8[%swap3A_142, %swap3A_143], %swap3A_146 {strides = array<i32>} : memref<128x128xf32, #tpu.memory_space<vmem>>, vector<1x16xf32>,
        %broadcast_in_dim3A_147 = arith.constant 0.000000e+00 : f32
        %broadcast_in_dim3A_148 = vector.broadcast %broadcast_in_dim3A_147 : f32 to vector<16xf32>
        %swap3A_149 = arith.index_cast %scan3A_106 : i32 to index
        %swap3A_150 = arith.constant 96 : index
        %swap3A_151 = tpu.vector_load %arg8[%swap3A_149, %swap3A_150] {strides = array<i32>} : memref<128x128xf32, #tpu.memory_space<vmem>>, vector<1x16xf32>,
        %swap3A_152 = vector.shape_cast %swap3A_151 : vector<1x16xf32> to vector<16xf32>
        %swap3A_153 = vector.shape_cast %broadcast_in_dim3A_148 : vector<16xf32> to vector<1x16xf32>
        tpu.vector_store %arg8[%swap3A_149, %swap3A_150], %swap3A_153 {strides = array<i32>} : memref<128x128xf32, #tpu.memory_space<vmem>>, vector<1x16xf32>,
        %broadcast_in_dim3A_154 = arith.constant 0.000000e+00 : f32
        %broadcast_in_dim3A_155 = vector.broadcast %broadcast_in_dim3A_154 : f32 to vector<16xf32>
        %swap3A_156 = arith.index_cast %scan3A_106 : i32 to index
        %swap3A_157 = arith.constant 112 : index
        %swap3A_158 = tpu.vector_load %arg8[%swap3A_156, %swap3A_157] {strides = array<i32>} : memref<128x128xf32, #tpu.memory_space<vmem>>, vector<1x16xf32>,
        %swap3A_159 = vector.shape_cast %swap3A_158 : vector<1x16xf32> to vector<16xf32>
        %swap3A_160 = vector.shape_cast %broadcast_in_dim3A_155 : vector<16xf32> to vector<1x16xf32>
        tpu.vector_store %arg8[%swap3A_156, %swap3A_157], %swap3A_160 {strides = array<i32>} : memref<128x128xf32, #tpu.memory_space<vmem>>, vector<1x16xf32>,
      }
      %scan3A_50 = arith.constant 128 : i32
      %mul3A_51 = arith.constant 640 : i32
      %mul3A_52 = arith.muli %arg1, %mul3A_51 : i32
      %add3A = arith.constant 0 : i32
      %add3A_53 = arith.addi %mul3A_52, %add3A : i32
      "tpu.region"() ({
        %run_scoped3A_106 = tpu.sem_alloc : memref<!tpu.dma_semaphore, #tpu.memory_space<semaphore_mem>>
        %dma_start3A_107 = arith.constant 0 : i32
        %dma_start3A_108 = tpu.memref_slice %arg9[%add3A_53, %dma_start3A_107] : memref<10240x128xf32, #tpu.memory_space<vmem_shared>> -> memref<128x128xf32, #tpu.memory_space<vmem_shared>>
        %dma_start3A_109 = arith.constant 0 : i32
        %dma_start3A_110 = tpu.memref_slice %arg9[%add3A_53, %dma_start3A_109] : memref<10240x128xf32, #tpu.memory_space<vmem_shared>> -> memref<128x128xf32, #tpu.memory_space<vmem_shared>>
        tpu.enqueue_dma source(%arg8 : memref<128x128xf32, #tpu.memory_space<vmem>>) target(%dma_start3A_110 : memref<128x128xf32, #tpu.memory_space<vmem_shared>>) target_semaphore(%run_scoped3A_106 : memref<!tpu.dma_semaphore, #tpu.memory_space<semaphore_mem>>)
        %dma_wait3A_111 = arith.constant 0 : i32
        %dma_wait3A_112 = tpu.memref_slice %arg9[%add3A_53, %dma_wait3A_111] : memref<10240x128xf32, #tpu.memory_space<vmem_shared>> -> memref<128x128xf32, #tpu.memory_space<vmem_shared>>
        %dma_wait3A_113 = arith.constant 0 : i32
        %dma_wait3A_114 = tpu.memref_slice %arg9[%add3A_53, %dma_wait3A_113] : memref<10240x128xf32, #tpu.memory_space<vmem_shared>> -> memref<128x128xf32, #tpu.memory_space<vmem_shared>>
        tpu.wait_dma2 semaphore(%run_scoped3A_106 : memref<!tpu.dma_semaphore, #tpu.memory_space<semaphore_mem>>) src(%arg8 : memref<128x128xf32, #tpu.memory_space<vmem>>) dst(%dma_wait3A_114 : memref<128x128xf32, #tpu.memory_space<vmem_shared>>)
        tpu.yield
      }) : () -> ()
      %mul3A_54 = arith.constant 640 : i32
      %mul3A_55 = arith.muli %arg1, %mul3A_54 : i32
      %add3A_56 = arith.constant 128 : i32
      %add3A_57 = arith.addi %mul3A_55, %add3A_56 : i32
      "tpu.region"() ({
        %run_scoped3A_106 = tpu.sem_alloc : memref<!tpu.dma_semaphore, #tpu.memory_space<semaphore_mem>>
        %dma_start3A_107 = arith.constant 0 : i32
        %dma_start3A_108 = tpu.memref_slice %arg9[%add3A_57, %dma_start3A_107] : memref<10240x128xf32, #tpu.memory_space<vmem_shared>> -> memref<128x128xf32, #tpu.memory_space<vmem_shared>>
        %dma_start3A_109 = arith.constant 0 : i32
        %dma_start3A_110 = tpu.memref_slice %arg9[%add3A_57, %dma_start3A_109] : memref<10240x128xf32, #tpu.memory_space<vmem_shared>> -> memref<128x128xf32, #tpu.memory_space<vmem_shared>>
        tpu.enqueue_dma source(%arg8 : memref<128x128xf32, #tpu.memory_space<vmem>>) target(%dma_start3A_110 : memref<128x128xf32, #tpu.memory_space<vmem_shared>>) target_semaphore(%run_scoped3A_106 : memref<!tpu.dma_semaphore, #tpu.memory_space<semaphore_mem>>)
        %dma_wait3A_111 = arith.constant 0 : i32
        %dma_wait3A_112 = tpu.memref_slice %arg9[%add3A_57, %dma_wait3A_111] : memref<10240x128xf32, #tpu.memory_space<vmem_shared>> -> memref<128x128xf32, #tpu.memory_space<vmem_shared>>
        %dma_wait3A_113 = arith.constant 0 : i32
        %dma_wait3A_114 = tpu.memref_slice %arg9[%add3A_57, %dma_wait3A_113] : memref<10240x128xf32, #tpu.memory_space<vmem_shared>> -> memref<128x128xf32, #tpu.memory_space<vmem_shared>>
        tpu.wait_dma2 semaphore(%run_scoped3A_106 : memref<!tpu.dma_semaphore, #tpu.memory_space<semaphore_mem>>) src(%arg8 : memref<128x128xf32, #tpu.memory_space<vmem>>) dst(%dma_wait3A_114 : memref<128x128xf32, #tpu.memory_space<vmem_shared>>)
        tpu.yield
      }) : () -> ()
      %mul3A_58 = arith.constant 640 : i32
      %mul3A_59 = arith.muli %arg1, %mul3A_58 : i32
      %add3A_60 = arith.constant 256 : i32
      %add3A_61 = arith.addi %mul3A_59, %add3A_60 : i32
      "tpu.region"() ({
        %run_scoped3A_106 = tpu.sem_alloc : memref<!tpu.dma_semaphore, #tpu.memory_space<semaphore_mem>>
        %dma_start3A_107 = arith.constant 0 : i32
        %dma_start3A_108 = tpu.memref_slice %arg9[%add3A_61, %dma_start3A_107] : memref<10240x128xf32, #tpu.memory_space<vmem_shared>> -> memref<128x128xf32, #tpu.memory_space<vmem_shared>>
        %dma_start3A_109 = arith.constant 0 : i32
        %dma_start3A_110 = tpu.memref_slice %arg9[%add3A_61, %dma_start3A_109] : memref<10240x128xf32, #tpu.memory_space<vmem_shared>> -> memref<128x128xf32, #tpu.memory_space<vmem_shared>>
        tpu.enqueue_dma source(%arg8 : memref<128x128xf32, #tpu.memory_space<vmem>>) target(%dma_start3A_110 : memref<128x128xf32, #tpu.memory_space<vmem_shared>>) target_semaphore(%run_scoped3A_106 : memref<!tpu.dma_semaphore, #tpu.memory_space<semaphore_mem>>)
        %dma_wait3A_111 = arith.constant 0 : i32
        %dma_wait3A_112 = tpu.memref_slice %arg9[%add3A_61, %dma_wait3A_111] : memref<10240x128xf32, #tpu.memory_space<vmem_shared>> -> memref<128x128xf32, #tpu.memory_space<vmem_shared>>
        %dma_wait3A_113 = arith.constant 0 : i32
        %dma_wait3A_114 = tpu.memref_slice %arg9[%add3A_61, %dma_wait3A_113] : memref<10240x128xf32, #tpu.memory_space<vmem_shared>> -> memref<128x128xf32, #tpu.memory_space<vmem_shared>>
        tpu.wait_dma2 semaphore(%run_scoped3A_106 : memref<!tpu.dma_semaphore, #tpu.memory_space<semaphore_mem>>) src(%arg8 : memref<128x128xf32, #tpu.memory_space<vmem>>) dst(%dma_wait3A_114 : memref<128x128xf32, #tpu.memory_space<vmem_shared>>)
        tpu.yield
      }) : () -> ()
      %mul3A_62 = arith.constant 640 : i32
      %mul3A_63 = arith.muli %arg1, %mul3A_62 : i32
      %add3A_64 = arith.constant 384 : i32
      %add3A_65 = arith.addi %mul3A_63, %add3A_64 : i32
      "tpu.region"() ({
        %run_scoped3A_106 = tpu.sem_alloc : memref<!tpu.dma_semaphore, #tpu.memory_space<semaphore_mem>>
        %dma_start3A_107 = arith.constant 0 : i32
        %dma_start3A_108 = tpu.memref_slice %arg9[%add3A_65, %dma_start3A_107] : memref<10240x128xf32, #tpu.memory_space<vmem_shared>> -> memref<128x128xf32, #tpu.memory_space<vmem_shared>>
        %dma_start3A_109 = arith.constant 0 : i32
        %dma_start3A_110 = tpu.memref_slice %arg9[%add3A_65, %dma_start3A_109] : memref<10240x128xf32, #tpu.memory_space<vmem_shared>> -> memref<128x128xf32, #tpu.memory_space<vmem_shared>>
        tpu.enqueue_dma source(%arg8 : memref<128x128xf32, #tpu.memory_space<vmem>>) target(%dma_start3A_110 : memref<128x128xf32, #tpu.memory_space<vmem_shared>>) target_semaphore(%run_scoped3A_106 : memref<!tpu.dma_semaphore, #tpu.memory_space<semaphore_mem>>)
        %dma_wait3A_111 = arith.constant 0 : i32
        %dma_wait3A_112 = tpu.memref_slice %arg9[%add3A_65, %dma_wait3A_111] : memref<10240x128xf32, #tpu.memory_space<vmem_shared>> -> memref<128x128xf32, #tpu.memory_space<vmem_shared>>
        %dma_wait3A_113 = arith.constant 0 : i32
        %dma_wait3A_114 = tpu.memref_slice %arg9[%add3A_65, %dma_wait3A_113] : memref<10240x128xf32, #tpu.memory_space<vmem_shared>> -> memref<128x128xf32, #tpu.memory_space<vmem_shared>>
        tpu.wait_dma2 semaphore(%run_scoped3A_106 : memref<!tpu.dma_semaphore, #tpu.memory_space<semaphore_mem>>) src(%arg8 : memref<128x128xf32, #tpu.memory_space<vmem>>) dst(%dma_wait3A_114 : memref<128x128xf32, #tpu.memory_space<vmem_shared>>)
        tpu.yield
      }) : () -> ()
      %mul3A_66 = arith.constant 640 : i32
      %mul3A_67 = arith.muli %arg1, %mul3A_66 : i32
      %add3A_68 = arith.constant 512 : i32
      %add3A_69 = arith.addi %mul3A_67, %add3A_68 : i32
      "tpu.region"() ({
        %run_scoped3A_106 = tpu.sem_alloc : memref<!tpu.dma_semaphore, #tpu.memory_space<semaphore_mem>>
        %dma_start3A_107 = arith.constant 0 : i32
        %dma_start3A_108 = tpu.memref_slice %arg9[%add3A_69, %dma_start3A_107] : memref<10240x128xf32, #tpu.memory_space<vmem_shared>> -> memref<128x128xf32, #tpu.memory_space<vmem_shared>>
        %dma_start3A_109 = arith.constant 0 : i32
        %dma_start3A_110 = tpu.memref_slice %arg9[%add3A_69, %dma_start3A_109] : memref<10240x128xf32, #tpu.memory_space<vmem_shared>> -> memref<128x128xf32, #tpu.memory_space<vmem_shared>>
        tpu.enqueue_dma source(%arg8 : memref<128x128xf32, #tpu.memory_space<vmem>>) target(%dma_start3A_110 : memref<128x128xf32, #tpu.memory_space<vmem_shared>>) target_semaphore(%run_scoped3A_106 : memref<!tpu.dma_semaphore, #tpu.memory_space<semaphore_mem>>)
        %dma_wait3A_111 = arith.constant 0 : i32
        %dma_wait3A_112 = tpu.memref_slice %arg9[%add3A_69, %dma_wait3A_111] : memref<10240x128xf32, #tpu.memory_space<vmem_shared>> -> memref<128x128xf32, #tpu.memory_space<vmem_shared>>
        %dma_wait3A_113 = arith.constant 0 : i32
        %dma_wait3A_114 = tpu.memref_slice %arg9[%add3A_69, %dma_wait3A_113] : memref<10240x128xf32, #tpu.memory_space<vmem_shared>> -> memref<128x128xf32, #tpu.memory_space<vmem_shared>>
        tpu.wait_dma2 semaphore(%run_scoped3A_106 : memref<!tpu.dma_semaphore, #tpu.memory_space<semaphore_mem>>) src(%arg8 : memref<128x128xf32, #tpu.memory_space<vmem>>) dst(%dma_wait3A_114 : memref<128x128xf32, #tpu.memory_space<vmem_shared>>)
        tpu.yield
      }) : () -> ()
      %dma_wait3A = arith.constant 1 : i32
      %dma_wait3A_70 = arith.constant 0 : i32
      %dma_wait3A_71 = arith.constant 0 : i32
      %dma_wait3A_72 = arith.constant 1 : i32
      %dma_wait3A_73 = arith.constant 0 : i32
      %dma_wait3A_74 = arith.constant 0 : i32
      %dma_wait3A_75 = tpu.memref_slice %arg6[%dma_wait3A_71, %dma_wait3A_72, %dma_wait3A_73, %dma_wait3A_74] : memref<2x2x8x128xi32, #tpu.memory_space<vmem>> -> memref<1x1x8x128xi32, #tpu.memory_space<vmem>>
      %dma_wait3A_76 = tpu.memref_squeeze %dma_wait3A_75 : memref<1x1x8x128xi32, #tpu.memory_space<vmem>> -> memref<8x128xi32, #tpu.memory_space<vmem>>
      %dma_wait3A_77 = arith.constant 0 : i32
      %dma_wait3A_78 = arith.constant 0 : i32
      %dma_wait3A_79 = tpu.memref_slice %arg3[%dma_wait3A, %arg1, %dma_wait3A_70, %dma_wait3A_77, %dma_wait3A_78] : memref<2x16x10x8x128xi32, #tpu.memory_space<hbm>> -> memref<1x1x1x8x128xi32, #tpu.memory_space<hbm>>
      %dma_wait3A_80 = tpu.memref_squeeze %dma_wait3A_79 : memref<1x1x1x8x128xi32, #tpu.memory_space<hbm>> -> memref<8x128xi32, #tpu.memory_space<hbm>>
      %dma_wait3A_81 = arith.constant 0 : i32
      %dma_wait3A_82 = arith.constant 0 : i32
      %dma_wait3A_83 = tpu.memref_slice %arg6[%dma_wait3A_71, %dma_wait3A_72, %dma_wait3A_81, %dma_wait3A_82] : memref<2x2x8x128xi32, #tpu.memory_space<vmem>> -> memref<1x1x8x128xi32, #tpu.memory_space<vmem>>
      %dma_wait3A_84 = tpu.memref_squeeze %dma_wait3A_83 : memref<1x1x8x128xi32, #tpu.memory_space<vmem>> -> memref<8x128xi32, #tpu.memory_space<vmem>>
      %dma_wait3A_85 = arith.constant 0 : i32
      %dma_wait3A_86 = arith.constant 0 : i32
      %dma_wait3A_87 = tpu.memref_slice %arg3[%dma_wait3A, %arg1, %dma_wait3A_70, %dma_wait3A_85, %dma_wait3A_86] : memref<2x16x10x8x128xi32, #tpu.memory_space<hbm>> -> memref<1x1x1x8x128xi32, #tpu.memory_space<hbm>>
      %dma_wait3A_88 = tpu.memref_squeeze %dma_wait3A_87 : memref<1x1x1x8x128xi32, #tpu.memory_space<hbm>> -> memref<8x128xi32, #tpu.memory_space<hbm>>
      tpu.wait_dma2 semaphore(%arg12 : memref<!tpu.dma_semaphore, #tpu.memory_space<semaphore_mem>>) src(%dma_wait3A_88 : memref<8x128xi32, #tpu.memory_space<hbm>>) dst(%dma_wait3A_84 : memref<8x128xi32, #tpu.memory_space<vmem>>)
      %barrier3A_89 = arith.constant 0 : index
      tpu.barrier barrier_id(%barrier3A_89)
      %scan3A_90 = arith.constant 0 : i32
      %scan3A_91 = arith.constant 0 : i32
      %scan3A_92 = arith.constant 0 : i32
      %scan3A_93 = arith.constant 10 : i32
      %scan3A_94 = arith.addi %scan3A_92, %scan3A_93 : i32
      %scan3A_95 = arith.constant 1 : i32
      scf.for %scan3A_106 = %scan3A_92 to %scan3A_94 step %scan3A_95  : i32 {
        %rem3A = arith.constant 2 : i32
        %rem3A_107 = arith.remsi %scan3A_106, %rem3A : i32
        %sub3A = arith.constant 1 : i32
        %sub3A_108 = arith.subi %sub3A, %rem3A_107 : i32
        %lt3A = arith.constant 9 : i32
        %lt3A_109 = arith.cmpi slt, %scan3A_106, %lt3A : i32
        %convert_element_type3A_110 = arith.extui %lt3A_109 : i1 to i32
        %cond3A_111 = arith.constant 0 : i32
        %cond3A_112 = arith.cmpi ne, %convert_element_type3A_110, %cond3A_111 : i32
        scf.if %cond3A_112 {
          %add3A_429 = arith.constant 1 : i32
          %add3A_430 = arith.addi %scan3A_106, %add3A_429 : i32
          %dma_start3A_431 = arith.constant 0 : i32
          %dma_start3A_432 = arith.constant 0 : i32
          %dma_start3A_433 = arith.constant 0 : i32
          %dma_start3A_434 = arith.constant 0 : i32
          %dma_start3A_435 = tpu.memref_slice %arg6[%sub3A_108, %dma_start3A_432, %dma_start3A_433, %dma_start3A_434] : memref<2x2x8x128xi32, #tpu.memory_space<vmem>> -> memref<1x1x8x128xi32, #tpu.memory_space<vmem>>
          %dma_start3A_436 = tpu.memref_squeeze %dma_start3A_435 : memref<1x1x8x128xi32, #tpu.memory_space<vmem>> -> memref<8x128xi32, #tpu.memory_space<vmem>>
          %dma_start3A_437 = arith.constant 0 : i32
          %dma_start3A_438 = arith.constant 0 : i32
          %dma_start3A_439 = tpu.memref_slice %arg3[%dma_start3A_431, %arg1, %add3A_430, %dma_start3A_437, %dma_start3A_438] : memref<2x16x10x8x128xi32, #tpu.memory_space<hbm>> -> memref<1x1x1x8x128xi32, #tpu.memory_space<hbm>>
          %dma_start3A_440 = tpu.memref_squeeze %dma_start3A_439 : memref<1x1x1x8x128xi32, #tpu.memory_space<hbm>> -> memref<8x128xi32, #tpu.memory_space<hbm>>
          %dma_start3A_441 = arith.constant 0 : i32
          %dma_start3A_442 = arith.constant 0 : i32
          %dma_start3A_443 = tpu.memref_slice %arg6[%sub3A_108, %dma_start3A_432, %dma_start3A_441, %dma_start3A_442] : memref<2x2x8x128xi32, #tpu.memory_space<vmem>> -> memref<1x1x8x128xi32, #tpu.memory_space<vmem>>
          %dma_start3A_444 = tpu.memref_squeeze %dma_start3A_443 : memref<1x1x8x128xi32, #tpu.memory_space<vmem>> -> memref<8x128xi32, #tpu.memory_space<vmem>>
          %dma_start3A_445 = arith.constant 0 : i32
          %dma_start3A_446 = arith.constant 0 : i32
          %dma_start3A_447 = tpu.memref_slice %arg3[%dma_start3A_431, %arg1, %add3A_430, %dma_start3A_445, %dma_start3A_446] : memref<2x16x10x8x128xi32, #tpu.memory_space<hbm>> -> memref<1x1x1x8x128xi32, #tpu.memory_space<hbm>>
          %dma_start3A_448 = tpu.memref_squeeze %dma_start3A_447 : memref<1x1x1x8x128xi32, #tpu.memory_space<hbm>> -> memref<8x128xi32, #tpu.memory_space<hbm>>
          tpu.enqueue_dma source(%dma_start3A_448 : memref<8x128xi32, #tpu.memory_space<hbm>>) target(%dma_start3A_444 : memref<8x128xi32, #tpu.memory_space<vmem>>) target_semaphore(%arg12 : memref<!tpu.dma_semaphore, #tpu.memory_space<semaphore_mem>>)
          %add3A_449 = arith.constant 1 : i32
          %add3A_450 = arith.addi %scan3A_106, %add3A_449 : i32
          %dma_start3A_451 = arith.constant 1 : i32
          %dma_start3A_452 = arith.constant 1 : i32
          %dma_start3A_453 = arith.constant 0 : i32
          %dma_start3A_454 = arith.constant 0 : i32
          %dma_start3A_455 = tpu.memref_slice %arg6[%sub3A_108, %dma_start3A_452, %dma_start3A_453, %dma_start3A_454] : memref<2x2x8x128xi32, #tpu.memory_space<vmem>> -> memref<1x1x8x128xi32, #tpu.memory_space<vmem>>
          %dma_start3A_456 = tpu.memref_squeeze %dma_start3A_455 : memref<1x1x8x128xi32, #tpu.memory_space<vmem>> -> memref<8x128xi32, #tpu.memory_space<vmem>>
          %dma_start3A_457 = arith.constant 0 : i32
          %dma_start3A_458 = arith.constant 0 : i32
          %dma_start3A_459 = tpu.memref_slice %arg3[%dma_start3A_451, %arg1, %add3A_450, %dma_start3A_457, %dma_start3A_458] : memref<2x16x10x8x128xi32, #tpu.memory_space<hbm>> -> memref<1x1x1x8x128xi32, #tpu.memory_space<hbm>>
          %dma_start3A_460 = tpu.memref_squeeze %dma_start3A_459 : memref<1x1x1x8x128xi32, #tpu.memory_space<hbm>> -> memref<8x128xi32, #tpu.memory_space<hbm>>
          %dma_start3A_461 = arith.constant 0 : i32
          %dma_start3A_462 = arith.constant 0 : i32
          %dma_start3A_463 = tpu.memref_slice %arg6[%sub3A_108, %dma_start3A_452, %dma_start3A_461, %dma_start3A_462] : memref<2x2x8x128xi32, #tpu.memory_space<vmem>> -> memref<1x1x8x128xi32, #tpu.memory_space<vmem>>
          %dma_start3A_464 = tpu.memref_squeeze %dma_start3A_463 : memref<1x1x8x128xi32, #tpu.memory_space<vmem>> -> memref<8x128xi32, #tpu.memory_space<vmem>>
          %dma_start3A_465 = arith.constant 0 : i32
          %dma_start3A_466 = arith.constant 0 : i32
          %dma_start3A_467 = tpu.memref_slice %arg3[%dma_start3A_451, %arg1, %add3A_450, %dma_start3A_465, %dma_start3A_466] : memref<2x16x10x8x128xi32, #tpu.memory_space<hbm>> -> memref<1x1x1x8x128xi32, #tpu.memory_space<hbm>>
          %dma_start3A_468 = tpu.memref_squeeze %dma_start3A_467 : memref<1x1x1x8x128xi32, #tpu.memory_space<hbm>> -> memref<8x128xi32, #tpu.memory_space<hbm>>
          tpu.enqueue_dma source(%dma_start3A_468 : memref<8x128xi32, #tpu.memory_space<hbm>>) target(%dma_start3A_464 : memref<8x128xi32, #tpu.memory_space<vmem>>) target_semaphore(%arg12 : memref<!tpu.dma_semaphore, #tpu.memory_space<semaphore_mem>>)
        } else {
        }
        %gt3A = arith.constant 0 : i32
        %gt3A_113 = arith.cmpi sgt, %scan3A_106, %gt3A : i32
        %convert_element_type3A_114 = arith.extui %gt3A_113 : i1 to i32
        %cond3A_115 = arith.constant 0 : i32
        %cond3A_116 = arith.cmpi ne, %convert_element_type3A_114, %cond3A_115 : i32
        scf.if %cond3A_116 {
          %dma_wait3A_429 = arith.constant 0 : i32
          %dma_wait3A_430 = arith.constant 1 : i32
          %dma_wait3A_431 = arith.constant 0 : i32
          %dma_wait3A_432 = arith.constant 0 : i32
          %dma_wait3A_433 = tpu.memref_slice %arg6[%dma_wait3A_429, %dma_wait3A_430, %dma_wait3A_431, %dma_wait3A_432] : memref<2x2x8x128xi32, #tpu.memory_space<vmem>> -> memref<1x1x1x128xi32, #tpu.memory_space<vmem>>
          %dma_wait3A_434 = tpu.memref_squeeze %dma_wait3A_433 : memref<1x1x1x128xi32, #tpu.memory_space<vmem>> -> memref<128xi32, #tpu.memory_space<vmem>>
          %dma_wait3A_435 = arith.constant 0 : i32
          %dma_wait3A_436 = arith.constant 0 : i32
          %dma_wait3A_437 = tpu.memref_slice %arg9[%dma_wait3A_435, %dma_wait3A_436] : memref<10240x128xf32, #tpu.memory_space<vmem_shared>> -> memref<10240x128xf32, #tpu.memory_space<vmem_shared>>
          tpu.wait_indirect_dma semaphore(%arg13 : memref<!tpu.dma_semaphore, #tpu.memory_space<semaphore_mem>>) src(%arg7 : memref<128x128xf32, #tpu.memory_space<vmem>>) dst(%dma_wait3A_437 : memref<10240x128xf32, #tpu.memory_space<vmem_shared>>)
        } else {
        }
        %dma_start3A_117 = arith.constant 0 : i32
        %dma_start3A_118 = arith.constant 1 : i32
        %dma_start3A_119 = arith.constant 0 : i32
        %dma_start3A_120 = tpu.memref_slice %arg6[%rem3A_107, %dma_start3A_117, %dma_start3A_118, %dma_start3A_119] : memref<2x2x8x128xi32, #tpu.memory_space<vmem>> -> memref<1x1x1x128xi32, #tpu.memory_space<vmem>>
        %dma_start3A_121 = tpu.memref_squeeze %dma_start3A_120 : memref<1x1x1x128xi32, #tpu.memory_space<vmem>> -> memref<128xi32, #tpu.memory_space<vmem>>
        %dma_start3A_122 = arith.constant 0 : i32
        %dma_start3A_123 = arith.constant 0 : i32
        %dma_start3A_124 = tpu.memref_slice %arg2[%scan3A_91, %dma_start3A_122, %dma_start3A_123] : memref<2x10000x128xf32, #tpu.memory_space<hbm>> -> memref<1x10000x128xf32, #tpu.memory_space<hbm>>
        %dma_start3A_125 = tpu.memref_squeeze %dma_start3A_124 : memref<1x10000x128xf32, #tpu.memory_space<hbm>> -> memref<10000x128xf32, #tpu.memory_space<hbm>>
        %dma_start3A_126 = arith.constant 0 : i32
        %dma_start3A_127 = arith.constant 0 : i32
        %dma_start3A_128 = tpu.memref_slice %dma_start3A_125[%dma_start3A_126, %dma_start3A_127] : memref<10000x128xf32, #tpu.memory_space<hbm>> -> memref<10000x128xf32, #tpu.memory_space<hbm>>
        tpu.enqueue_indirect_dma source(%dma_start3A_128 : memref<10000x128xf32, #tpu.memory_space<hbm>>) target(%arg8 : memref<128x128xf32, #tpu.memory_space<vmem>>) offsets(%dma_start3A_121 : memref<128xi32, #tpu.memory_space<vmem>>) semaphore(%arg11 : memref<!tpu.dma_semaphore, #tpu.memory_space<semaphore_mem>>)
        %dma_wait3A_129 = arith.constant 0 : i32
        %dma_wait3A_130 = arith.constant 0 : i32
        %dma_wait3A_131 = arith.constant 0 : i32
        %dma_wait3A_132 = tpu.memref_slice %arg6[%rem3A_107, %dma_wait3A_129, %dma_wait3A_130, %dma_wait3A_131] : memref<2x2x8x128xi32, #tpu.memory_space<vmem>> -> memref<1x1x1x128xi32, #tpu.memory_space<vmem>>
        %dma_wait3A_133 = tpu.memref_squeeze %dma_wait3A_132 : memref<1x1x1x128xi32, #tpu.memory_space<vmem>> -> memref<128xi32, #tpu.memory_space<vmem>>
        %dma_wait3A_134 = arith.constant 0 : i32
        %dma_wait3A_135 = arith.constant 0 : i32
        %dma_wait3A_136 = tpu.memref_slice %arg2[%scan3A_91, %dma_wait3A_134, %dma_wait3A_135] : memref<2x10000x128xf32, #tpu.memory_space<hbm>> -> memref<1x10000x128xf32, #tpu.memory_space<hbm>>
        %dma_wait3A_137 = tpu.memref_squeeze %dma_wait3A_136 : memref<1x10000x128xf32, #tpu.memory_space<hbm>> -> memref<10000x128xf32, #tpu.memory_space<hbm>>
        %dma_wait3A_138 = arith.constant 0 : i32
        %dma_wait3A_139 = arith.constant 0 : i32
        %dma_wait3A_140 = tpu.memref_slice %dma_wait3A_137[%dma_wait3A_138, %dma_wait3A_139] : memref<10000x128xf32, #tpu.memory_space<hbm>> -> memref<10000x128xf32, #tpu.memory_space<hbm>>
        tpu.wait_indirect_dma semaphore(%arg10 : memref<!tpu.dma_semaphore, #tpu.memory_space<semaphore_mem>>) src(%dma_wait3A_140 : memref<10000x128xf32, #tpu.memory_space<hbm>>) dst(%arg7 : memref<128x128xf32, #tpu.memory_space<vmem>>)
        %dma_start3A_141 = arith.constant 1 : i32
        %dma_start3A_142 = arith.constant 0 : i32
        %dma_start3A_143 = arith.constant 0 : i32
        %dma_start3A_144 = tpu.memref_slice %arg6[%rem3A_107, %dma_start3A_141, %dma_start3A_142, %dma_start3A_143] : memref<2x2x8x128xi32, #tpu.memory_space<vmem>> -> memref<1x1x1x128xi32, #tpu.memory_space<vmem>>
        %dma_start3A_145 = tpu.memref_squeeze %dma_start3A_144 : memref<1x1x1x128xi32, #tpu.memory_space<vmem>> -> memref<128xi32, #tpu.memory_space<vmem>>
        %dma_start3A_146 = arith.constant 0 : i32
        %dma_start3A_147 = arith.constant 0 : i32
        %dma_start3A_148 = tpu.memref_slice %arg9[%dma_start3A_146, %dma_start3A_147] : memref<10240x128xf32, #tpu.memory_space<vmem_shared>> -> memref<10240x128xf32, #tpu.memory_space<vmem_shared>>
        tpu.enqueue_indirect_dma source(%arg7 : memref<128x128xf32, #tpu.memory_space<vmem>>) target(%dma_start3A_148 : memref<10240x128xf32, #tpu.memory_space<vmem_shared>>) offsets(%dma_start3A_145 : memref<128xi32, #tpu.memory_space<vmem>>) semaphore(%arg13 : memref<!tpu.dma_semaphore, #tpu.memory_space<semaphore_mem>>) {add = true}
        %dma_wait3A_149 = arith.constant 0 : i32
        %dma_wait3A_150 = arith.constant 1 : i32
        %dma_wait3A_151 = arith.constant 0 : i32
        %dma_wait3A_152 = arith.constant 0 : i32
        %dma_wait3A_153 = tpu.memref_slice %arg6[%dma_wait3A_149, %dma_wait3A_150, %dma_wait3A_151, %dma_wait3A_152] : memref<2x2x8x128xi32, #tpu.memory_space<vmem>> -> memref<1x1x1x128xi32, #tpu.memory_space<vmem>>
        %dma_wait3A_154 = tpu.memref_squeeze %dma_wait3A_153 : memref<1x1x1x128xi32, #tpu.memory_space<vmem>> -> memref<128xi32, #tpu.memory_space<vmem>>
        %dma_wait3A_155 = arith.constant 0 : i32
        %dma_wait3A_156 = arith.constant 0 : i32
        %dma_wait3A_157 = tpu.memref_slice %arg9[%dma_wait3A_155, %dma_wait3A_156] : memref<10240x128xf32, #tpu.memory_space<vmem_shared>> -> memref<10240x128xf32, #tpu.memory_space<vmem_shared>>
        tpu.wait_indirect_dma semaphore(%arg13 : memref<!tpu.dma_semaphore, #tpu.memory_space<semaphore_mem>>) src(%arg7 : memref<128x128xf32, #tpu.memory_space<vmem>>) dst(%dma_wait3A_157 : memref<10240x128xf32, #tpu.memory_space<vmem_shared>>)
        %dma_start3A_158 = arith.constant 0 : i32
        %dma_start3A_159 = arith.constant 2 : i32
        %dma_start3A_160 = arith.constant 0 : i32
        %dma_start3A_161 = tpu.memref_slice %arg6[%rem3A_107, %dma_start3A_158, %dma_start3A_159, %dma_start3A_160] : memref<2x2x8x128xi32, #tpu.memory_space<vmem>> -> memref<1x1x1x128xi32, #tpu.memory_space<vmem>>
        %dma_start3A_162 = tpu.memref_squeeze %dma_start3A_161 : memref<1x1x1x128xi32, #tpu.memory_space<vmem>> -> memref<128xi32, #tpu.memory_space<vmem>>
        %dma_start3A_163 = arith.constant 0 : i32
        %dma_start3A_164 = arith.constant 0 : i32
        %dma_start3A_165 = tpu.memref_slice %arg2[%scan3A_91, %dma_start3A_163, %dma_start3A_164] : memref<2x10000x128xf32, #tpu.memory_space<hbm>> -> memref<1x10000x128xf32, #tpu.memory_space<hbm>>
        %dma_start3A_166 = tpu.memref_squeeze %dma_start3A_165 : memref<1x10000x128xf32, #tpu.memory_space<hbm>> -> memref<10000x128xf32, #tpu.memory_space<hbm>>
        %dma_start3A_167 = arith.constant 0 : i32
        %dma_start3A_168 = arith.constant 0 : i32
        %dma_start3A_169 = tpu.memref_slice %dma_start3A_166[%dma_start3A_167, %dma_start3A_168] : memref<10000x128xf32, #tpu.memory_space<hbm>> -> memref<10000x128xf32, #tpu.memory_space<hbm>>
        tpu.enqueue_indirect_dma source(%dma_start3A_169 : memref<10000x128xf32, #tpu.memory_space<hbm>>) target(%arg7 : memref<128x128xf32, #tpu.memory_space<vmem>>) offsets(%dma_start3A_162 : memref<128xi32, #tpu.memory_space<vmem>>) semaphore(%arg10 : memref<!tpu.dma_semaphore, #tpu.memory_space<semaphore_mem>>)
        %dma_wait3A_170 = arith.constant 0 : i32
        %dma_wait3A_171 = arith.constant 1 : i32
        %dma_wait3A_172 = arith.constant 0 : i32
        %dma_wait3A_173 = tpu.memref_slice %arg6[%rem3A_107, %dma_wait3A_170, %dma_wait3A_171, %dma_wait3A_172] : memref<2x2x8x128xi32, #tpu.memory_space<vmem>> -> memref<1x1x1x128xi32, #tpu.memory_space<vmem>>
        %dma_wait3A_174 = tpu.memref_squeeze %dma_wait3A_173 : memref<1x1x1x128xi32, #tpu.memory_space<vmem>> -> memref<128xi32, #tpu.memory_space<vmem>>
        %dma_wait3A_175 = arith.constant 0 : i32
        %dma_wait3A_176 = arith.constant 0 : i32
        %dma_wait3A_177 = tpu.memref_slice %arg2[%scan3A_91, %dma_wait3A_175, %dma_wait3A_176] : memref<2x10000x128xf32, #tpu.memory_space<hbm>> -> memref<1x10000x128xf32, #tpu.memory_space<hbm>>
        %dma_wait3A_178 = tpu.memref_squeeze %dma_wait3A_177 : memref<1x10000x128xf32, #tpu.memory_space<hbm>> -> memref<10000x128xf32, #tpu.memory_space<hbm>>
        %dma_wait3A_179 = arith.constant 0 : i32
        %dma_wait3A_180 = arith.constant 0 : i32
        %dma_wait3A_181 = tpu.memref_slice %dma_wait3A_178[%dma_wait3A_179, %dma_wait3A_180] : memref<10000x128xf32, #tpu.memory_space<hbm>> -> memref<10000x128xf32, #tpu.memory_space<hbm>>
        tpu.wait_indirect_dma semaphore(%arg11 : memref<!tpu.dma_semaphore, #tpu.memory_space<semaphore_mem>>) src(%dma_wait3A_181 : memref<10000x128xf32, #tpu.memory_space<hbm>>) dst(%arg8 : memref<128x128xf32, #tpu.memory_space<vmem>>)
        %dma_start3A_182 = arith.constant 1 : i32
        %dma_start3A_183 = arith.constant 1 : i32
        %dma_start3A_184 = arith.constant 0 : i32
        %dma_start3A_185 = tpu.memref_slice %arg6[%rem3A_107, %dma_start3A_182, %dma_start3A_183, %dma_start3A_184] : memref<2x2x8x128xi32, #tpu.memory_space<vmem>> -> memref<1x1x1x128xi32, #tpu.memory_space<vmem>>
        %dma_start3A_186 = tpu.memref_squeeze %dma_start3A_185 : memref<1x1x1x128xi32, #tpu.memory_space<vmem>> -> memref<128xi32, #tpu.memory_space<vmem>>
        %dma_start3A_187 = arith.constant 0 : i32
        %dma_start3A_188 = arith.constant 0 : i32
        %dma_start3A_189 = tpu.memref_slice %arg9[%dma_start3A_187, %dma_start3A_188] : memref<10240x128xf32, #tpu.memory_space<vmem_shared>> -> memref<10240x128xf32, #tpu.memory_space<vmem_shared>>
        tpu.enqueue_indirect_dma source(%arg8 : memref<128x128xf32, #tpu.memory_space<vmem>>) target(%dma_start3A_189 : memref<10240x128xf32, #tpu.memory_space<vmem_shared>>) offsets(%dma_start3A_186 : memref<128xi32, #tpu.memory_space<vmem>>) semaphore(%arg13 : memref<!tpu.dma_semaphore, #tpu.memory_space<semaphore_mem>>) {add = true}
        %dma_wait3A_190 = arith.constant 0 : i32
        %dma_wait3A_191 = arith.constant 1 : i32
        %dma_wait3A_192 = arith.constant 0 : i32
        %dma_wait3A_193 = arith.constant 0 : i32
        %dma_wait3A_194 = tpu.memref_slice %arg6[%dma_wait3A_190, %dma_wait3A_191, %dma_wait3A_192, %dma_wait3A_193] : memref<2x2x8x128xi32, #tpu.memory_space<vmem>> -> memref<1x1x1x128xi32, #tpu.memory_space<vmem>>
        %dma_wait3A_195 = tpu.memref_squeeze %dma_wait3A_194 : memref<1x1x1x128xi32, #tpu.memory_space<vmem>> -> memref<128xi32, #tpu.memory_space<vmem>>
        %dma_wait3A_196 = arith.constant 0 : i32
        %dma_wait3A_197 = arith.constant 0 : i32
        %dma_wait3A_198 = tpu.memref_slice %arg9[%dma_wait3A_196, %dma_wait3A_197] : memref<10240x128xf32, #tpu.memory_space<vmem_shared>> -> memref<10240x128xf32, #tpu.memory_space<vmem_shared>>
        tpu.wait_indirect_dma semaphore(%arg13 : memref<!tpu.dma_semaphore, #tpu.memory_space<semaphore_mem>>) src(%arg7 : memref<128x128xf32, #tpu.memory_space<vmem>>) dst(%dma_wait3A_198 : memref<10240x128xf32, #tpu.memory_space<vmem_shared>>)
        %dma_start3A_199 = arith.constant 0 : i32
        %dma_start3A_200 = arith.constant 3 : i32
        %dma_start3A_201 = arith.constant 0 : i32
        %dma_start3A_202 = tpu.memref_slice %arg6[%rem3A_107, %dma_start3A_199, %dma_start3A_200, %dma_start3A_201] : memref<2x2x8x128xi32, #tpu.memory_space<vmem>> -> memref<1x1x1x128xi32, #tpu.memory_space<vmem>>
        %dma_start3A_203 = tpu.memref_squeeze %dma_start3A_202 : memref<1x1x1x128xi32, #tpu.memory_space<vmem>> -> memref<128xi32, #tpu.memory_space<vmem>>
        %dma_start3A_204 = arith.constant 0 : i32
        %dma_start3A_205 = arith.constant 0 : i32
        %dma_start3A_206 = tpu.memref_slice %arg2[%scan3A_91, %dma_start3A_204, %dma_start3A_205] : memref<2x10000x128xf32, #tpu.memory_space<hbm>> -> memref<1x10000x128xf32, #tpu.memory_space<hbm>>
        %dma_start3A_207 = tpu.memref_squeeze %dma_start3A_206 : memref<1x10000x128xf32, #tpu.memory_space<hbm>> -> memref<10000x128xf32, #tpu.memory_space<hbm>>
        %dma_start3A_208 = arith.constant 0 : i32
        %dma_start3A_209 = arith.constant 0 : i32
        %dma_start3A_210 = tpu.memref_slice %dma_start3A_207[%dma_start3A_208, %dma_start3A_209] : memref<10000x128xf32, #tpu.memory_space<hbm>> -> memref<10000x128xf32, #tpu.memory_space<hbm>>
        tpu.enqueue_indirect_dma source(%dma_start3A_210 : memref<10000x128xf32, #tpu.memory_space<hbm>>) target(%arg8 : memref<128x128xf32, #tpu.memory_space<vmem>>) offsets(%dma_start3A_203 : memref<128xi32, #tpu.memory_space<vmem>>) semaphore(%arg11 : memref<!tpu.dma_semaphore, #tpu.memory_space<semaphore_mem>>)
        %dma_wait3A_211 = arith.constant 0 : i32
        %dma_wait3A_212 = arith.constant 2 : i32
        %dma_wait3A_213 = arith.constant 0 : i32
        %dma_wait3A_214 = tpu.memref_slice %arg6[%rem3A_107, %dma_wait3A_211, %dma_wait3A_212, %dma_wait3A_213] : memref<2x2x8x128xi32, #tpu.memory_space<vmem>> -> memref<1x1x1x128xi32, #tpu.memory_space<vmem>>
        %dma_wait3A_215 = tpu.memref_squeeze %dma_wait3A_214 : memref<1x1x1x128xi32, #tpu.memory_space<vmem>> -> memref<128xi32, #tpu.memory_space<vmem>>
        %dma_wait3A_216 = arith.constant 0 : i32
        %dma_wait3A_217 = arith.constant 0 : i32
        %dma_wait3A_218 = tpu.memref_slice %arg2[%scan3A_91, %dma_wait3A_216, %dma_wait3A_217] : memref<2x10000x128xf32, #tpu.memory_space<hbm>> -> memref<1x10000x128xf32, #tpu.memory_space<hbm>>
        %dma_wait3A_219 = tpu.memref_squeeze %dma_wait3A_218 : memref<1x10000x128xf32, #tpu.memory_space<hbm>> -> memref<10000x128xf32, #tpu.memory_space<hbm>>
        %dma_wait3A_220 = arith.constant 0 : i32
        %dma_wait3A_221 = arith.constant 0 : i32
        %dma_wait3A_222 = tpu.memref_slice %dma_wait3A_219[%dma_wait3A_220, %dma_wait3A_221] : memref<10000x128xf32, #tpu.memory_space<hbm>> -> memref<10000x128xf32, #tpu.memory_space<hbm>>
        tpu.wait_indirect_dma semaphore(%arg10 : memref<!tpu.dma_semaphore, #tpu.memory_space<semaphore_mem>>) src(%dma_wait3A_222 : memref<10000x128xf32, #tpu.memory_space<hbm>>) dst(%arg7 : memref<128x128xf32, #tpu.memory_space<vmem>>)
        %dma_start3A_223 = arith.constant 1 : i32
        %dma_start3A_224 = arith.constant 2 : i32
        %dma_start3A_225 = arith.constant 0 : i32
        %dma_start3A_226 = tpu.memref_slice %arg6[%rem3A_107, %dma_start3A_223, %dma_start3A_224, %dma_start3A_225] : memref<2x2x8x128xi32, #tpu.memory_space<vmem>> -> memref<1x1x1x128xi32, #tpu.memory_space<vmem>>
        %dma_start3A_227 = tpu.memref_squeeze %dma_start3A_226 : memref<1x1x1x128xi32, #tpu.memory_space<vmem>> -> memref<128xi32, #tpu.memory_space<vmem>>
        %dma_start3A_228 = arith.constant 0 : i32
        %dma_start3A_229 = arith.constant 0 : i32
        %dma_start3A_230 = tpu.memref_slice %arg9[%dma_start3A_228, %dma_start3A_229] : memref<10240x128xf32, #tpu.memory_space<vmem_shared>> -> memref<10240x128xf32, #tpu.memory_space<vmem_shared>>
        tpu.enqueue_indirect_dma source(%arg7 : memref<128x128xf32, #tpu.memory_space<vmem>>) target(%dma_start3A_230 : memref<10240x128xf32, #tpu.memory_space<vmem_shared>>) offsets(%dma_start3A_227 : memref<128xi32, #tpu.memory_space<vmem>>) semaphore(%arg13 : memref<!tpu.dma_semaphore, #tpu.memory_space<semaphore_mem>>) {add = true}
        %dma_wait3A_231 = arith.constant 0 : i32
        %dma_wait3A_232 = arith.constant 1 : i32
        %dma_wait3A_233 = arith.constant 0 : i32
        %dma_wait3A_234 = arith.constant 0 : i32
        %dma_wait3A_235 = tpu.memref_slice %arg6[%dma_wait3A_231, %dma_wait3A_232, %dma_wait3A_233, %dma_wait3A_234] : memref<2x2x8x128xi32, #tpu.memory_space<vmem>> -> memref<1x1x1x128xi32, #tpu.memory_space<vmem>>
        %dma_wait3A_236 = tpu.memref_squeeze %dma_wait3A_235 : memref<1x1x1x128xi32, #tpu.memory_space<vmem>> -> memref<128xi32, #tpu.memory_space<vmem>>
        %dma_wait3A_237 = arith.constant 0 : i32
        %dma_wait3A_238 = arith.constant 0 : i32
        %dma_wait3A_239 = tpu.memref_slice %arg9[%dma_wait3A_237, %dma_wait3A_238] : memref<10240x128xf32, #tpu.memory_space<vmem_shared>> -> memref<10240x128xf32, #tpu.memory_space<vmem_shared>>
        tpu.wait_indirect_dma semaphore(%arg13 : memref<!tpu.dma_semaphore, #tpu.memory_space<semaphore_mem>>) src(%arg7 : memref<128x128xf32, #tpu.memory_space<vmem>>) dst(%dma_wait3A_239 : memref<10240x128xf32, #tpu.memory_space<vmem_shared>>)
        %dma_start3A_240 = arith.constant 0 : i32
        %dma_start3A_241 = arith.constant 4 : i32
        %dma_start3A_242 = arith.constant 0 : i32
        %dma_start3A_243 = tpu.memref_slice %arg6[%rem3A_107, %dma_start3A_240, %dma_start3A_241, %dma_start3A_242] : memref<2x2x8x128xi32, #tpu.memory_space<vmem>> -> memref<1x1x1x128xi32, #tpu.memory_space<vmem>>
        %dma_start3A_244 = tpu.memref_squeeze %dma_start3A_243 : memref<1x1x1x128xi32, #tpu.memory_space<vmem>> -> memref<128xi32, #tpu.memory_space<vmem>>
        %dma_start3A_245 = arith.constant 0 : i32
        %dma_start3A_246 = arith.constant 0 : i32
        %dma_start3A_247 = tpu.memref_slice %arg2[%scan3A_91, %dma_start3A_245, %dma_start3A_246] : memref<2x10000x128xf32, #tpu.memory_space<hbm>> -> memref<1x10000x128xf32, #tpu.memory_space<hbm>>
        %dma_start3A_248 = tpu.memref_squeeze %dma_start3A_247 : memref<1x10000x128xf32, #tpu.memory_space<hbm>> -> memref<10000x128xf32, #tpu.memory_space<hbm>>
        %dma_start3A_249 = arith.constant 0 : i32
        %dma_start3A_250 = arith.constant 0 : i32
        %dma_start3A_251 = tpu.memref_slice %dma_start3A_248[%dma_start3A_249, %dma_start3A_250] : memref<10000x128xf32, #tpu.memory_space<hbm>> -> memref<10000x128xf32, #tpu.memory_space<hbm>>
        tpu.enqueue_indirect_dma source(%dma_start3A_251 : memref<10000x128xf32, #tpu.memory_space<hbm>>) target(%arg7 : memref<128x128xf32, #tpu.memory_space<vmem>>) offsets(%dma_start3A_244 : memref<128xi32, #tpu.memory_space<vmem>>) semaphore(%arg10 : memref<!tpu.dma_semaphore, #tpu.memory_space<semaphore_mem>>)
        %dma_wait3A_252 = arith.constant 0 : i32
        %dma_wait3A_253 = arith.constant 3 : i32
        %dma_wait3A_254 = arith.constant 0 : i32
        %dma_wait3A_255 = tpu.memref_slice %arg6[%rem3A_107, %dma_wait3A_252, %dma_wait3A_253, %dma_wait3A_254] : memref<2x2x8x128xi32, #tpu.memory_space<vmem>> -> memref<1x1x1x128xi32, #tpu.memory_space<vmem>>
        %dma_wait3A_256 = tpu.memref_squeeze %dma_wait3A_255 : memref<1x1x1x128xi32, #tpu.memory_space<vmem>> -> memref<128xi32, #tpu.memory_space<vmem>>
        %dma_wait3A_257 = arith.constant 0 : i32
        %dma_wait3A_258 = arith.constant 0 : i32
        %dma_wait3A_259 = tpu.memref_slice %arg2[%scan3A_91, %dma_wait3A_257, %dma_wait3A_258] : memref<2x10000x128xf32, #tpu.memory_space<hbm>> -> memref<1x10000x128xf32, #tpu.memory_space<hbm>>
        %dma_wait3A_260 = tpu.memref_squeeze %dma_wait3A_259 : memref<1x10000x128xf32, #tpu.memory_space<hbm>> -> memref<10000x128xf32, #tpu.memory_space<hbm>>
        %dma_wait3A_261 = arith.constant 0 : i32
        %dma_wait3A_262 = arith.constant 0 : i32
        %dma_wait3A_263 = tpu.memref_slice %dma_wait3A_260[%dma_wait3A_261, %dma_wait3A_262] : memref<10000x128xf32, #tpu.memory_space<hbm>> -> memref<10000x128xf32, #tpu.memory_space<hbm>>
        tpu.wait_indirect_dma semaphore(%arg11 : memref<!tpu.dma_semaphore, #tpu.memory_space<semaphore_mem>>) src(%dma_wait3A_263 : memref<10000x128xf32, #tpu.memory_space<hbm>>) dst(%arg8 : memref<128x128xf32, #tpu.memory_space<vmem>>)
        %dma_start3A_264 = arith.constant 1 : i32
        %dma_start3A_265 = arith.constant 3 : i32
        %dma_start3A_266 = arith.constant 0 : i32
        %dma_start3A_267 = tpu.memref_slice %arg6[%rem3A_107, %dma_start3A_264, %dma_start3A_265, %dma_start3A_266] : memref<2x2x8x128xi32, #tpu.memory_space<vmem>> -> memref<1x1x1x128xi32, #tpu.memory_space<vmem>>
        %dma_start3A_268 = tpu.memref_squeeze %dma_start3A_267 : memref<1x1x1x128xi32, #tpu.memory_space<vmem>> -> memref<128xi32, #tpu.memory_space<vmem>>
        %dma_start3A_269 = arith.constant 0 : i32
        %dma_start3A_270 = arith.constant 0 : i32
        %dma_start3A_271 = tpu.memref_slice %arg9[%dma_start3A_269, %dma_start3A_270] : memref<10240x128xf32, #tpu.memory_space<vmem_shared>> -> memref<10240x128xf32, #tpu.memory_space<vmem_shared>>
        tpu.enqueue_indirect_dma source(%arg8 : memref<128x128xf32, #tpu.memory_space<vmem>>) target(%dma_start3A_271 : memref<10240x128xf32, #tpu.memory_space<vmem_shared>>) offsets(%dma_start3A_268 : memref<128xi32, #tpu.memory_space<vmem>>) semaphore(%arg13 : memref<!tpu.dma_semaphore, #tpu.memory_space<semaphore_mem>>) {add = true}
        %dma_wait3A_272 = arith.constant 0 : i32
        %dma_wait3A_273 = arith.constant 1 : i32
        %dma_wait3A_274 = arith.constant 0 : i32
        %dma_wait3A_275 = arith.constant 0 : i32
        %dma_wait3A_276 = tpu.memref_slice %arg6[%dma_wait3A_272, %dma_wait3A_273, %dma_wait3A_274, %dma_wait3A_275] : memref<2x2x8x128xi32, #tpu.memory_space<vmem>> -> memref<1x1x1x128xi32, #tpu.memory_space<vmem>>
        %dma_wait3A_277 = tpu.memref_squeeze %dma_wait3A_276 : memref<1x1x1x128xi32, #tpu.memory_space<vmem>> -> memref<128xi32, #tpu.memory_space<vmem>>
        %dma_wait3A_278 = arith.constant 0 : i32
        %dma_wait3A_279 = arith.constant 0 : i32
        %dma_wait3A_280 = tpu.memref_slice %arg9[%dma_wait3A_278, %dma_wait3A_279] : memref<10240x128xf32, #tpu.memory_space<vmem_shared>> -> memref<10240x128xf32, #tpu.memory_space<vmem_shared>>
        tpu.wait_indirect_dma semaphore(%arg13 : memref<!tpu.dma_semaphore, #tpu.memory_space<semaphore_mem>>) src(%arg7 : memref<128x128xf32, #tpu.memory_space<vmem>>) dst(%dma_wait3A_280 : memref<10240x128xf32, #tpu.memory_space<vmem_shared>>)
        %dma_start3A_281 = arith.constant 0 : i32
        %dma_start3A_282 = arith.constant 5 : i32
        %dma_start3A_283 = arith.constant 0 : i32
        %dma_start3A_284 = tpu.memref_slice %arg6[%rem3A_107, %dma_start3A_281, %dma_start3A_282, %dma_start3A_283] : memref<2x2x8x128xi32, #tpu.memory_space<vmem>> -> memref<1x1x1x128xi32, #tpu.memory_space<vmem>>
        %dma_start3A_285 = tpu.memref_squeeze %dma_start3A_284 : memref<1x1x1x128xi32, #tpu.memory_space<vmem>> -> memref<128xi32, #tpu.memory_space<vmem>>
        %dma_start3A_286 = arith.constant 0 : i32
        %dma_start3A_287 = arith.constant 0 : i32
        %dma_start3A_288 = tpu.memref_slice %arg2[%scan3A_91, %dma_start3A_286, %dma_start3A_287] : memref<2x10000x128xf32, #tpu.memory_space<hbm>> -> memref<1x10000x128xf32, #tpu.memory_space<hbm>>
        %dma_start3A_289 = tpu.memref_squeeze %dma_start3A_288 : memref<1x10000x128xf32, #tpu.memory_space<hbm>> -> memref<10000x128xf32, #tpu.memory_space<hbm>>
        %dma_start3A_290 = arith.constant 0 : i32
        %dma_start3A_291 = arith.constant 0 : i32
        %dma_start3A_292 = tpu.memref_slice %dma_start3A_289[%dma_start3A_290, %dma_start3A_291] : memref<10000x128xf32, #tpu.memory_space<hbm>> -> memref<10000x128xf32, #tpu.memory_space<hbm>>
        tpu.enqueue_indirect_dma source(%dma_start3A_292 : memref<10000x128xf32, #tpu.memory_space<hbm>>) target(%arg8 : memref<128x128xf32, #tpu.memory_space<vmem>>) offsets(%dma_start3A_285 : memref<128xi32, #tpu.memory_space<vmem>>) semaphore(%arg11 : memref<!tpu.dma_semaphore, #tpu.memory_space<semaphore_mem>>)
        %dma_wait3A_293 = arith.constant 0 : i32
        %dma_wait3A_294 = arith.constant 4 : i32
        %dma_wait3A_295 = arith.constant 0 : i32
        %dma_wait3A_296 = tpu.memref_slice %arg6[%rem3A_107, %dma_wait3A_293, %dma_wait3A_294, %dma_wait3A_295] : memref<2x2x8x128xi32, #tpu.memory_space<vmem>> -> memref<1x1x1x128xi32, #tpu.memory_space<vmem>>
        %dma_wait3A_297 = tpu.memref_squeeze %dma_wait3A_296 : memref<1x1x1x128xi32, #tpu.memory_space<vmem>> -> memref<128xi32, #tpu.memory_space<vmem>>
        %dma_wait3A_298 = arith.constant 0 : i32
        %dma_wait3A_299 = arith.constant 0 : i32
        %dma_wait3A_300 = tpu.memref_slice %arg2[%scan3A_91, %dma_wait3A_298, %dma_wait3A_299] : memref<2x10000x128xf32, #tpu.memory_space<hbm>> -> memref<1x10000x128xf32, #tpu.memory_space<hbm>>
        %dma_wait3A_301 = tpu.memref_squeeze %dma_wait3A_300 : memref<1x10000x128xf32, #tpu.memory_space<hbm>> -> memref<10000x128xf32, #tpu.memory_space<hbm>>
        %dma_wait3A_302 = arith.constant 0 : i32
        %dma_wait3A_303 = arith.constant 0 : i32
        %dma_wait3A_304 = tpu.memref_slice %dma_wait3A_301[%dma_wait3A_302, %dma_wait3A_303] : memref<10000x128xf32, #tpu.memory_space<hbm>> -> memref<10000x128xf32, #tpu.memory_space<hbm>>
        tpu.wait_indirect_dma semaphore(%arg10 : memref<!tpu.dma_semaphore, #tpu.memory_space<semaphore_mem>>) src(%dma_wait3A_304 : memref<10000x128xf32, #tpu.memory_space<hbm>>) dst(%arg7 : memref<128x128xf32, #tpu.memory_space<vmem>>)
        %dma_start3A_305 = arith.constant 1 : i32
        %dma_start3A_306 = arith.constant 4 : i32
        %dma_start3A_307 = arith.constant 0 : i32
        %dma_start3A_308 = tpu.memref_slice %arg6[%rem3A_107, %dma_start3A_305, %dma_start3A_306, %dma_start3A_307] : memref<2x2x8x128xi32, #tpu.memory_space<vmem>> -> memref<1x1x1x128xi32, #tpu.memory_space<vmem>>
        %dma_start3A_309 = tpu.memref_squeeze %dma_start3A_308 : memref<1x1x1x128xi32, #tpu.memory_space<vmem>> -> memref<128xi32, #tpu.memory_space<vmem>>
        %dma_start3A_310 = arith.constant 0 : i32
        %dma_start3A_311 = arith.constant 0 : i32
        %dma_start3A_312 = tpu.memref_slice %arg9[%dma_start3A_310, %dma_start3A_311] : memref<10240x128xf32, #tpu.memory_space<vmem_shared>> -> memref<10240x128xf32, #tpu.memory_space<vmem_shared>>
        tpu.enqueue_indirect_dma source(%arg7 : memref<128x128xf32, #tpu.memory_space<vmem>>) target(%dma_start3A_312 : memref<10240x128xf32, #tpu.memory_space<vmem_shared>>) offsets(%dma_start3A_309 : memref<128xi32, #tpu.memory_space<vmem>>) semaphore(%arg13 : memref<!tpu.dma_semaphore, #tpu.memory_space<semaphore_mem>>) {add = true}
        %dma_wait3A_313 = arith.constant 0 : i32
        %dma_wait3A_314 = arith.constant 1 : i32
        %dma_wait3A_315 = arith.constant 0 : i32
        %dma_wait3A_316 = arith.constant 0 : i32
        %dma_wait3A_317 = tpu.memref_slice %arg6[%dma_wait3A_313, %dma_wait3A_314, %dma_wait3A_315, %dma_wait3A_316] : memref<2x2x8x128xi32, #tpu.memory_space<vmem>> -> memref<1x1x1x128xi32, #tpu.memory_space<vmem>>
        %dma_wait3A_318 = tpu.memref_squeeze %dma_wait3A_317 : memref<1x1x1x128xi32, #tpu.memory_space<vmem>> -> memref<128xi32, #tpu.memory_space<vmem>>
        %dma_wait3A_319 = arith.constant 0 : i32
        %dma_wait3A_320 = arith.constant 0 : i32
        %dma_wait3A_321 = tpu.memref_slice %arg9[%dma_wait3A_319, %dma_wait3A_320] : memref<10240x128xf32, #tpu.memory_space<vmem_shared>> -> memref<10240x128xf32, #tpu.memory_space<vmem_shared>>
        tpu.wait_indirect_dma semaphore(%arg13 : memref<!tpu.dma_semaphore, #tpu.memory_space<semaphore_mem>>) src(%arg7 : memref<128x128xf32, #tpu.memory_space<vmem>>) dst(%dma_wait3A_321 : memref<10240x128xf32, #tpu.memory_space<vmem_shared>>)
        %dma_start3A_322 = arith.constant 0 : i32
        %dma_start3A_323 = arith.constant 6 : i32
        %dma_start3A_324 = arith.constant 0 : i32
        %dma_start3A_325 = tpu.memref_slice %arg6[%rem3A_107, %dma_start3A_322, %dma_start3A_323, %dma_start3A_324] : memref<2x2x8x128xi32, #tpu.memory_space<vmem>> -> memref<1x1x1x128xi32, #tpu.memory_space<vmem>>
        %dma_start3A_326 = tpu.memref_squeeze %dma_start3A_325 : memref<1x1x1x128xi32, #tpu.memory_space<vmem>> -> memref<128xi32, #tpu.memory_space<vmem>>
        %dma_start3A_327 = arith.constant 0 : i32
        %dma_start3A_328 = arith.constant 0 : i32
        %dma_start3A_329 = tpu.memref_slice %arg2[%scan3A_91, %dma_start3A_327, %dma_start3A_328] : memref<2x10000x128xf32, #tpu.memory_space<hbm>> -> memref<1x10000x128xf32, #tpu.memory_space<hbm>>
        %dma_start3A_330 = tpu.memref_squeeze %dma_start3A_329 : memref<1x10000x128xf32, #tpu.memory_space<hbm>> -> memref<10000x128xf32, #tpu.memory_space<hbm>>
        %dma_start3A_331 = arith.constant 0 : i32
        %dma_start3A_332 = arith.constant 0 : i32
        %dma_start3A_333 = tpu.memref_slice %dma_start3A_330[%dma_start3A_331, %dma_start3A_332] : memref<10000x128xf32, #tpu.memory_space<hbm>> -> memref<10000x128xf32, #tpu.memory_space<hbm>>
        tpu.enqueue_indirect_dma source(%dma_start3A_333 : memref<10000x128xf32, #tpu.memory_space<hbm>>) target(%arg7 : memref<128x128xf32, #tpu.memory_space<vmem>>) offsets(%dma_start3A_326 : memref<128xi32, #tpu.memory_space<vmem>>) semaphore(%arg10 : memref<!tpu.dma_semaphore, #tpu.memory_space<semaphore_mem>>)
        %dma_wait3A_334 = arith.constant 0 : i32
        %dma_wait3A_335 = arith.constant 5 : i32
        %dma_wait3A_336 = arith.constant 0 : i32
        %dma_wait3A_337 = tpu.memref_slice %arg6[%rem3A_107, %dma_wait3A_334, %dma_wait3A_335, %dma_wait3A_336] : memref<2x2x8x128xi32, #tpu.memory_space<vmem>> -> memref<1x1x1x128xi32, #tpu.memory_space<vmem>>
        %dma_wait3A_338 = tpu.memref_squeeze %dma_wait3A_337 : memref<1x1x1x128xi32, #tpu.memory_space<vmem>> -> memref<128xi32, #tpu.memory_space<vmem>>
        %dma_wait3A_339 = arith.constant 0 : i32
        %dma_wait3A_340 = arith.constant 0 : i32
        %dma_wait3A_341 = tpu.memref_slice %arg2[%scan3A_91, %dma_wait3A_339, %dma_wait3A_340] : memref<2x10000x128xf32, #tpu.memory_space<hbm>> -> memref<1x10000x128xf32, #tpu.memory_space<hbm>>
        %dma_wait3A_342 = tpu.memref_squeeze %dma_wait3A_341 : memref<1x10000x128xf32, #tpu.memory_space<hbm>> -> memref<10000x128xf32, #tpu.memory_space<hbm>>
        %dma_wait3A_343 = arith.constant 0 : i32
        %dma_wait3A_344 = arith.constant 0 : i32
        %dma_wait3A_345 = tpu.memref_slice %dma_wait3A_342[%dma_wait3A_343, %dma_wait3A_344] : memref<10000x128xf32, #tpu.memory_space<hbm>> -> memref<10000x128xf32, #tpu.memory_space<hbm>>
        tpu.wait_indirect_dma semaphore(%arg11 : memref<!tpu.dma_semaphore, #tpu.memory_space<semaphore_mem>>) src(%dma_wait3A_345 : memref<10000x128xf32, #tpu.memory_space<hbm>>) dst(%arg8 : memref<128x128xf32, #tpu.memory_space<vmem>>)
        %dma_start3A_346 = arith.constant 1 : i32
        %dma_start3A_347 = arith.constant 5 : i32
        %dma_start3A_348 = arith.constant 0 : i32
        %dma_start3A_349 = tpu.memref_slice %arg6[%rem3A_107, %dma_start3A_346, %dma_start3A_347, %dma_start3A_348] : memref<2x2x8x128xi32, #tpu.memory_space<vmem>> -> memref<1x1x1x128xi32, #tpu.memory_space<vmem>>
        %dma_start3A_350 = tpu.memref_squeeze %dma_start3A_349 : memref<1x1x1x128xi32, #tpu.memory_space<vmem>> -> memref<128xi32, #tpu.memory_space<vmem>>
        %dma_start3A_351 = arith.constant 0 : i32
        %dma_start3A_352 = arith.constant 0 : i32
        %dma_start3A_353 = tpu.memref_slice %arg9[%dma_start3A_351, %dma_start3A_352] : memref<10240x128xf32, #tpu.memory_space<vmem_shared>> -> memref<10240x128xf32, #tpu.memory_space<vmem_shared>>
        tpu.enqueue_indirect_dma source(%arg8 : memref<128x128xf32, #tpu.memory_space<vmem>>) target(%dma_start3A_353 : memref<10240x128xf32, #tpu.memory_space<vmem_shared>>) offsets(%dma_start3A_350 : memref<128xi32, #tpu.memory_space<vmem>>) semaphore(%arg13 : memref<!tpu.dma_semaphore, #tpu.memory_space<semaphore_mem>>) {add = true}
        %dma_wait3A_354 = arith.constant 0 : i32
        %dma_wait3A_355 = arith.constant 1 : i32
        %dma_wait3A_356 = arith.constant 0 : i32
        %dma_wait3A_357 = arith.constant 0 : i32
        %dma_wait3A_358 = tpu.memref_slice %arg6[%dma_wait3A_354, %dma_wait3A_355, %dma_wait3A_356, %dma_wait3A_357] : memref<2x2x8x128xi32, #tpu.memory_space<vmem>> -> memref<1x1x1x128xi32, #tpu.memory_space<vmem>>
        %dma_wait3A_359 = tpu.memref_squeeze %dma_wait3A_358 : memref<1x1x1x128xi32, #tpu.memory_space<vmem>> -> memref<128xi32, #tpu.memory_space<vmem>>
        %dma_wait3A_360 = arith.constant 0 : i32
        %dma_wait3A_361 = arith.constant 0 : i32
        %dma_wait3A_362 = tpu.memref_slice %arg9[%dma_wait3A_360, %dma_wait3A_361] : memref<10240x128xf32, #tpu.memory_space<vmem_shared>> -> memref<10240x128xf32, #tpu.memory_space<vmem_shared>>
        tpu.wait_indirect_dma semaphore(%arg13 : memref<!tpu.dma_semaphore, #tpu.memory_space<semaphore_mem>>) src(%arg7 : memref<128x128xf32, #tpu.memory_space<vmem>>) dst(%dma_wait3A_362 : memref<10240x128xf32, #tpu.memory_space<vmem_shared>>)
        %dma_start3A_363 = arith.constant 0 : i32
        %dma_start3A_364 = arith.constant 7 : i32
        %dma_start3A_365 = arith.constant 0 : i32
        %dma_start3A_366 = tpu.memref_slice %arg6[%rem3A_107, %dma_start3A_363, %dma_start3A_364, %dma_start3A_365] : memref<2x2x8x128xi32, #tpu.memory_space<vmem>> -> memref<1x1x1x128xi32, #tpu.memory_space<vmem>>
        %dma_start3A_367 = tpu.memref_squeeze %dma_start3A_366 : memref<1x1x1x128xi32, #tpu.memory_space<vmem>> -> memref<128xi32, #tpu.memory_space<vmem>>
        %dma_start3A_368 = arith.constant 0 : i32
        %dma_start3A_369 = arith.constant 0 : i32
        %dma_start3A_370 = tpu.memref_slice %arg2[%scan3A_91, %dma_start3A_368, %dma_start3A_369] : memref<2x10000x128xf32, #tpu.memory_space<hbm>> -> memref<1x10000x128xf32, #tpu.memory_space<hbm>>
        %dma_start3A_371 = tpu.memref_squeeze %dma_start3A_370 : memref<1x10000x128xf32, #tpu.memory_space<hbm>> -> memref<10000x128xf32, #tpu.memory_space<hbm>>
        %dma_start3A_372 = arith.constant 0 : i32
        %dma_start3A_373 = arith.constant 0 : i32
        %dma_start3A_374 = tpu.memref_slice %dma_start3A_371[%dma_start3A_372, %dma_start3A_373] : memref<10000x128xf32, #tpu.memory_space<hbm>> -> memref<10000x128xf32, #tpu.memory_space<hbm>>
        tpu.enqueue_indirect_dma source(%dma_start3A_374 : memref<10000x128xf32, #tpu.memory_space<hbm>>) target(%arg8 : memref<128x128xf32, #tpu.memory_space<vmem>>) offsets(%dma_start3A_367 : memref<128xi32, #tpu.memory_space<vmem>>) semaphore(%arg11 : memref<!tpu.dma_semaphore, #tpu.memory_space<semaphore_mem>>)
        %dma_wait3A_375 = arith.constant 0 : i32
        %dma_wait3A_376 = arith.constant 6 : i32
        %dma_wait3A_377 = arith.constant 0 : i32
        %dma_wait3A_378 = tpu.memref_slice %arg6[%rem3A_107, %dma_wait3A_375, %dma_wait3A_376, %dma_wait3A_377] : memref<2x2x8x128xi32, #tpu.memory_space<vmem>> -> memref<1x1x1x128xi32, #tpu.memory_space<vmem>>
        %dma_wait3A_379 = tpu.memref_squeeze %dma_wait3A_378 : memref<1x1x1x128xi32, #tpu.memory_space<vmem>> -> memref<128xi32, #tpu.memory_space<vmem>>
        %dma_wait3A_380 = arith.constant 0 : i32
        %dma_wait3A_381 = arith.constant 0 : i32
        %dma_wait3A_382 = tpu.memref_slice %arg2[%scan3A_91, %dma_wait3A_380, %dma_wait3A_381] : memref<2x10000x128xf32, #tpu.memory_space<hbm>> -> memref<1x10000x128xf32, #tpu.memory_space<hbm>>
        %dma_wait3A_383 = tpu.memref_squeeze %dma_wait3A_382 : memref<1x10000x128xf32, #tpu.memory_space<hbm>> -> memref<10000x128xf32, #tpu.memory_space<hbm>>
        %dma_wait3A_384 = arith.constant 0 : i32
        %dma_wait3A_385 = arith.constant 0 : i32
        %dma_wait3A_386 = tpu.memref_slice %dma_wait3A_383[%dma_wait3A_384, %dma_wait3A_385] : memref<10000x128xf32, #tpu.memory_space<hbm>> -> memref<10000x128xf32, #tpu.memory_space<hbm>>
        tpu.wait_indirect_dma semaphore(%arg10 : memref<!tpu.dma_semaphore, #tpu.memory_space<semaphore_mem>>) src(%dma_wait3A_386 : memref<10000x128xf32, #tpu.memory_space<hbm>>) dst(%arg7 : memref<128x128xf32, #tpu.memory_space<vmem>>)
        %dma_start3A_387 = arith.constant 1 : i32
        %dma_start3A_388 = arith.constant 6 : i32
        %dma_start3A_389 = arith.constant 0 : i32
        %dma_start3A_390 = tpu.memref_slice %arg6[%rem3A_107, %dma_start3A_387, %dma_start3A_388, %dma_start3A_389] : memref<2x2x8x128xi32, #tpu.memory_space<vmem>> -> memref<1x1x1x128xi32, #tpu.memory_space<vmem>>
        %dma_start3A_391 = tpu.memref_squeeze %dma_start3A_390 : memref<1x1x1x128xi32, #tpu.memory_space<vmem>> -> memref<128xi32, #tpu.memory_space<vmem>>
        %dma_start3A_392 = arith.constant 0 : i32
        %dma_start3A_393 = arith.constant 0 : i32
        %dma_start3A_394 = tpu.memref_slice %arg9[%dma_start3A_392, %dma_start3A_393] : memref<10240x128xf32, #tpu.memory_space<vmem_shared>> -> memref<10240x128xf32, #tpu.memory_space<vmem_shared>>
        tpu.enqueue_indirect_dma source(%arg7 : memref<128x128xf32, #tpu.memory_space<vmem>>) target(%dma_start3A_394 : memref<10240x128xf32, #tpu.memory_space<vmem_shared>>) offsets(%dma_start3A_391 : memref<128xi32, #tpu.memory_space<vmem>>) semaphore(%arg13 : memref<!tpu.dma_semaphore, #tpu.memory_space<semaphore_mem>>) {add = true}
        %dma_wait3A_395 = arith.constant 0 : i32
        %dma_wait3A_396 = arith.constant 1 : i32
        %dma_wait3A_397 = arith.constant 0 : i32
        %dma_wait3A_398 = arith.constant 0 : i32
        %dma_wait3A_399 = tpu.memref_slice %arg6[%dma_wait3A_395, %dma_wait3A_396, %dma_wait3A_397, %dma_wait3A_398] : memref<2x2x8x128xi32, #tpu.memory_space<vmem>> -> memref<1x1x1x128xi32, #tpu.memory_space<vmem>>
        %dma_wait3A_400 = tpu.memref_squeeze %dma_wait3A_399 : memref<1x1x1x128xi32, #tpu.memory_space<vmem>> -> memref<128xi32, #tpu.memory_space<vmem>>
        %dma_wait3A_401 = arith.constant 0 : i32
        %dma_wait3A_402 = arith.constant 0 : i32
        %dma_wait3A_403 = tpu.memref_slice %arg9[%dma_wait3A_401, %dma_wait3A_402] : memref<10240x128xf32, #tpu.memory_space<vmem_shared>> -> memref<10240x128xf32, #tpu.memory_space<vmem_shared>>
        tpu.wait_indirect_dma semaphore(%arg13 : memref<!tpu.dma_semaphore, #tpu.memory_space<semaphore_mem>>) src(%arg7 : memref<128x128xf32, #tpu.memory_space<vmem>>) dst(%dma_wait3A_403 : memref<10240x128xf32, #tpu.memory_space<vmem_shared>>)
        %lt3A_404 = arith.constant 9 : i32
        %lt3A_405 = arith.cmpi slt, %scan3A_106, %lt3A_404 : i32
        %convert_element_type3A_406 = arith.extui %lt3A_405 : i1 to i32
        %cond3A_407 = arith.constant 0 : i32
        %cond3A_408 = arith.cmpi ne, %convert_element_type3A_406, %cond3A_407 : i32
        scf.if %cond3A_408 {
          %add3A_429 = arith.constant 1 : i32
          %add3A_430 = arith.addi %scan3A_106, %add3A_429 : i32
          %dma_wait3A_431 = arith.constant 0 : i32
          %dma_wait3A_432 = arith.constant 0 : i32
          %dma_wait3A_433 = arith.constant 0 : i32
          %dma_wait3A_434 = arith.constant 0 : i32
          %dma_wait3A_435 = tpu.memref_slice %arg6[%sub3A_108, %dma_wait3A_432, %dma_wait3A_433, %dma_wait3A_434] : memref<2x2x8x128xi32, #tpu.memory_space<vmem>> -> memref<1x1x8x128xi32, #tpu.memory_space<vmem>>
          %dma_wait3A_436 = tpu.memref_squeeze %dma_wait3A_435 : memref<1x1x8x128xi32, #tpu.memory_space<vmem>> -> memref<8x128xi32, #tpu.memory_space<vmem>>
          %dma_wait3A_437 = arith.constant 0 : i32
          %dma_wait3A_438 = arith.constant 0 : i32
          %dma_wait3A_439 = tpu.memref_slice %arg3[%dma_wait3A_431, %arg1, %add3A_430, %dma_wait3A_437, %dma_wait3A_438] : memref<2x16x10x8x128xi32, #tpu.memory_space<hbm>> -> memref<1x1x1x8x128xi32, #tpu.memory_space<hbm>>
          %dma_wait3A_440 = tpu.memref_squeeze %dma_wait3A_439 : memref<1x1x1x8x128xi32, #tpu.memory_space<hbm>> -> memref<8x128xi32, #tpu.memory_space<hbm>>
          %dma_wait3A_441 = arith.constant 0 : i32
          %dma_wait3A_442 = arith.constant 0 : i32
          %dma_wait3A_443 = tpu.memref_slice %arg6[%sub3A_108, %dma_wait3A_432, %dma_wait3A_441, %dma_wait3A_442] : memref<2x2x8x128xi32, #tpu.memory_space<vmem>> -> memref<1x1x8x128xi32, #tpu.memory_space<vmem>>
          %dma_wait3A_444 = tpu.memref_squeeze %dma_wait3A_443 : memref<1x1x8x128xi32, #tpu.memory_space<vmem>> -> memref<8x128xi32, #tpu.memory_space<vmem>>
          %dma_wait3A_445 = arith.constant 0 : i32
          %dma_wait3A_446 = arith.constant 0 : i32
          %dma_wait3A_447 = tpu.memref_slice %arg3[%dma_wait3A_431, %arg1, %add3A_430, %dma_wait3A_445, %dma_wait3A_446] : memref<2x16x10x8x128xi32, #tpu.memory_space<hbm>> -> memref<1x1x1x8x128xi32, #tpu.memory_space<hbm>>
          %dma_wait3A_448 = tpu.memref_squeeze %dma_wait3A_447 : memref<1x1x1x8x128xi32, #tpu.memory_space<hbm>> -> memref<8x128xi32, #tpu.memory_space<hbm>>
          tpu.wait_dma2 semaphore(%arg12 : memref<!tpu.dma_semaphore, #tpu.memory_space<semaphore_mem>>) src(%dma_wait3A_448 : memref<8x128xi32, #tpu.memory_space<hbm>>) dst(%dma_wait3A_444 : memref<8x128xi32, #tpu.memory_space<vmem>>)
          %add3A_449 = arith.constant 1 : i32
          %add3A_450 = arith.addi %scan3A_106, %add3A_449 : i32
          %dma_wait3A_451 = arith.constant 1 : i32
          %dma_wait3A_452 = arith.constant 1 : i32
          %dma_wait3A_453 = arith.constant 0 : i32
          %dma_wait3A_454 = arith.constant 0 : i32
          %dma_wait3A_455 = tpu.memref_slice %arg6[%sub3A_108, %dma_wait3A_452, %dma_wait3A_453, %dma_wait3A_454] : memref<2x2x8x128xi32, #tpu.memory_space<vmem>> -> memref<1x1x8x128xi32, #tpu.memory_space<vmem>>
          %dma_wait3A_456 = tpu.memref_squeeze %dma_wait3A_455 : memref<1x1x8x128xi32, #tpu.memory_space<vmem>> -> memref<8x128xi32, #tpu.memory_space<vmem>>
          %dma_wait3A_457 = arith.constant 0 : i32
          %dma_wait3A_458 = arith.constant 0 : i32
          %dma_wait3A_459 = tpu.memref_slice %arg3[%dma_wait3A_451, %arg1, %add3A_450, %dma_wait3A_457, %dma_wait3A_458] : memref<2x16x10x8x128xi32, #tpu.memory_space<hbm>> -> memref<1x1x1x8x128xi32, #tpu.memory_space<hbm>>
          %dma_wait3A_460 = tpu.memref_squeeze %dma_wait3A_459 : memref<1x1x1x8x128xi32, #tpu.memory_space<hbm>> -> memref<8x128xi32, #tpu.memory_space<hbm>>
          %dma_wait3A_461 = arith.constant 0 : i32
          %dma_wait3A_462 = arith.constant 0 : i32
          %dma_wait3A_463 = tpu.memref_slice %arg6[%sub3A_108, %dma_wait3A_452, %dma_wait3A_461, %dma_wait3A_462] : memref<2x2x8x128xi32, #tpu.memory_space<vmem>> -> memref<1x1x8x128xi32, #tpu.memory_space<vmem>>
          %dma_wait3A_464 = tpu.memref_squeeze %dma_wait3A_463 : memref<1x1x8x128xi32, #tpu.memory_space<vmem>> -> memref<8x128xi32, #tpu.memory_space<vmem>>
          %dma_wait3A_465 = arith.constant 0 : i32
          %dma_wait3A_466 = arith.constant 0 : i32
          %dma_wait3A_467 = tpu.memref_slice %arg3[%dma_wait3A_451, %arg1, %add3A_450, %dma_wait3A_465, %dma_wait3A_466] : memref<2x16x10x8x128xi32, #tpu.memory_space<hbm>> -> memref<1x1x1x8x128xi32, #tpu.memory_space<hbm>>
          %dma_wait3A_468 = tpu.memref_squeeze %dma_wait3A_467 : memref<1x1x1x8x128xi32, #tpu.memory_space<hbm>> -> memref<8x128xi32, #tpu.memory_space<hbm>>
          tpu.wait_dma2 semaphore(%arg12 : memref<!tpu.dma_semaphore, #tpu.memory_space<semaphore_mem>>) src(%dma_wait3A_468 : memref<8x128xi32, #tpu.memory_space<hbm>>) dst(%dma_wait3A_464 : memref<8x128xi32, #tpu.memory_space<vmem>>)
          %dma_start3A_469 = arith.constant 0 : i32
          %dma_start3A_470 = arith.constant 0 : i32
          %dma_start3A_471 = arith.constant 0 : i32
          %dma_start3A_472 = tpu.memref_slice %arg6[%sub3A_108, %dma_start3A_469, %dma_start3A_470, %dma_start3A_471] : memref<2x2x8x128xi32, #tpu.memory_space<vmem>> -> memref<1x1x1x128xi32, #tpu.memory_space<vmem>>
          %dma_start3A_473 = tpu.memref_squeeze %dma_start3A_472 : memref<1x1x1x128xi32, #tpu.memory_space<vmem>> -> memref<128xi32, #tpu.memory_space<vmem>>
          %dma_start3A_474 = arith.constant 0 : i32
          %dma_start3A_475 = arith.constant 0 : i32
          %dma_start3A_476 = tpu.memref_slice %arg2[%scan3A_91, %dma_start3A_474, %dma_start3A_475] : memref<2x10000x128xf32, #tpu.memory_space<hbm>> -> memref<1x10000x128xf32, #tpu.memory_space<hbm>>
          %dma_start3A_477 = tpu.memref_squeeze %dma_start3A_476 : memref<1x10000x128xf32, #tpu.memory_space<hbm>> -> memref<10000x128xf32, #tpu.memory_space<hbm>>
          %dma_start3A_478 = arith.constant 0 : i32
          %dma_start3A_479 = arith.constant 0 : i32
          %dma_start3A_480 = tpu.memref_slice %dma_start3A_477[%dma_start3A_478, %dma_start3A_479] : memref<10000x128xf32, #tpu.memory_space<hbm>> -> memref<10000x128xf32, #tpu.memory_space<hbm>>
          tpu.enqueue_indirect_dma source(%dma_start3A_480 : memref<10000x128xf32, #tpu.memory_space<hbm>>) target(%arg7 : memref<128x128xf32, #tpu.memory_space<vmem>>) offsets(%dma_start3A_473 : memref<128xi32, #tpu.memory_space<vmem>>) semaphore(%arg10 : memref<!tpu.dma_semaphore, #tpu.memory_space<semaphore_mem>>)
        } else {
        }
        %dma_wait3A_409 = arith.constant 0 : i32
        %dma_wait3A_410 = arith.constant 7 : i32
        %dma_wait3A_411 = arith.constant 0 : i32
        %dma_wait3A_412 = tpu.memref_slice %arg6[%rem3A_107, %dma_wait3A_409, %dma_wait3A_410, %dma_wait3A_411] : memref<2x2x8x128xi32, #tpu.memory_space<vmem>> -> memref<1x1x1x128xi32, #tpu.memory_space<vmem>>
        %dma_wait3A_413 = tpu.memref_squeeze %dma_wait3A_412 : memref<1x1x1x128xi32, #tpu.memory_space<vmem>> -> memref<128xi32, #tpu.memory_space<vmem>>
        %dma_wait3A_414 = arith.constant 0 : i32
        %dma_wait3A_415 = arith.constant 0 : i32
        %dma_wait3A_416 = tpu.memref_slice %arg2[%scan3A_91, %dma_wait3A_414, %dma_wait3A_415] : memref<2x10000x128xf32, #tpu.memory_space<hbm>> -> memref<1x10000x128xf32, #tpu.memory_space<hbm>>
        %dma_wait3A_417 = tpu.memref_squeeze %dma_wait3A_416 : memref<1x10000x128xf32, #tpu.memory_space<hbm>> -> memref<10000x128xf32, #tpu.memory_space<hbm>>
        %dma_wait3A_418 = arith.constant 0 : i32
        %dma_wait3A_419 = arith.constant 0 : i32
        %dma_wait3A_420 = tpu.memref_slice %dma_wait3A_417[%dma_wait3A_418, %dma_wait3A_419] : memref<10000x128xf32, #tpu.memory_space<hbm>> -> memref<10000x128xf32, #tpu.memory_space<hbm>>
        tpu.wait_indirect_dma semaphore(%arg11 : memref<!tpu.dma_semaphore, #tpu.memory_space<semaphore_mem>>) src(%dma_wait3A_420 : memref<10000x128xf32, #tpu.memory_space<hbm>>) dst(%arg8 : memref<128x128xf32, #tpu.memory_space<vmem>>)
        %dma_start3A_421 = arith.constant 1 : i32
        %dma_start3A_422 = arith.constant 7 : i32
        %dma_start3A_423 = arith.constant 0 : i32
        %dma_start3A_424 = tpu.memref_slice %arg6[%rem3A_107, %dma_start3A_421, %dma_start3A_422, %dma_start3A_423] : memref<2x2x8x128xi32, #tpu.memory_space<vmem>> -> memref<1x1x1x128xi32, #tpu.memory_space<vmem>>
        %dma_start3A_425 = tpu.memref_squeeze %dma_start3A_424 : memref<1x1x1x128xi32, #tpu.memory_space<vmem>> -> memref<128xi32, #tpu.memory_space<vmem>>
        %dma_start3A_426 = arith.constant 0 : i32
        %dma_start3A_427 = arith.constant 0 : i32
        %dma_start3A_428 = tpu.memref_slice %arg9[%dma_start3A_426, %dma_start3A_427] : memref<10240x128xf32, #tpu.memory_space<vmem_shared>> -> memref<10240x128xf32, #tpu.memory_space<vmem_shared>>
        tpu.enqueue_indirect_dma source(%arg8 : memref<128x128xf32, #tpu.memory_space<vmem>>) target(%dma_start3A_428 : memref<10240x128xf32, #tpu.memory_space<vmem_shared>>) offsets(%dma_start3A_425 : memref<128xi32, #tpu.memory_space<vmem>>) semaphore(%arg13 : memref<!tpu.dma_semaphore, #tpu.memory_space<semaphore_mem>>) {add = true}
      }
      %scan3A_96 = arith.constant 10 : i32
      %dma_wait3A_97 = arith.constant 0 : i32
      %dma_wait3A_98 = arith.constant 1 : i32
      %dma_wait3A_99 = arith.constant 0 : i32
      %dma_wait3A_100 = arith.constant 0 : i32
      %dma_wait3A_101 = tpu.memref_slice %arg6[%dma_wait3A_97, %dma_wait3A_98, %dma_wait3A_99, %dma_wait3A_100] : memref<2x2x8x128xi32, #tpu.memory_space<vmem>> -> memref<1x1x1x128xi32, #tpu.memory_space<vmem>>
      %dma_wait3A_102 = tpu.memref_squeeze %dma_wait3A_101 : memref<1x1x1x128xi32, #tpu.memory_space<vmem>> -> memref<128xi32, #tpu.memory_space<vmem>>
      %dma_wait3A_103 = arith.constant 0 : i32
      %dma_wait3A_104 = arith.constant 0 : i32
      %dma_wait3A_105 = tpu.memref_slice %arg9[%dma_wait3A_103, %dma_wait3A_104] : memref<10240x128xf32, #tpu.memory_space<vmem_shared>> -> memref<10240x128xf32, #tpu.memory_space<vmem_shared>>
      tpu.wait_indirect_dma semaphore(%arg13 : memref<!tpu.dma_semaphore, #tpu.memory_space<semaphore_mem>>) src(%arg7 : memref<128x128xf32, #tpu.memory_space<vmem>>) dst(%dma_wait3A_105 : memref<10240x128xf32, #tpu.memory_space<vmem_shared>>)
    } else {
    }
    %eq3A_2 = arith.constant 1 : i32
    %eq3A_3 = arith.cmpi eq, %arg0, %eq3A_2 : i32
    %convert_element_type3A_4 = arith.extui %eq3A_3 : i1 to i32
    %cond3A_5 = arith.constant 0 : i32
    %cond3A_6 = arith.cmpi ne, %convert_element_type3A_4, %cond3A_5 : i32
    scf.if %cond3A_6 {
      %run_scoped3A = arith.constant 0 : i32
      %run_scoped3A_10 = arith.constant 0 : i32
      %run_scoped3A_11 = arith.constant 0 : i32
      %run_scoped3A_12 = arith.constant 0 : i32
      "tpu.region"() ({
        %run_scoped3A_106 = tpu.sem_alloc : memref<!tpu.dma_semaphore, #tpu.memory_space<semaphore_mem>>
        %dma_start3A_107 = arith.constant 0 : i32
        %dma_start3A_108 = arith.constant 0 : i32
        %dma_start3A_109 = tpu.memref_slice %arg6[%run_scoped3A_11, %run_scoped3A_12, %dma_start3A_107, %dma_start3A_108] : memref<2x2x8x128xi32, #tpu.memory_space<vmem>> -> memref<1x1x8x128xi32, #tpu.memory_space<vmem>>
        %dma_start3A_110 = tpu.memref_squeeze %dma_start3A_109 : memref<1x1x8x128xi32, #tpu.memory_space<vmem>> -> memref<8x128xi32, #tpu.memory_space<vmem>>
        %dma_start3A_111 = arith.constant 0 : i32
        %dma_start3A_112 = arith.constant 0 : i32
        %dma_start3A_113 = tpu.memref_slice %arg4[%run_scoped3A, %arg1, %run_scoped3A_10, %dma_start3A_111, %dma_start3A_112] : memref<2x16x10x8x128xi32, #tpu.memory_space<hbm>> -> memref<1x1x1x8x128xi32, #tpu.memory_space<hbm>>
        %dma_start3A_114 = tpu.memref_squeeze %dma_start3A_113 : memref<1x1x1x8x128xi32, #tpu.memory_space<hbm>> -> memref<8x128xi32, #tpu.memory_space<hbm>>
        %dma_start3A_115 = arith.constant 0 : i32
        %dma_start3A_116 = arith.constant 0 : i32
        %dma_start3A_117 = tpu.memref_slice %arg6[%run_scoped3A_11, %run_scoped3A_12, %dma_start3A_115, %dma_start3A_116] : memref<2x2x8x128xi32, #tpu.memory_space<vmem>> -> memref<1x1x8x128xi32, #tpu.memory_space<vmem>>
        %dma_start3A_118 = tpu.memref_squeeze %dma_start3A_117 : memref<1x1x8x128xi32, #tpu.memory_space<vmem>> -> memref<8x128xi32, #tpu.memory_space<vmem>>
        %dma_start3A_119 = arith.constant 0 : i32
        %dma_start3A_120 = arith.constant 0 : i32
        %dma_start3A_121 = tpu.memref_slice %arg4[%run_scoped3A, %arg1, %run_scoped3A_10, %dma_start3A_119, %dma_start3A_120] : memref<2x16x10x8x128xi32, #tpu.memory_space<hbm>> -> memref<1x1x1x8x128xi32, #tpu.memory_space<hbm>>
        %dma_start3A_122 = tpu.memref_squeeze %dma_start3A_121 : memref<1x1x1x8x128xi32, #tpu.memory_space<hbm>> -> memref<8x128xi32, #tpu.memory_space<hbm>>
        tpu.enqueue_dma source(%dma_start3A_122 : memref<8x128xi32, #tpu.memory_space<hbm>>) target(%dma_start3A_118 : memref<8x128xi32, #tpu.memory_space<vmem>>) target_semaphore(%run_scoped3A_106 : memref<!tpu.dma_semaphore, #tpu.memory_space<semaphore_mem>>)
        %dma_wait3A_123 = arith.constant 0 : i32
        %dma_wait3A_124 = arith.constant 0 : i32
        %dma_wait3A_125 = tpu.memref_slice %arg6[%run_scoped3A_11, %run_scoped3A_12, %dma_wait3A_123, %dma_wait3A_124] : memref<2x2x8x128xi32, #tpu.memory_space<vmem>> -> memref<1x1x8x128xi32, #tpu.memory_space<vmem>>
        %dma_wait3A_126 = tpu.memref_squeeze %dma_wait3A_125 : memref<1x1x8x128xi32, #tpu.memory_space<vmem>> -> memref<8x128xi32, #tpu.memory_space<vmem>>
        %dma_wait3A_127 = arith.constant 0 : i32
        %dma_wait3A_128 = arith.constant 0 : i32
        %dma_wait3A_129 = tpu.memref_slice %arg4[%run_scoped3A, %arg1, %run_scoped3A_10, %dma_wait3A_127, %dma_wait3A_128] : memref<2x16x10x8x128xi32, #tpu.memory_space<hbm>> -> memref<1x1x1x8x128xi32, #tpu.memory_space<hbm>>
        %dma_wait3A_130 = tpu.memref_squeeze %dma_wait3A_129 : memref<1x1x1x8x128xi32, #tpu.memory_space<hbm>> -> memref<8x128xi32, #tpu.memory_space<hbm>>
        %dma_wait3A_131 = arith.constant 0 : i32
        %dma_wait3A_132 = arith.constant 0 : i32
        %dma_wait3A_133 = tpu.memref_slice %arg6[%run_scoped3A_11, %run_scoped3A_12, %dma_wait3A_131, %dma_wait3A_132] : memref<2x2x8x128xi32, #tpu.memory_space<vmem>> -> memref<1x1x8x128xi32, #tpu.memory_space<vmem>>
        %dma_wait3A_134 = tpu.memref_squeeze %dma_wait3A_133 : memref<1x1x8x128xi32, #tpu.memory_space<vmem>> -> memref<8x128xi32, #tpu.memory_space<vmem>>
        %dma_wait3A_135 = arith.constant 0 : i32
        %dma_wait3A_136 = arith.constant 0 : i32
        %dma_wait3A_137 = tpu.memref_slice %arg4[%run_scoped3A, %arg1, %run_scoped3A_10, %dma_wait3A_135, %dma_wait3A_136] : memref<2x16x10x8x128xi32, #tpu.memory_space<hbm>> -> memref<1x1x1x8x128xi32, #tpu.memory_space<hbm>>
        %dma_wait3A_138 = tpu.memref_squeeze %dma_wait3A_137 : memref<1x1x1x8x128xi32, #tpu.memory_space<hbm>> -> memref<8x128xi32, #tpu.memory_space<hbm>>
        tpu.wait_dma2 semaphore(%run_scoped3A_106 : memref<!tpu.dma_semaphore, #tpu.memory_space<semaphore_mem>>) src(%dma_wait3A_138 : memref<8x128xi32, #tpu.memory_space<hbm>>) dst(%dma_wait3A_134 : memref<8x128xi32, #tpu.memory_space<vmem>>)
        tpu.yield
      }) : () -> ()
      %dma_start3A = arith.constant 1 : i32
      %dma_start3A_13 = arith.constant 0 : i32
      %dma_start3A_14 = arith.constant 0 : i32
      %dma_start3A_15 = arith.constant 1 : i32
      %dma_start3A_16 = arith.constant 0 : i32
      %dma_start3A_17 = arith.constant 0 : i32
      %dma_start3A_18 = tpu.memref_slice %arg6[%dma_start3A_14, %dma_start3A_15, %dma_start3A_16, %dma_start3A_17] : memref<2x2x8x128xi32, #tpu.memory_space<vmem>> -> memref<1x1x8x128xi32, #tpu.memory_space<vmem>>
      %dma_start3A_19 = tpu.memref_squeeze %dma_start3A_18 : memref<1x1x8x128xi32, #tpu.memory_space<vmem>> -> memref<8x128xi32, #tpu.memory_space<vmem>>
      %dma_start3A_20 = arith.constant 0 : i32
      %dma_start3A_21 = arith.constant 0 : i32
      %dma_start3A_22 = tpu.memref_slice %arg4[%dma_start3A, %arg1, %dma_start3A_13, %dma_start3A_20, %dma_start3A_21] : memref<2x16x10x8x128xi32, #tpu.memory_space<hbm>> -> memref<1x1x1x8x128xi32, #tpu.memory_space<hbm>>
      %dma_start3A_23 = tpu.memref_squeeze %dma_start3A_22 : memref<1x1x1x8x128xi32, #tpu.memory_space<hbm>> -> memref<8x128xi32, #tpu.memory_space<hbm>>
      %dma_start3A_24 = arith.constant 0 : i32
      %dma_start3A_25 = arith.constant 0 : i32
      %dma_start3A_26 = tpu.memref_slice %arg6[%dma_start3A_14, %dma_start3A_15, %dma_start3A_24, %dma_start3A_25] : memref<2x2x8x128xi32, #tpu.memory_space<vmem>> -> memref<1x1x8x128xi32, #tpu.memory_space<vmem>>
      %dma_start3A_27 = tpu.memref_squeeze %dma_start3A_26 : memref<1x1x8x128xi32, #tpu.memory_space<vmem>> -> memref<8x128xi32, #tpu.memory_space<vmem>>
      %dma_start3A_28 = arith.constant 0 : i32
      %dma_start3A_29 = arith.constant 0 : i32
      %dma_start3A_30 = tpu.memref_slice %arg4[%dma_start3A, %arg1, %dma_start3A_13, %dma_start3A_28, %dma_start3A_29] : memref<2x16x10x8x128xi32, #tpu.memory_space<hbm>> -> memref<1x1x1x8x128xi32, #tpu.memory_space<hbm>>
      %dma_start3A_31 = tpu.memref_squeeze %dma_start3A_30 : memref<1x1x1x8x128xi32, #tpu.memory_space<hbm>> -> memref<8x128xi32, #tpu.memory_space<hbm>>
      tpu.enqueue_dma source(%dma_start3A_31 : memref<8x128xi32, #tpu.memory_space<hbm>>) target(%dma_start3A_27 : memref<8x128xi32, #tpu.memory_space<vmem>>) target_semaphore(%arg12 : memref<!tpu.dma_semaphore, #tpu.memory_space<semaphore_mem>>)
      %dma_start3A_32 = arith.constant 1 : i32
      %dma_start3A_33 = arith.constant 0 : i32
      %dma_start3A_34 = arith.constant 0 : i32
      %dma_start3A_35 = arith.constant 0 : i32
      %dma_start3A_36 = arith.constant 0 : i32
      %dma_start3A_37 = tpu.memref_slice %arg6[%dma_start3A_33, %dma_start3A_34, %dma_start3A_35, %dma_start3A_36] : memref<2x2x8x128xi32, #tpu.memory_space<vmem>> -> memref<1x1x1x128xi32, #tpu.memory_space<vmem>>
      %dma_start3A_38 = tpu.memref_squeeze %dma_start3A_37 : memref<1x1x1x128xi32, #tpu.memory_space<vmem>> -> memref<128xi32, #tpu.memory_space<vmem>>
      %dma_start3A_39 = arith.constant 0 : i32
      %dma_start3A_40 = arith.constant 0 : i32
      %dma_start3A_41 = tpu.memref_slice %arg2[%dma_start3A_32, %dma_start3A_39, %dma_start3A_40] : memref<2x10000x128xf32, #tpu.memory_space<hbm>> -> memref<1x10000x128xf32, #tpu.memory_space<hbm>>
      %dma_start3A_42 = tpu.memref_squeeze %dma_start3A_41 : memref<1x10000x128xf32, #tpu.memory_space<hbm>> -> memref<10000x128xf32, #tpu.memory_space<hbm>>
      %dma_start3A_43 = arith.constant 0 : i32
      %dma_start3A_44 = arith.constant 0 : i32
      %dma_start3A_45 = tpu.memref_slice %dma_start3A_42[%dma_start3A_43, %dma_start3A_44] : memref<10000x128xf32, #tpu.memory_space<hbm>> -> memref<10000x128xf32, #tpu.memory_space<hbm>>
      tpu.enqueue_indirect_dma source(%dma_start3A_45 : memref<10000x128xf32, #tpu.memory_space<hbm>>) target(%arg7 : memref<128x128xf32, #tpu.memory_space<vmem>>) offsets(%dma_start3A_38 : memref<128xi32, #tpu.memory_space<vmem>>) semaphore(%arg10 : memref<!tpu.dma_semaphore, #tpu.memory_space<semaphore_mem>>)
      %scan3A = arith.constant 0 : i32
      %scan3A_46 = arith.constant 0 : i32
      %scan3A_47 = arith.constant 128 : i32
      %scan3A_48 = arith.addi %scan3A_46, %scan3A_47 : i32
      %scan3A_49 = arith.constant 1 : i32
      scf.for %scan3A_106 = %scan3A_46 to %scan3A_48 step %scan3A_49  : i32 {
        %broadcast_in_dim3A = arith.constant 0.000000e+00 : f32
        %broadcast_in_dim3A_107 = vector.broadcast %broadcast_in_dim3A : f32 to vector<16xf32>
        %swap3A = arith.index_cast %scan3A_106 : i32 to index
        %swap3A_108 = arith.constant 0 : index
        %swap3A_109 = tpu.vector_load %arg8[%swap3A, %swap3A_108] {strides = array<i32>} : memref<128x128xf32, #tpu.memory_space<vmem>>, vector<1x16xf32>,
        %swap3A_110 = vector.shape_cast %swap3A_109 : vector<1x16xf32> to vector<16xf32>
        %swap3A_111 = vector.shape_cast %broadcast_in_dim3A_107 : vector<16xf32> to vector<1x16xf32>
        tpu.vector_store %arg8[%swap3A, %swap3A_108], %swap3A_111 {strides = array<i32>} : memref<128x128xf32, #tpu.memory_space<vmem>>, vector<1x16xf32>,
        %broadcast_in_dim3A_112 = arith.constant 0.000000e+00 : f32
        %broadcast_in_dim3A_113 = vector.broadcast %broadcast_in_dim3A_112 : f32 to vector<16xf32>
        %swap3A_114 = arith.index_cast %scan3A_106 : i32 to index
        %swap3A_115 = arith.constant 16 : index
        %swap3A_116 = tpu.vector_load %arg8[%swap3A_114, %swap3A_115] {strides = array<i32>} : memref<128x128xf32, #tpu.memory_space<vmem>>, vector<1x16xf32>,
        %swap3A_117 = vector.shape_cast %swap3A_116 : vector<1x16xf32> to vector<16xf32>
        %swap3A_118 = vector.shape_cast %broadcast_in_dim3A_113 : vector<16xf32> to vector<1x16xf32>
        tpu.vector_store %arg8[%swap3A_114, %swap3A_115], %swap3A_118 {strides = array<i32>} : memref<128x128xf32, #tpu.memory_space<vmem>>, vector<1x16xf32>,
        %broadcast_in_dim3A_119 = arith.constant 0.000000e+00 : f32
        %broadcast_in_dim3A_120 = vector.broadcast %broadcast_in_dim3A_119 : f32 to vector<16xf32>
        %swap3A_121 = arith.index_cast %scan3A_106 : i32 to index
        %swap3A_122 = arith.constant 32 : index
        %swap3A_123 = tpu.vector_load %arg8[%swap3A_121, %swap3A_122] {strides = array<i32>} : memref<128x128xf32, #tpu.memory_space<vmem>>, vector<1x16xf32>,
        %swap3A_124 = vector.shape_cast %swap3A_123 : vector<1x16xf32> to vector<16xf32>
        %swap3A_125 = vector.shape_cast %broadcast_in_dim3A_120 : vector<16xf32> to vector<1x16xf32>
        tpu.vector_store %arg8[%swap3A_121, %swap3A_122], %swap3A_125 {strides = array<i32>} : memref<128x128xf32, #tpu.memory_space<vmem>>, vector<1x16xf32>,
        %broadcast_in_dim3A_126 = arith.constant 0.000000e+00 : f32
        %broadcast_in_dim3A_127 = vector.broadcast %broadcast_in_dim3A_126 : f32 to vector<16xf32>
        %swap3A_128 = arith.index_cast %scan3A_106 : i32 to index
        %swap3A_129 = arith.constant 48 : index
        %swap3A_130 = tpu.vector_load %arg8[%swap3A_128, %swap3A_129] {strides = array<i32>} : memref<128x128xf32, #tpu.memory_space<vmem>>, vector<1x16xf32>,
        %swap3A_131 = vector.shape_cast %swap3A_130 : vector<1x16xf32> to vector<16xf32>
        %swap3A_132 = vector.shape_cast %broadcast_in_dim3A_127 : vector<16xf32> to vector<1x16xf32>
        tpu.vector_store %arg8[%swap3A_128, %swap3A_129], %swap3A_132 {strides = array<i32>} : memref<128x128xf32, #tpu.memory_space<vmem>>, vector<1x16xf32>,
        %broadcast_in_dim3A_133 = arith.constant 0.000000e+00 : f32
        %broadcast_in_dim3A_134 = vector.broadcast %broadcast_in_dim3A_133 : f32 to vector<16xf32>
        %swap3A_135 = arith.index_cast %scan3A_106 : i32 to index
        %swap3A_136 = arith.constant 64 : index
        %swap3A_137 = tpu.vector_load %arg8[%swap3A_135, %swap3A_136] {strides = array<i32>} : memref<128x128xf32, #tpu.memory_space<vmem>>, vector<1x16xf32>,
        %swap3A_138 = vector.shape_cast %swap3A_137 : vector<1x16xf32> to vector<16xf32>
        %swap3A_139 = vector.shape_cast %broadcast_in_dim3A_134 : vector<16xf32> to vector<1x16xf32>
        tpu.vector_store %arg8[%swap3A_135, %swap3A_136], %swap3A_139 {strides = array<i32>} : memref<128x128xf32, #tpu.memory_space<vmem>>, vector<1x16xf32>,
        %broadcast_in_dim3A_140 = arith.constant 0.000000e+00 : f32
        %broadcast_in_dim3A_141 = vector.broadcast %broadcast_in_dim3A_140 : f32 to vector<16xf32>
        %swap3A_142 = arith.index_cast %scan3A_106 : i32 to index
        %swap3A_143 = arith.constant 80 : index
        %swap3A_144 = tpu.vector_load %arg8[%swap3A_142, %swap3A_143] {strides = array<i32>} : memref<128x128xf32, #tpu.memory_space<vmem>>, vector<1x16xf32>,
        %swap3A_145 = vector.shape_cast %swap3A_144 : vector<1x16xf32> to vector<16xf32>
        %swap3A_146 = vector.shape_cast %broadcast_in_dim3A_141 : vector<16xf32> to vector<1x16xf32>
        tpu.vector_store %arg8[%swap3A_142, %swap3A_143], %swap3A_146 {strides = array<i32>} : memref<128x128xf32, #tpu.memory_space<vmem>>, vector<1x16xf32>,
        %broadcast_in_dim3A_147 = arith.constant 0.000000e+00 : f32
        %broadcast_in_dim3A_148 = vector.broadcast %broadcast_in_dim3A_147 : f32 to vector<16xf32>
        %swap3A_149 = arith.index_cast %scan3A_106 : i32 to index
        %swap3A_150 = arith.constant 96 : index
        %swap3A_151 = tpu.vector_load %arg8[%swap3A_149, %swap3A_150] {strides = array<i32>} : memref<128x128xf32, #tpu.memory_space<vmem>>, vector<1x16xf32>,
        %swap3A_152 = vector.shape_cast %swap3A_151 : vector<1x16xf32> to vector<16xf32>
        %swap3A_153 = vector.shape_cast %broadcast_in_dim3A_148 : vector<16xf32> to vector<1x16xf32>
        tpu.vector_store %arg8[%swap3A_149, %swap3A_150], %swap3A_153 {strides = array<i32>} : memref<128x128xf32, #tpu.memory_space<vmem>>, vector<1x16xf32>,
        %broadcast_in_dim3A_154 = arith.constant 0.000000e+00 : f32
        %broadcast_in_dim3A_155 = vector.broadcast %broadcast_in_dim3A_154 : f32 to vector<16xf32>
        %swap3A_156 = arith.index_cast %scan3A_106 : i32 to index
        %swap3A_157 = arith.constant 112 : index
        %swap3A_158 = tpu.vector_load %arg8[%swap3A_156, %swap3A_157] {strides = array<i32>} : memref<128x128xf32, #tpu.memory_space<vmem>>, vector<1x16xf32>,
        %swap3A_159 = vector.shape_cast %swap3A_158 : vector<1x16xf32> to vector<16xf32>
        %swap3A_160 = vector.shape_cast %broadcast_in_dim3A_155 : vector<16xf32> to vector<1x16xf32>
        tpu.vector_store %arg8[%swap3A_156, %swap3A_157], %swap3A_160 {strides = array<i32>} : memref<128x128xf32, #tpu.memory_space<vmem>>, vector<1x16xf32>,
      }
      %scan3A_50 = arith.constant 128 : i32
      %mul3A_51 = arith.constant 640 : i32
      %mul3A_52 = arith.muli %arg1, %mul3A_51 : i32
      %add3A = arith.constant 0 : i32
      %add3A_53 = arith.addi %mul3A_52, %add3A : i32
      "tpu.region"() ({
        %run_scoped3A_106 = tpu.sem_alloc : memref<!tpu.dma_semaphore, #tpu.memory_space<semaphore_mem>>
        %dma_start3A_107 = arith.constant 0 : i32
        %dma_start3A_108 = tpu.memref_slice %arg9[%add3A_53, %dma_start3A_107] : memref<10240x128xf32, #tpu.memory_space<vmem_shared>> -> memref<128x128xf32, #tpu.memory_space<vmem_shared>>
        %dma_start3A_109 = arith.constant 0 : i32
        %dma_start3A_110 = tpu.memref_slice %arg9[%add3A_53, %dma_start3A_109] : memref<10240x128xf32, #tpu.memory_space<vmem_shared>> -> memref<128x128xf32, #tpu.memory_space<vmem_shared>>
        tpu.enqueue_dma source(%arg8 : memref<128x128xf32, #tpu.memory_space<vmem>>) target(%dma_start3A_110 : memref<128x128xf32, #tpu.memory_space<vmem_shared>>) target_semaphore(%run_scoped3A_106 : memref<!tpu.dma_semaphore, #tpu.memory_space<semaphore_mem>>)
        %dma_wait3A_111 = arith.constant 0 : i32
        %dma_wait3A_112 = tpu.memref_slice %arg9[%add3A_53, %dma_wait3A_111] : memref<10240x128xf32, #tpu.memory_space<vmem_shared>> -> memref<128x128xf32, #tpu.memory_space<vmem_shared>>
        %dma_wait3A_113 = arith.constant 0 : i32
        %dma_wait3A_114 = tpu.memref_slice %arg9[%add3A_53, %dma_wait3A_113] : memref<10240x128xf32, #tpu.memory_space<vmem_shared>> -> memref<128x128xf32, #tpu.memory_space<vmem_shared>>
        tpu.wait_dma2 semaphore(%run_scoped3A_106 : memref<!tpu.dma_semaphore, #tpu.memory_space<semaphore_mem>>) src(%arg8 : memref<128x128xf32, #tpu.memory_space<vmem>>) dst(%dma_wait3A_114 : memref<128x128xf32, #tpu.memory_space<vmem_shared>>)
        tpu.yield
      }) : () -> ()
      %mul3A_54 = arith.constant 640 : i32
      %mul3A_55 = arith.muli %arg1, %mul3A_54 : i32
      %add3A_56 = arith.constant 128 : i32
      %add3A_57 = arith.addi %mul3A_55, %add3A_56 : i32
      "tpu.region"() ({
        %run_scoped3A_106 = tpu.sem_alloc : memref<!tpu.dma_semaphore, #tpu.memory_space<semaphore_mem>>
        %dma_start3A_107 = arith.constant 0 : i32
        %dma_start3A_108 = tpu.memref_slice %arg9[%add3A_57, %dma_start3A_107] : memref<10240x128xf32, #tpu.memory_space<vmem_shared>> -> memref<128x128xf32, #tpu.memory_space<vmem_shared>>
        %dma_start3A_109 = arith.constant 0 : i32
        %dma_start3A_110 = tpu.memref_slice %arg9[%add3A_57, %dma_start3A_109] : memref<10240x128xf32, #tpu.memory_space<vmem_shared>> -> memref<128x128xf32, #tpu.memory_space<vmem_shared>>
        tpu.enqueue_dma source(%arg8 : memref<128x128xf32, #tpu.memory_space<vmem>>) target(%dma_start3A_110 : memref<128x128xf32, #tpu.memory_space<vmem_shared>>) target_semaphore(%run_scoped3A_106 : memref<!tpu.dma_semaphore, #tpu.memory_space<semaphore_mem>>)
        %dma_wait3A_111 = arith.constant 0 : i32
        %dma_wait3A_112 = tpu.memref_slice %arg9[%add3A_57, %dma_wait3A_111] : memref<10240x128xf32, #tpu.memory_space<vmem_shared>> -> memref<128x128xf32, #tpu.memory_space<vmem_shared>>
        %dma_wait3A_113 = arith.constant 0 : i32
        %dma_wait3A_114 = tpu.memref_slice %arg9[%add3A_57, %dma_wait3A_113] : memref<10240x128xf32, #tpu.memory_space<vmem_shared>> -> memref<128x128xf32, #tpu.memory_space<vmem_shared>>
        tpu.wait_dma2 semaphore(%run_scoped3A_106 : memref<!tpu.dma_semaphore, #tpu.memory_space<semaphore_mem>>) src(%arg8 : memref<128x128xf32, #tpu.memory_space<vmem>>) dst(%dma_wait3A_114 : memref<128x128xf32, #tpu.memory_space<vmem_shared>>)
        tpu.yield
      }) : () -> ()
      %mul3A_58 = arith.constant 640 : i32
      %mul3A_59 = arith.muli %arg1, %mul3A_58 : i32
      %add3A_60 = arith.constant 256 : i32
      %add3A_61 = arith.addi %mul3A_59, %add3A_60 : i32
      "tpu.region"() ({
        %run_scoped3A_106 = tpu.sem_alloc : memref<!tpu.dma_semaphore, #tpu.memory_space<semaphore_mem>>
        %dma_start3A_107 = arith.constant 0 : i32
        %dma_start3A_108 = tpu.memref_slice %arg9[%add3A_61, %dma_start3A_107] : memref<10240x128xf32, #tpu.memory_space<vmem_shared>> -> memref<128x128xf32, #tpu.memory_space<vmem_shared>>
        %dma_start3A_109 = arith.constant 0 : i32
        %dma_start3A_110 = tpu.memref_slice %arg9[%add3A_61, %dma_start3A_109] : memref<10240x128xf32, #tpu.memory_space<vmem_shared>> -> memref<128x128xf32, #tpu.memory_space<vmem_shared>>
        tpu.enqueue_dma source(%arg8 : memref<128x128xf32, #tpu.memory_space<vmem>>) target(%dma_start3A_110 : memref<128x128xf32, #tpu.memory_space<vmem_shared>>) target_semaphore(%run_scoped3A_106 : memref<!tpu.dma_semaphore, #tpu.memory_space<semaphore_mem>>)
        %dma_wait3A_111 = arith.constant 0 : i32
        %dma_wait3A_112 = tpu.memref_slice %arg9[%add3A_61, %dma_wait3A_111] : memref<10240x128xf32, #tpu.memory_space<vmem_shared>> -> memref<128x128xf32, #tpu.memory_space<vmem_shared>>
        %dma_wait3A_113 = arith.constant 0 : i32
        %dma_wait3A_114 = tpu.memref_slice %arg9[%add3A_61, %dma_wait3A_113] : memref<10240x128xf32, #tpu.memory_space<vmem_shared>> -> memref<128x128xf32, #tpu.memory_space<vmem_shared>>
        tpu.wait_dma2 semaphore(%run_scoped3A_106 : memref<!tpu.dma_semaphore, #tpu.memory_space<semaphore_mem>>) src(%arg8 : memref<128x128xf32, #tpu.memory_space<vmem>>) dst(%dma_wait3A_114 : memref<128x128xf32, #tpu.memory_space<vmem_shared>>)
        tpu.yield
      }) : () -> ()
      %mul3A_62 = arith.constant 640 : i32
      %mul3A_63 = arith.muli %arg1, %mul3A_62 : i32
      %add3A_64 = arith.constant 384 : i32
      %add3A_65 = arith.addi %mul3A_63, %add3A_64 : i32
      "tpu.region"() ({
        %run_scoped3A_106 = tpu.sem_alloc : memref<!tpu.dma_semaphore, #tpu.memory_space<semaphore_mem>>
        %dma_start3A_107 = arith.constant 0 : i32
        %dma_start3A_108 = tpu.memref_slice %arg9[%add3A_65, %dma_start3A_107] : memref<10240x128xf32, #tpu.memory_space<vmem_shared>> -> memref<128x128xf32, #tpu.memory_space<vmem_shared>>
        %dma_start3A_109 = arith.constant 0 : i32
        %dma_start3A_110 = tpu.memref_slice %arg9[%add3A_65, %dma_start3A_109] : memref<10240x128xf32, #tpu.memory_space<vmem_shared>> -> memref<128x128xf32, #tpu.memory_space<vmem_shared>>
        tpu.enqueue_dma source(%arg8 : memref<128x128xf32, #tpu.memory_space<vmem>>) target(%dma_start3A_110 : memref<128x128xf32, #tpu.memory_space<vmem_shared>>) target_semaphore(%run_scoped3A_106 : memref<!tpu.dma_semaphore, #tpu.memory_space<semaphore_mem>>)
        %dma_wait3A_111 = arith.constant 0 : i32
        %dma_wait3A_112 = tpu.memref_slice %arg9[%add3A_65, %dma_wait3A_111] : memref<10240x128xf32, #tpu.memory_space<vmem_shared>> -> memref<128x128xf32, #tpu.memory_space<vmem_shared>>
        %dma_wait3A_113 = arith.constant 0 : i32
        %dma_wait3A_114 = tpu.memref_slice %arg9[%add3A_65, %dma_wait3A_113] : memref<10240x128xf32, #tpu.memory_space<vmem_shared>> -> memref<128x128xf32, #tpu.memory_space<vmem_shared>>
        tpu.wait_dma2 semaphore(%run_scoped3A_106 : memref<!tpu.dma_semaphore, #tpu.memory_space<semaphore_mem>>) src(%arg8 : memref<128x128xf32, #tpu.memory_space<vmem>>) dst(%dma_wait3A_114 : memref<128x128xf32, #tpu.memory_space<vmem_shared>>)
        tpu.yield
      }) : () -> ()
      %mul3A_66 = arith.constant 640 : i32
      %mul3A_67 = arith.muli %arg1, %mul3A_66 : i32
      %add3A_68 = arith.constant 512 : i32
      %add3A_69 = arith.addi %mul3A_67, %add3A_68 : i32
      "tpu.region"() ({
        %run_scoped3A_106 = tpu.sem_alloc : memref<!tpu.dma_semaphore, #tpu.memory_space<semaphore_mem>>
        %dma_start3A_107 = arith.constant 0 : i32
        %dma_start3A_108 = tpu.memref_slice %arg9[%add3A_69, %dma_start3A_107] : memref<10240x128xf32, #tpu.memory_space<vmem_shared>> -> memref<128x128xf32, #tpu.memory_space<vmem_shared>>
        %dma_start3A_109 = arith.constant 0 : i32
        %dma_start3A_110 = tpu.memref_slice %arg9[%add3A_69, %dma_start3A_109] : memref<10240x128xf32, #tpu.memory_space<vmem_shared>> -> memref<128x128xf32, #tpu.memory_space<vmem_shared>>
        tpu.enqueue_dma source(%arg8 : memref<128x128xf32, #tpu.memory_space<vmem>>) target(%dma_start3A_110 : memref<128x128xf32, #tpu.memory_space<vmem_shared>>) target_semaphore(%run_scoped3A_106 : memref<!tpu.dma_semaphore, #tpu.memory_space<semaphore_mem>>)
        %dma_wait3A_111 = arith.constant 0 : i32
        %dma_wait3A_112 = tpu.memref_slice %arg9[%add3A_69, %dma_wait3A_111] : memref<10240x128xf32, #tpu.memory_space<vmem_shared>> -> memref<128x128xf32, #tpu.memory_space<vmem_shared>>
        %dma_wait3A_113 = arith.constant 0 : i32
        %dma_wait3A_114 = tpu.memref_slice %arg9[%add3A_69, %dma_wait3A_113] : memref<10240x128xf32, #tpu.memory_space<vmem_shared>> -> memref<128x128xf32, #tpu.memory_space<vmem_shared>>
        tpu.wait_dma2 semaphore(%run_scoped3A_106 : memref<!tpu.dma_semaphore, #tpu.memory_space<semaphore_mem>>) src(%arg8 : memref<128x128xf32, #tpu.memory_space<vmem>>) dst(%dma_wait3A_114 : memref<128x128xf32, #tpu.memory_space<vmem_shared>>)
        tpu.yield
      }) : () -> ()
      %dma_wait3A = arith.constant 1 : i32
      %dma_wait3A_70 = arith.constant 0 : i32
      %dma_wait3A_71 = arith.constant 0 : i32
      %dma_wait3A_72 = arith.constant 1 : i32
      %dma_wait3A_73 = arith.constant 0 : i32
      %dma_wait3A_74 = arith.constant 0 : i32
      %dma_wait3A_75 = tpu.memref_slice %arg6[%dma_wait3A_71, %dma_wait3A_72, %dma_wait3A_73, %dma_wait3A_74] : memref<2x2x8x128xi32, #tpu.memory_space<vmem>> -> memref<1x1x8x128xi32, #tpu.memory_space<vmem>>
      %dma_wait3A_76 = tpu.memref_squeeze %dma_wait3A_75 : memref<1x1x8x128xi32, #tpu.memory_space<vmem>> -> memref<8x128xi32, #tpu.memory_space<vmem>>
      %dma_wait3A_77 = arith.constant 0 : i32
      %dma_wait3A_78 = arith.constant 0 : i32
      %dma_wait3A_79 = tpu.memref_slice %arg4[%dma_wait3A, %arg1, %dma_wait3A_70, %dma_wait3A_77, %dma_wait3A_78] : memref<2x16x10x8x128xi32, #tpu.memory_space<hbm>> -> memref<1x1x1x8x128xi32, #tpu.memory_space<hbm>>
      %dma_wait3A_80 = tpu.memref_squeeze %dma_wait3A_79 : memref<1x1x1x8x128xi32, #tpu.memory_space<hbm>> -> memref<8x128xi32, #tpu.memory_space<hbm>>
      %dma_wait3A_81 = arith.constant 0 : i32
      %dma_wait3A_82 = arith.constant 0 : i32
      %dma_wait3A_83 = tpu.memref_slice %arg6[%dma_wait3A_71, %dma_wait3A_72, %dma_wait3A_81, %dma_wait3A_82] : memref<2x2x8x128xi32, #tpu.memory_space<vmem>> -> memref<1x1x8x128xi32, #tpu.memory_space<vmem>>
      %dma_wait3A_84 = tpu.memref_squeeze %dma_wait3A_83 : memref<1x1x8x128xi32, #tpu.memory_space<vmem>> -> memref<8x128xi32, #tpu.memory_space<vmem>>
      %dma_wait3A_85 = arith.constant 0 : i32
      %dma_wait3A_86 = arith.constant 0 : i32
      %dma_wait3A_87 = tpu.memref_slice %arg4[%dma_wait3A, %arg1, %dma_wait3A_70, %dma_wait3A_85, %dma_wait3A_86] : memref<2x16x10x8x128xi32, #tpu.memory_space<hbm>> -> memref<1x1x1x8x128xi32, #tpu.memory_space<hbm>>
      %dma_wait3A_88 = tpu.memref_squeeze %dma_wait3A_87 : memref<1x1x1x8x128xi32, #tpu.memory_space<hbm>> -> memref<8x128xi32, #tpu.memory_space<hbm>>
      tpu.wait_dma2 semaphore(%arg12 : memref<!tpu.dma_semaphore, #tpu.memory_space<semaphore_mem>>) src(%dma_wait3A_88 : memref<8x128xi32, #tpu.memory_space<hbm>>) dst(%dma_wait3A_84 : memref<8x128xi32, #tpu.memory_space<vmem>>)
      %barrier3A_89 = arith.constant 0 : index
      tpu.barrier barrier_id(%barrier3A_89)
      %scan3A_90 = arith.constant 0 : i32
      %scan3A_91 = arith.constant 1 : i32
      %scan3A_92 = arith.constant 0 : i32
      %scan3A_93 = arith.constant 10 : i32
      %scan3A_94 = arith.addi %scan3A_92, %scan3A_93 : i32
      %scan3A_95 = arith.constant 1 : i32
      scf.for %scan3A_106 = %scan3A_92 to %scan3A_94 step %scan3A_95  : i32 {
        %rem3A = arith.constant 2 : i32
        %rem3A_107 = arith.remsi %scan3A_106, %rem3A : i32
        %sub3A = arith.constant 1 : i32
        %sub3A_108 = arith.subi %sub3A, %rem3A_107 : i32
        %lt3A = arith.constant 9 : i32
        %lt3A_109 = arith.cmpi slt, %scan3A_106, %lt3A : i32
        %convert_element_type3A_110 = arith.extui %lt3A_109 : i1 to i32
        %cond3A_111 = arith.constant 0 : i32
        %cond3A_112 = arith.cmpi ne, %convert_element_type3A_110, %cond3A_111 : i32
        scf.if %cond3A_112 {
          %add3A_429 = arith.constant 1 : i32
          %add3A_430 = arith.addi %scan3A_106, %add3A_429 : i32
          %dma_start3A_431 = arith.constant 0 : i32
          %dma_start3A_432 = arith.constant 0 : i32
          %dma_start3A_433 = arith.constant 0 : i32
          %dma_start3A_434 = arith.constant 0 : i32
          %dma_start3A_435 = tpu.memref_slice %arg6[%sub3A_108, %dma_start3A_432, %dma_start3A_433, %dma_start3A_434] : memref<2x2x8x128xi32, #tpu.memory_space<vmem>> -> memref<1x1x8x128xi32, #tpu.memory_space<vmem>>
          %dma_start3A_436 = tpu.memref_squeeze %dma_start3A_435 : memref<1x1x8x128xi32, #tpu.memory_space<vmem>> -> memref<8x128xi32, #tpu.memory_space<vmem>>
          %dma_start3A_437 = arith.constant 0 : i32
          %dma_start3A_438 = arith.constant 0 : i32
          %dma_start3A_439 = tpu.memref_slice %arg4[%dma_start3A_431, %arg1, %add3A_430, %dma_start3A_437, %dma_start3A_438] : memref<2x16x10x8x128xi32, #tpu.memory_space<hbm>> -> memref<1x1x1x8x128xi32, #tpu.memory_space<hbm>>
          %dma_start3A_440 = tpu.memref_squeeze %dma_start3A_439 : memref<1x1x1x8x128xi32, #tpu.memory_space<hbm>> -> memref<8x128xi32, #tpu.memory_space<hbm>>
          %dma_start3A_441 = arith.constant 0 : i32
          %dma_start3A_442 = arith.constant 0 : i32
          %dma_start3A_443 = tpu.memref_slice %arg6[%sub3A_108, %dma_start3A_432, %dma_start3A_441, %dma_start3A_442] : memref<2x2x8x128xi32, #tpu.memory_space<vmem>> -> memref<1x1x8x128xi32, #tpu.memory_space<vmem>>
          %dma_start3A_444 = tpu.memref_squeeze %dma_start3A_443 : memref<1x1x8x128xi32, #tpu.memory_space<vmem>> -> memref<8x128xi32, #tpu.memory_space<vmem>>
          %dma_start3A_445 = arith.constant 0 : i32
          %dma_start3A_446 = arith.constant 0 : i32
          %dma_start3A_447 = tpu.memref_slice %arg4[%dma_start3A_431, %arg1, %add3A_430, %dma_start3A_445, %dma_start3A_446] : memref<2x16x10x8x128xi32, #tpu.memory_space<hbm>> -> memref<1x1x1x8x128xi32, #tpu.memory_space<hbm>>
          %dma_start3A_448 = tpu.memref_squeeze %dma_start3A_447 : memref<1x1x1x8x128xi32, #tpu.memory_space<hbm>> -> memref<8x128xi32, #tpu.memory_space<hbm>>
          tpu.enqueue_dma source(%dma_start3A_448 : memref<8x128xi32, #tpu.memory_space<hbm>>) target(%dma_start3A_444 : memref<8x128xi32, #tpu.memory_space<vmem>>) target_semaphore(%arg12 : memref<!tpu.dma_semaphore, #tpu.memory_space<semaphore_mem>>)
          %add3A_449 = arith.constant 1 : i32
          %add3A_450 = arith.addi %scan3A_106, %add3A_449 : i32
          %dma_start3A_451 = arith.constant 1 : i32
          %dma_start3A_452 = arith.constant 1 : i32
          %dma_start3A_453 = arith.constant 0 : i32
          %dma_start3A_454 = arith.constant 0 : i32
          %dma_start3A_455 = tpu.memref_slice %arg6[%sub3A_108, %dma_start3A_452, %dma_start3A_453, %dma_start3A_454] : memref<2x2x8x128xi32, #tpu.memory_space<vmem>> -> memref<1x1x8x128xi32, #tpu.memory_space<vmem>>
          %dma_start3A_456 = tpu.memref_squeeze %dma_start3A_455 : memref<1x1x8x128xi32, #tpu.memory_space<vmem>> -> memref<8x128xi32, #tpu.memory_space<vmem>>
          %dma_start3A_457 = arith.constant 0 : i32
          %dma_start3A_458 = arith.constant 0 : i32
          %dma_start3A_459 = tpu.memref_slice %arg4[%dma_start3A_451, %arg1, %add3A_450, %dma_start3A_457, %dma_start3A_458] : memref<2x16x10x8x128xi32, #tpu.memory_space<hbm>> -> memref<1x1x1x8x128xi32, #tpu.memory_space<hbm>>
          %dma_start3A_460 = tpu.memref_squeeze %dma_start3A_459 : memref<1x1x1x8x128xi32, #tpu.memory_space<hbm>> -> memref<8x128xi32, #tpu.memory_space<hbm>>
          %dma_start3A_461 = arith.constant 0 : i32
          %dma_start3A_462 = arith.constant 0 : i32
          %dma_start3A_463 = tpu.memref_slice %arg6[%sub3A_108, %dma_start3A_452, %dma_start3A_461, %dma_start3A_462] : memref<2x2x8x128xi32, #tpu.memory_space<vmem>> -> memref<1x1x8x128xi32, #tpu.memory_space<vmem>>
          %dma_start3A_464 = tpu.memref_squeeze %dma_start3A_463 : memref<1x1x8x128xi32, #tpu.memory_space<vmem>> -> memref<8x128xi32, #tpu.memory_space<vmem>>
          %dma_start3A_465 = arith.constant 0 : i32
          %dma_start3A_466 = arith.constant 0 : i32
          %dma_start3A_467 = tpu.memref_slice %arg4[%dma_start3A_451, %arg1, %add3A_450, %dma_start3A_465, %dma_start3A_466] : memref<2x16x10x8x128xi32, #tpu.memory_space<hbm>> -> memref<1x1x1x8x128xi32, #tpu.memory_space<hbm>>
          %dma_start3A_468 = tpu.memref_squeeze %dma_start3A_467 : memref<1x1x1x8x128xi32, #tpu.memory_space<hbm>> -> memref<8x128xi32, #tpu.memory_space<hbm>>
          tpu.enqueue_dma source(%dma_start3A_468 : memref<8x128xi32, #tpu.memory_space<hbm>>) target(%dma_start3A_464 : memref<8x128xi32, #tpu.memory_space<vmem>>) target_semaphore(%arg12 : memref<!tpu.dma_semaphore, #tpu.memory_space<semaphore_mem>>)
        } else {
        }
        %gt3A = arith.constant 0 : i32
        %gt3A_113 = arith.cmpi sgt, %scan3A_106, %gt3A : i32
        %convert_element_type3A_114 = arith.extui %gt3A_113 : i1 to i32
        %cond3A_115 = arith.constant 0 : i32
        %cond3A_116 = arith.cmpi ne, %convert_element_type3A_114, %cond3A_115 : i32
        scf.if %cond3A_116 {
          %dma_wait3A_429 = arith.constant 0 : i32
          %dma_wait3A_430 = arith.constant 1 : i32
          %dma_wait3A_431 = arith.constant 0 : i32
          %dma_wait3A_432 = arith.constant 0 : i32
          %dma_wait3A_433 = tpu.memref_slice %arg6[%dma_wait3A_429, %dma_wait3A_430, %dma_wait3A_431, %dma_wait3A_432] : memref<2x2x8x128xi32, #tpu.memory_space<vmem>> -> memref<1x1x1x128xi32, #tpu.memory_space<vmem>>
          %dma_wait3A_434 = tpu.memref_squeeze %dma_wait3A_433 : memref<1x1x1x128xi32, #tpu.memory_space<vmem>> -> memref<128xi32, #tpu.memory_space<vmem>>
          %dma_wait3A_435 = arith.constant 0 : i32
          %dma_wait3A_436 = arith.constant 0 : i32
          %dma_wait3A_437 = tpu.memref_slice %arg9[%dma_wait3A_435, %dma_wait3A_436] : memref<10240x128xf32, #tpu.memory_space<vmem_shared>> -> memref<10240x128xf32, #tpu.memory_space<vmem_shared>>
          tpu.wait_indirect_dma semaphore(%arg13 : memref<!tpu.dma_semaphore, #tpu.memory_space<semaphore_mem>>) src(%arg7 : memref<128x128xf32, #tpu.memory_space<vmem>>) dst(%dma_wait3A_437 : memref<10240x128xf32, #tpu.memory_space<vmem_shared>>)
        } else {
        }
        %dma_start3A_117 = arith.constant 0 : i32
        %dma_start3A_118 = arith.constant 1 : i32
        %dma_start3A_119 = arith.constant 0 : i32
        %dma_start3A_120 = tpu.memref_slice %arg6[%rem3A_107, %dma_start3A_117, %dma_start3A_118, %dma_start3A_119] : memref<2x2x8x128xi32, #tpu.memory_space<vmem>> -> memref<1x1x1x128xi32, #tpu.memory_space<vmem>>
        %dma_start3A_121 = tpu.memref_squeeze %dma_start3A_120 : memref<1x1x1x128xi32, #tpu.memory_space<vmem>> -> memref<128xi32, #tpu.memory_space<vmem>>
        %dma_start3A_122 = arith.constant 0 : i32
        %dma_start3A_123 = arith.constant 0 : i32
        %dma_start3A_124 = tpu.memref_slice %arg2[%scan3A_91, %dma_start3A_122, %dma_start3A_123] : memref<2x10000x128xf32, #tpu.memory_space<hbm>> -> memref<1x10000x128xf32, #tpu.memory_space<hbm>>
        %dma_start3A_125 = tpu.memref_squeeze %dma_start3A_124 : memref<1x10000x128xf32, #tpu.memory_space<hbm>> -> memref<10000x128xf32, #tpu.memory_space<hbm>>
        %dma_start3A_126 = arith.constant 0 : i32
        %dma_start3A_127 = arith.constant 0 : i32
        %dma_start3A_128 = tpu.memref_slice %dma_start3A_125[%dma_start3A_126, %dma_start3A_127] : memref<10000x128xf32, #tpu.memory_space<hbm>> -> memref<10000x128xf32, #tpu.memory_space<hbm>>
        tpu.enqueue_indirect_dma source(%dma_start3A_128 : memref<10000x128xf32, #tpu.memory_space<hbm>>) target(%arg8 : memref<128x128xf32, #tpu.memory_space<vmem>>) offsets(%dma_start3A_121 : memref<128xi32, #tpu.memory_space<vmem>>) semaphore(%arg11 : memref<!tpu.dma_semaphore, #tpu.memory_space<semaphore_mem>>)
        %dma_wait3A_129 = arith.constant 0 : i32
        %dma_wait3A_130 = arith.constant 0 : i32
        %dma_wait3A_131 = arith.constant 0 : i32
        %dma_wait3A_132 = tpu.memref_slice %arg6[%rem3A_107, %dma_wait3A_129, %dma_wait3A_130, %dma_wait3A_131] : memref<2x2x8x128xi32, #tpu.memory_space<vmem>> -> memref<1x1x1x128xi32, #tpu.memory_space<vmem>>
        %dma_wait3A_133 = tpu.memref_squeeze %dma_wait3A_132 : memref<1x1x1x128xi32, #tpu.memory_space<vmem>> -> memref<128xi32, #tpu.memory_space<vmem>>
        %dma_wait3A_134 = arith.constant 0 : i32
        %dma_wait3A_135 = arith.constant 0 : i32
        %dma_wait3A_136 = tpu.memref_slice %arg2[%scan3A_91, %dma_wait3A_134, %dma_wait3A_135] : memref<2x10000x128xf32, #tpu.memory_space<hbm>> -> memref<1x10000x128xf32, #tpu.memory_space<hbm>>
        %dma_wait3A_137 = tpu.memref_squeeze %dma_wait3A_136 : memref<1x10000x128xf32, #tpu.memory_space<hbm>> -> memref<10000x128xf32, #tpu.memory_space<hbm>>
        %dma_wait3A_138 = arith.constant 0 : i32
        %dma_wait3A_139 = arith.constant 0 : i32
        %dma_wait3A_140 = tpu.memref_slice %dma_wait3A_137[%dma_wait3A_138, %dma_wait3A_139] : memref<10000x128xf32, #tpu.memory_space<hbm>> -> memref<10000x128xf32, #tpu.memory_space<hbm>>
        tpu.wait_indirect_dma semaphore(%arg10 : memref<!tpu.dma_semaphore, #tpu.memory_space<semaphore_mem>>) src(%dma_wait3A_140 : memref<10000x128xf32, #tpu.memory_space<hbm>>) dst(%arg7 : memref<128x128xf32, #tpu.memory_space<vmem>>)
        %dma_start3A_141 = arith.constant 1 : i32
        %dma_start3A_142 = arith.constant 0 : i32
        %dma_start3A_143 = arith.constant 0 : i32
        %dma_start3A_144 = tpu.memref_slice %arg6[%rem3A_107, %dma_start3A_141, %dma_start3A_142, %dma_start3A_143] : memref<2x2x8x128xi32, #tpu.memory_space<vmem>> -> memref<1x1x1x128xi32, #tpu.memory_space<vmem>>
        %dma_start3A_145 = tpu.memref_squeeze %dma_start3A_144 : memref<1x1x1x128xi32, #tpu.memory_space<vmem>> -> memref<128xi32, #tpu.memory_space<vmem>>
        %dma_start3A_146 = arith.constant 0 : i32
        %dma_start3A_147 = arith.constant 0 : i32
        %dma_start3A_148 = tpu.memref_slice %arg9[%dma_start3A_146, %dma_start3A_147] : memref<10240x128xf32, #tpu.memory_space<vmem_shared>> -> memref<10240x128xf32, #tpu.memory_space<vmem_shared>>
        tpu.enqueue_indirect_dma source(%arg7 : memref<128x128xf32, #tpu.memory_space<vmem>>) target(%dma_start3A_148 : memref<10240x128xf32, #tpu.memory_space<vmem_shared>>) offsets(%dma_start3A_145 : memref<128xi32, #tpu.memory_space<vmem>>) semaphore(%arg13 : memref<!tpu.dma_semaphore, #tpu.memory_space<semaphore_mem>>) {add = true}
        %dma_wait3A_149 = arith.constant 0 : i32
        %dma_wait3A_150 = arith.constant 1 : i32
        %dma_wait3A_151 = arith.constant 0 : i32
        %dma_wait3A_152 = arith.constant 0 : i32
        %dma_wait3A_153 = tpu.memref_slice %arg6[%dma_wait3A_149, %dma_wait3A_150, %dma_wait3A_151, %dma_wait3A_152] : memref<2x2x8x128xi32, #tpu.memory_space<vmem>> -> memref<1x1x1x128xi32, #tpu.memory_space<vmem>>
        %dma_wait3A_154 = tpu.memref_squeeze %dma_wait3A_153 : memref<1x1x1x128xi32, #tpu.memory_space<vmem>> -> memref<128xi32, #tpu.memory_space<vmem>>
        %dma_wait3A_155 = arith.constant 0 : i32
        %dma_wait3A_156 = arith.constant 0 : i32
        %dma_wait3A_157 = tpu.memref_slice %arg9[%dma_wait3A_155, %dma_wait3A_156] : memref<10240x128xf32, #tpu.memory_space<vmem_shared>> -> memref<10240x128xf32, #tpu.memory_space<vmem_shared>>
        tpu.wait_indirect_dma semaphore(%arg13 : memref<!tpu.dma_semaphore, #tpu.memory_space<semaphore_mem>>) src(%arg7 : memref<128x128xf32, #tpu.memory_space<vmem>>) dst(%dma_wait3A_157 : memref<10240x128xf32, #tpu.memory_space<vmem_shared>>)
        %dma_start3A_158 = arith.constant 0 : i32
        %dma_start3A_159 = arith.constant 2 : i32
        %dma_start3A_160 = arith.constant 0 : i32
        %dma_start3A_161 = tpu.memref_slice %arg6[%rem3A_107, %dma_start3A_158, %dma_start3A_159, %dma_start3A_160] : memref<2x2x8x128xi32, #tpu.memory_space<vmem>> -> memref<1x1x1x128xi32, #tpu.memory_space<vmem>>
        %dma_start3A_162 = tpu.memref_squeeze %dma_start3A_161 : memref<1x1x1x128xi32, #tpu.memory_space<vmem>> -> memref<128xi32, #tpu.memory_space<vmem>>
        %dma_start3A_163 = arith.constant 0 : i32
        %dma_start3A_164 = arith.constant 0 : i32
        %dma_start3A_165 = tpu.memref_slice %arg2[%scan3A_91, %dma_start3A_163, %dma_start3A_164] : memref<2x10000x128xf32, #tpu.memory_space<hbm>> -> memref<1x10000x128xf32, #tpu.memory_space<hbm>>
        %dma_start3A_166 = tpu.memref_squeeze %dma_start3A_165 : memref<1x10000x128xf32, #tpu.memory_space<hbm>> -> memref<10000x128xf32, #tpu.memory_space<hbm>>
        %dma_start3A_167 = arith.constant 0 : i32
        %dma_start3A_168 = arith.constant 0 : i32
        %dma_start3A_169 = tpu.memref_slice %dma_start3A_166[%dma_start3A_167, %dma_start3A_168] : memref<10000x128xf32, #tpu.memory_space<hbm>> -> memref<10000x128xf32, #tpu.memory_space<hbm>>
        tpu.enqueue_indirect_dma source(%dma_start3A_169 : memref<10000x128xf32, #tpu.memory_space<hbm>>) target(%arg7 : memref<128x128xf32, #tpu.memory_space<vmem>>) offsets(%dma_start3A_162 : memref<128xi32, #tpu.memory_space<vmem>>) semaphore(%arg10 : memref<!tpu.dma_semaphore, #tpu.memory_space<semaphore_mem>>)
        %dma_wait3A_170 = arith.constant 0 : i32
        %dma_wait3A_171 = arith.constant 1 : i32
        %dma_wait3A_172 = arith.constant 0 : i32
        %dma_wait3A_173 = tpu.memref_slice %arg6[%rem3A_107, %dma_wait3A_170, %dma_wait3A_171, %dma_wait3A_172] : memref<2x2x8x128xi32, #tpu.memory_space<vmem>> -> memref<1x1x1x128xi32, #tpu.memory_space<vmem>>
        %dma_wait3A_174 = tpu.memref_squeeze %dma_wait3A_173 : memref<1x1x1x128xi32, #tpu.memory_space<vmem>> -> memref<128xi32, #tpu.memory_space<vmem>>
        %dma_wait3A_175 = arith.constant 0 : i32
        %dma_wait3A_176 = arith.constant 0 : i32
        %dma_wait3A_177 = tpu.memref_slice %arg2[%scan3A_91, %dma_wait3A_175, %dma_wait3A_176] : memref<2x10000x128xf32, #tpu.memory_space<hbm>> -> memref<1x10000x128xf32, #tpu.memory_space<hbm>>
        %dma_wait3A_178 = tpu.memref_squeeze %dma_wait3A_177 : memref<1x10000x128xf32, #tpu.memory_space<hbm>> -> memref<10000x128xf32, #tpu.memory_space<hbm>>
        %dma_wait3A_179 = arith.constant 0 : i32
        %dma_wait3A_180 = arith.constant 0 : i32
        %dma_wait3A_181 = tpu.memref_slice %dma_wait3A_178[%dma_wait3A_179, %dma_wait3A_180] : memref<10000x128xf32, #tpu.memory_space<hbm>> -> memref<10000x128xf32, #tpu.memory_space<hbm>>
        tpu.wait_indirect_dma semaphore(%arg11 : memref<!tpu.dma_semaphore, #tpu.memory_space<semaphore_mem>>) src(%dma_wait3A_181 : memref<10000x128xf32, #tpu.memory_space<hbm>>) dst(%arg8 : memref<128x128xf32, #tpu.memory_space<vmem>>)
        %dma_start3A_182 = arith.constant 1 : i32
        %dma_start3A_183 = arith.constant 1 : i32
        %dma_start3A_184 = arith.constant 0 : i32
        %dma_start3A_185 = tpu.memref_slice %arg6[%rem3A_107, %dma_start3A_182, %dma_start3A_183, %dma_start3A_184] : memref<2x2x8x128xi32, #tpu.memory_space<vmem>> -> memref<1x1x1x128xi32, #tpu.memory_space<vmem>>
        %dma_start3A_186 = tpu.memref_squeeze %dma_start3A_185 : memref<1x1x1x128xi32, #tpu.memory_space<vmem>> -> memref<128xi32, #tpu.memory_space<vmem>>
        %dma_start3A_187 = arith.constant 0 : i32
        %dma_start3A_188 = arith.constant 0 : i32
        %dma_start3A_189 = tpu.memref_slice %arg9[%dma_start3A_187, %dma_start3A_188] : memref<10240x128xf32, #tpu.memory_space<vmem_shared>> -> memref<10240x128xf32, #tpu.memory_space<vmem_shared>>
        tpu.enqueue_indirect_dma source(%arg8 : memref<128x128xf32, #tpu.memory_space<vmem>>) target(%dma_start3A_189 : memref<10240x128xf32, #tpu.memory_space<vmem_shared>>) offsets(%dma_start3A_186 : memref<128xi32, #tpu.memory_space<vmem>>) semaphore(%arg13 : memref<!tpu.dma_semaphore, #tpu.memory_space<semaphore_mem>>) {add = true}
        %dma_wait3A_190 = arith.constant 0 : i32
        %dma_wait3A_191 = arith.constant 1 : i32
        %dma_wait3A_192 = arith.constant 0 : i32
        %dma_wait3A_193 = arith.constant 0 : i32
        %dma_wait3A_194 = tpu.memref_slice %arg6[%dma_wait3A_190, %dma_wait3A_191, %dma_wait3A_192, %dma_wait3A_193] : memref<2x2x8x128xi32, #tpu.memory_space<vmem>> -> memref<1x1x1x128xi32, #tpu.memory_space<vmem>>
        %dma_wait3A_195 = tpu.memref_squeeze %dma_wait3A_194 : memref<1x1x1x128xi32, #tpu.memory_space<vmem>> -> memref<128xi32, #tpu.memory_space<vmem>>
        %dma_wait3A_196 = arith.constant 0 : i32
        %dma_wait3A_197 = arith.constant 0 : i32
        %dma_wait3A_198 = tpu.memref_slice %arg9[%dma_wait3A_196, %dma_wait3A_197] : memref<10240x128xf32, #tpu.memory_space<vmem_shared>> -> memref<10240x128xf32, #tpu.memory_space<vmem_shared>>
        tpu.wait_indirect_dma semaphore(%arg13 : memref<!tpu.dma_semaphore, #tpu.memory_space<semaphore_mem>>) src(%arg7 : memref<128x128xf32, #tpu.memory_space<vmem>>) dst(%dma_wait3A_198 : memref<10240x128xf32, #tpu.memory_space<vmem_shared>>)
        %dma_start3A_199 = arith.constant 0 : i32
        %dma_start3A_200 = arith.constant 3 : i32
        %dma_start3A_201 = arith.constant 0 : i32
        %dma_start3A_202 = tpu.memref_slice %arg6[%rem3A_107, %dma_start3A_199, %dma_start3A_200, %dma_start3A_201] : memref<2x2x8x128xi32, #tpu.memory_space<vmem>> -> memref<1x1x1x128xi32, #tpu.memory_space<vmem>>
        %dma_start3A_203 = tpu.memref_squeeze %dma_start3A_202 : memref<1x1x1x128xi32, #tpu.memory_space<vmem>> -> memref<128xi32, #tpu.memory_space<vmem>>
        %dma_start3A_204 = arith.constant 0 : i32
        %dma_start3A_205 = arith.constant 0 : i32
        %dma_start3A_206 = tpu.memref_slice %arg2[%scan3A_91, %dma_start3A_204, %dma_start3A_205] : memref<2x10000x128xf32, #tpu.memory_space<hbm>> -> memref<1x10000x128xf32, #tpu.memory_space<hbm>>
        %dma_start3A_207 = tpu.memref_squeeze %dma_start3A_206 : memref<1x10000x128xf32, #tpu.memory_space<hbm>> -> memref<10000x128xf32, #tpu.memory_space<hbm>>
        %dma_start3A_208 = arith.constant 0 : i32
        %dma_start3A_209 = arith.constant 0 : i32
        %dma_start3A_210 = tpu.memref_slice %dma_start3A_207[%dma_start3A_208, %dma_start3A_209] : memref<10000x128xf32, #tpu.memory_space<hbm>> -> memref<10000x128xf32, #tpu.memory_space<hbm>>
        tpu.enqueue_indirect_dma source(%dma_start3A_210 : memref<10000x128xf32, #tpu.memory_space<hbm>>) target(%arg8 : memref<128x128xf32, #tpu.memory_space<vmem>>) offsets(%dma_start3A_203 : memref<128xi32, #tpu.memory_space<vmem>>) semaphore(%arg11 : memref<!tpu.dma_semaphore, #tpu.memory_space<semaphore_mem>>)
        %dma_wait3A_211 = arith.constant 0 : i32
        %dma_wait3A_212 = arith.constant 2 : i32
        %dma_wait3A_213 = arith.constant 0 : i32
        %dma_wait3A_214 = tpu.memref_slice %arg6[%rem3A_107, %dma_wait3A_211, %dma_wait3A_212, %dma_wait3A_213] : memref<2x2x8x128xi32, #tpu.memory_space<vmem>> -> memref<1x1x1x128xi32, #tpu.memory_space<vmem>>
        %dma_wait3A_215 = tpu.memref_squeeze %dma_wait3A_214 : memref<1x1x1x128xi32, #tpu.memory_space<vmem>> -> memref<128xi32, #tpu.memory_space<vmem>>
        %dma_wait3A_216 = arith.constant 0 : i32
        %dma_wait3A_217 = arith.constant 0 : i32
        %dma_wait3A_218 = tpu.memref_slice %arg2[%scan3A_91, %dma_wait3A_216, %dma_wait3A_217] : memref<2x10000x128xf32, #tpu.memory_space<hbm>> -> memref<1x10000x128xf32, #tpu.memory_space<hbm>>
        %dma_wait3A_219 = tpu.memref_squeeze %dma_wait3A_218 : memref<1x10000x128xf32, #tpu.memory_space<hbm>> -> memref<10000x128xf32, #tpu.memory_space<hbm>>
        %dma_wait3A_220 = arith.constant 0 : i32
        %dma_wait3A_221 = arith.constant 0 : i32
        %dma_wait3A_222 = tpu.memref_slice %dma_wait3A_219[%dma_wait3A_220, %dma_wait3A_221] : memref<10000x128xf32, #tpu.memory_space<hbm>> -> memref<10000x128xf32, #tpu.memory_space<hbm>>
        tpu.wait_indirect_dma semaphore(%arg10 : memref<!tpu.dma_semaphore, #tpu.memory_space<semaphore_mem>>) src(%dma_wait3A_222 : memref<10000x128xf32, #tpu.memory_space<hbm>>) dst(%arg7 : memref<128x128xf32, #tpu.memory_space<vmem>>)
        %dma_start3A_223 = arith.constant 1 : i32
        %dma_start3A_224 = arith.constant 2 : i32
        %dma_start3A_225 = arith.constant 0 : i32
        %dma_start3A_226 = tpu.memref_slice %arg6[%rem3A_107, %dma_start3A_223, %dma_start3A_224, %dma_start3A_225] : memref<2x2x8x128xi32, #tpu.memory_space<vmem>> -> memref<1x1x1x128xi32, #tpu.memory_space<vmem>>
        %dma_start3A_227 = tpu.memref_squeeze %dma_start3A_226 : memref<1x1x1x128xi32, #tpu.memory_space<vmem>> -> memref<128xi32, #tpu.memory_space<vmem>>
        %dma_start3A_228 = arith.constant 0 : i32
        %dma_start3A_229 = arith.constant 0 : i32
        %dma_start3A_230 = tpu.memref_slice %arg9[%dma_start3A_228, %dma_start3A_229] : memref<10240x128xf32, #tpu.memory_space<vmem_shared>> -> memref<10240x128xf32, #tpu.memory_space<vmem_shared>>
        tpu.enqueue_indirect_dma source(%arg7 : memref<128x128xf32, #tpu.memory_space<vmem>>) target(%dma_start3A_230 : memref<10240x128xf32, #tpu.memory_space<vmem_shared>>) offsets(%dma_start3A_227 : memref<128xi32, #tpu.memory_space<vmem>>) semaphore(%arg13 : memref<!tpu.dma_semaphore, #tpu.memory_space<semaphore_mem>>) {add = true}
        %dma_wait3A_231 = arith.constant 0 : i32
        %dma_wait3A_232 = arith.constant 1 : i32
        %dma_wait3A_233 = arith.constant 0 : i32
        %dma_wait3A_234 = arith.constant 0 : i32
        %dma_wait3A_235 = tpu.memref_slice %arg6[%dma_wait3A_231, %dma_wait3A_232, %dma_wait3A_233, %dma_wait3A_234] : memref<2x2x8x128xi32, #tpu.memory_space<vmem>> -> memref<1x1x1x128xi32, #tpu.memory_space<vmem>>
        %dma_wait3A_236 = tpu.memref_squeeze %dma_wait3A_235 : memref<1x1x1x128xi32, #tpu.memory_space<vmem>> -> memref<128xi32, #tpu.memory_space<vmem>>
        %dma_wait3A_237 = arith.constant 0 : i32
        %dma_wait3A_238 = arith.constant 0 : i32
        %dma_wait3A_239 = tpu.memref_slice %arg9[%dma_wait3A_237, %dma_wait3A_238] : memref<10240x128xf32, #tpu.memory_space<vmem_shared>> -> memref<10240x128xf32, #tpu.memory_space<vmem_shared>>
        tpu.wait_indirect_dma semaphore(%arg13 : memref<!tpu.dma_semaphore, #tpu.memory_space<semaphore_mem>>) src(%arg7 : memref<128x128xf32, #tpu.memory_space<vmem>>) dst(%dma_wait3A_239 : memref<10240x128xf32, #tpu.memory_space<vmem_shared>>)
        %dma_start3A_240 = arith.constant 0 : i32
        %dma_start3A_241 = arith.constant 4 : i32
        %dma_start3A_242 = arith.constant 0 : i32
        %dma_start3A_243 = tpu.memref_slice %arg6[%rem3A_107, %dma_start3A_240, %dma_start3A_241, %dma_start3A_242] : memref<2x2x8x128xi32, #tpu.memory_space<vmem>> -> memref<1x1x1x128xi32, #tpu.memory_space<vmem>>
        %dma_start3A_244 = tpu.memref_squeeze %dma_start3A_243 : memref<1x1x1x128xi32, #tpu.memory_space<vmem>> -> memref<128xi32, #tpu.memory_space<vmem>>
        %dma_start3A_245 = arith.constant 0 : i32
        %dma_start3A_246 = arith.constant 0 : i32
        %dma_start3A_247 = tpu.memref_slice %arg2[%scan3A_91, %dma_start3A_245, %dma_start3A_246] : memref<2x10000x128xf32, #tpu.memory_space<hbm>> -> memref<1x10000x128xf32, #tpu.memory_space<hbm>>
        %dma_start3A_248 = tpu.memref_squeeze %dma_start3A_247 : memref<1x10000x128xf32, #tpu.memory_space<hbm>> -> memref<10000x128xf32, #tpu.memory_space<hbm>>
        %dma_start3A_249 = arith.constant 0 : i32
        %dma_start3A_250 = arith.constant 0 : i32
        %dma_start3A_251 = tpu.memref_slice %dma_start3A_248[%dma_start3A_249, %dma_start3A_250] : memref<10000x128xf32, #tpu.memory_space<hbm>> -> memref<10000x128xf32, #tpu.memory_space<hbm>>
        tpu.enqueue_indirect_dma source(%dma_start3A_251 : memref<10000x128xf32, #tpu.memory_space<hbm>>) target(%arg7 : memref<128x128xf32, #tpu.memory_space<vmem>>) offsets(%dma_start3A_244 : memref<128xi32, #tpu.memory_space<vmem>>) semaphore(%arg10 : memref<!tpu.dma_semaphore, #tpu.memory_space<semaphore_mem>>)
        %dma_wait3A_252 = arith.constant 0 : i32
        %dma_wait3A_253 = arith.constant 3 : i32
        %dma_wait3A_254 = arith.constant 0 : i32
        %dma_wait3A_255 = tpu.memref_slice %arg6[%rem3A_107, %dma_wait3A_252, %dma_wait3A_253, %dma_wait3A_254] : memref<2x2x8x128xi32, #tpu.memory_space<vmem>> -> memref<1x1x1x128xi32, #tpu.memory_space<vmem>>
        %dma_wait3A_256 = tpu.memref_squeeze %dma_wait3A_255 : memref<1x1x1x128xi32, #tpu.memory_space<vmem>> -> memref<128xi32, #tpu.memory_space<vmem>>
        %dma_wait3A_257 = arith.constant 0 : i32
        %dma_wait3A_258 = arith.constant 0 : i32
        %dma_wait3A_259 = tpu.memref_slice %arg2[%scan3A_91, %dma_wait3A_257, %dma_wait3A_258] : memref<2x10000x128xf32, #tpu.memory_space<hbm>> -> memref<1x10000x128xf32, #tpu.memory_space<hbm>>
        %dma_wait3A_260 = tpu.memref_squeeze %dma_wait3A_259 : memref<1x10000x128xf32, #tpu.memory_space<hbm>> -> memref<10000x128xf32, #tpu.memory_space<hbm>>
        %dma_wait3A_261 = arith.constant 0 : i32
        %dma_wait3A_262 = arith.constant 0 : i32
        %dma_wait3A_263 = tpu.memref_slice %dma_wait3A_260[%dma_wait3A_261, %dma_wait3A_262] : memref<10000x128xf32, #tpu.memory_space<hbm>> -> memref<10000x128xf32, #tpu.memory_space<hbm>>
        tpu.wait_indirect_dma semaphore(%arg11 : memref<!tpu.dma_semaphore, #tpu.memory_space<semaphore_mem>>) src(%dma_wait3A_263 : memref<10000x128xf32, #tpu.memory_space<hbm>>) dst(%arg8 : memref<128x128xf32, #tpu.memory_space<vmem>>)
        %dma_start3A_264 = arith.constant 1 : i32
        %dma_start3A_265 = arith.constant 3 : i32
        %dma_start3A_266 = arith.constant 0 : i32
        %dma_start3A_267 = tpu.memref_slice %arg6[%rem3A_107, %dma_start3A_264, %dma_start3A_265, %dma_start3A_266] : memref<2x2x8x128xi32, #tpu.memory_space<vmem>> -> memref<1x1x1x128xi32, #tpu.memory_space<vmem>>
        %dma_start3A_268 = tpu.memref_squeeze %dma_start3A_267 : memref<1x1x1x128xi32, #tpu.memory_space<vmem>> -> memref<128xi32, #tpu.memory_space<vmem>>
        %dma_start3A_269 = arith.constant 0 : i32
        %dma_start3A_270 = arith.constant 0 : i32
        %dma_start3A_271 = tpu.memref_slice %arg9[%dma_start3A_269, %dma_start3A_270] : memref<10240x128xf32, #tpu.memory_space<vmem_shared>> -> memref<10240x128xf32, #tpu.memory_space<vmem_shared>>
        tpu.enqueue_indirect_dma source(%arg8 : memref<128x128xf32, #tpu.memory_space<vmem>>) target(%dma_start3A_271 : memref<10240x128xf32, #tpu.memory_space<vmem_shared>>) offsets(%dma_start3A_268 : memref<128xi32, #tpu.memory_space<vmem>>) semaphore(%arg13 : memref<!tpu.dma_semaphore, #tpu.memory_space<semaphore_mem>>) {add = true}
        %dma_wait3A_272 = arith.constant 0 : i32
        %dma_wait3A_273 = arith.constant 1 : i32
        %dma_wait3A_274 = arith.constant 0 : i32
        %dma_wait3A_275 = arith.constant 0 : i32
        %dma_wait3A_276 = tpu.memref_slice %arg6[%dma_wait3A_272, %dma_wait3A_273, %dma_wait3A_274, %dma_wait3A_275] : memref<2x2x8x128xi32, #tpu.memory_space<vmem>> -> memref<1x1x1x128xi32, #tpu.memory_space<vmem>>
        %dma_wait3A_277 = tpu.memref_squeeze %dma_wait3A_276 : memref<1x1x1x128xi32, #tpu.memory_space<vmem>> -> memref<128xi32, #tpu.memory_space<vmem>>
        %dma_wait3A_278 = arith.constant 0 : i32
        %dma_wait3A_279 = arith.constant 0 : i32
        %dma_wait3A_280 = tpu.memref_slice %arg9[%dma_wait3A_278, %dma_wait3A_279] : memref<10240x128xf32, #tpu.memory_space<vmem_shared>> -> memref<10240x128xf32, #tpu.memory_space<vmem_shared>>
        tpu.wait_indirect_dma semaphore(%arg13 : memref<!tpu.dma_semaphore, #tpu.memory_space<semaphore_mem>>) src(%arg7 : memref<128x128xf32, #tpu.memory_space<vmem>>) dst(%dma_wait3A_280 : memref<10240x128xf32, #tpu.memory_space<vmem_shared>>)
        %dma_start3A_281 = arith.constant 0 : i32
        %dma_start3A_282 = arith.constant 5 : i32
        %dma_start3A_283 = arith.constant 0 : i32
        %dma_start3A_284 = tpu.memref_slice %arg6[%rem3A_107, %dma_start3A_281, %dma_start3A_282, %dma_start3A_283] : memref<2x2x8x128xi32, #tpu.memory_space<vmem>> -> memref<1x1x1x128xi32, #tpu.memory_space<vmem>>
        %dma_start3A_285 = tpu.memref_squeeze %dma_start3A_284 : memref<1x1x1x128xi32, #tpu.memory_space<vmem>> -> memref<128xi32, #tpu.memory_space<vmem>>
        %dma_start3A_286 = arith.constant 0 : i32
        %dma_start3A_287 = arith.constant 0 : i32
        %dma_start3A_288 = tpu.memref_slice %arg2[%scan3A_91, %dma_start3A_286, %dma_start3A_287] : memref<2x10000x128xf32, #tpu.memory_space<hbm>> -> memref<1x10000x128xf32, #tpu.memory_space<hbm>>
        %dma_start3A_289 = tpu.memref_squeeze %dma_start3A_288 : memref<1x10000x128xf32, #tpu.memory_space<hbm>> -> memref<10000x128xf32, #tpu.memory_space<hbm>>
        %dma_start3A_290 = arith.constant 0 : i32
        %dma_start3A_291 = arith.constant 0 : i32
        %dma_start3A_292 = tpu.memref_slice %dma_start3A_289[%dma_start3A_290, %dma_start3A_291] : memref<10000x128xf32, #tpu.memory_space<hbm>> -> memref<10000x128xf32, #tpu.memory_space<hbm>>
        tpu.enqueue_indirect_dma source(%dma_start3A_292 : memref<10000x128xf32, #tpu.memory_space<hbm>>) target(%arg8 : memref<128x128xf32, #tpu.memory_space<vmem>>) offsets(%dma_start3A_285 : memref<128xi32, #tpu.memory_space<vmem>>) semaphore(%arg11 : memref<!tpu.dma_semaphore, #tpu.memory_space<semaphore_mem>>)
        %dma_wait3A_293 = arith.constant 0 : i32
        %dma_wait3A_294 = arith.constant 4 : i32
        %dma_wait3A_295 = arith.constant 0 : i32
        %dma_wait3A_296 = tpu.memref_slice %arg6[%rem3A_107, %dma_wait3A_293, %dma_wait3A_294, %dma_wait3A_295] : memref<2x2x8x128xi32, #tpu.memory_space<vmem>> -> memref<1x1x1x128xi32, #tpu.memory_space<vmem>>
        %dma_wait3A_297 = tpu.memref_squeeze %dma_wait3A_296 : memref<1x1x1x128xi32, #tpu.memory_space<vmem>> -> memref<128xi32, #tpu.memory_space<vmem>>
        %dma_wait3A_298 = arith.constant 0 : i32
        %dma_wait3A_299 = arith.constant 0 : i32
        %dma_wait3A_300 = tpu.memref_slice %arg2[%scan3A_91, %dma_wait3A_298, %dma_wait3A_299] : memref<2x10000x128xf32, #tpu.memory_space<hbm>> -> memref<1x10000x128xf32, #tpu.memory_space<hbm>>
        %dma_wait3A_301 = tpu.memref_squeeze %dma_wait3A_300 : memref<1x10000x128xf32, #tpu.memory_space<hbm>> -> memref<10000x128xf32, #tpu.memory_space<hbm>>
        %dma_wait3A_302 = arith.constant 0 : i32
        %dma_wait3A_303 = arith.constant 0 : i32
        %dma_wait3A_304 = tpu.memref_slice %dma_wait3A_301[%dma_wait3A_302, %dma_wait3A_303] : memref<10000x128xf32, #tpu.memory_space<hbm>> -> memref<10000x128xf32, #tpu.memory_space<hbm>>
        tpu.wait_indirect_dma semaphore(%arg10 : memref<!tpu.dma_semaphore, #tpu.memory_space<semaphore_mem>>) src(%dma_wait3A_304 : memref<10000x128xf32, #tpu.memory_space<hbm>>) dst(%arg7 : memref<128x128xf32, #tpu.memory_space<vmem>>)
        %dma_start3A_305 = arith.constant 1 : i32
        %dma_start3A_306 = arith.constant 4 : i32
        %dma_start3A_307 = arith.constant 0 : i32
        %dma_start3A_308 = tpu.memref_slice %arg6[%rem3A_107, %dma_start3A_305, %dma_start3A_306, %dma_start3A_307] : memref<2x2x8x128xi32, #tpu.memory_space<vmem>> -> memref<1x1x1x128xi32, #tpu.memory_space<vmem>>
        %dma_start3A_309 = tpu.memref_squeeze %dma_start3A_308 : memref<1x1x1x128xi32, #tpu.memory_space<vmem>> -> memref<128xi32, #tpu.memory_space<vmem>>
        %dma_start3A_310 = arith.constant 0 : i32
        %dma_start3A_311 = arith.constant 0 : i32
        %dma_start3A_312 = tpu.memref_slice %arg9[%dma_start3A_310, %dma_start3A_311] : memref<10240x128xf32, #tpu.memory_space<vmem_shared>> -> memref<10240x128xf32, #tpu.memory_space<vmem_shared>>
        tpu.enqueue_indirect_dma source(%arg7 : memref<128x128xf32, #tpu.memory_space<vmem>>) target(%dma_start3A_312 : memref<10240x128xf32, #tpu.memory_space<vmem_shared>>) offsets(%dma_start3A_309 : memref<128xi32, #tpu.memory_space<vmem>>) semaphore(%arg13 : memref<!tpu.dma_semaphore, #tpu.memory_space<semaphore_mem>>) {add = true}
        %dma_wait3A_313 = arith.constant 0 : i32
        %dma_wait3A_314 = arith.constant 1 : i32
        %dma_wait3A_315 = arith.constant 0 : i32
        %dma_wait3A_316 = arith.constant 0 : i32
        %dma_wait3A_317 = tpu.memref_slice %arg6[%dma_wait3A_313, %dma_wait3A_314, %dma_wait3A_315, %dma_wait3A_316] : memref<2x2x8x128xi32, #tpu.memory_space<vmem>> -> memref<1x1x1x128xi32, #tpu.memory_space<vmem>>
        %dma_wait3A_318 = tpu.memref_squeeze %dma_wait3A_317 : memref<1x1x1x128xi32, #tpu.memory_space<vmem>> -> memref<128xi32, #tpu.memory_space<vmem>>
        %dma_wait3A_319 = arith.constant 0 : i32
        %dma_wait3A_320 = arith.constant 0 : i32
        %dma_wait3A_321 = tpu.memref_slice %arg9[%dma_wait3A_319, %dma_wait3A_320] : memref<10240x128xf32, #tpu.memory_space<vmem_shared>> -> memref<10240x128xf32, #tpu.memory_space<vmem_shared>>
        tpu.wait_indirect_dma semaphore(%arg13 : memref<!tpu.dma_semaphore, #tpu.memory_space<semaphore_mem>>) src(%arg7 : memref<128x128xf32, #tpu.memory_space<vmem>>) dst(%dma_wait3A_321 : memref<10240x128xf32, #tpu.memory_space<vmem_shared>>)
        %dma_start3A_322 = arith.constant 0 : i32
        %dma_start3A_323 = arith.constant 6 : i32
        %dma_start3A_324 = arith.constant 0 : i32
        %dma_start3A_325 = tpu.memref_slice %arg6[%rem3A_107, %dma_start3A_322, %dma_start3A_323, %dma_start3A_324] : memref<2x2x8x128xi32, #tpu.memory_space<vmem>> -> memref<1x1x1x128xi32, #tpu.memory_space<vmem>>
        %dma_start3A_326 = tpu.memref_squeeze %dma_start3A_325 : memref<1x1x1x128xi32, #tpu.memory_space<vmem>> -> memref<128xi32, #tpu.memory_space<vmem>>
        %dma_start3A_327 = arith.constant 0 : i32
        %dma_start3A_328 = arith.constant 0 : i32
        %dma_start3A_329 = tpu.memref_slice %arg2[%scan3A_91, %dma_start3A_327, %dma_start3A_328] : memref<2x10000x128xf32, #tpu.memory_space<hbm>> -> memref<1x10000x128xf32, #tpu.memory_space<hbm>>
        %dma_start3A_330 = tpu.memref_squeeze %dma_start3A_329 : memref<1x10000x128xf32, #tpu.memory_space<hbm>> -> memref<10000x128xf32, #tpu.memory_space<hbm>>
        %dma_start3A_331 = arith.constant 0 : i32
        %dma_start3A_332 = arith.constant 0 : i32
        %dma_start3A_333 = tpu.memref_slice %dma_start3A_330[%dma_start3A_331, %dma_start3A_332] : memref<10000x128xf32, #tpu.memory_space<hbm>> -> memref<10000x128xf32, #tpu.memory_space<hbm>>
        tpu.enqueue_indirect_dma source(%dma_start3A_333 : memref<10000x128xf32, #tpu.memory_space<hbm>>) target(%arg7 : memref<128x128xf32, #tpu.memory_space<vmem>>) offsets(%dma_start3A_326 : memref<128xi32, #tpu.memory_space<vmem>>) semaphore(%arg10 : memref<!tpu.dma_semaphore, #tpu.memory_space<semaphore_mem>>)
        %dma_wait3A_334 = arith.constant 0 : i32
        %dma_wait3A_335 = arith.constant 5 : i32
        %dma_wait3A_336 = arith.constant 0 : i32
        %dma_wait3A_337 = tpu.memref_slice %arg6[%rem3A_107, %dma_wait3A_334, %dma_wait3A_335, %dma_wait3A_336] : memref<2x2x8x128xi32, #tpu.memory_space<vmem>> -> memref<1x1x1x128xi32, #tpu.memory_space<vmem>>
        %dma_wait3A_338 = tpu.memref_squeeze %dma_wait3A_337 : memref<1x1x1x128xi32, #tpu.memory_space<vmem>> -> memref<128xi32, #tpu.memory_space<vmem>>
        %dma_wait3A_339 = arith.constant 0 : i32
        %dma_wait3A_340 = arith.constant 0 : i32
        %dma_wait3A_341 = tpu.memref_slice %arg2[%scan3A_91, %dma_wait3A_339, %dma_wait3A_340] : memref<2x10000x128xf32, #tpu.memory_space<hbm>> -> memref<1x10000x128xf32, #tpu.memory_space<hbm>>
        %dma_wait3A_342 = tpu.memref_squeeze %dma_wait3A_341 : memref<1x10000x128xf32, #tpu.memory_space<hbm>> -> memref<10000x128xf32, #tpu.memory_space<hbm>>
        %dma_wait3A_343 = arith.constant 0 : i32
        %dma_wait3A_344 = arith.constant 0 : i32
        %dma_wait3A_345 = tpu.memref_slice %dma_wait3A_342[%dma_wait3A_343, %dma_wait3A_344] : memref<10000x128xf32, #tpu.memory_space<hbm>> -> memref<10000x128xf32, #tpu.memory_space<hbm>>
        tpu.wait_indirect_dma semaphore(%arg11 : memref<!tpu.dma_semaphore, #tpu.memory_space<semaphore_mem>>) src(%dma_wait3A_345 : memref<10000x128xf32, #tpu.memory_space<hbm>>) dst(%arg8 : memref<128x128xf32, #tpu.memory_space<vmem>>)
        %dma_start3A_346 = arith.constant 1 : i32
        %dma_start3A_347 = arith.constant 5 : i32
        %dma_start3A_348 = arith.constant 0 : i32
        %dma_start3A_349 = tpu.memref_slice %arg6[%rem3A_107, %dma_start3A_346, %dma_start3A_347, %dma_start3A_348] : memref<2x2x8x128xi32, #tpu.memory_space<vmem>> -> memref<1x1x1x128xi32, #tpu.memory_space<vmem>>
        %dma_start3A_350 = tpu.memref_squeeze %dma_start3A_349 : memref<1x1x1x128xi32, #tpu.memory_space<vmem>> -> memref<128xi32, #tpu.memory_space<vmem>>
        %dma_start3A_351 = arith.constant 0 : i32
        %dma_start3A_352 = arith.constant 0 : i32
        %dma_start3A_353 = tpu.memref_slice %arg9[%dma_start3A_351, %dma_start3A_352] : memref<10240x128xf32, #tpu.memory_space<vmem_shared>> -> memref<10240x128xf32, #tpu.memory_space<vmem_shared>>
        tpu.enqueue_indirect_dma source(%arg8 : memref<128x128xf32, #tpu.memory_space<vmem>>) target(%dma_start3A_353 : memref<10240x128xf32, #tpu.memory_space<vmem_shared>>) offsets(%dma_start3A_350 : memref<128xi32, #tpu.memory_space<vmem>>) semaphore(%arg13 : memref<!tpu.dma_semaphore, #tpu.memory_space<semaphore_mem>>) {add = true}
        %dma_wait3A_354 = arith.constant 0 : i32
        %dma_wait3A_355 = arith.constant 1 : i32
        %dma_wait3A_356 = arith.constant 0 : i32
        %dma_wait3A_357 = arith.constant 0 : i32
        %dma_wait3A_358 = tpu.memref_slice %arg6[%dma_wait3A_354, %dma_wait3A_355, %dma_wait3A_356, %dma_wait3A_357] : memref<2x2x8x128xi32, #tpu.memory_space<vmem>> -> memref<1x1x1x128xi32, #tpu.memory_space<vmem>>
        %dma_wait3A_359 = tpu.memref_squeeze %dma_wait3A_358 : memref<1x1x1x128xi32, #tpu.memory_space<vmem>> -> memref<128xi32, #tpu.memory_space<vmem>>
        %dma_wait3A_360 = arith.constant 0 : i32
        %dma_wait3A_361 = arith.constant 0 : i32
        %dma_wait3A_362 = tpu.memref_slice %arg9[%dma_wait3A_360, %dma_wait3A_361] : memref<10240x128xf32, #tpu.memory_space<vmem_shared>> -> memref<10240x128xf32, #tpu.memory_space<vmem_shared>>
        tpu.wait_indirect_dma semaphore(%arg13 : memref<!tpu.dma_semaphore, #tpu.memory_space<semaphore_mem>>) src(%arg7 : memref<128x128xf32, #tpu.memory_space<vmem>>) dst(%dma_wait3A_362 : memref<10240x128xf32, #tpu.memory_space<vmem_shared>>)
        %dma_start3A_363 = arith.constant 0 : i32
        %dma_start3A_364 = arith.constant 7 : i32
        %dma_start3A_365 = arith.constant 0 : i32
        %dma_start3A_366 = tpu.memref_slice %arg6[%rem3A_107, %dma_start3A_363, %dma_start3A_364, %dma_start3A_365] : memref<2x2x8x128xi32, #tpu.memory_space<vmem>> -> memref<1x1x1x128xi32, #tpu.memory_space<vmem>>
        %dma_start3A_367 = tpu.memref_squeeze %dma_start3A_366 : memref<1x1x1x128xi32, #tpu.memory_space<vmem>> -> memref<128xi32, #tpu.memory_space<vmem>>
        %dma_start3A_368 = arith.constant 0 : i32
        %dma_start3A_369 = arith.constant 0 : i32
        %dma_start3A_370 = tpu.memref_slice %arg2[%scan3A_91, %dma_start3A_368, %dma_start3A_369] : memref<2x10000x128xf32, #tpu.memory_space<hbm>> -> memref<1x10000x128xf32, #tpu.memory_space<hbm>>
        %dma_start3A_371 = tpu.memref_squeeze %dma_start3A_370 : memref<1x10000x128xf32, #tpu.memory_space<hbm>> -> memref<10000x128xf32, #tpu.memory_space<hbm>>
        %dma_start3A_372 = arith.constant 0 : i32
        %dma_start3A_373 = arith.constant 0 : i32
        %dma_start3A_374 = tpu.memref_slice %dma_start3A_371[%dma_start3A_372, %dma_start3A_373] : memref<10000x128xf32, #tpu.memory_space<hbm>> -> memref<10000x128xf32, #tpu.memory_space<hbm>>
        tpu.enqueue_indirect_dma source(%dma_start3A_374 : memref<10000x128xf32, #tpu.memory_space<hbm>>) target(%arg8 : memref<128x128xf32, #tpu.memory_space<vmem>>) offsets(%dma_start3A_367 : memref<128xi32, #tpu.memory_space<vmem>>) semaphore(%arg11 : memref<!tpu.dma_semaphore, #tpu.memory_space<semaphore_mem>>)
        %dma_wait3A_375 = arith.constant 0 : i32
        %dma_wait3A_376 = arith.constant 6 : i32
        %dma_wait3A_377 = arith.constant 0 : i32
        %dma_wait3A_378 = tpu.memref_slice %arg6[%rem3A_107, %dma_wait3A_375, %dma_wait3A_376, %dma_wait3A_377] : memref<2x2x8x128xi32, #tpu.memory_space<vmem>> -> memref<1x1x1x128xi32, #tpu.memory_space<vmem>>
        %dma_wait3A_379 = tpu.memref_squeeze %dma_wait3A_378 : memref<1x1x1x128xi32, #tpu.memory_space<vmem>> -> memref<128xi32, #tpu.memory_space<vmem>>
        %dma_wait3A_380 = arith.constant 0 : i32
        %dma_wait3A_381 = arith.constant 0 : i32
        %dma_wait3A_382 = tpu.memref_slice %arg2[%scan3A_91, %dma_wait3A_380, %dma_wait3A_381] : memref<2x10000x128xf32, #tpu.memory_space<hbm>> -> memref<1x10000x128xf32, #tpu.memory_space<hbm>>
        %dma_wait3A_383 = tpu.memref_squeeze %dma_wait3A_382 : memref<1x10000x128xf32, #tpu.memory_space<hbm>> -> memref<10000x128xf32, #tpu.memory_space<hbm>>
        %dma_wait3A_384 = arith.constant 0 : i32
        %dma_wait3A_385 = arith.constant 0 : i32
        %dma_wait3A_386 = tpu.memref_slice %dma_wait3A_383[%dma_wait3A_384, %dma_wait3A_385] : memref<10000x128xf32, #tpu.memory_space<hbm>> -> memref<10000x128xf32, #tpu.memory_space<hbm>>
        tpu.wait_indirect_dma semaphore(%arg10 : memref<!tpu.dma_semaphore, #tpu.memory_space<semaphore_mem>>) src(%dma_wait3A_386 : memref<10000x128xf32, #tpu.memory_space<hbm>>) dst(%arg7 : memref<128x128xf32, #tpu.memory_space<vmem>>)
        %dma_start3A_387 = arith.constant 1 : i32
        %dma_start3A_388 = arith.constant 6 : i32
        %dma_start3A_389 = arith.constant 0 : i32
        %dma_start3A_390 = tpu.memref_slice %arg6[%rem3A_107, %dma_start3A_387, %dma_start3A_388, %dma_start3A_389] : memref<2x2x8x128xi32, #tpu.memory_space<vmem>> -> memref<1x1x1x128xi32, #tpu.memory_space<vmem>>
        %dma_start3A_391 = tpu.memref_squeeze %dma_start3A_390 : memref<1x1x1x128xi32, #tpu.memory_space<vmem>> -> memref<128xi32, #tpu.memory_space<vmem>>
        %dma_start3A_392 = arith.constant 0 : i32
        %dma_start3A_393 = arith.constant 0 : i32
        %dma_start3A_394 = tpu.memref_slice %arg9[%dma_start3A_392, %dma_start3A_393] : memref<10240x128xf32, #tpu.memory_space<vmem_shared>> -> memref<10240x128xf32, #tpu.memory_space<vmem_shared>>
        tpu.enqueue_indirect_dma source(%arg7 : memref<128x128xf32, #tpu.memory_space<vmem>>) target(%dma_start3A_394 : memref<10240x128xf32, #tpu.memory_space<vmem_shared>>) offsets(%dma_start3A_391 : memref<128xi32, #tpu.memory_space<vmem>>) semaphore(%arg13 : memref<!tpu.dma_semaphore, #tpu.memory_space<semaphore_mem>>) {add = true}
        %dma_wait3A_395 = arith.constant 0 : i32
        %dma_wait3A_396 = arith.constant 1 : i32
        %dma_wait3A_397 = arith.constant 0 : i32
        %dma_wait3A_398 = arith.constant 0 : i32
        %dma_wait3A_399 = tpu.memref_slice %arg6[%dma_wait3A_395, %dma_wait3A_396, %dma_wait3A_397, %dma_wait3A_398] : memref<2x2x8x128xi32, #tpu.memory_space<vmem>> -> memref<1x1x1x128xi32, #tpu.memory_space<vmem>>
        %dma_wait3A_400 = tpu.memref_squeeze %dma_wait3A_399 : memref<1x1x1x128xi32, #tpu.memory_space<vmem>> -> memref<128xi32, #tpu.memory_space<vmem>>
        %dma_wait3A_401 = arith.constant 0 : i32
        %dma_wait3A_402 = arith.constant 0 : i32
        %dma_wait3A_403 = tpu.memref_slice %arg9[%dma_wait3A_401, %dma_wait3A_402] : memref<10240x128xf32, #tpu.memory_space<vmem_shared>> -> memref<10240x128xf32, #tpu.memory_space<vmem_shared>>
        tpu.wait_indirect_dma semaphore(%arg13 : memref<!tpu.dma_semaphore, #tpu.memory_space<semaphore_mem>>) src(%arg7 : memref<128x128xf32, #tpu.memory_space<vmem>>) dst(%dma_wait3A_403 : memref<10240x128xf32, #tpu.memory_space<vmem_shared>>)
        %lt3A_404 = arith.constant 9 : i32
        %lt3A_405 = arith.cmpi slt, %scan3A_106, %lt3A_404 : i32
        %convert_element_type3A_406 = arith.extui %lt3A_405 : i1 to i32
        %cond3A_407 = arith.constant 0 : i32
        %cond3A_408 = arith.cmpi ne, %convert_element_type3A_406, %cond3A_407 : i32
        scf.if %cond3A_408 {
          %add3A_429 = arith.constant 1 : i32
          %add3A_430 = arith.addi %scan3A_106, %add3A_429 : i32
          %dma_wait3A_431 = arith.constant 0 : i32
          %dma_wait3A_432 = arith.constant 0 : i32
          %dma_wait3A_433 = arith.constant 0 : i32
          %dma_wait3A_434 = arith.constant 0 : i32
          %dma_wait3A_435 = tpu.memref_slice %arg6[%sub3A_108, %dma_wait3A_432, %dma_wait3A_433, %dma_wait3A_434] : memref<2x2x8x128xi32, #tpu.memory_space<vmem>> -> memref<1x1x8x128xi32, #tpu.memory_space<vmem>>
          %dma_wait3A_436 = tpu.memref_squeeze %dma_wait3A_435 : memref<1x1x8x128xi32, #tpu.memory_space<vmem>> -> memref<8x128xi32, #tpu.memory_space<vmem>>
          %dma_wait3A_437 = arith.constant 0 : i32
          %dma_wait3A_438 = arith.constant 0 : i32
          %dma_wait3A_439 = tpu.memref_slice %arg4[%dma_wait3A_431, %arg1, %add3A_430, %dma_wait3A_437, %dma_wait3A_438] : memref<2x16x10x8x128xi32, #tpu.memory_space<hbm>> -> memref<1x1x1x8x128xi32, #tpu.memory_space<hbm>>
          %dma_wait3A_440 = tpu.memref_squeeze %dma_wait3A_439 : memref<1x1x1x8x128xi32, #tpu.memory_space<hbm>> -> memref<8x128xi32, #tpu.memory_space<hbm>>
          %dma_wait3A_441 = arith.constant 0 : i32
          %dma_wait3A_442 = arith.constant 0 : i32
          %dma_wait3A_443 = tpu.memref_slice %arg6[%sub3A_108, %dma_wait3A_432, %dma_wait3A_441, %dma_wait3A_442] : memref<2x2x8x128xi32, #tpu.memory_space<vmem>> -> memref<1x1x8x128xi32, #tpu.memory_space<vmem>>
          %dma_wait3A_444 = tpu.memref_squeeze %dma_wait3A_443 : memref<1x1x8x128xi32, #tpu.memory_space<vmem>> -> memref<8x128xi32, #tpu.memory_space<vmem>>
          %dma_wait3A_445 = arith.constant 0 : i32
          %dma_wait3A_446 = arith.constant 0 : i32
          %dma_wait3A_447 = tpu.memref_slice %arg4[%dma_wait3A_431, %arg1, %add3A_430, %dma_wait3A_445, %dma_wait3A_446] : memref<2x16x10x8x128xi32, #tpu.memory_space<hbm>> -> memref<1x1x1x8x128xi32, #tpu.memory_space<hbm>>
          %dma_wait3A_448 = tpu.memref_squeeze %dma_wait3A_447 : memref<1x1x1x8x128xi32, #tpu.memory_space<hbm>> -> memref<8x128xi32, #tpu.memory_space<hbm>>
          tpu.wait_dma2 semaphore(%arg12 : memref<!tpu.dma_semaphore, #tpu.memory_space<semaphore_mem>>) src(%dma_wait3A_448 : memref<8x128xi32, #tpu.memory_space<hbm>>) dst(%dma_wait3A_444 : memref<8x128xi32, #tpu.memory_space<vmem>>)
          %add3A_449 = arith.constant 1 : i32
          %add3A_450 = arith.addi %scan3A_106, %add3A_449 : i32
          %dma_wait3A_451 = arith.constant 1 : i32
          %dma_wait3A_452 = arith.constant 1 : i32
          %dma_wait3A_453 = arith.constant 0 : i32
          %dma_wait3A_454 = arith.constant 0 : i32
          %dma_wait3A_455 = tpu.memref_slice %arg6[%sub3A_108, %dma_wait3A_452, %dma_wait3A_453, %dma_wait3A_454] : memref<2x2x8x128xi32, #tpu.memory_space<vmem>> -> memref<1x1x8x128xi32, #tpu.memory_space<vmem>>
          %dma_wait3A_456 = tpu.memref_squeeze %dma_wait3A_455 : memref<1x1x8x128xi32, #tpu.memory_space<vmem>> -> memref<8x128xi32, #tpu.memory_space<vmem>>
          %dma_wait3A_457 = arith.constant 0 : i32
          %dma_wait3A_458 = arith.constant 0 : i32
          %dma_wait3A_459 = tpu.memref_slice %arg4[%dma_wait3A_451, %arg1, %add3A_450, %dma_wait3A_457, %dma_wait3A_458] : memref<2x16x10x8x128xi32, #tpu.memory_space<hbm>> -> memref<1x1x1x8x128xi32, #tpu.memory_space<hbm>>
          %dma_wait3A_460 = tpu.memref_squeeze %dma_wait3A_459 : memref<1x1x1x8x128xi32, #tpu.memory_space<hbm>> -> memref<8x128xi32, #tpu.memory_space<hbm>>
          %dma_wait3A_461 = arith.constant 0 : i32
          %dma_wait3A_462 = arith.constant 0 : i32
          %dma_wait3A_463 = tpu.memref_slice %arg6[%sub3A_108, %dma_wait3A_452, %dma_wait3A_461, %dma_wait3A_462] : memref<2x2x8x128xi32, #tpu.memory_space<vmem>> -> memref<1x1x8x128xi32, #tpu.memory_space<vmem>>
          %dma_wait3A_464 = tpu.memref_squeeze %dma_wait3A_463 : memref<1x1x8x128xi32, #tpu.memory_space<vmem>> -> memref<8x128xi32, #tpu.memory_space<vmem>>
          %dma_wait3A_465 = arith.constant 0 : i32
          %dma_wait3A_466 = arith.constant 0 : i32
          %dma_wait3A_467 = tpu.memref_slice %arg4[%dma_wait3A_451, %arg1, %add3A_450, %dma_wait3A_465, %dma_wait3A_466] : memref<2x16x10x8x128xi32, #tpu.memory_space<hbm>> -> memref<1x1x1x8x128xi32, #tpu.memory_space<hbm>>
          %dma_wait3A_468 = tpu.memref_squeeze %dma_wait3A_467 : memref<1x1x1x8x128xi32, #tpu.memory_space<hbm>> -> memref<8x128xi32, #tpu.memory_space<hbm>>
          tpu.wait_dma2 semaphore(%arg12 : memref<!tpu.dma_semaphore, #tpu.memory_space<semaphore_mem>>) src(%dma_wait3A_468 : memref<8x128xi32, #tpu.memory_space<hbm>>) dst(%dma_wait3A_464 : memref<8x128xi32, #tpu.memory_space<vmem>>)
          %dma_start3A_469 = arith.constant 0 : i32
          %dma_start3A_470 = arith.constant 0 : i32
          %dma_start3A_471 = arith.constant 0 : i32
          %dma_start3A_472 = tpu.memref_slice %arg6[%sub3A_108, %dma_start3A_469, %dma_start3A_470, %dma_start3A_471] : memref<2x2x8x128xi32, #tpu.memory_space<vmem>> -> memref<1x1x1x128xi32, #tpu.memory_space<vmem>>
          %dma_start3A_473 = tpu.memref_squeeze %dma_start3A_472 : memref<1x1x1x128xi32, #tpu.memory_space<vmem>> -> memref<128xi32, #tpu.memory_space<vmem>>
          %dma_start3A_474 = arith.constant 0 : i32
          %dma_start3A_475 = arith.constant 0 : i32
          %dma_start3A_476 = tpu.memref_slice %arg2[%scan3A_91, %dma_start3A_474, %dma_start3A_475] : memref<2x10000x128xf32, #tpu.memory_space<hbm>> -> memref<1x10000x128xf32, #tpu.memory_space<hbm>>
          %dma_start3A_477 = tpu.memref_squeeze %dma_start3A_476 : memref<1x10000x128xf32, #tpu.memory_space<hbm>> -> memref<10000x128xf32, #tpu.memory_space<hbm>>
          %dma_start3A_478 = arith.constant 0 : i32
          %dma_start3A_479 = arith.constant 0 : i32
          %dma_start3A_480 = tpu.memref_slice %dma_start3A_477[%dma_start3A_478, %dma_start3A_479] : memref<10000x128xf32, #tpu.memory_space<hbm>> -> memref<10000x128xf32, #tpu.memory_space<hbm>>
          tpu.enqueue_indirect_dma source(%dma_start3A_480 : memref<10000x128xf32, #tpu.memory_space<hbm>>) target(%arg7 : memref<128x128xf32, #tpu.memory_space<vmem>>) offsets(%dma_start3A_473 : memref<128xi32, #tpu.memory_space<vmem>>) semaphore(%arg10 : memref<!tpu.dma_semaphore, #tpu.memory_space<semaphore_mem>>)
        } else {
        }
        %dma_wait3A_409 = arith.constant 0 : i32
        %dma_wait3A_410 = arith.constant 7 : i32
        %dma_wait3A_411 = arith.constant 0 : i32
        %dma_wait3A_412 = tpu.memref_slice %arg6[%rem3A_107, %dma_wait3A_409, %dma_wait3A_410, %dma_wait3A_411] : memref<2x2x8x128xi32, #tpu.memory_space<vmem>> -> memref<1x1x1x128xi32, #tpu.memory_space<vmem>>
        %dma_wait3A_413 = tpu.memref_squeeze %dma_wait3A_412 : memref<1x1x1x128xi32, #tpu.memory_space<vmem>> -> memref<128xi32, #tpu.memory_space<vmem>>
        %dma_wait3A_414 = arith.constant 0 : i32
        %dma_wait3A_415 = arith.constant 0 : i32
        %dma_wait3A_416 = tpu.memref_slice %arg2[%scan3A_91, %dma_wait3A_414, %dma_wait3A_415] : memref<2x10000x128xf32, #tpu.memory_space<hbm>> -> memref<1x10000x128xf32, #tpu.memory_space<hbm>>
        %dma_wait3A_417 = tpu.memref_squeeze %dma_wait3A_416 : memref<1x10000x128xf32, #tpu.memory_space<hbm>> -> memref<10000x128xf32, #tpu.memory_space<hbm>>
        %dma_wait3A_418 = arith.constant 0 : i32
        %dma_wait3A_419 = arith.constant 0 : i32
        %dma_wait3A_420 = tpu.memref_slice %dma_wait3A_417[%dma_wait3A_418, %dma_wait3A_419] : memref<10000x128xf32, #tpu.memory_space<hbm>> -> memref<10000x128xf32, #tpu.memory_space<hbm>>
        tpu.wait_indirect_dma semaphore(%arg11 : memref<!tpu.dma_semaphore, #tpu.memory_space<semaphore_mem>>) src(%dma_wait3A_420 : memref<10000x128xf32, #tpu.memory_space<hbm>>) dst(%arg8 : memref<128x128xf32, #tpu.memory_space<vmem>>)
        %dma_start3A_421 = arith.constant 1 : i32
        %dma_start3A_422 = arith.constant 7 : i32
        %dma_start3A_423 = arith.constant 0 : i32
        %dma_start3A_424 = tpu.memref_slice %arg6[%rem3A_107, %dma_start3A_421, %dma_start3A_422, %dma_start3A_423] : memref<2x2x8x128xi32, #tpu.memory_space<vmem>> -> memref<1x1x1x128xi32, #tpu.memory_space<vmem>>
        %dma_start3A_425 = tpu.memref_squeeze %dma_start3A_424 : memref<1x1x1x128xi32, #tpu.memory_space<vmem>> -> memref<128xi32, #tpu.memory_space<vmem>>
        %dma_start3A_426 = arith.constant 0 : i32
        %dma_start3A_427 = arith.constant 0 : i32
        %dma_start3A_428 = tpu.memref_slice %arg9[%dma_start3A_426, %dma_start3A_427] : memref<10240x128xf32, #tpu.memory_space<vmem_shared>> -> memref<10240x128xf32, #tpu.memory_space<vmem_shared>>
        tpu.enqueue_indirect_dma source(%arg8 : memref<128x128xf32, #tpu.memory_space<vmem>>) target(%dma_start3A_428 : memref<10240x128xf32, #tpu.memory_space<vmem_shared>>) offsets(%dma_start3A_425 : memref<128xi32, #tpu.memory_space<vmem>>) semaphore(%arg13 : memref<!tpu.dma_semaphore, #tpu.memory_space<semaphore_mem>>) {add = true}
      }
      %scan3A_96 = arith.constant 10 : i32
      %dma_wait3A_97 = arith.constant 0 : i32
      %dma_wait3A_98 = arith.constant 1 : i32
      %dma_wait3A_99 = arith.constant 0 : i32
      %dma_wait3A_100 = arith.constant 0 : i32
      %dma_wait3A_101 = tpu.memref_slice %arg6[%dma_wait3A_97, %dma_wait3A_98, %dma_wait3A_99, %dma_wait3A_100] : memref<2x2x8x128xi32, #tpu.memory_space<vmem>> -> memref<1x1x1x128xi32, #tpu.memory_space<vmem>>
      %dma_wait3A_102 = tpu.memref_squeeze %dma_wait3A_101 : memref<1x1x1x128xi32, #tpu.memory_space<vmem>> -> memref<128xi32, #tpu.memory_space<vmem>>
      %dma_wait3A_103 = arith.constant 0 : i32
      %dma_wait3A_104 = arith.constant 0 : i32
      %dma_wait3A_105 = tpu.memref_slice %arg9[%dma_wait3A_103, %dma_wait3A_104] : memref<10240x128xf32, #tpu.memory_space<vmem_shared>> -> memref<10240x128xf32, #tpu.memory_space<vmem_shared>>
      tpu.wait_indirect_dma semaphore(%arg13 : memref<!tpu.dma_semaphore, #tpu.memory_space<semaphore_mem>>) src(%arg7 : memref<128x128xf32, #tpu.memory_space<vmem>>) dst(%dma_wait3A_105 : memref<10240x128xf32, #tpu.memory_space<vmem_shared>>)
    } else {
    }
    %barrier3A = arith.constant 0 : index
    tpu.barrier barrier_id(%barrier3A)
    %mul3A = arith.constant 640 : i32
    %mul3A_7 = arith.muli %arg1, %mul3A : i32
    %mul3A_8 = arith.constant 640 : i32
    %mul3A_9 = arith.muli %arg1, %mul3A_8 : i32
    "tpu.region"() ({
      %run_scoped3A = tpu.sem_alloc : memref<!tpu.dma_semaphore, #tpu.memory_space<semaphore_mem>>
      %dma_start3A = arith.constant 0 : i32
      %dma_start3A_10 = tpu.memref_slice %arg5[%arg0, %mul3A_9, %dma_start3A] : memref<2x10240x128xf32, #tpu.memory_space<hbm>> -> memref<1x640x128xf32, #tpu.memory_space<hbm>>
      %dma_start3A_11 = tpu.memref_squeeze %dma_start3A_10 : memref<1x640x128xf32, #tpu.memory_space<hbm>> -> memref<640x128xf32, #tpu.memory_space<hbm>>
      %dma_start3A_12 = arith.constant 0 : i32
      %dma_start3A_13 = tpu.memref_slice %arg9[%mul3A_7, %dma_start3A_12] : memref<10240x128xf32, #tpu.memory_space<vmem_shared>> -> memref<640x128xf32, #tpu.memory_space<vmem_shared>>
      tpu.enqueue_dma source(%dma_start3A_13 : memref<640x128xf32, #tpu.memory_space<vmem_shared>>) target(%dma_start3A_11 : memref<640x128xf32, #tpu.memory_space<hbm>>) target_semaphore(%run_scoped3A : memref<!tpu.dma_semaphore, #tpu.memory_space<semaphore_mem>>)
      %dma_wait3A = arith.constant 0 : i32
      %dma_wait3A_14 = tpu.memref_slice %arg5[%arg0, %mul3A_9, %dma_wait3A] : memref<2x10240x128xf32, #tpu.memory_space<hbm>> -> memref<1x640x128xf32, #tpu.memory_space<hbm>>
      %dma_wait3A_15 = tpu.memref_squeeze %dma_wait3A_14 : memref<1x640x128xf32, #tpu.memory_space<hbm>> -> memref<640x128xf32, #tpu.memory_space<hbm>>
      %dma_wait3A_16 = arith.constant 0 : i32
      %dma_wait3A_17 = tpu.memref_slice %arg9[%mul3A_7, %dma_wait3A_16] : memref<10240x128xf32, #tpu.memory_space<vmem_shared>> -> memref<640x128xf32, #tpu.memory_space<vmem_shared>>
      tpu.wait_dma2 semaphore(%run_scoped3A : memref<!tpu.dma_semaphore, #tpu.memory_space<semaphore_mem>>) src(%dma_wait3A_17 : memref<640x128xf32, #tpu.memory_space<vmem_shared>>) dst(%dma_wait3A_15 : memref<640x128xf32, #tpu.memory_space<hbm>>)
      tpu.yield
    }) : () -> ()
    return
  }
}

module attributes {stable_mosaic.version = 14 : i64} {
  func.func @_prep_body(%arg0: i32, %arg1: memref<2048x128xf32, #tpu.memory_space<vmem>>, %arg2: memref<128x128xf32, #tpu.memory_space<vmem>>, %arg3: memref<128x128xf32, #tpu.memory_space<vmem>>, %arg4: memref<2x2048xf32, #tpu.memory_space<vmem>>, %arg5: memref<2x2048x128xf32, #tpu.memory_space<vmem>>, %arg6: memref<2x2048xf32, #tpu.memory_space<vmem>>) attributes {dimension_semantics = [#tpu.dimension_semantics<arbitrary>], iteration_bounds = array<i64: 5>, scalar_prefetch = 0 : i64, scratch_operands = 0 : i64, tpu.core_type = #tpu.core_type<tc>, window_params = [{transform_indices = @transform_0, window_bounds = array<i64: 2048, 128>}, {pipeline_mode = #tpu.pipeline_mode<synchronous>, transform_indices = @transform_1, window_bounds = array<i64: 128, 128>}, {pipeline_mode = #tpu.pipeline_mode<synchronous>, transform_indices = @transform_2, window_bounds = array<i64: 128, 128>}, {transform_indices = @transform_3, window_bounds = array<i64: 2, 2048>}, {transform_indices = @transform_4, window_bounds = array<i64: 2, 2048, 128>}, {transform_indices = @transform_5, window_bounds = array<i64: 2, 2048>}]} {
    %get3A = arith.constant 0 : index
    %get3A_0 = arith.constant 0 : index
    %get3A_1 = vector.load %arg4[%get3A, %get3A_0] : memref<2x2048xf32, #tpu.memory_space<vmem>>, vector<2x2048xf32>
    %add3A = arith.constant 1.000000e+00 : f32
    %add3A_2 = vector.broadcast %add3A : f32 to vector<2x2048xf32>
    %add3A_3 = arith.addf %get3A_1, %add3A_2 : vector<2x2048xf32>
    %rsqrt3A = math.rsqrt %add3A_3 : vector<2x2048xf32>
    %swap3A = arith.constant 0 : index
    %swap3A_4 = arith.constant 0 : index
    %swap3A_5 = vector.load %arg6[%swap3A, %swap3A_4] : memref<2x2048xf32, #tpu.memory_space<vmem>>, vector<2x2048xf32>
    tpu.vector_store %arg6[%swap3A, %swap3A_4], %rsqrt3A {strides = array<i32>} : memref<2x2048xf32, #tpu.memory_space<vmem>>, vector<2x2048xf32>,
    %get3A_6 = arith.constant 0 : index
    %get3A_7 = arith.constant 0 : index
    %get3A_8 = vector.load %arg1[%get3A_6, %get3A_7] : memref<2048x128xf32, #tpu.memory_space<vmem>>, vector<2048x128xf32>
    %get3A_9 = arith.constant 0 : index
    %get3A_10 = arith.constant 0 : index
    %get3A_11 = vector.load %arg2[%get3A_9, %get3A_10] : memref<128x128xf32, #tpu.memory_space<vmem>>, vector<128x128xf32>
    %dot_general3A = arith.constant dense<0.000000e+00> : vector<2048x128xf32>
    %dot_general3A_12 = tpu.matmul %get3A_8, %get3A_11, %dot_general3A {dimension_numbers = #tpu.dot_dimension_numbers<[1], [0], [0], [1], [0, 0, 1, 1], [], []>, transpose_lhs_hint = false} : vector<2048x128xf32>, vector<128x128xf32>, vector<2048x128xf32> -> vector<2048x128xf32>
    %slice3A = vector.extract_strided_slice %rsqrt3A {offsets = [0, 0], sizes = [1, 2048], strides = [1, 1]} : vector<2x2048xf32> to vector<1x2048xf32>
    %squeeze3A = vector.shape_cast %slice3A : vector<1x2048xf32> to vector<2048xf32>
    %broadcast_in_dim3A = vector.shape_cast %squeeze3A : vector<2048xf32> to vector<2048x1xf32>
    %mul3A = vector.broadcast %broadcast_in_dim3A : vector<2048x1xf32> to vector<2048x128xf32>
    %mul3A_13 = arith.mulf %dot_general3A_12, %mul3A : vector<2048x128xf32>
    %swap3A_14 = arith.constant 0 : index
    %swap3A_15 = arith.constant 0 : index
    %swap3A_16 = arith.constant 0 : index
    %swap3A_17 = vector.load %arg5[%swap3A_14, %swap3A_15, %swap3A_16] : memref<2x2048x128xf32, #tpu.memory_space<vmem>>, vector<1x2048x128xf32>
    %swap3A_18 = vector.shape_cast %swap3A_17 : vector<1x2048x128xf32> to vector<2048x128xf32>
    %swap3A_19 = vector.shape_cast %mul3A_13 : vector<2048x128xf32> to vector<1x2048x128xf32>
    tpu.vector_store %arg5[%swap3A_14, %swap3A_15, %swap3A_16], %swap3A_19 {strides = array<i32>} : memref<2x2048x128xf32, #tpu.memory_space<vmem>>, vector<1x2048x128xf32>,
    %get3A_20 = arith.constant 0 : index
    %get3A_21 = arith.constant 0 : index
    %get3A_22 = vector.load %arg3[%get3A_20, %get3A_21] : memref<128x128xf32, #tpu.memory_space<vmem>>, vector<128x128xf32>
    %dot_general3A_23 = arith.constant dense<0.000000e+00> : vector<2048x128xf32>
    %dot_general3A_24 = tpu.matmul %get3A_8, %get3A_22, %dot_general3A_23 {dimension_numbers = #tpu.dot_dimension_numbers<[1], [0], [0], [1], [0, 0, 1, 1], [], []>, transpose_lhs_hint = false} : vector<2048x128xf32>, vector<128x128xf32>, vector<2048x128xf32> -> vector<2048x128xf32>
    %slice3A_25 = vector.extract_strided_slice %rsqrt3A {offsets = [1, 0], sizes = [1, 2048], strides = [1, 1]} : vector<2x2048xf32> to vector<1x2048xf32>
    %squeeze3A_26 = vector.shape_cast %slice3A_25 : vector<1x2048xf32> to vector<2048xf32>
    %broadcast_in_dim3A_27 = vector.shape_cast %squeeze3A_26 : vector<2048xf32> to vector<2048x1xf32>
    %mul3A_28 = vector.broadcast %broadcast_in_dim3A_27 : vector<2048x1xf32> to vector<2048x128xf32>
    %mul3A_29 = arith.mulf %dot_general3A_24, %mul3A_28 : vector<2048x128xf32>
    %swap3A_30 = arith.constant 1 : index
    %swap3A_31 = arith.constant 0 : index
    %swap3A_32 = arith.constant 0 : index
    %swap3A_33 = vector.load %arg5[%swap3A_30, %swap3A_31, %swap3A_32] : memref<2x2048x128xf32, #tpu.memory_space<vmem>>, vector<1x2048x128xf32>
    %swap3A_34 = vector.shape_cast %swap3A_33 : vector<1x2048x128xf32> to vector<2048x128xf32>
    %swap3A_35 = vector.shape_cast %mul3A_29 : vector<2048x128xf32> to vector<1x2048x128xf32>
    tpu.vector_store %arg5[%swap3A_30, %swap3A_31, %swap3A_32], %swap3A_35 {strides = array<i32>} : memref<2x2048x128xf32, #tpu.memory_space<vmem>>, vector<1x2048x128xf32>,
    return
  }
  func.func @transform_0(%arg0: i32) -> (i32, i32) {
    %c0_i32 = arith.constant 0 : i32
    %c0_i32_0 = arith.constant 0 : i32
    return %arg0, %c0_i32 : i32, i32
  }
  func.func @transform_1(%arg0: i32) -> (i32, i32) {
    %c0_i32 = arith.constant 0 : i32
    %c0_i32_0 = arith.constant 0 : i32
    %c0_i32_1 = arith.constant 0 : i32
    return %c0_i32, %c0_i32_0 : i32, i32
  }
  func.func @transform_2(%arg0: i32) -> (i32, i32) {
    %c0_i32 = arith.constant 0 : i32
    %c0_i32_0 = arith.constant 0 : i32
    %c0_i32_1 = arith.constant 0 : i32
    return %c0_i32, %c0_i32_0 : i32, i32
  }
  func.func @transform_3(%arg0: i32) -> (i32, i32) {
    %c0_i32 = arith.constant 0 : i32
    %c0_i32_0 = arith.constant 0 : i32
    return %c0_i32, %arg0 : i32, i32
  }
  func.func @transform_4(%arg0: i32) -> (i32, i32, i32) {
    %c0_i32 = arith.constant 0 : i32
    %c0_i32_0 = arith.constant 0 : i32
    %c0_i32_1 = arith.constant 0 : i32
    return %c0_i32, %arg0, %c0_i32_0 : i32, i32, i32
  }
  func.func @transform_5(%arg0: i32) -> (i32, i32) {
    %c0_i32 = arith.constant 0 : i32
    %c0_i32_0 = arith.constant 0 : i32
    return %c0_i32, %arg0 : i32, i32
  }
}

module attributes {stable_mosaic.version = 14 : i64} {
  func.func @_final_body(%arg0: i32, %arg1: memref<2x2048x128xf32, #tpu.memory_space<vmem>>, %arg2: memref<2x2048x128xf32, #tpu.memory_space<vmem>>, %arg3: memref<2x2048xf32, #tpu.memory_space<vmem>>, %arg4: memref<1x128xf32, #tpu.memory_space<vmem>>, %arg5: memref<1x128xf32, #tpu.memory_space<vmem>>, %arg6: memref<1x128xf32, #tpu.memory_space<vmem>>, %arg7: memref<1x128xf32, #tpu.memory_space<vmem>>, %arg8: memref<2048x128xf32, #tpu.memory_space<vmem>>) attributes {dimension_semantics = [#tpu.dimension_semantics<arbitrary>], iteration_bounds = array<i64: 5>, scalar_prefetch = 0 : i64, scratch_operands = 0 : i64, tpu.core_type = #tpu.core_type<tc>, window_params = [{transform_indices = @transform_0, window_bounds = array<i64: 2, 2048, 128>}, {transform_indices = @transform_1, window_bounds = array<i64: 2, 2048, 128>}, {transform_indices = @transform_2, window_bounds = array<i64: 2, 2048>}, {pipeline_mode = #tpu.pipeline_mode<synchronous>, transform_indices = @transform_3, window_bounds = array<i64: 1, 128>}, {pipeline_mode = #tpu.pipeline_mode<synchronous>, transform_indices = @transform_4, window_bounds = array<i64: 1, 128>}, {pipeline_mode = #tpu.pipeline_mode<synchronous>, transform_indices = @transform_5, window_bounds = array<i64: 1, 128>}, {pipeline_mode = #tpu.pipeline_mode<synchronous>, transform_indices = @transform_6, window_bounds = array<i64: 1, 128>}, {transform_indices = @transform_7, window_bounds = array<i64: 2048, 128>}]} {
    %get3A = arith.constant 0 : index
    %get3A_0 = arith.constant 0 : index
    %get3A_1 = vector.load %arg3[%get3A, %get3A_0] : memref<2x2048xf32, #tpu.memory_space<vmem>>, vector<2x2048xf32>
    %get3A_2 = arith.constant 0 : index
    %get3A_3 = arith.constant 0 : index
    %get3A_4 = arith.constant 0 : index
    %get3A_5 = vector.load %arg1[%get3A_2, %get3A_3, %get3A_4] : memref<2x2048x128xf32, #tpu.memory_space<vmem>>, vector<1x2048x128xf32>
    %get3A_6 = vector.shape_cast %get3A_5 : vector<1x2048x128xf32> to vector<2048x128xf32>
    %get3A_7 = arith.constant 0 : index
    %get3A_8 = arith.constant 0 : index
    %get3A_9 = arith.constant 0 : index
    %get3A_10 = vector.load %arg2[%get3A_7, %get3A_8, %get3A_9] : memref<2x2048x128xf32, #tpu.memory_space<vmem>>, vector<1x2048x128xf32>
    %get3A_11 = vector.shape_cast %get3A_10 : vector<1x2048x128xf32> to vector<2048x128xf32>
    %add3A = arith.addf %get3A_6, %get3A_11 : vector<2048x128xf32>
    %slice3A = vector.extract_strided_slice %get3A_1 {offsets = [0, 0], sizes = [1, 2048], strides = [1, 1]} : vector<2x2048xf32> to vector<1x2048xf32>
    %squeeze3A = vector.shape_cast %slice3A : vector<1x2048xf32> to vector<2048xf32>
    %broadcast_in_dim3A = vector.shape_cast %squeeze3A : vector<2048xf32> to vector<2048x1xf32>
    %mul3A = vector.broadcast %broadcast_in_dim3A : vector<2048x1xf32> to vector<2048x128xf32>
    %mul3A_12 = arith.mulf %add3A, %mul3A : vector<2048x128xf32>
    %get3A_13 = arith.constant 0 : index
    %get3A_14 = arith.constant 0 : index
    %get3A_15 = vector.load %arg4[%get3A_13, %get3A_14] : memref<1x128xf32, #tpu.memory_space<vmem>>, vector<1x128xf32>
    %add3A_16 = vector.broadcast %get3A_15 : vector<1x128xf32> to vector<2048x128xf32>
    %add3A_17 = arith.addf %mul3A_12, %add3A_16 : vector<2048x128xf32>
    %get3A_18 = arith.constant 1 : index
    %get3A_19 = arith.constant 0 : index
    %get3A_20 = arith.constant 0 : index
    %get3A_21 = vector.load %arg1[%get3A_18, %get3A_19, %get3A_20] : memref<2x2048x128xf32, #tpu.memory_space<vmem>>, vector<1x2048x128xf32>
    %get3A_22 = vector.shape_cast %get3A_21 : vector<1x2048x128xf32> to vector<2048x128xf32>
    %get3A_23 = arith.constant 1 : index
    %get3A_24 = arith.constant 0 : index
    %get3A_25 = arith.constant 0 : index
    %get3A_26 = vector.load %arg2[%get3A_23, %get3A_24, %get3A_25] : memref<2x2048x128xf32, #tpu.memory_space<vmem>>, vector<1x2048x128xf32>
    %get3A_27 = vector.shape_cast %get3A_26 : vector<1x2048x128xf32> to vector<2048x128xf32>
    %add3A_28 = arith.addf %get3A_22, %get3A_27 : vector<2048x128xf32>
    %slice3A_29 = vector.extract_strided_slice %get3A_1 {offsets = [1, 0], sizes = [1, 2048], strides = [1, 1]} : vector<2x2048xf32> to vector<1x2048xf32>
    %squeeze3A_30 = vector.shape_cast %slice3A_29 : vector<1x2048xf32> to vector<2048xf32>
    %broadcast_in_dim3A_31 = vector.shape_cast %squeeze3A_30 : vector<2048xf32> to vector<2048x1xf32>
    %mul3A_32 = vector.broadcast %broadcast_in_dim3A_31 : vector<2048x1xf32> to vector<2048x128xf32>
    %mul3A_33 = arith.mulf %add3A_28, %mul3A_32 : vector<2048x128xf32>
    %add3A_34 = arith.addf %add3A_17, %mul3A_33 : vector<2048x128xf32>
    %get3A_35 = arith.constant 0 : index
    %get3A_36 = arith.constant 0 : index
    %get3A_37 = vector.load %arg5[%get3A_35, %get3A_36] : memref<1x128xf32, #tpu.memory_space<vmem>>, vector<1x128xf32>
    %add3A_38 = vector.broadcast %get3A_37 : vector<1x128xf32> to vector<2048x128xf32>
    %add3A_39 = arith.addf %add3A_34, %add3A_38 : vector<2048x128xf32>
    %reduce_sum3A = arith.constant dense<0.000000e+00> : vector<2048xf32>
    %reduce_sum3A_40 = vector.multi_reduction <add>, %add3A_39, %reduce_sum3A [1] : vector<2048x128xf32> to vector<2048xf32>
    %broadcast_in_dim3A_41 = vector.shape_cast %reduce_sum3A_40 : vector<2048xf32> to vector<2048x1xf32>
    %div3A = arith.constant 1.280000e+02 : f32
    %div3A_42 = vector.broadcast %div3A : f32 to vector<2048x1xf32>
    %div3A_43 = arith.divf %broadcast_in_dim3A_41, %div3A_42 : vector<2048x1xf32>
    %sub3A = vector.broadcast %div3A_43 : vector<2048x1xf32> to vector<2048x128xf32>
    %sub3A_44 = arith.subf %add3A_39, %sub3A : vector<2048x128xf32>
    %integer_pow3A = arith.mulf %sub3A_44, %sub3A_44 : vector<2048x128xf32>
    %reduce_sum3A_45 = arith.constant dense<0.000000e+00> : vector<2048xf32>
    %reduce_sum3A_46 = vector.multi_reduction <add>, %integer_pow3A, %reduce_sum3A_45 [1] : vector<2048x128xf32> to vector<2048xf32>
    %broadcast_in_dim3A_47 = vector.shape_cast %reduce_sum3A_46 : vector<2048xf32> to vector<2048x1xf32>
    %div3A_48 = arith.constant 1.280000e+02 : f32
    %div3A_49 = vector.broadcast %div3A_48 : f32 to vector<2048x1xf32>
    %div3A_50 = arith.divf %broadcast_in_dim3A_47, %div3A_49 : vector<2048x1xf32>
    %sub3A_51 = vector.broadcast %div3A_43 : vector<2048x1xf32> to vector<2048x128xf32>
    %sub3A_52 = arith.subf %add3A_39, %sub3A_51 : vector<2048x128xf32>
    %add3A_53 = arith.constant 9.99999974E-6 : f32
    %add3A_54 = vector.broadcast %add3A_53 : f32 to vector<2048x1xf32>
    %add3A_55 = arith.addf %div3A_50, %add3A_54 : vector<2048x1xf32>
    %rsqrt3A = math.rsqrt %add3A_55 : vector<2048x1xf32>
    %mul3A_56 = vector.broadcast %rsqrt3A : vector<2048x1xf32> to vector<2048x128xf32>
    %mul3A_57 = arith.mulf %sub3A_52, %mul3A_56 : vector<2048x128xf32>
    %get3A_58 = arith.constant 0 : index
    %get3A_59 = arith.constant 0 : index
    %get3A_60 = vector.load %arg6[%get3A_58, %get3A_59] : memref<1x128xf32, #tpu.memory_space<vmem>>, vector<1x128xf32>
    %mul3A_61 = vector.broadcast %get3A_60 : vector<1x128xf32> to vector<2048x128xf32>
    %mul3A_62 = arith.mulf %mul3A_57, %mul3A_61 : vector<2048x128xf32>
    %get3A_63 = arith.constant 0 : index
    %get3A_64 = arith.constant 0 : index
    %get3A_65 = vector.load %arg7[%get3A_63, %get3A_64] : memref<1x128xf32, #tpu.memory_space<vmem>>, vector<1x128xf32>
    %add3A_66 = vector.broadcast %get3A_65 : vector<1x128xf32> to vector<2048x128xf32>
    %add3A_67 = arith.addf %mul3A_62, %add3A_66 : vector<2048x128xf32>
    %max3A = arith.constant 0.000000e+00 : f32
    %max3A_68 = vector.broadcast %max3A : f32 to vector<2048x128xf32>
    %max3A_69 = arith.maximumf %add3A_67, %max3A_68 : vector<2048x128xf32>
    %swap3A = arith.constant 0 : index
    %swap3A_70 = arith.constant 0 : index
    %swap3A_71 = vector.load %arg8[%swap3A, %swap3A_70] : memref<2048x128xf32, #tpu.memory_space<vmem>>, vector<2048x128xf32>
    tpu.vector_store %arg8[%swap3A, %swap3A_70], %max3A_69 {strides = array<i32>} : memref<2048x128xf32, #tpu.memory_space<vmem>>, vector<2048x128xf32>,
    return
  }
  func.func @transform_0(%arg0: i32) -> (i32, i32, i32) {
    %c0_i32 = arith.constant 0 : i32
    %c0_i32_0 = arith.constant 0 : i32
    %c0_i32_1 = arith.constant 0 : i32
    return %c0_i32, %arg0, %c0_i32_0 : i32, i32, i32
  }
  func.func @transform_1(%arg0: i32) -> (i32, i32, i32) {
    %c0_i32 = arith.constant 0 : i32
    %c0_i32_0 = arith.constant 0 : i32
    %c0_i32_1 = arith.constant 0 : i32
    return %c0_i32, %arg0, %c0_i32_0 : i32, i32, i32
  }
  func.func @transform_2(%arg0: i32) -> (i32, i32) {
    %c0_i32 = arith.constant 0 : i32
    %c0_i32_0 = arith.constant 0 : i32
    return %c0_i32, %arg0 : i32, i32
  }
  func.func @transform_3(%arg0: i32) -> (i32, i32) {
    %c0_i32 = arith.constant 0 : i32
    %c0_i32_0 = arith.constant 0 : i32
    %c0_i32_1 = arith.constant 0 : i32
    return %c0_i32, %c0_i32_0 : i32, i32
  }
  func.func @transform_4(%arg0: i32) -> (i32, i32) {
    %c0_i32 = arith.constant 0 : i32
    %c0_i32_0 = arith.constant 0 : i32
    %c0_i32_1 = arith.constant 0 : i32
    return %c0_i32, %c0_i32_0 : i32, i32
  }
  func.func @transform_5(%arg0: i32) -> (i32, i32) {
    %c0_i32 = arith.constant 0 : i32
    %c0_i32_0 = arith.constant 0 : i32
    %c0_i32_1 = arith.constant 0 : i32
    return %c0_i32, %c0_i32_0 : i32, i32
  }
  func.func @transform_6(%arg0: i32) -> (i32, i32) {
    %c0_i32 = arith.constant 0 : i32
    %c0_i32_0 = arith.constant 0 : i32
    %c0_i32_1 = arith.constant 0 : i32
    return %c0_i32, %c0_i32_0 : i32, i32
  }
  func.func @transform_7(%arg0: i32) -> (i32, i32) {
    %c0_i32 = arith.constant 0 : i32
    %c0_i32_0 = arith.constant 0 : i32
    return %arg0, %c0_i32 : i32, i32
  }
}

module attributes {stable_mosaic.version = 14 : i64} {
  func.func @_mid_body(%arg0: i32, %arg1: memref<2x2048x128xf32, #tpu.memory_space<vmem>>, %arg2: memref<2x2048x128xf32, #tpu.memory_space<vmem>>, %arg3: memref<2x2048xf32, #tpu.memory_space<vmem>>, %arg4: memref<1x128xf32, #tpu.memory_space<vmem>>, %arg5: memref<1x128xf32, #tpu.memory_space<vmem>>, %arg6: memref<1x128xf32, #tpu.memory_space<vmem>>, %arg7: memref<1x128xf32, #tpu.memory_space<vmem>>, %arg8: memref<128x128xf32, #tpu.memory_space<vmem>>, %arg9: memref<128x128xf32, #tpu.memory_space<vmem>>, %arg10: memref<2x2048x128xf32, #tpu.memory_space<vmem>>) attributes {dimension_semantics = [#tpu.dimension_semantics<arbitrary>], iteration_bounds = array<i64: 5>, scalar_prefetch = 0 : i64, scratch_operands = 0 : i64, tpu.core_type = #tpu.core_type<tc>, window_params = [{transform_indices = @transform_0, window_bounds = array<i64: 2, 2048, 128>}, {transform_indices = @transform_1, window_bounds = array<i64: 2, 2048, 128>}, {transform_indices = @transform_2, window_bounds = array<i64: 2, 2048>}, {pipeline_mode = #tpu.pipeline_mode<synchronous>, transform_indices = @transform_3, window_bounds = array<i64: 1, 128>}, {pipeline_mode = #tpu.pipeline_mode<synchronous>, transform_indices = @transform_4, window_bounds = array<i64: 1, 128>}, {pipeline_mode = #tpu.pipeline_mode<synchronous>, transform_indices = @transform_5, window_bounds = array<i64: 1, 128>}, {pipeline_mode = #tpu.pipeline_mode<synchronous>, transform_indices = @transform_6, window_bounds = array<i64: 1, 128>}, {pipeline_mode = #tpu.pipeline_mode<synchronous>, transform_indices = @transform_7, window_bounds = array<i64: 128, 128>}, {pipeline_mode = #tpu.pipeline_mode<synchronous>, transform_indices = @transform_8, window_bounds = array<i64: 128, 128>}, {transform_indices = @transform_9, window_bounds = array<i64: 2, 2048, 128>}]} {
    %get3A = arith.constant 0 : index
    %get3A_0 = arith.constant 0 : index
    %get3A_1 = vector.load %arg3[%get3A, %get3A_0] : memref<2x2048xf32, #tpu.memory_space<vmem>>, vector<2x2048xf32>
    %get3A_2 = arith.constant 0 : index
    %get3A_3 = arith.constant 0 : index
    %get3A_4 = arith.constant 0 : index
    %get3A_5 = vector.load %arg1[%get3A_2, %get3A_3, %get3A_4] : memref<2x2048x128xf32, #tpu.memory_space<vmem>>, vector<1x2048x128xf32>
    %get3A_6 = vector.shape_cast %get3A_5 : vector<1x2048x128xf32> to vector<2048x128xf32>
    %get3A_7 = arith.constant 0 : index
    %get3A_8 = arith.constant 0 : index
    %get3A_9 = arith.constant 0 : index
    %get3A_10 = vector.load %arg2[%get3A_7, %get3A_8, %get3A_9] : memref<2x2048x128xf32, #tpu.memory_space<vmem>>, vector<1x2048x128xf32>
    %get3A_11 = vector.shape_cast %get3A_10 : vector<1x2048x128xf32> to vector<2048x128xf32>
    %add3A = arith.addf %get3A_6, %get3A_11 : vector<2048x128xf32>
    %slice3A = vector.extract_strided_slice %get3A_1 {offsets = [0, 0], sizes = [1, 2048], strides = [1, 1]} : vector<2x2048xf32> to vector<1x2048xf32>
    %squeeze3A = vector.shape_cast %slice3A : vector<1x2048xf32> to vector<2048xf32>
    %broadcast_in_dim3A = vector.shape_cast %squeeze3A : vector<2048xf32> to vector<2048x1xf32>
    %mul3A = vector.broadcast %broadcast_in_dim3A : vector<2048x1xf32> to vector<2048x128xf32>
    %mul3A_12 = arith.mulf %add3A, %mul3A : vector<2048x128xf32>
    %get3A_13 = arith.constant 0 : index
    %get3A_14 = arith.constant 0 : index
    %get3A_15 = vector.load %arg4[%get3A_13, %get3A_14] : memref<1x128xf32, #tpu.memory_space<vmem>>, vector<1x128xf32>
    %add3A_16 = vector.broadcast %get3A_15 : vector<1x128xf32> to vector<2048x128xf32>
    %add3A_17 = arith.addf %mul3A_12, %add3A_16 : vector<2048x128xf32>
    %get3A_18 = arith.constant 1 : index
    %get3A_19 = arith.constant 0 : index
    %get3A_20 = arith.constant 0 : index
    %get3A_21 = vector.load %arg1[%get3A_18, %get3A_19, %get3A_20] : memref<2x2048x128xf32, #tpu.memory_space<vmem>>, vector<1x2048x128xf32>
    %get3A_22 = vector.shape_cast %get3A_21 : vector<1x2048x128xf32> to vector<2048x128xf32>
    %get3A_23 = arith.constant 1 : index
    %get3A_24 = arith.constant 0 : index
    %get3A_25 = arith.constant 0 : index
    %get3A_26 = vector.load %arg2[%get3A_23, %get3A_24, %get3A_25] : memref<2x2048x128xf32, #tpu.memory_space<vmem>>, vector<1x2048x128xf32>
    %get3A_27 = vector.shape_cast %get3A_26 : vector<1x2048x128xf32> to vector<2048x128xf32>
    %add3A_28 = arith.addf %get3A_22, %get3A_27 : vector<2048x128xf32>
    %slice3A_29 = vector.extract_strided_slice %get3A_1 {offsets = [1, 0], sizes = [1, 2048], strides = [1, 1]} : vector<2x2048xf32> to vector<1x2048xf32>
    %squeeze3A_30 = vector.shape_cast %slice3A_29 : vector<1x2048xf32> to vector<2048xf32>
    %broadcast_in_dim3A_31 = vector.shape_cast %squeeze3A_30 : vector<2048xf32> to vector<2048x1xf32>
    %mul3A_32 = vector.broadcast %broadcast_in_dim3A_31 : vector<2048x1xf32> to vector<2048x128xf32>
    %mul3A_33 = arith.mulf %add3A_28, %mul3A_32 : vector<2048x128xf32>
    %add3A_34 = arith.addf %add3A_17, %mul3A_33 : vector<2048x128xf32>
    %get3A_35 = arith.constant 0 : index
    %get3A_36 = arith.constant 0 : index
    %get3A_37 = vector.load %arg5[%get3A_35, %get3A_36] : memref<1x128xf32, #tpu.memory_space<vmem>>, vector<1x128xf32>
    %add3A_38 = vector.broadcast %get3A_37 : vector<1x128xf32> to vector<2048x128xf32>
    %add3A_39 = arith.addf %add3A_34, %add3A_38 : vector<2048x128xf32>
    %reduce_sum3A = arith.constant dense<0.000000e+00> : vector<2048xf32>
    %reduce_sum3A_40 = vector.multi_reduction <add>, %add3A_39, %reduce_sum3A [1] : vector<2048x128xf32> to vector<2048xf32>
    %broadcast_in_dim3A_41 = vector.shape_cast %reduce_sum3A_40 : vector<2048xf32> to vector<2048x1xf32>
    %div3A = arith.constant 1.280000e+02 : f32
    %div3A_42 = vector.broadcast %div3A : f32 to vector<2048x1xf32>
    %div3A_43 = arith.divf %broadcast_in_dim3A_41, %div3A_42 : vector<2048x1xf32>
    %sub3A = vector.broadcast %div3A_43 : vector<2048x1xf32> to vector<2048x128xf32>
    %sub3A_44 = arith.subf %add3A_39, %sub3A : vector<2048x128xf32>
    %integer_pow3A = arith.mulf %sub3A_44, %sub3A_44 : vector<2048x128xf32>
    %reduce_sum3A_45 = arith.constant dense<0.000000e+00> : vector<2048xf32>
    %reduce_sum3A_46 = vector.multi_reduction <add>, %integer_pow3A, %reduce_sum3A_45 [1] : vector<2048x128xf32> to vector<2048xf32>
    %broadcast_in_dim3A_47 = vector.shape_cast %reduce_sum3A_46 : vector<2048xf32> to vector<2048x1xf32>
    %div3A_48 = arith.constant 1.280000e+02 : f32
    %div3A_49 = vector.broadcast %div3A_48 : f32 to vector<2048x1xf32>
    %div3A_50 = arith.divf %broadcast_in_dim3A_47, %div3A_49 : vector<2048x1xf32>
    %sub3A_51 = vector.broadcast %div3A_43 : vector<2048x1xf32> to vector<2048x128xf32>
    %sub3A_52 = arith.subf %add3A_39, %sub3A_51 : vector<2048x128xf32>
    %add3A_53 = arith.constant 9.99999974E-6 : f32
    %add3A_54 = vector.broadcast %add3A_53 : f32 to vector<2048x1xf32>
    %add3A_55 = arith.addf %div3A_50, %add3A_54 : vector<2048x1xf32>
    %rsqrt3A = math.rsqrt %add3A_55 : vector<2048x1xf32>
    %mul3A_56 = vector.broadcast %rsqrt3A : vector<2048x1xf32> to vector<2048x128xf32>
    %mul3A_57 = arith.mulf %sub3A_52, %mul3A_56 : vector<2048x128xf32>
    %get3A_58 = arith.constant 0 : index
    %get3A_59 = arith.constant 0 : index
    %get3A_60 = vector.load %arg6[%get3A_58, %get3A_59] : memref<1x128xf32, #tpu.memory_space<vmem>>, vector<1x128xf32>
    %mul3A_61 = vector.broadcast %get3A_60 : vector<1x128xf32> to vector<2048x128xf32>
    %mul3A_62 = arith.mulf %mul3A_57, %mul3A_61 : vector<2048x128xf32>
    %get3A_63 = arith.constant 0 : index
    %get3A_64 = arith.constant 0 : index
    %get3A_65 = vector.load %arg7[%get3A_63, %get3A_64] : memref<1x128xf32, #tpu.memory_space<vmem>>, vector<1x128xf32>
    %add3A_66 = vector.broadcast %get3A_65 : vector<1x128xf32> to vector<2048x128xf32>
    %add3A_67 = arith.addf %mul3A_62, %add3A_66 : vector<2048x128xf32>
    %max3A = arith.constant 0.000000e+00 : f32
    %max3A_68 = vector.broadcast %max3A : f32 to vector<2048x128xf32>
    %max3A_69 = arith.maximumf %add3A_67, %max3A_68 : vector<2048x128xf32>
    %get3A_70 = arith.constant 0 : index
    %get3A_71 = arith.constant 0 : index
    %get3A_72 = vector.load %arg8[%get3A_70, %get3A_71] : memref<128x128xf32, #tpu.memory_space<vmem>>, vector<128x128xf32>
    %dot_general3A = arith.constant dense<0.000000e+00> : vector<2048x128xf32>
    %dot_general3A_73 = tpu.matmul %max3A_69, %get3A_72, %dot_general3A {dimension_numbers = #tpu.dot_dimension_numbers<[1], [0], [0], [1], [0, 0, 1, 1], [], []>, transpose_lhs_hint = false} : vector<2048x128xf32>, vector<128x128xf32>, vector<2048x128xf32> -> vector<2048x128xf32>
    %slice3A_74 = vector.extract_strided_slice %get3A_1 {offsets = [0, 0], sizes = [1, 2048], strides = [1, 1]} : vector<2x2048xf32> to vector<1x2048xf32>
    %squeeze3A_75 = vector.shape_cast %slice3A_74 : vector<1x2048xf32> to vector<2048xf32>
    %broadcast_in_dim3A_76 = vector.shape_cast %squeeze3A_75 : vector<2048xf32> to vector<2048x1xf32>
    %mul3A_77 = vector.broadcast %broadcast_in_dim3A_76 : vector<2048x1xf32> to vector<2048x128xf32>
    %mul3A_78 = arith.mulf %dot_general3A_73, %mul3A_77 : vector<2048x128xf32>
    %swap3A = arith.constant 0 : index
    %swap3A_79 = arith.constant 0 : index
    %swap3A_80 = arith.constant 0 : index
    %swap3A_81 = vector.load %arg10[%swap3A, %swap3A_79, %swap3A_80] : memref<2x2048x128xf32, #tpu.memory_space<vmem>>, vector<1x2048x128xf32>
    %swap3A_82 = vector.shape_cast %swap3A_81 : vector<1x2048x128xf32> to vector<2048x128xf32>
    %swap3A_83 = vector.shape_cast %mul3A_78 : vector<2048x128xf32> to vector<1x2048x128xf32>
    tpu.vector_store %arg10[%swap3A, %swap3A_79, %swap3A_80], %swap3A_83 {strides = array<i32>} : memref<2x2048x128xf32, #tpu.memory_space<vmem>>, vector<1x2048x128xf32>,
    %get3A_84 = arith.constant 0 : index
    %get3A_85 = arith.constant 0 : index
    %get3A_86 = vector.load %arg9[%get3A_84, %get3A_85] : memref<128x128xf32, #tpu.memory_space<vmem>>, vector<128x128xf32>
    %dot_general3A_87 = arith.constant dense<0.000000e+00> : vector<2048x128xf32>
    %dot_general3A_88 = tpu.matmul %max3A_69, %get3A_86, %dot_general3A_87 {dimension_numbers = #tpu.dot_dimension_numbers<[1], [0], [0], [1], [0, 0, 1, 1], [], []>, transpose_lhs_hint = false} : vector<2048x128xf32>, vector<128x128xf32>, vector<2048x128xf32> -> vector<2048x128xf32>
    %slice3A_89 = vector.extract_strided_slice %get3A_1 {offsets = [1, 0], sizes = [1, 2048], strides = [1, 1]} : vector<2x2048xf32> to vector<1x2048xf32>
    %squeeze3A_90 = vector.shape_cast %slice3A_89 : vector<1x2048xf32> to vector<2048xf32>
    %broadcast_in_dim3A_91 = vector.shape_cast %squeeze3A_90 : vector<2048xf32> to vector<2048x1xf32>
    %mul3A_92 = vector.broadcast %broadcast_in_dim3A_91 : vector<2048x1xf32> to vector<2048x128xf32>
    %mul3A_93 = arith.mulf %dot_general3A_88, %mul3A_92 : vector<2048x128xf32>
    %swap3A_94 = arith.constant 1 : index
    %swap3A_95 = arith.constant 0 : index
    %swap3A_96 = arith.constant 0 : index
    %swap3A_97 = vector.load %arg10[%swap3A_94, %swap3A_95, %swap3A_96] : memref<2x2048x128xf32, #tpu.memory_space<vmem>>, vector<1x2048x128xf32>
    %swap3A_98 = vector.shape_cast %swap3A_97 : vector<1x2048x128xf32> to vector<2048x128xf32>
    %swap3A_99 = vector.shape_cast %mul3A_93 : vector<2048x128xf32> to vector<1x2048x128xf32>
    tpu.vector_store %arg10[%swap3A_94, %swap3A_95, %swap3A_96], %swap3A_99 {strides = array<i32>} : memref<2x2048x128xf32, #tpu.memory_space<vmem>>, vector<1x2048x128xf32>,
    return
  }
  func.func @transform_0(%arg0: i32) -> (i32, i32, i32) {
    %c0_i32 = arith.constant 0 : i32
    %c0_i32_0 = arith.constant 0 : i32
    %c0_i32_1 = arith.constant 0 : i32
    return %c0_i32, %arg0, %c0_i32_0 : i32, i32, i32
  }
  func.func @transform_1(%arg0: i32) -> (i32, i32, i32) {
    %c0_i32 = arith.constant 0 : i32
    %c0_i32_0 = arith.constant 0 : i32
    %c0_i32_1 = arith.constant 0 : i32
    return %c0_i32, %arg0, %c0_i32_0 : i32, i32, i32
  }
  func.func @transform_2(%arg0: i32) -> (i32, i32) {
    %c0_i32 = arith.constant 0 : i32
    %c0_i32_0 = arith.constant 0 : i32
    return %c0_i32, %arg0 : i32, i32
  }
  func.func @transform_3(%arg0: i32) -> (i32, i32) {
    %c0_i32 = arith.constant 0 : i32
    %c0_i32_0 = arith.constant 0 : i32
    %c0_i32_1 = arith.constant 0 : i32
    return %c0_i32, %c0_i32_0 : i32, i32
  }
  func.func @transform_4(%arg0: i32) -> (i32, i32) {
    %c0_i32 = arith.constant 0 : i32
    %c0_i32_0 = arith.constant 0 : i32
    %c0_i32_1 = arith.constant 0 : i32
    return %c0_i32, %c0_i32_0 : i32, i32
  }
  func.func @transform_5(%arg0: i32) -> (i32, i32) {
    %c0_i32 = arith.constant 0 : i32
    %c0_i32_0 = arith.constant 0 : i32
    %c0_i32_1 = arith.constant 0 : i32
    return %c0_i32, %c0_i32_0 : i32, i32
  }
  func.func @transform_6(%arg0: i32) -> (i32, i32) {
    %c0_i32 = arith.constant 0 : i32
    %c0_i32_0 = arith.constant 0 : i32
    %c0_i32_1 = arith.constant 0 : i32
    return %c0_i32, %c0_i32_0 : i32, i32
  }
  func.func @transform_7(%arg0: i32) -> (i32, i32) {
    %c0_i32 = arith.constant 0 : i32
    %c0_i32_0 = arith.constant 0 : i32
    %c0_i32_1 = arith.constant 0 : i32
    return %c0_i32, %c0_i32_0 : i32, i32
  }
  func.func @transform_8(%arg0: i32) -> (i32, i32) {
    %c0_i32 = arith.constant 0 : i32
    %c0_i32_0 = arith.constant 0 : i32
    %c0_i32_1 = arith.constant 0 : i32
    return %c0_i32, %c0_i32_0 : i32, i32
  }
  func.func @transform_9(%arg0: i32) -> (i32, i32, i32) {
    %c0_i32 = arith.constant 0 : i32
    %c0_i32_0 = arith.constant 0 : i32
    %c0_i32_1 = arith.constant 0 : i32
    return %c0_i32, %arg0, %c0_i32_0 : i32, i32, i32
  }
}

</mosaic_0001>

<sc_bundles>
// kernel: kernel.11.cloned.1.call-start
scs
__scs_entry_jumppad:
0x0: {  	(pc) =	sbr.rel $0x88, $3  }
0x1: {  	(tag) =	ssettag $0x0;
	lr =	simm.s32 $0x1  }
0x2: {  	[smem:$0x3F92] =	sst lr;
	_ =	strace $0xD0000000  }
0x3: {  	_ = 	snop  }
0x4: {  	_ = 	snop  }
0x5: {  	_ = 	snop  }
0x6: {  	_ = 	snop  }
0x7: {  	_ = 	snop  }
__scs_overlays_trampoline_lowered:
0x8: {  	[smem:$0x3FA1] =	sst s0  }
0x9: {  	[smem:$0x3FA2] =	sst s1  }
0xa: {  	[smem:$0x3FA3] =	sst s2  }
0xb: {  	[smem:$0x3FA4] =	sst s3  }
0xc: {  	[smem:$0x3FA5] =	sst s4  }
0xd: {  	[smem:$0x3FA6] =	sst s5  }
0xe: {  	[smem:$0x3FA7] =	sst s6  }
0xf: {  	[smem:$0x3FA8] =	sst s7  }
0x10: {  	[smem:$0x3FA9] =	sst s8  }
0x11: {  	[smem:$0x3FAA] =	sst s9;
	s0 =	simm.s32 @!p0 $0x0  }
0x12: {  	s1 =	sld [smem:$0x3F90];
	s0 =	simm.s32 @p0 $0x1  }
0x13: {  	[smem:$0x3FAB] =	sst s0;
	s0 =	simm.s32 @!p1 $0x0  }
0x14: {  	s2 =	sld [smem:$0x3F8F];
	s0 =	simm.s32 @p1 $0x1  }
0x15: {  	[smem:$0x3FAC] =	sst s0;
	s0 =	simm.s32 @!p2 $0x0  }
0x16: {  	s3 =	sld [smem:$0x3FDB];
	s0 =	simm.s32 @p2 $0x1  }
0x17: {  	s4 =	simm.s32 $0x1BF5;
	[smem:$0x3FAE] =	sst s0  }
0x18: {  	s0 =	sld [smem:$0x3F91];
	_ =	swait.ge [sflag:s4], $0x0  }
0x19: {  	s7 =	sld [smem:$0x3F92]  }
0x1a: {  	s8 =	sadd.s32 $0xFFFFE003, lr  }
0x1b: {  	s9 =	sadd.s32 $0xFFFFFEF7, lr;
	s5 =	simm.s32 $0xFFFFFFFF;
	p2 =	slt.u32 s8, $0xFFFFF086  }
0x1c: {  	p1 =	slt.u32 s9, $0xF7A;
	s5 =	simm.s32 @!p2 $0x0  }
0x1d: {  	s5 =	simm.s32 @p1 $0x1;
	p0 =	seq.s32 s7, s2  }
0x1e: {  	s7 =	smul.u32 @!p0 $0xF7A, s2;
	p2 =	seq.s32 @!p0 s5, $0x0  }
0x1f: {  	s9 =	smul.u32 $0xF7A, s1;
	s8 =	simm.s32 @!p0 $0x1BF5;
	p2 =	por !p2, p0  }
0x20: {  	[sflag:s8] =	ssyncset.s32 @!p0 $0xFFFFF086;
	s6 =	sadd.s32 @!p0 s3, s7;
	s7 =	simm.s32 @!p0 $0x108  }
0x21: {  	s3 =	sadd.s32 s3, s9;
	s6 =	sadd.s32 @!p0 $0x88, s6;
	s7 =	simm.s32 @p2 $0x1082  }
0x22: {  	[simem:s7], [sflag:s8] =	dma.local @!p0 [hbm:s6], $0xF7A  }
0x23: {  	s9 =	sor.u32 $0xD0000000, s2;
	s6 =	simm.s32 $0x108;
	_ =	swait.ge @!p0 [sflag:s8], $0x0  }
0x24: {  	s3 =	sadd.s32 $0x88, s3;
	s6 =	simm.s32 @!p1 $0x1082;
	[sflag:s4] =	ssyncset.s32 $0xFFFFF086  }
0x25: {  	[simem:s6], [sflag:s4] =	dma.local [hbm:s3], $0xF7A  }
0x26: {  	[smem:$0x3F92] =	sst s1;
	(tag) =	ssettag s2;
	_ =	strace s9  }
0x27: {  	s1 =	sld [smem:$0x3FA2]  }
0x28: {  	s2 =	sld [smem:$0x3FA3]  }
0x29: {  	s4 =	sld [smem:$0x3FA5]  }
0x2a: {  	p0 =	seq.s32 s5, $0x0;
	s5 =	sld [smem:$0x3FA6]  }
0x2b: {  	s6 =	sld [smem:$0x3FA7]  }
0x2c: {  	s7 =	sld [smem:$0x3FA8]  }
0x2d: {  	s3 =	simm.s32 $0x108;
	s8 =	sld [smem:$0x3FA9]  }
0x2e: {  	s3 =	simm.s32 @!p0 $0x1082;
	s9 =	sld [smem:$0x3FAA]  }
0x2f: {  	lr =	sadd.s32 s0, s3;
	s0 =	sld [smem:$0x3FA1]  }
0x30: {  	s3 =	sld [smem:$0x3FA4]  }
0x31: {  	[smem:$0x3FAD] =	sst s10  }
0x32: {  	s10 =	sld [smem:$0x3FAB];
	_ =	sdelay $0x3  }
0x33: {  	p0 =	seq.s32 s10, $0x1;
	s10 =	sld [smem:$0x3FAD];
	_ =	sdelay $0x3  }
0x34: {  	[smem:$0x3FAD] =	sst s10  }
0x35: {  	s10 =	sld [smem:$0x3FAC];
	_ =	sdelay $0x3  }
0x36: {  	p1 =	seq.s32 s10, $0x1;
	s10 =	sld [smem:$0x3FAD];
	_ =	sdelay $0x3  }
0x37: {  	[smem:$0x3FAD] =	sst s10  }
0x38: {  	s10 =	sld [smem:$0x3FAE]  }
0x39: {  	_ = 	snop;
	(pc) =	sbr.ind lr, $3  }
0x3a: {  	_ = 	snop  }
0x3b: {  	_ = 	snop  }
0x3c: {  	p2 =	seq.s32 s10, $0x1;
	s10 =	sld [smem:$0x3FAD]  }
0x3d: {  	_ =	shalt  }
0x3e: {  	_ =	shalt  }
0x3f: {  	_ =	shalt  }
0x40: {  	_ =	shalt  }
0x41: {  	_ =	shalt  }
0x42: {  	_ =	shalt  }
0x43: {  	_ =	shalt  }
0x44: {  	_ =	shalt  }
0x45: {  	_ =	shalt  }
0x46: {  	_ =	shalt  }
0x47: {  	_ =	shalt  }
0x48: {  	_ =	shalt  }
0x49: {  	_ =	shalt  }
0x4a: {  	_ =	shalt  }
0x4b: {  	_ =	shalt  }
0x4c: {  	_ =	shalt  }
0x4d: {  	_ =	shalt  }
0x4e: {  	_ =	shalt  }
0x4f: {  	_ =	shalt  }
0x50: {  	_ =	shalt  }
0x51: {  	_ =	shalt  }
0x52: {  	_ =	shalt  }
0x53: {  	_ =	shalt  }
0x54: {  	_ =	shalt  }
0x55: {  	_ =	shalt  }
0x56: {  	_ =	shalt  }
0x57: {  	_ =	shalt  }
0x58: {  	_ =	shalt  }
0x59: {  	_ =	shalt  }
0x5a: {  	_ =	shalt  }
0x5b: {  	_ =	shalt  }
0x5c: {  	_ =	shalt  }
0x5d: {  	_ =	shalt  }
0x5e: {  	_ =	shalt  }
0x5f: {  	_ =	shalt  }
0x60: {  	_ =	shalt  }
0x61: {  	_ =	shalt  }
0x62: {  	_ =	shalt  }
0x63: {  	_ =	shalt  }
0x64: {  	_ =	shalt  }
0x65: {  	_ =	shalt  }
0x66: {  	_ =	shalt  }
0x67: {  	_ =	shalt  }
0x68: {  	_ =	shalt  }
0x69: {  	_ =	shalt  }
0x6a: {  	_ =	shalt  }
0x6b: {  	_ =	shalt  }
0x6c: {  	_ =	shalt  }
0x6d: {  	_ =	shalt  }
0x6e: {  	_ =	shalt  }
0x6f: {  	_ =	shalt  }
0x70: {  	_ =	shalt  }
0x71: {  	_ =	shalt  }
0x72: {  	_ =	shalt  }
0x73: {  	_ =	shalt  }
0x74: {  	_ =	shalt  }
0x75: {  	_ =	shalt  }
0x76: {  	_ =	shalt  }
0x77: {  	_ =	shalt  }
0x78: {  	_ =	shalt  }
0x79: {  	_ =	shalt  }
0x7a: {  	_ =	shalt  }
0x7b: {  	_ =	shalt  }
0x7c: {  	_ =	shalt  }
0x7d: {  	_ =	shalt  }
0x7e: {  	_ =	shalt  }
0x7f: {  	_ =	shalt  }
0x80: {  	_ =	shalt  }
0x81: {  	_ =	shalt  }
0x82: {  	_ =	shalt  }
0x83: {  	_ =	shalt  }
0x84: {  	_ =	shalt  }
0x85: {  	_ =	shalt  }
0x86: {  	_ =	shalt  }
0x87: {  	_ =	shalt  }
.Lfunc_end0:
.L_simem_size_0:
called_computation.1_lowered:
.L_overlay_start_0:
0x88: {  	s2 =	sld [smem:$0x3FD9]  }
0x89: {  	s3 =	sld [smem:$0x3FFE];
	_ =	sdelay $0x1  }
0x8a: {  	s1 =	srdreg.scid  }
0x8b: {  	s0 =	sand.u32 $0x1, s1  }
0x8c: {  	s17 =	sshll.u32 s0, $0xA;
	s2 =	sadd.s32 s3, s2  }
0x8d: {  	s2 =	sadd.s32 s2, s17  }
0x8e: {  	[smem:$0x3FB9] =	sst s2  }
0x8f: {  	_ = 	snop  }
0x90: {  	s2 =	sld [smem:$0x3FD0];
	(tm) =	ssettm $0x1  }
0x91: {  	s18 =	sld [smem:$0x3FFB];
	_ =	sdelay $0x3  }
0x92: {  	_ =	strace s18  }
0x93: {  	s3 =	sld [smem:$0x3FFC];
	_ =	sdelay $0x3  }
0x94: {  	_ =	strace s3  }
0x95: {  	s3 =	sld [smem:$0x3FFD];
	_ =	sdelay $0x3  }
0x96: {  	_ =	strace s3  }
0x97: {  	_ =	strace $0x8FFFFFFF  }
0x98: {  	s19 =	sld [smem:$0x3FDB];
	_ =	sdelay $0x1  }
0x99: {  	s4 =	simm.s32 $_scs_section_size  }
0x9a: {  	s5 =	simm.s32 $_size__tile_overlayer_lowered;
	s6 =	simm.s32 $_tile_overlayer_lowered  }
0x9b: {  	s22 =	simm.s32 $0x1BFF;
	s21 =	sshll.u32 s6, $0x1;
	s3 =	sadd.s32 s4, s19  }
0x9c: {  	s7 =	simm.s32 $0x0;
	s20 =	sshll.u32 s5, $0x1;
	s5 =	sadd.s32 s21, s3  }
0x9d: {  	[timem:s7], [sflag:s22] =	dma.local [hbm:s5], s20  }
0x9e: {  	_ =	swait.ge [sflag:s22], s20  }
0x9f: {  	s4 =	ssub.s32 $0x0, s20;
	[sflag:s22] =	ssyncset.done $0x0  }
0xa0: {  	[sflag:s22] =	ssyncadd.s32 s4;
	_ =	sdelay $0x1  }
0xa1: {  	s23 =	simm.s32 $0x1B8B  }
0xa2: {  	_ =	swait.ge [sflag:s23], $0x1  }
0xa3: {  	[sflag:s23] =	ssyncset.done $0x0  }
0xa4: {  	s25 =	simm.s32 $0x1B8E;
	s24 =	sld [smem:$0x3FFE];
	[sflag:s23] =	ssyncadd.s32 $0xFFFFFFFF  }
0xa5: {  	s26 =	simm.s32 $execute0_lowered;
	[smem:$0x3FD2] =	sst s25  }
0xa6: {  	s5 =	sshll.u32 s26, $0x1;
	_ =	strace $0x80000049;
	[dreg:$0x1] =	wrdreg $0xFFFFFFFF  }
0xa7: {  	s28 =	simm.s32 $_size_execute0_lowered;
	s3 =	sadd.s32 s3, s5;
	[dreg:$0x0] =	wrdreg $0x0  }
0xa8: {  	s5 =	sshll.u32 s28, $0x1;
	[dreg:$0x2] =	wrdreg s3  }
0xa9: {  	[dreg:$0x3] =	wrdreg s5  }
0xaa: {  	[dreg:$0x4] =	wrdreg $0xC0  }
0xab: {  	_ =	task [dreg:s7], $0x5FFFF  }
0xac: {  	[dreg:$0x1] =	wrdreg $0xFFFFFFFF  }
0xad: {  	[dreg:$0x0] =	wrdreg $0x60  }
0xae: {  	[dreg:$0x2] =	wrdreg s24  }
0xaf: {  	[dreg:$0x3] =	wrdreg s2  }
0xb0: {  	[dreg:$0x4] =	wrdreg $0x90000  }
0xb1: {  	[dreg:$0x5] =	wrdreg $0x9  }
0xb2: {  	_ =	task.clear_ibuf [dreg:s7], $0x6FFFF;
	_ =	strace $0x90000049  }
0xb3: {  	s29 =	simm.s32 $0x9;
	_ =	strace $0x8000004B  }
0xb4: {  	_ =	swait.ge [sflag:s29], $0x1  }
0xb5: {  	[sflag:s29] =	ssyncadd.s32 $0xFFFFFFFF  }
0xb6: {  	_ =	strace $0x9000004B  }
0xb7: {  	_ =	sfence  }
0xb8: {  	s30 =	sld [smem:$0x0];
	_ =	sdelay $0x2  }
0xb9: {  	s31 =	sshll.u32 s1, $0xD;
	s1 =	sshrl.u32 s1, $0x2  }
0xba: {  	s3 =	sand.u32 $0x4000, s31;
	s1 =	sadd.s32 s1, s30  }
0xbb: {  	s0 =	sor.u32 s3, s0;
	s1 =	sshll.u32 s1, $0x11  }
0xbc: {  	s0 =	sor.u32 s1, s0  }
0xbd: {  	s0 =	sadd.s32 $0x8F2B, s0  }
0xbe: {  	[sflag:s0] =	ssyncadd.remote.s32 $0x1  }
0xbf: {  	_ =	sfence.sel $0xFFFF  }
0xc0: {  	[dreg:$0x0] =	wrdreg $0xFFFFFFFF;
	(pc) =	sbr.abs _section_cstart, $3  }
0xc1: {  	[dreg:$0x1] =	wrdreg $0xFFFFFFFF  }
0xc2: {  	_ =	task.clear_ibuf [dreg:s7], $0x2FFFF;
	_ =	strace $0x9FFFFFFF  }
0xc3: {  	(tm) =	ssettm $0x7FFFFFFF  }
tec
execute0_lowered:
.L_overlay_start_1:
0x0: {  	(tag) =	ssettag $0x1  }
0x1: {  	s0 =	rddreg [dreg:$0x0]  }
0x2: {  	s17 =	rddreg [dreg:$0x1]  }
0x3: {  	s1 =	rddreg [dreg:$0x2]  }
0x4: {  	s2 =	srdreg.scid;
	s3 =	simm.s32 $0x0;
	s21 =	simm.s32 $0x80  }
0x5: {  	s22 =	simm.s32 $0x1000;
	s23 =	simm.s32 $0x5000;
	s24 =	simm.s32 $0x3  }
0x6: {  	s25 =	simm.s32 $0x1;
	s5 =	sand.u32 $0x1, s2;
	s2 =	stileid.u32  }
0x7: {  	s28 =	simm.s32 $0x2;
	[smem:$0x7FF] =	sst s3;
	s6 =	smul.u32 $0x140000, s5  }
0x8: {  	s4 =	sadd.s32 $0xE600, s0;
	s18 =	sadd.s32 $0x4600, s0;
	s7 =	smul.u32 $0x14000, s2  }
0x9: {  	s14 =	sadd.s32 $0x35700, s0;
	_ =	strace $0x8000004A;
	s8 =	smul.u32 $0x2800, s2  }
0xa: {  	s26 =	ssub.s32 $0x2, s5;
	s10 =	smul.u32 $0x50000, s2;
	p0 =	seq.s32 s5, $0x1  }
0xb: {  	s19 =	smul.u32 $0x500, s2;
	s9 =	sshrl.u32 s26, $0x1;
	s6 =	sadd.s32 s7, s6  }
0xc: {  	s16 =	ssub.s32 s26, s9;
	s12 =	sshrl.u32 s8, $0x3;
	s29 =	sshrl.u32 s10, $0x2  }
0xd: {  	s26 =	simm.s32 $0x4;
	s6 =	sshrl.u32 s6, $0x3;
	s13 =	sadd.s32 $0x5000, s12  }
0xe: {  	s30 =	sadd.s32 s17, s12;
	s7 =	sadd.s32 s29, s1;
	s12 =	sadd.s32 s18, s12  }
.Ltmp0:
0xf: {  	s16 =	smax.u32 s16, $0x1;
	s15 =	sadd.s32 s6, s0;
	(pc) =	sbr.rel .LBB2_1-.Ltmp0, $4  }
0x10: {  	[dreg:$0x4] =	wrdreg s30;
	s31 =	sadd.s32 s17, s13;
	s8 =	sadd.s32 $0x4000, s7  }
0x11: {  	s9 =	sadd.s32 $0x8000, s7;
	s10 =	sadd.s32 $0xC000, s7;
	s11 =	sadd.s32 $0x10000, s7  }
0x12: {  	s13 =	sadd.s32 s18, s13;
	s17 =	sadd.s32 s19, s17;
	s18 =	sadd.s32 s19, s18  }
0x13: {  	v0 =	vimm.f32 $0.0e+00;
	s19 =	simm.s32 $0x5;
	[dreg:$0x5] =	wrdreg s31;
	s15 =	sadd.s32 $0x5C800, s15  }
.LBB2_10:
0x14: {  	_ =	swait.ge [sflag:s26], $0x4000  }
0x15: {  	s0 =	sshll.u32 s2, $0x6;
	s3 =	sadd.s32 $0x1, s3;
	[sflag:s26] =	ssyncset.done $0x0  }
0x16: {  	s5 =	sshrl.u32 s7, $0x3;
	p1 =	sne.s32 s3, s16;
	[sflag:s26] =	ssyncadd.s32 $0xFFFFC000  }
.Ltmp1:
0x17: {  	s0 =	sor.u32 $0x1C05, s0;
	[bflag:$0x0] =	sbarrier.arrive $0xFFFF;
	(pc) =	sbr.rel @!p1 .LBB2_11-.Ltmp1, $4  }
0x18: {  	[hbm:s15], [sflag:s0] =	dma.local [spmem:s5], $0x2800  }
0x19: {  	_ =	swait.ge [sflag:s19], $0x2800  }
0x1a: {  	[sflag:s19] =	ssyncset.done $0x0  }
0x1b: {  	[sflag:s19] =	ssyncadd.s32 $0xFFFFD800  }
.LBB2_1:
.Ltmp2:
0x1c: {  	(pc) =	sbr.rel @!p0 .LBB2_2-.Ltmp2, $2  }
0x1d: {  	_ =	sdelay $0x2  }
0x1e: {  	s0 =	simm.s32 $0x0  }
0x1f: {  	[tilespmem:s0], [sflag:$0x5] =	stream.linear.gather [hbm4b:s12+s0], $0x400, $0x38;
	[tilespmem:$0x1D000] =	vst v63  }
0x20: {  	_ =	swait.ge [sflag:s19], $0x400  }
0x21: {  	[sflag:s19] =	ssyncset.done $0x0  }
0x22: {  	s5 =	simm.s32 $0x400;
	[sflag:s19] =	ssyncadd.s32 $0xFFFFFC00  }
0x23: {  	[tilespmem:s5], [sflag:$0x3] =	stream.linear.gather [hbm4b:s13+s0], $0x400, $0x38;
	[tilespmem:$0x1D000] =	vst v63  }
0x24: {  	_ = 	snop  }
0x25: {  	[tilespmem:s22], [sflag:$0x1] =	stream.indirect.gather [hbm4b:s14+s21], $0x80, s0, s21, $0xb8;
	[tilespmem:$0x1D000] =	vst v63  }
0x26: {  	s29 =	simm.s32 $0x200;
	s0 =	simm.s32 $0x0  }
.LBB2_7:
0x27: {  	p1 =	sne.s32 s29, $0xFE00;
	[tilespmem:s0+$0x5070] =	vst v0  }
0x28: {  	[tilespmem:s0+$0x5000] =	vst v0  }
0x29: {  	[tilespmem:s0+$0x5010] =	vst v0  }
.Ltmp3:
0x2a: {  	[tilespmem:s0+$0x5020] =	vst v0;
	(pc) =	sbr.rel @p1 .LBB2_7-.Ltmp3, $4  }
0x2b: {  	[tilespmem:s0+$0x5030] =	vst v0  }
0x2c: {  	[tilespmem:s0+$0x5040] =	vst v0  }
0x2d: {  	[tilespmem:s0+$0x5050] =	vst v0  }
0x2e: {  	[tilespmem:s0+$0x5060] =	vst v0;
	s0 =	sshra.s32 s29, $0x2;
	s29 =	sadd.s32 $0x200, s29  }
0x2f: {  	[tilespmem:s0+$0x5070] =	vst v0  }
0x30: {  	[tilespmem:s0+$0x5000] =	vst v0  }
0x31: {  	[tilespmem:s0+$0x5010] =	vst v0  }
0x32: {  	[tilespmem:s0+$0x5020] =	vst v0  }
0x33: {  	[tilespmem:s0+$0x5030] =	vst v0  }
0x34: {  	[tilespmem:s0+$0x5040] =	vst v0  }
0x35: {  	[tilespmem:s0+$0x5050] =	vst v0  }
0x36: {  	[tilespmem:s0+$0x5060] =	vst v0  }
0x37: {  	[spmem:s7] =	stream.linear.scatter [tilespmem:s23], [sflag:$0x5], $0x4000, $0x38;
	[tilespmem:$0x1D000] =	vst v63  }
0x38: {  	_ =	swait.ge [sflag:s19], $0x4000  }
0x39: {  	[sflag:s19] =	ssyncset.done $0x0  }
0x3a: {  	[sflag:s19] =	ssyncadd.s32 $0xFFFFC000  }
0x3b: {  	[spmem:s8] =	stream.linear.scatter [tilespmem:s23], [sflag:$0x5], $0x4000, $0x38;
	[tilespmem:$0x1D000] =	vst v63  }
0x3c: {  	_ =	swait.ge [sflag:s19], $0x4000  }
0x3d: {  	[sflag:s19] =	ssyncset.done $0x0  }
0x3e: {  	[sflag:s19] =	ssyncadd.s32 $0xFFFFC000  }
0x3f: {  	[spmem:s9] =	stream.linear.scatter [tilespmem:s23], [sflag:$0x5], $0x4000, $0x38;
	[tilespmem:$0x1D000] =	vst v63  }
0x40: {  	_ =	swait.ge [sflag:s19], $0x4000  }
0x41: {  	[sflag:s19] =	ssyncset.done $0x0  }
0x42: {  	[sflag:s19] =	ssyncadd.s32 $0xFFFFC000  }
0x43: {  	[spmem:s10] =	stream.linear.scatter [tilespmem:s23], [sflag:$0x5], $0x4000, $0x38;
	[tilespmem:$0x1D000] =	vst v63  }
0x44: {  	_ =	swait.ge [sflag:s19], $0x4000  }
0x45: {  	[sflag:s19] =	ssyncset.done $0x0  }
0x46: {  	[sflag:s19] =	ssyncadd.s32 $0xFFFFC000  }
0x47: {  	[spmem:s11] =	stream.linear.scatter [tilespmem:s23], [sflag:$0x5], $0x4000, $0x38;
	[tilespmem:$0x1D000] =	vst v63  }
0x48: {  	_ =	swait.ge [sflag:s19], $0x4000  }
0x49: {  	[sflag:s19] =	ssyncset.done $0x0  }
0x4a: {  	[sflag:s19] =	ssyncadd.s32 $0xFFFFC000  }
0x4b: {  	_ =	swait.ge [sflag:s24], $0x400  }
0x4c: {  	[sflag:s24] =	ssyncset.done $0x0  }
0x4d: {  	[sflag:s24] =	ssyncadd.s32 $0xFFFFFC00  }
0x4e: {  	s29 =	simm.s32 $0x0;
	s30 =	simm.s32 $0x0;
	[bflag:$0x0] =	sbarrier.arrive $0xFFFF  }
.LBB2_9:
0x4f: {  	s0 =	sand.u32 $0x1, s30;
	p1 =	seq.s32 s29, $0x480  }
0x50: {  	s5 =	sxor.u32 $0x1, s0;
	s6 =	sadd.s32 @!p1 s29, s18;
	s20 =	simm.s32 @!p1 $0x0  }
0x51: {  	p2 =	seq.s32 @!p1 s29, $0x0;
	s31 =	sshll.u32 @!p1 s5, $0xB;
	s5 =	sadd.s32 @!p1 $0x80, s6  }
0x52: {  	[tilespmem:s31], [sflag:$0x3] =	stream.linear.gather @!p1 [hbm4b:s5+s20], $0x400, $0x38;
	[tilespmem:$0x1D000] =	vst v63  }
0x53: {  	s6 =	sadd.s32 @!p1 $0x5080, s6;
	p2 =	por p1, !p2;
	s5 =	sor.u32 @!p1 $0x400, s31  }
0x54: {  	[tilespmem:s5], [sflag:$0x3] =	stream.linear.gather @!p1 [hbm4b:s6+s20], $0x400, $0x38;
	[tilespmem:$0x1D000] =	vst v63  }
0x55: {  	_ =	swait.ge @p2 [sflag:s26], $0x4000  }
0x56: {  	s0 =	sshll.u32 s0, $0xB;
	[sflag:s26] =	ssyncset.done @p2 $0x0  }
0x57: {  	s6 =	sor.u32 $0x80, s0;
	[sflag:s26] =	ssyncadd.s32 @p2 $0xFFFFC000  }
0x58: {  	[tilespmem:s23], [sflag:$0x2] =	stream.indirect.gather [hbm4b:s14+s21], $0x80, s6, s21, $0xb8;
	[tilespmem:$0x1D000] =	vst v63  }
0x59: {  	_ =	swait.ge [sflag:s25], $0x4000  }
0x5a: {  	[sflag:s25] =	ssyncset.done $0x0  }
0x5b: {  	s20 =	sor.u32 $0x400, s0;
	[sflag:s25] =	ssyncadd.s32 $0xFFFFC000  }
0x5c: {  	[spmem:s1] =	stream.indirect.scatter.add.f32 [tilespmem:s22], [sflag:$0x4], $0x80, s20, s21, $0xb8;
	[tilespmem:$0x1D000] =	vst v63  }
0x5d: {  	_ =	swait.ge [sflag:s26], $0x4000  }
0x5e: {  	[sflag:s26] =	ssyncset.done $0x0  }
0x5f: {  	s6 =	sor.u32 $0x100, s0;
	[sflag:s26] =	ssyncadd.s32 $0xFFFFC000  }
0x60: {  	[tilespmem:s22], [sflag:$0x1] =	stream.indirect.gather [hbm4b:s14+s21], $0x80, s6, s21, $0xb8;
	[tilespmem:$0x1D000] =	vst v63  }
0x61: {  	_ =	swait.ge [sflag:s28], $0x4000  }
0x62: {  	[sflag:s28] =	ssyncset.done $0x0  }
0x63: {  	s20 =	sor.u32 $0x480, s0;
	[sflag:s28] =	ssyncadd.s32 $0xFFFFC000  }
0x64: {  	[spmem:s1] =	stream.indirect.scatter.add.f32 [tilespmem:s23], [sflag:$0x4], $0x80, s20, s21, $0xb8;
	[tilespmem:$0x1D000] =	vst v63  }
0x65: {  	_ =	swait.ge [sflag:s26], $0x4000  }
0x66: {  	[sflag:s26] =	ssyncset.done $0x0  }
0x67: {  	s6 =	sor.u32 $0x180, s0;
	[sflag:s26] =	ssyncadd.s32 $0xFFFFC000  }
0x68: {  	[tilespmem:s23], [sflag:$0x2] =	stream.indirect.gather [hbm4b:s14+s21], $0x80, s6, s21, $0xb8;
	[tilespmem:$0x1D000] =	vst v63  }
0x69: {  	_ =	swait.ge [sflag:s25], $0x4000  }
0x6a: {  	[sflag:s25] =	ssyncset.done $0x0  }
0x6b: {  	s20 =	sor.u32 $0x500, s0;
	[sflag:s25] =	ssyncadd.s32 $0xFFFFC000  }
0x6c: {  	[spmem:s1] =	stream.indirect.scatter.add.f32 [tilespmem:s22], [sflag:$0x4], $0x80, s20, s21, $0xb8;
	[tilespmem:$0x1D000] =	vst v63  }
0x6d: {  	_ =	swait.ge [sflag:s26], $0x4000  }
0x6e: {  	[sflag:s26] =	ssyncset.done $0x0  }
0x6f: {  	s6 =	sor.u32 $0x200, s0;
	[sflag:s26] =	ssyncadd.s32 $0xFFFFC000  }
0x70: {  	[tilespmem:s22], [sflag:$0x1] =	stream.indirect.gather [hbm4b:s14+s21], $0x80, s6, s21, $0xb8;
	[tilespmem:$0x1D000] =	vst v63  }
0x71: {  	_ =	swait.ge [sflag:s28], $0x4000  }
0x72: {  	[sflag:s28] =	ssyncset.done $0x0  }
0x73: {  	s20 =	sor.u32 $0x580, s0;
	[sflag:s28] =	ssyncadd.s32 $0xFFFFC000  }
0x74: {  	[spmem:s1] =	stream.indirect.scatter.add.f32 [tilespmem:s23], [sflag:$0x4], $0x80, s20, s21, $0xb8;
	[tilespmem:$0x1D000] =	vst v63  }
0x75: {  	_ =	swait.ge [sflag:s26], $0x4000  }
0x76: {  	[sflag:s26] =	ssyncset.done $0x0  }
0x77: {  	s6 =	sor.u32 $0x280, s0;
	[sflag:s26] =	ssyncadd.s32 $0xFFFFC000  }
0x78: {  	[tilespmem:s23], [sflag:$0x2] =	stream.indirect.gather [hbm4b:s14+s21], $0x80, s6, s21, $0xb8;
	[tilespmem:$0x1D000] =	vst v63  }
0x79: {  	_ =	swait.ge [sflag:s25], $0x4000  }
0x7a: {  	[sflag:s25] =	ssyncset.done $0x0  }
0x7b: {  	s20 =	sor.u32 $0x600, s0;
	[sflag:s25] =	ssyncadd.s32 $0xFFFFC000  }
0x7c: {  	[spmem:s1] =	stream.indirect.scatter.add.f32 [tilespmem:s22], [sflag:$0x4], $0x80, s20, s21, $0xb8;
	[tilespmem:$0x1D000] =	vst v63  }
0x7d: {  	_ =	swait.ge [sflag:s26], $0x4000  }
0x7e: {  	[sflag:s26] =	ssyncset.done $0x0  }
0x7f: {  	s6 =	sor.u32 $0x300, s0;
	[sflag:s26] =	ssyncadd.s32 $0xFFFFC000  }
0x80: {  	[tilespmem:s22], [sflag:$0x1] =	stream.indirect.gather [hbm4b:s14+s21], $0x80, s6, s21, $0xb8;
	[tilespmem:$0x1D000] =	vst v63  }
0x81: {  	_ =	swait.ge [sflag:s28], $0x4000  }
0x82: {  	[sflag:s28] =	ssyncset.done $0x0  }
0x83: {  	s20 =	sor.u32 $0x680, s0;
	[sflag:s28] =	ssyncadd.s32 $0xFFFFC000  }
0x84: {  	[spmem:s1] =	stream.indirect.scatter.add.f32 [tilespmem:s23], [sflag:$0x4], $0x80, s20, s21, $0xb8;
	[tilespmem:$0x1D000] =	vst v63  }
0x85: {  	_ =	swait.ge [sflag:s26], $0x4000  }
0x86: {  	[sflag:s26] =	ssyncset.done $0x0  }
0x87: {  	s6 =	sor.u32 $0x380, s0;
	[sflag:s26] =	ssyncadd.s32 $0xFFFFC000  }
0x88: {  	[tilespmem:s23], [sflag:$0x2] =	stream.indirect.gather [hbm4b:s14+s21], $0x80, s6, s21, $0xb8;
	[tilespmem:$0x1D000] =	vst v63  }
0x89: {  	_ =	swait.ge [sflag:s25], $0x4000  }
0x8a: {  	[sflag:s25] =	ssyncset.done $0x0  }
0x8b: {  	s20 =	sor.u32 $0x700, s0;
	[sflag:s25] =	ssyncadd.s32 $0xFFFFC000  }
0x8c: {  	[spmem:s1] =	stream.indirect.scatter.add.f32 [tilespmem:s22], [sflag:$0x4], $0x80, s20, s21, $0xb8;
	[tilespmem:$0x1D000] =	vst v63  }
0x8d: {  	_ =	swait.ge [sflag:s26], $0x4000  }
0x8e: {  	[sflag:s26] =	ssyncset.done $0x0  }
0x8f: {  	s5 =	simm.s32 @!p1 $0x3;
	[sflag:s26] =	ssyncadd.s32 $0xFFFFC000  }
0x90: {  	_ =	swait.ge @!p1 [sflag:s5], $0x400  }
0x91: {  	[sflag:s5] =	ssyncset.done @!p1 $0x0  }
0x92: {  	[sflag:s5] =	ssyncadd.s32 @!p1 $0xFFFFFC00  }
0x93: {  	_ =	swait.ge @!p1 [sflag:s5], $0x400  }
0x94: {  	s29 =	sadd.s32 $0x80, s29;
	[sflag:s5] =	ssyncset.done @!p1 $0x0  }
0x95: {  	s6 =	simm.s32 @!p1 $0x1000;
	[sflag:s5] =	ssyncadd.s32 @!p1 $0xFFFFFC00;
	s5 =	simm.s32 @!p1 $0x80  }
0x96: {  	[tilespmem:s6], [sflag:$0x1] =	stream.indirect.gather @!p1 [hbm4b:s14+s5], $0x80, s31, s5, $0xb8;
	[tilespmem:$0x1D000] =	vst v63  }
0x97: {  	p1 =	sne.s32 s29, $0x500  }
.Ltmp4:
0x98: {  	_ = 	snop;
	(pc) =	sbr.rel @p1 .LBB2_9-.Ltmp4, $4  }
0x99: {  	_ =	swait.ge [sflag:s28], $0x4000  }
0x9a: {  	[sflag:s28] =	ssyncset.done $0x0  }
0x9b: {  	s30 =	sadd.s32 $0x1, s30;
	s0 =	sadd.s32 $0x780, s0;
	[sflag:s28] =	ssyncadd.s32 $0xFFFFC000  }
0x9c: {  	[spmem:s1] =	stream.indirect.scatter.add.f32 [tilespmem:s23], [sflag:$0x4], $0x80, s0, s21, $0xb8;
	[tilespmem:$0x1D000] =	vst v63  }
.Ltmp5:
0x9d: {  	_ = 	snop;
	(pc) =	sbr.rel .LBB2_10-.Ltmp5, $1  }
0x9e: {  	_ =	sdelay $0x3  }
.LBB2_2:
0x9f: {  	s5 =	rddreg [dreg:$0x4]  }
0xa0: {  	[tilespmem:s0], [sflag:$0x5] =	stream.linear.gather [hbm4b:s5+s0], $0x400, $0x38;
	[tilespmem:$0x1D000] =	vst v63  }
0xa1: {  	_ =	swait.ge [sflag:s19], $0x400  }
0xa2: {  	[sflag:s19] =	ssyncset.done $0x0  }
0xa3: {  	s6 =	simm.s32 $0x400;
	s31 =	rddreg [dreg:$0x5];
	[sflag:s19] =	ssyncadd.s32 $0xFFFFFC00  }
0xa4: {  	[tilespmem:s6], [sflag:$0x3] =	stream.linear.gather [hbm4b:s31+s0], $0x400, $0x38;
	[tilespmem:$0x1D000] =	vst v63  }
0xa5: {  	_ = 	snop  }
0xa6: {  	[tilespmem:s22], [sflag:$0x1] =	stream.indirect.gather [hbm4b:s4+s21], $0x80, s0, s21, $0xb8;
	[tilespmem:$0x1D000] =	vst v63  }
0xa7: {  	s29 =	simm.s32 $0x200;
	s0 =	simm.s32 $0x0  }
.LBB2_3:
0xa8: {  	p1 =	sne.s32 s29, $0xFE00;
	[tilespmem:s0+$0x5070] =	vst v0  }
0xa9: {  	[tilespmem:s0+$0x5000] =	vst v0  }
0xaa: {  	[tilespmem:s0+$0x5010] =	vst v0  }
.Ltmp6:
0xab: {  	[tilespmem:s0+$0x5020] =	vst v0;
	(pc) =	sbr.rel @p1 .LBB2_3-.Ltmp6, $4  }
0xac: {  	[tilespmem:s0+$0x5030] =	vst v0  }
0xad: {  	[tilespmem:s0+$0x5040] =	vst v0  }
0xae: {  	[tilespmem:s0+$0x5050] =	vst v0  }
0xaf: {  	[tilespmem:s0+$0x5060] =	vst v0;
	s0 =	sshra.s32 s29, $0x2;
	s29 =	sadd.s32 $0x200, s29  }
0xb0: {  	[tilespmem:s0+$0x5070] =	vst v0  }
0xb1: {  	[tilespmem:s0+$0x5000] =	vst v0  }
0xb2: {  	[tilespmem:s0+$0x5010] =	vst v0  }
0xb3: {  	[tilespmem:s0+$0x5020] =	vst v0  }
0xb4: {  	[tilespmem:s0+$0x5030] =	vst v0  }
0xb5: {  	[tilespmem:s0+$0x5040] =	vst v0  }
0xb6: {  	[tilespmem:s0+$0x5050] =	vst v0  }
0xb7: {  	[tilespmem:s0+$0x5060] =	vst v0  }
0xb8: {  	[spmem:s7] =	stream.linear.scatter [tilespmem:s23], [sflag:$0x5], $0x4000, $0x38;
	[tilespmem:$0x1D000] =	vst v63  }
0xb9: {  	_ =	swait.ge [sflag:s19], $0x4000  }
0xba: {  	[sflag:s19] =	ssyncset.done $0x0  }
0xbb: {  	[sflag:s19] =	ssyncadd.s32 $0xFFFFC000  }
0xbc: {  	[spmem:s8] =	stream.linear.scatter [tilespmem:s23], [sflag:$0x5], $0x4000, $0x38;
	[tilespmem:$0x1D000] =	vst v63  }
0xbd: {  	_ =	swait.ge [sflag:s19], $0x4000  }
0xbe: {  	[sflag:s19] =	ssyncset.done $0x0  }
0xbf: {  	[sflag:s19] =	ssyncadd.s32 $0xFFFFC000  }
0xc0: {  	[spmem:s9] =	stream.linear.scatter [tilespmem:s23], [sflag:$0x5], $0x4000, $0x38;
	[tilespmem:$0x1D000] =	vst v63  }
0xc1: {  	_ =	swait.ge [sflag:s19], $0x4000  }
0xc2: {  	[sflag:s19] =	ssyncset.done $0x0  }
0xc3: {  	[sflag:s19] =	ssyncadd.s32 $0xFFFFC000  }
0xc4: {  	[spmem:s10] =	stream.linear.scatter [tilespmem:s23], [sflag:$0x5], $0x4000, $0x38;
	[tilespmem:$0x1D000] =	vst v63  }
0xc5: {  	_ =	swait.ge [sflag:s19], $0x4000  }
0xc6: {  	[sflag:s19] =	ssyncset.done $0x0  }
0xc7: {  	[sflag:s19] =	ssyncadd.s32 $0xFFFFC000  }
0xc8: {  	[spmem:s11] =	stream.linear.scatter [tilespmem:s23], [sflag:$0x5], $0x4000, $0x38;
	[tilespmem:$0x1D000] =	vst v63  }
0xc9: {  	_ =	swait.ge [sflag:s19], $0x4000  }
0xca: {  	[sflag:s19] =	ssyncset.done $0x0  }
0xcb: {  	[sflag:s19] =	ssyncadd.s32 $0xFFFFC000  }
0xcc: {  	_ =	swait.ge [sflag:s24], $0x400  }
0xcd: {  	[sflag:s24] =	ssyncset.done $0x0  }
0xce: {  	[sflag:s24] =	ssyncadd.s32 $0xFFFFFC00  }
0xcf: {  	s29 =	simm.s32 $0x0;
	s30 =	simm.s32 $0x0;
	[bflag:$0x0] =	sbarrier.arrive $0xFFFF  }
.LBB2_5:
0xd0: {  	s0 =	sand.u32 $0x1, s30;
	p1 =	seq.s32 s29, $0x480  }
0xd1: {  	s31 =	sxor.u32 $0x1, s0;
	s5 =	sadd.s32 @!p1 s29, s17;
	s20 =	simm.s32 @!p1 $0x0  }
0xd2: {  	p2 =	seq.s32 @!p1 s29, $0x0;
	s31 =	sshll.u32 @!p1 s31, $0xB;
	s6 =	sadd.s32 @!p1 $0x80, s5  }
0xd3: {  	[tilespmem:s31], [sflag:$0x3] =	stream.linear.gather @!p1 [hbm4b:s6+s20], $0x400, $0x38;
	[tilespmem:$0x1D000] =	vst v63  }
0xd4: {  	s5 =	sadd.s32 @!p1 $0x5080, s5;
	p2 =	por p1, !p2;
	s6 =	sor.u32 @!p1 $0x400, s31  }
0xd5: {  	[tilespmem:s6], [sflag:$0x3] =	stream.linear.gather @!p1 [hbm4b:s5+s20], $0x400, $0x38;
	[tilespmem:$0x1D000] =	vst v63  }
0xd6: {  	_ =	swait.ge @p2 [sflag:s26], $0x4000  }
0xd7: {  	s0 =	sshll.u32 s0, $0xB;
	[sflag:s26] =	ssyncset.done @p2 $0x0  }
0xd8: {  	s6 =	sor.u32 $0x80, s0;
	[sflag:s26] =	ssyncadd.s32 @p2 $0xFFFFC000  }
0xd9: {  	[tilespmem:s23], [sflag:$0x2] =	stream.indirect.gather [hbm4b:s4+s21], $0x80, s6, s21, $0xb8;
	[tilespmem:$0x1D000] =	vst v63  }
0xda: {  	_ =	swait.ge [sflag:s25], $0x4000  }
0xdb: {  	[sflag:s25] =	ssyncset.done $0x0  }
0xdc: {  	s20 =	sor.u32 $0x400, s0;
	[sflag:s25] =	ssyncadd.s32 $0xFFFFC000  }
0xdd: {  	[spmem:s1] =	stream.indirect.scatter.add.f32 [tilespmem:s22], [sflag:$0x4], $0x80, s20, s21, $0xb8;
	[tilespmem:$0x1D000] =	vst v63  }
0xde: {  	_ =	swait.ge [sflag:s26], $0x4000  }
0xdf: {  	[sflag:s26] =	ssyncset.done $0x0  }
0xe0: {  	s6 =	sor.u32 $0x100, s0;
	[sflag:s26] =	ssyncadd.s32 $0xFFFFC000  }
0xe1: {  	[tilespmem:s22], [sflag:$0x1] =	stream.indirect.gather [hbm4b:s4+s21], $0x80, s6, s21, $0xb8;
	[tilespmem:$0x1D000] =	vst v63  }
0xe2: {  	_ =	swait.ge [sflag:s28], $0x4000  }
0xe3: {  	[sflag:s28] =	ssyncset.done $0x0  }
0xe4: {  	s20 =	sor.u32 $0x480, s0;
	[sflag:s28] =	ssyncadd.s32 $0xFFFFC000  }
0xe5: {  	[spmem:s1] =	stream.indirect.scatter.add.f32 [tilespmem:s23], [sflag:$0x4], $0x80, s20, s21, $0xb8;
	[tilespmem:$0x1D000] =	vst v63  }
0xe6: {  	_ =	swait.ge [sflag:s26], $0x4000  }
0xe7: {  	[sflag:s26] =	ssyncset.done $0x0  }
0xe8: {  	s6 =	sor.u32 $0x180, s0;
	[sflag:s26] =	ssyncadd.s32 $0xFFFFC000  }
0xe9: {  	[tilespmem:s23], [sflag:$0x2] =	stream.indirect.gather [hbm4b:s4+s21], $0x80, s6, s21, $0xb8;
	[tilespmem:$0x1D000] =	vst v63  }
0xea: {  	_ =	swait.ge [sflag:s25], $0x4000  }
0xeb: {  	[sflag:s25] =	ssyncset.done $0x0  }
0xec: {  	s20 =	sor.u32 $0x500, s0;
	[sflag:s25] =	ssyncadd.s32 $0xFFFFC000  }
0xed: {  	[spmem:s1] =	stream.indirect.scatter.add.f32 [tilespmem:s22], [sflag:$0x4], $0x80, s20, s21, $0xb8;
	[tilespmem:$0x1D000] =	vst v63  }
0xee: {  	_ =	swait.ge [sflag:s26], $0x4000  }
0xef: {  	[sflag:s26] =	ssyncset.done $0x0  }
0xf0: {  	s6 =	sor.u32 $0x200, s0;
	[sflag:s26] =	ssyncadd.s32 $0xFFFFC000  }
0xf1: {  	[tilespmem:s22], [sflag:$0x1] =	stream.indirect.gather [hbm4b:s4+s21], $0x80, s6, s21, $0xb8;
	[tilespmem:$0x1D000] =	vst v63  }
0xf2: {  	_ =	swait.ge [sflag:s28], $0x4000  }
0xf3: {  	[sflag:s28] =	ssyncset.done $0x0  }
0xf4: {  	s20 =	sor.u32 $0x580, s0;
	[sflag:s28] =	ssyncadd.s32 $0xFFFFC000  }
0xf5: {  	[spmem:s1] =	stream.indirect.scatter.add.f32 [tilespmem:s23], [sflag:$0x4], $0x80, s20, s21, $0xb8;
	[tilespmem:$0x1D000] =	vst v63  }
0xf6: {  	_ =	swait.ge [sflag:s26], $0x4000  }
0xf7: {  	[sflag:s26] =	ssyncset.done $0x0  }
0xf8: {  	s6 =	sor.u32 $0x280, s0;
	[sflag:s26] =	ssyncadd.s32 $0xFFFFC000  }
0xf9: {  	[tilespmem:s23], [sflag:$0x2] =	stream.indirect.gather [hbm4b:s4+s21], $0x80, s6, s21, $0xb8;
	[tilespmem:$0x1D000] =	vst v63  }
0xfa: {  	_ =	swait.ge [sflag:s25], $0x4000  }
0xfb: {  	[sflag:s25] =	ssyncset.done $0x0  }
0xfc: {  	s20 =	sor.u32 $0x600, s0;
	[sflag:s25] =	ssyncadd.s32 $0xFFFFC000  }
0xfd: {  	[spmem:s1] =	stream.indirect.scatter.add.f32 [tilespmem:s22], [sflag:$0x4], $0x80, s20, s21, $0xb8;
	[tilespmem:$0x1D000] =	vst v63  }
0xfe: {  	_ =	swait.ge [sflag:s26], $0x4000  }
0xff: {  	[sflag:s26] =	ssyncset.done $0x0  }
0x100: {  	s6 =	sor.u32 $0x300, s0;
	[sflag:s26] =	ssyncadd.s32 $0xFFFFC000  }
0x101: {  	[tilespmem:s22], [sflag:$0x1] =	stream.indirect.gather [hbm4b:s4+s21], $0x80, s6, s21, $0xb8;
	[tilespmem:$0x1D000] =	vst v63  }
0x102: {  	_ =	swait.ge [sflag:s28], $0x4000  }
0x103: {  	[sflag:s28] =	ssyncset.done $0x0  }
0x104: {  	s20 =	sor.u32 $0x680, s0;
	[sflag:s28] =	ssyncadd.s32 $0xFFFFC000  }
0x105: {  	[spmem:s1] =	stream.indirect.scatter.add.f32 [tilespmem:s23], [sflag:$0x4], $0x80, s20, s21, $0xb8;
	[tilespmem:$0x1D000] =	vst v63  }
0x106: {  	_ =	swait.ge [sflag:s26], $0x4000  }
0x107: {  	[sflag:s26] =	ssyncset.done $0x0  }
0x108: {  	s6 =	sor.u32 $0x380, s0;
	[sflag:s26] =	ssyncadd.s32 $0xFFFFC000  }
0x109: {  	[tilespmem:s23], [sflag:$0x2] =	stream.indirect.gather [hbm4b:s4+s21], $0x80, s6, s21, $0xb8;
	[tilespmem:$0x1D000] =	vst v63  }
0x10a: {  	_ =	swait.ge [sflag:s25], $0x4000  }
0x10b: {  	[sflag:s25] =	ssyncset.done $0x0  }
0x10c: {  	s20 =	sor.u32 $0x700, s0;
	[sflag:s25] =	ssyncadd.s32 $0xFFFFC000  }
0x10d: {  	[spmem:s1] =	stream.indirect.scatter.add.f32 [tilespmem:s22], [sflag:$0x4], $0x80, s20, s21, $0xb8;
	[tilespmem:$0x1D000] =	vst v63  }
0x10e: {  	_ =	swait.ge [sflag:s26], $0x4000  }
0x10f: {  	[sflag:s26] =	ssyncset.done $0x0  }
0x110: {  	s5 =	simm.s32 @!p1 $0x3;
	[sflag:s26] =	ssyncadd.s32 $0xFFFFC000  }
0x111: {  	_ =	swait.ge @!p1 [sflag:s5], $0x400  }
0x112: {  	[sflag:s5] =	ssyncset.done @!p1 $0x0  }
0x113: {  	[sflag:s5] =	ssyncadd.s32 @!p1 $0xFFFFFC00  }
0x114: {  	_ =	swait.ge @!p1 [sflag:s5], $0x400  }
0x115: {  	s29 =	sadd.s32 $0x80, s29;
	[sflag:s5] =	ssyncset.done @!p1 $0x0  }
0x116: {  	s6 =	simm.s32 @!p1 $0x1000;
	[sflag:s5] =	ssyncadd.s32 @!p1 $0xFFFFFC00;
	s5 =	simm.s32 @!p1 $0x80  }
0x117: {  	[tilespmem:s6], [sflag:$0x1] =	stream.indirect.gather @!p1 [hbm4b:s4+s5], $0x80, s31, s5, $0xb8;
	[tilespmem:$0x1D000] =	vst v63  }
0x118: {  	p1 =	seq.s32 s29, $0x500  }
.Ltmp7:
0x119: {  	_ = 	snop;
	(pc) =	sbr.rel @!p1 .LBB2_5-.Ltmp7, $4  }
0x11a: {  	_ =	swait.ge [sflag:s28], $0x4000  }
0x11b: {  	[sflag:s28] =	ssyncset.done $0x0  }
0x11c: {  	s30 =	sadd.s32 $0x1, s30;
	s0 =	sadd.s32 $0x780, s0;
	[sflag:s28] =	ssyncadd.s32 $0xFFFFC000  }
0x11d: {  	[spmem:s1] =	stream.indirect.scatter.add.f32 [tilespmem:s23], [sflag:$0x4], $0x80, s0, s21, $0xb8;
	[tilespmem:$0x1D000] =	vst v63  }
.Ltmp8:
0x11e: {  	_ = 	snop;
	(pc) =	sbr.rel .LBB2_10-.Ltmp8, $1  }
0x11f: {  	_ =	sdelay $0x3  }
.LBB2_11:
0x120: {  	_ =	sfence.sel $0x180000  }
0x121: {  	[bflag:$0x0] =	sbarrier.arrive $0xFFFF  }
0x122: {  	_ =	strace $0x9000004A  }
0x123: {  	[bflag:$0x2] =	sbarrier.arrive $0xFFFF  }
0x124: {  	p0 =	sne.s32 s2, $0x0;
	s0 =	rddreg [dreg:$0x3]  }
0x125: {  	s0 =	sadd.s32 @!p0 $0x100000, s0  }
0x126: {  	[sflag:s0] =	ssyncadd.tile.s32 @!p0 $0x1;
	_ =	shalt  }
.Lfunc_end2:
_tile_overlayer_lowered:
.L_overlay_start_2:
0x127: {  	(tag) =	ssettag $0x2  }
0x128: {  	s0 =	rddreg [dreg:$0x0];
	s2 =	stileid.u32  }
0x129: {  	s1 =	rddreg [dreg:$0x1];
	p0 =	sne.s32 s2, $0x0  }
0x12a: {  	s3 =	rddreg [dreg:$0x2];
	[bflag:$0x3] =	sbarrier.arrive $0xFFFF;
	s2 =	simm.s32 @!p0 $0x1C05  }
0x12b: {  	[timem:s3], [sflag:s2] =	dma.local @!p0 [hbm:s0], s1  }
0x12c: {  	s0 =	simm.s32 @!p0 $0x5  }
0x12d: {  	_ =	swait.ge @!p0 [sflag:s0], s1  }
0x12e: {  	s1 =	ssub.s32 @!p0 $0x0, s1;
	[sflag:s0] =	ssyncset.done @!p0 $0x0  }
0x12f: {  	[sflag:s0] =	ssyncadd.s32 @!p0 s1  }
0x130: {  	[bflag:$0x3] =	sbarrier.arrive $0xFFFF  }
0x131: {  	_ =	shalt  }

// kernel: kernel.14.cloned.1.call-start
scs
__scs_entry_jumppad:
0x0: {  	(pc) =	sbr.rel $0x88, $3  }
0x1: {  	(tag) =	ssettag $0x0;
	lr =	simm.s32 $0x1  }
0x2: {  	[smem:$0x3F92] =	sst lr;
	_ =	strace $0xD0000000  }
0x3: {  	_ = 	snop  }
0x4: {  	_ = 	snop  }
0x5: {  	_ = 	snop  }
0x6: {  	_ = 	snop  }
0x7: {  	_ = 	snop  }
__scs_overlays_trampoline_lowered:
0x8: {  	[smem:$0x3FA1] =	sst s0  }
0x9: {  	[smem:$0x3FA2] =	sst s1  }
0xa: {  	[smem:$0x3FA3] =	sst s2  }
0xb: {  	[smem:$0x3FA4] =	sst s3  }
0xc: {  	[smem:$0x3FA5] =	sst s4  }
0xd: {  	[smem:$0x3FA6] =	sst s5  }
0xe: {  	[smem:$0x3FA7] =	sst s6  }
0xf: {  	[smem:$0x3FA8] =	sst s7  }
0x10: {  	[smem:$0x3FA9] =	sst s8  }
0x11: {  	[smem:$0x3FAA] =	sst s9;
	s0 =	simm.s32 @!p0 $0x0  }
0x12: {  	s1 =	sld [smem:$0x3F90];
	s0 =	simm.s32 @p0 $0x1  }
0x13: {  	[smem:$0x3FAB] =	sst s0;
	s0 =	simm.s32 @!p1 $0x0  }
0x14: {  	s2 =	sld [smem:$0x3F8F];
	s0 =	simm.s32 @p1 $0x1  }
0x15: {  	[smem:$0x3FAC] =	sst s0;
	s0 =	simm.s32 @!p2 $0x0  }
0x16: {  	s3 =	sld [smem:$0x3FDB];
	s0 =	simm.s32 @p2 $0x1  }
0x17: {  	s4 =	simm.s32 $0x1BF5;
	[smem:$0x3FAE] =	sst s0  }
0x18: {  	s0 =	sld [smem:$0x3F91];
	_ =	swait.ge [sflag:s4], $0x0  }
0x19: {  	s7 =	sld [smem:$0x3F92]  }
0x1a: {  	s8 =	sadd.s32 $0xFFFFE003, lr  }
0x1b: {  	s9 =	sadd.s32 $0xFFFFFEF7, lr;
	s5 =	simm.s32 $0xFFFFFFFF;
	p2 =	slt.u32 s8, $0xFFFFF086  }
0x1c: {  	p1 =	slt.u32 s9, $0xF7A;
	s5 =	simm.s32 @!p2 $0x0  }
0x1d: {  	s5 =	simm.s32 @p1 $0x1;
	p0 =	seq.s32 s7, s2  }
0x1e: {  	s7 =	smul.u32 @!p0 $0xF7A, s2;
	p2 =	seq.s32 @!p0 s5, $0x0  }
0x1f: {  	s9 =	smul.u32 $0xF7A, s1;
	s8 =	simm.s32 @!p0 $0x1BF5;
	p2 =	por !p2, p0  }
0x20: {  	[sflag:s8] =	ssyncset.s32 @!p0 $0xFFFFF086;
	s6 =	sadd.s32 @!p0 s3, s7;
	s7 =	simm.s32 @!p0 $0x108  }
0x21: {  	s3 =	sadd.s32 s3, s9;
	s6 =	sadd.s32 @!p0 $0x88, s6;
	s7 =	simm.s32 @p2 $0x1082  }
0x22: {  	[simem:s7], [sflag:s8] =	dma.local @!p0 [hbm:s6], $0xF7A  }
0x23: {  	s9 =	sor.u32 $0xD0000000, s2;
	s6 =	simm.s32 $0x108;
	_ =	swait.ge @!p0 [sflag:s8], $0x0  }
0x24: {  	s3 =	sadd.s32 $0x88, s3;
	s6 =	simm.s32 @!p1 $0x1082;
	[sflag:s4] =	ssyncset.s32 $0xFFFFF086  }
0x25: {  	[simem:s6], [sflag:s4] =	dma.local [hbm:s3], $0xF7A  }
0x26: {  	[smem:$0x3F92] =	sst s1;
	(tag) =	ssettag s2;
	_ =	strace s9  }
0x27: {  	s1 =	sld [smem:$0x3FA2]  }
0x28: {  	s2 =	sld [smem:$0x3FA3]  }
0x29: {  	s4 =	sld [smem:$0x3FA5]  }
0x2a: {  	p0 =	seq.s32 s5, $0x0;
	s5 =	sld [smem:$0x3FA6]  }
0x2b: {  	s6 =	sld [smem:$0x3FA7]  }
0x2c: {  	s7 =	sld [smem:$0x3FA8]  }
0x2d: {  	s3 =	simm.s32 $0x108;
	s8 =	sld [smem:$0x3FA9]  }
0x2e: {  	s3 =	simm.s32 @!p0 $0x1082;
	s9 =	sld [smem:$0x3FAA]  }
0x2f: {  	lr =	sadd.s32 s0, s3;
	s0 =	sld [smem:$0x3FA1]  }
0x30: {  	s3 =	sld [smem:$0x3FA4]  }
0x31: {  	[smem:$0x3FAD] =	sst s10  }
0x32: {  	s10 =	sld [smem:$0x3FAB];
	_ =	sdelay $0x3  }
0x33: {  	p0 =	seq.s32 s10, $0x1;
	s10 =	sld [smem:$0x3FAD];
	_ =	sdelay $0x3  }
0x34: {  	[smem:$0x3FAD] =	sst s10  }
0x35: {  	s10 =	sld [smem:$0x3FAC];
	_ =	sdelay $0x3  }
0x36: {  	p1 =	seq.s32 s10, $0x1;
	s10 =	sld [smem:$0x3FAD];
	_ =	sdelay $0x3  }
0x37: {  	[smem:$0x3FAD] =	sst s10  }
0x38: {  	s10 =	sld [smem:$0x3FAE]  }
0x39: {  	_ = 	snop;
	(pc) =	sbr.ind lr, $3  }
0x3a: {  	_ = 	snop  }
0x3b: {  	_ = 	snop  }
0x3c: {  	p2 =	seq.s32 s10, $0x1;
	s10 =	sld [smem:$0x3FAD]  }
0x3d: {  	_ =	shalt  }
0x3e: {  	_ =	shalt  }
0x3f: {  	_ =	shalt  }
0x40: {  	_ =	shalt  }
0x41: {  	_ =	shalt  }
0x42: {  	_ =	shalt  }
0x43: {  	_ =	shalt  }
0x44: {  	_ =	shalt  }
0x45: {  	_ =	shalt  }
0x46: {  	_ =	shalt  }
0x47: {  	_ =	shalt  }
0x48: {  	_ =	shalt  }
0x49: {  	_ =	shalt  }
0x4a: {  	_ =	shalt  }
0x4b: {  	_ =	shalt  }
0x4c: {  	_ =	shalt  }
0x4d: {  	_ =	shalt  }
0x4e: {  	_ =	shalt  }
0x4f: {  	_ =	shalt  }
0x50: {  	_ =	shalt  }
0x51: {  	_ =	shalt  }
0x52: {  	_ =	shalt  }
0x53: {  	_ =	shalt  }
0x54: {  	_ =	shalt  }
0x55: {  	_ =	shalt  }
0x56: {  	_ =	shalt  }
0x57: {  	_ =	shalt  }
0x58: {  	_ =	shalt  }
0x59: {  	_ =	shalt  }
0x5a: {  	_ =	shalt  }
0x5b: {  	_ =	shalt  }
0x5c: {  	_ =	shalt  }
0x5d: {  	_ =	shalt  }
0x5e: {  	_ =	shalt  }
0x5f: {  	_ =	shalt  }
0x60: {  	_ =	shalt  }
0x61: {  	_ =	shalt  }
0x62: {  	_ =	shalt  }
0x63: {  	_ =	shalt  }
0x64: {  	_ =	shalt  }
0x65: {  	_ =	shalt  }
0x66: {  	_ =	shalt  }
0x67: {  	_ =	shalt  }
0x68: {  	_ =	shalt  }
0x69: {  	_ =	shalt  }
0x6a: {  	_ =	shalt  }
0x6b: {  	_ =	shalt  }
0x6c: {  	_ =	shalt  }
0x6d: {  	_ =	shalt  }
0x6e: {  	_ =	shalt  }
0x6f: {  	_ =	shalt  }
0x70: {  	_ =	shalt  }
0x71: {  	_ =	shalt  }
0x72: {  	_ =	shalt  }
0x73: {  	_ =	shalt  }
0x74: {  	_ =	shalt  }
0x75: {  	_ =	shalt  }
0x76: {  	_ =	shalt  }
0x77: {  	_ =	shalt  }
0x78: {  	_ =	shalt  }
0x79: {  	_ =	shalt  }
0x7a: {  	_ =	shalt  }
0x7b: {  	_ =	shalt  }
0x7c: {  	_ =	shalt  }
0x7d: {  	_ =	shalt  }
0x7e: {  	_ =	shalt  }
0x7f: {  	_ =	shalt  }
0x80: {  	_ =	shalt  }
0x81: {  	_ =	shalt  }
0x82: {  	_ =	shalt  }
0x83: {  	_ =	shalt  }
0x84: {  	_ =	shalt  }
0x85: {  	_ =	shalt  }
0x86: {  	_ =	shalt  }
0x87: {  	_ =	shalt  }
.Lfunc_end0:
.L_simem_size_0:
called_computation.2_lowered:
.L_overlay_start_0:
0x88: {  	s2 =	sld [smem:$0x3FD9]  }
0x89: {  	s3 =	sld [smem:$0x3FFE];
	_ =	sdelay $0x1  }
0x8a: {  	s1 =	srdreg.scid  }
0x8b: {  	s0 =	sand.u32 $0x1, s1  }
0x8c: {  	s17 =	sshll.u32 s0, $0xA;
	s2 =	sadd.s32 s3, s2  }
0x8d: {  	s2 =	sadd.s32 s2, s17  }
0x8e: {  	[smem:$0x3FB9] =	sst s2  }
0x8f: {  	_ = 	snop  }
0x90: {  	s2 =	sld [smem:$0x3FD0];
	(tm) =	ssettm $0x1  }
0x91: {  	s18 =	sld [smem:$0x3FFB];
	_ =	sdelay $0x3  }
0x92: {  	_ =	strace s18  }
0x93: {  	s3 =	sld [smem:$0x3FFC];
	_ =	sdelay $0x3  }
0x94: {  	_ =	strace s3  }
0x95: {  	s3 =	sld [smem:$0x3FFD];
	_ =	sdelay $0x3  }
0x96: {  	_ =	strace s3  }
0x97: {  	_ =	strace $0x8FFFFFFF  }
0x98: {  	s19 =	sld [smem:$0x3FDB];
	_ =	sdelay $0x1  }
0x99: {  	s4 =	simm.s32 $_scs_section_size  }
0x9a: {  	s5 =	simm.s32 $_size__tile_overlayer_lowered;
	s6 =	simm.s32 $_tile_overlayer_lowered  }
0x9b: {  	s22 =	simm.s32 $0x1BFF;
	s21 =	sshll.u32 s6, $0x1;
	s3 =	sadd.s32 s4, s19  }
0x9c: {  	s7 =	simm.s32 $0x0;
	s20 =	sshll.u32 s5, $0x1;
	s5 =	sadd.s32 s21, s3  }
0x9d: {  	[timem:s7], [sflag:s22] =	dma.local [hbm:s5], s20  }
0x9e: {  	_ =	swait.ge [sflag:s22], s20  }
0x9f: {  	s4 =	ssub.s32 $0x0, s20;
	[sflag:s22] =	ssyncset.done $0x0  }
0xa0: {  	[sflag:s22] =	ssyncadd.s32 s4;
	_ =	sdelay $0x1  }
0xa1: {  	s23 =	simm.s32 $0x1B8B  }
0xa2: {  	_ =	swait.ge [sflag:s23], $0x1  }
0xa3: {  	[sflag:s23] =	ssyncset.done $0x0  }
0xa4: {  	s25 =	simm.s32 $0x1B8E;
	s24 =	sld [smem:$0x3FFE];
	[sflag:s23] =	ssyncadd.s32 $0xFFFFFFFF  }
0xa5: {  	s26 =	simm.s32 $execute0_lowered;
	[smem:$0x3FD2] =	sst s25  }
0xa6: {  	s5 =	sshll.u32 s26, $0x1;
	_ =	strace $0x8000004C;
	[dreg:$0x1] =	wrdreg $0xFFFFFFFF  }
0xa7: {  	s28 =	simm.s32 $_size_execute0_lowered;
	s3 =	sadd.s32 s3, s5;
	[dreg:$0x0] =	wrdreg $0x0  }
0xa8: {  	s5 =	sshll.u32 s28, $0x1;
	[dreg:$0x2] =	wrdreg s3  }
0xa9: {  	[dreg:$0x3] =	wrdreg s5  }
0xaa: {  	[dreg:$0x4] =	wrdreg $0xC0  }
0xab: {  	_ =	task [dreg:s7], $0x5FFFF  }
0xac: {  	[dreg:$0x1] =	wrdreg $0xFFFFFFFF  }
0xad: {  	[dreg:$0x0] =	wrdreg $0x60  }
0xae: {  	[dreg:$0x2] =	wrdreg s24  }
0xaf: {  	[dreg:$0x3] =	wrdreg s2  }
0xb0: {  	[dreg:$0x4] =	wrdreg $0x90000  }
0xb1: {  	[dreg:$0x5] =	wrdreg $0x9  }
0xb2: {  	_ =	task.clear_ibuf [dreg:s7], $0x6FFFF;
	_ =	strace $0x9000004C  }
0xb3: {  	s29 =	simm.s32 $0x9;
	_ =	strace $0x8000004E  }
0xb4: {  	_ =	swait.ge [sflag:s29], $0x1  }
0xb5: {  	[sflag:s29] =	ssyncadd.s32 $0xFFFFFFFF  }
0xb6: {  	_ =	strace $0x9000004E  }
0xb7: {  	_ =	sfence  }
0xb8: {  	s30 =	sld [smem:$0x0];
	_ =	sdelay $0x2  }
0xb9: {  	s31 =	sshll.u32 s1, $0xD;
	s1 =	sshrl.u32 s1, $0x2  }
0xba: {  	s3 =	sand.u32 $0x4000, s31;
	s1 =	sadd.s32 s1, s30  }
0xbb: {  	s0 =	sor.u32 s3, s0;
	s1 =	sshll.u32 s1, $0x11  }
0xbc: {  	s0 =	sor.u32 s1, s0  }
0xbd: {  	s0 =	sadd.s32 $0x8F2B, s0  }
0xbe: {  	[sflag:s0] =	ssyncadd.remote.s32 $0x1  }
0xbf: {  	_ =	sfence.sel $0xFFFF  }
0xc0: {  	[dreg:$0x0] =	wrdreg $0xFFFFFFFF;
	(pc) =	sbr.abs _section_cstart, $3  }
0xc1: {  	[dreg:$0x1] =	wrdreg $0xFFFFFFFF  }
0xc2: {  	_ =	task.clear_ibuf [dreg:s7], $0x2FFFF;
	_ =	strace $0x9FFFFFFF  }
0xc3: {  	(tm) =	ssettm $0x7FFFFFFF  }
tec
execute0_lowered:
.L_overlay_start_1:
0x0: {  	(tag) =	ssettag $0x1  }
0x1: {  	s0 =	rddreg [dreg:$0x0]  }
0x2: {  	s17 =	rddreg [dreg:$0x1]  }
0x3: {  	s1 =	rddreg [dreg:$0x2]  }
0x4: {  	s2 =	srdreg.scid;
	s3 =	simm.s32 $0x0;
	s21 =	simm.s32 $0x80  }
0x5: {  	s22 =	simm.s32 $0x1000;
	s23 =	simm.s32 $0x5000;
	s24 =	simm.s32 $0x3  }
0x6: {  	s25 =	simm.s32 $0x1;
	s5 =	sand.u32 $0x1, s2;
	s2 =	stileid.u32  }
0x7: {  	s28 =	simm.s32 $0x2;
	[smem:$0x7FF] =	sst s3;
	s6 =	smul.u32 $0x140000, s5  }
0x8: {  	s4 =	sadd.s32 $0xE600, s0;
	s18 =	sadd.s32 $0x4600, s0;
	s7 =	smul.u32 $0x14000, s2  }
0x9: {  	s14 =	sadd.s32 $0x35700, s0;
	_ =	strace $0x8000004D;
	s8 =	smul.u32 $0x2800, s2  }
0xa: {  	s26 =	ssub.s32 $0x2, s5;
	s10 =	smul.u32 $0x50000, s2;
	p0 =	seq.s32 s5, $0x1  }
0xb: {  	s19 =	smul.u32 $0x500, s2;
	s9 =	sshrl.u32 s26, $0x1;
	s6 =	sadd.s32 s7, s6  }
0xc: {  	s16 =	ssub.s32 s26, s9;
	s12 =	sshrl.u32 s8, $0x3;
	s29 =	sshrl.u32 s10, $0x2  }
0xd: {  	s26 =	simm.s32 $0x4;
	s6 =	sshrl.u32 s6, $0x3;
	s13 =	sadd.s32 $0x5000, s12  }
0xe: {  	s30 =	sadd.s32 s17, s12;
	s7 =	sadd.s32 s29, s1;
	s12 =	sadd.s32 s18, s12  }
.Ltmp0:
0xf: {  	s16 =	smax.u32 s16, $0x1;
	s15 =	sadd.s32 s6, s0;
	(pc) =	sbr.rel .LBB2_1-.Ltmp0, $4  }
0x10: {  	[dreg:$0x4] =	wrdreg s30;
	s31 =	sadd.s32 s17, s13;
	s8 =	sadd.s32 $0x4000, s7  }
0x11: {  	s9 =	sadd.s32 $0x8000, s7;
	s10 =	sadd.s32 $0xC000, s7;
	s11 =	sadd.s32 $0x10000, s7  }
0x12: {  	s13 =	sadd.s32 s18, s13;
	s17 =	sadd.s32 s19, s17;
	s18 =	sadd.s32 s19, s18  }
0x13: {  	v0 =	vimm.f32 $0.0e+00;
	s19 =	simm.s32 $0x5;
	[dreg:$0x5] =	wrdreg s31;
	s15 =	sadd.s32 $0x5C800, s15  }
.LBB2_10:
0x14: {  	_ =	swait.ge [sflag:s26], $0x4000  }
0x15: {  	s0 =	sshll.u32 s2, $0x6;
	s3 =	sadd.s32 $0x1, s3;
	[sflag:s26] =	ssyncset.done $0x0  }
0x16: {  	s5 =	sshrl.u32 s7, $0x3;
	p1 =	sne.s32 s3, s16;
	[sflag:s26] =	ssyncadd.s32 $0xFFFFC000  }
.Ltmp1:
0x17: {  	s0 =	sor.u32 $0x1C05, s0;
	[bflag:$0x0] =	sbarrier.arrive $0xFFFF;
	(pc) =	sbr.rel @!p1 .LBB2_11-.Ltmp1, $4  }
0x18: {  	[hbm:s15], [sflag:s0] =	dma.local [spmem:s5], $0x2800  }
0x19: {  	_ =	swait.ge [sflag:s19], $0x2800  }
0x1a: {  	[sflag:s19] =	ssyncset.done $0x0  }
0x1b: {  	[sflag:s19] =	ssyncadd.s32 $0xFFFFD800  }
.LBB2_1:
.Ltmp2:
0x1c: {  	(pc) =	sbr.rel @!p0 .LBB2_2-.Ltmp2, $2  }
0x1d: {  	_ =	sdelay $0x2  }
0x1e: {  	s0 =	simm.s32 $0x0  }
0x1f: {  	[tilespmem:s0], [sflag:$0x5] =	stream.linear.gather [hbm4b:s12+s0], $0x400, $0x38;
	[tilespmem:$0x1D000] =	vst v63  }
0x20: {  	_ =	swait.ge [sflag:s19], $0x400  }
0x21: {  	[sflag:s19] =	ssyncset.done $0x0  }
0x22: {  	s5 =	simm.s32 $0x400;
	[sflag:s19] =	ssyncadd.s32 $0xFFFFFC00  }
0x23: {  	[tilespmem:s5], [sflag:$0x3] =	stream.linear.gather [hbm4b:s13+s0], $0x400, $0x38;
	[tilespmem:$0x1D000] =	vst v63  }
0x24: {  	_ = 	snop  }
0x25: {  	[tilespmem:s22], [sflag:$0x1] =	stream.indirect.gather [hbm4b:s14+s21], $0x80, s0, s21, $0xb8;
	[tilespmem:$0x1D000] =	vst v63  }
0x26: {  	s29 =	simm.s32 $0x200;
	s0 =	simm.s32 $0x0  }
.LBB2_7:
0x27: {  	p1 =	sne.s32 s29, $0xFE00;
	[tilespmem:s0+$0x5070] =	vst v0  }
0x28: {  	[tilespmem:s0+$0x5000] =	vst v0  }
0x29: {  	[tilespmem:s0+$0x5010] =	vst v0  }
.Ltmp3:
0x2a: {  	[tilespmem:s0+$0x5020] =	vst v0;
	(pc) =	sbr.rel @p1 .LBB2_7-.Ltmp3, $4  }
0x2b: {  	[tilespmem:s0+$0x5030] =	vst v0  }
0x2c: {  	[tilespmem:s0+$0x5040] =	vst v0  }
0x2d: {  	[tilespmem:s0+$0x5050] =	vst v0  }
0x2e: {  	[tilespmem:s0+$0x5060] =	vst v0;
	s0 =	sshra.s32 s29, $0x2;
	s29 =	sadd.s32 $0x200, s29  }
0x2f: {  	[tilespmem:s0+$0x5070] =	vst v0  }
0x30: {  	[tilespmem:s0+$0x5000] =	vst v0  }
0x31: {  	[tilespmem:s0+$0x5010] =	vst v0  }
0x32: {  	[tilespmem:s0+$0x5020] =	vst v0  }
0x33: {  	[tilespmem:s0+$0x5030] =	vst v0  }
0x34: {  	[tilespmem:s0+$0x5040] =	vst v0  }
0x35: {  	[tilespmem:s0+$0x5050] =	vst v0  }
0x36: {  	[tilespmem:s0+$0x5060] =	vst v0  }
0x37: {  	[spmem:s7] =	stream.linear.scatter [tilespmem:s23], [sflag:$0x5], $0x4000, $0x38;
	[tilespmem:$0x1D000] =	vst v63  }
0x38: {  	_ =	swait.ge [sflag:s19], $0x4000  }
0x39: {  	[sflag:s19] =	ssyncset.done $0x0  }
0x3a: {  	[sflag:s19] =	ssyncadd.s32 $0xFFFFC000  }
0x3b: {  	[spmem:s8] =	stream.linear.scatter [tilespmem:s23], [sflag:$0x5], $0x4000, $0x38;
	[tilespmem:$0x1D000] =	vst v63  }
0x3c: {  	_ =	swait.ge [sflag:s19], $0x4000  }
0x3d: {  	[sflag:s19] =	ssyncset.done $0x0  }
0x3e: {  	[sflag:s19] =	ssyncadd.s32 $0xFFFFC000  }
0x3f: {  	[spmem:s9] =	stream.linear.scatter [tilespmem:s23], [sflag:$0x5], $0x4000, $0x38;
	[tilespmem:$0x1D000] =	vst v63  }
0x40: {  	_ =	swait.ge [sflag:s19], $0x4000  }
0x41: {  	[sflag:s19] =	ssyncset.done $0x0  }
0x42: {  	[sflag:s19] =	ssyncadd.s32 $0xFFFFC000  }
0x43: {  	[spmem:s10] =	stream.linear.scatter [tilespmem:s23], [sflag:$0x5], $0x4000, $0x38;
	[tilespmem:$0x1D000] =	vst v63  }
0x44: {  	_ =	swait.ge [sflag:s19], $0x4000  }
0x45: {  	[sflag:s19] =	ssyncset.done $0x0  }
0x46: {  	[sflag:s19] =	ssyncadd.s32 $0xFFFFC000  }
0x47: {  	[spmem:s11] =	stream.linear.scatter [tilespmem:s23], [sflag:$0x5], $0x4000, $0x38;
	[tilespmem:$0x1D000] =	vst v63  }
0x48: {  	_ =	swait.ge [sflag:s19], $0x4000  }
0x49: {  	[sflag:s19] =	ssyncset.done $0x0  }
0x4a: {  	[sflag:s19] =	ssyncadd.s32 $0xFFFFC000  }
0x4b: {  	_ =	swait.ge [sflag:s24], $0x400  }
0x4c: {  	[sflag:s24] =	ssyncset.done $0x0  }
0x4d: {  	[sflag:s24] =	ssyncadd.s32 $0xFFFFFC00  }
0x4e: {  	s29 =	simm.s32 $0x0;
	s30 =	simm.s32 $0x0;
	[bflag:$0x0] =	sbarrier.arrive $0xFFFF  }
.LBB2_9:
0x4f: {  	s0 =	sand.u32 $0x1, s30;
	p1 =	seq.s32 s29, $0x480  }
0x50: {  	s5 =	sxor.u32 $0x1, s0;
	s6 =	sadd.s32 @!p1 s29, s18;
	s20 =	simm.s32 @!p1 $0x0  }
0x51: {  	p2 =	seq.s32 @!p1 s29, $0x0;
	s31 =	sshll.u32 @!p1 s5, $0xB;
	s5 =	sadd.s32 @!p1 $0x80, s6  }
0x52: {  	[tilespmem:s31], [sflag:$0x3] =	stream.linear.gather @!p1 [hbm4b:s5+s20], $0x400, $0x38;
	[tilespmem:$0x1D000] =	vst v63  }
0x53: {  	s6 =	sadd.s32 @!p1 $0x5080, s6;
	p2 =	por p1, !p2;
	s5 =	sor.u32 @!p1 $0x400, s31  }
0x54: {  	[tilespmem:s5], [sflag:$0x3] =	stream.linear.gather @!p1 [hbm4b:s6+s20], $0x400, $0x38;
	[tilespmem:$0x1D000] =	vst v63  }
0x55: {  	_ =	swait.ge @p2 [sflag:s26], $0x4000  }
0x56: {  	s0 =	sshll.u32 s0, $0xB;
	[sflag:s26] =	ssyncset.done @p2 $0x0  }
0x57: {  	s6 =	sor.u32 $0x80, s0;
	[sflag:s26] =	ssyncadd.s32 @p2 $0xFFFFC000  }
0x58: {  	[tilespmem:s23], [sflag:$0x2] =	stream.indirect.gather [hbm4b:s14+s21], $0x80, s6, s21, $0xb8;
	[tilespmem:$0x1D000] =	vst v63  }
0x59: {  	_ =	swait.ge [sflag:s25], $0x4000  }
0x5a: {  	[sflag:s25] =	ssyncset.done $0x0  }
0x5b: {  	s20 =	sor.u32 $0x400, s0;
	[sflag:s25] =	ssyncadd.s32 $0xFFFFC000  }
0x5c: {  	[spmem:s1] =	stream.indirect.scatter.add.f32 [tilespmem:s22], [sflag:$0x4], $0x80, s20, s21, $0xb8;
	[tilespmem:$0x1D000] =	vst v63  }
0x5d: {  	_ =	swait.ge [sflag:s26], $0x4000  }
0x5e: {  	[sflag:s26] =	ssyncset.done $0x0  }
0x5f: {  	s6 =	sor.u32 $0x100, s0;
	[sflag:s26] =	ssyncadd.s32 $0xFFFFC000  }
0x60: {  	[tilespmem:s22], [sflag:$0x1] =	stream.indirect.gather [hbm4b:s14+s21], $0x80, s6, s21, $0xb8;
	[tilespmem:$0x1D000] =	vst v63  }
0x61: {  	_ =	swait.ge [sflag:s28], $0x4000  }
0x62: {  	[sflag:s28] =	ssyncset.done $0x0  }
0x63: {  	s20 =	sor.u32 $0x480, s0;
	[sflag:s28] =	ssyncadd.s32 $0xFFFFC000  }
0x64: {  	[spmem:s1] =	stream.indirect.scatter.add.f32 [tilespmem:s23], [sflag:$0x4], $0x80, s20, s21, $0xb8;
	[tilespmem:$0x1D000] =	vst v63  }
0x65: {  	_ =	swait.ge [sflag:s26], $0x4000  }
0x66: {  	[sflag:s26] =	ssyncset.done $0x0  }
0x67: {  	s6 =	sor.u32 $0x180, s0;
	[sflag:s26] =	ssyncadd.s32 $0xFFFFC000  }
0x68: {  	[tilespmem:s23], [sflag:$0x2] =	stream.indirect.gather [hbm4b:s14+s21], $0x80, s6, s21, $0xb8;
	[tilespmem:$0x1D000] =	vst v63  }
0x69: {  	_ =	swait.ge [sflag:s25], $0x4000  }
0x6a: {  	[sflag:s25] =	ssyncset.done $0x0  }
0x6b: {  	s20 =	sor.u32 $0x500, s0;
	[sflag:s25] =	ssyncadd.s32 $0xFFFFC000  }
0x6c: {  	[spmem:s1] =	stream.indirect.scatter.add.f32 [tilespmem:s22], [sflag:$0x4], $0x80, s20, s21, $0xb8;
	[tilespmem:$0x1D000] =	vst v63  }
0x6d: {  	_ =	swait.ge [sflag:s26], $0x4000  }
0x6e: {  	[sflag:s26] =	ssyncset.done $0x0  }
0x6f: {  	s6 =	sor.u32 $0x200, s0;
	[sflag:s26] =	ssyncadd.s32 $0xFFFFC000  }
0x70: {  	[tilespmem:s22], [sflag:$0x1] =	stream.indirect.gather [hbm4b:s14+s21], $0x80, s6, s21, $0xb8;
	[tilespmem:$0x1D000] =	vst v63  }
0x71: {  	_ =	swait.ge [sflag:s28], $0x4000  }
0x72: {  	[sflag:s28] =	ssyncset.done $0x0  }
0x73: {  	s20 =	sor.u32 $0x580, s0;
	[sflag:s28] =	ssyncadd.s32 $0xFFFFC000  }
0x74: {  	[spmem:s1] =	stream.indirect.scatter.add.f32 [tilespmem:s23], [sflag:$0x4], $0x80, s20, s21, $0xb8;
	[tilespmem:$0x1D000] =	vst v63  }
0x75: {  	_ =	swait.ge [sflag:s26], $0x4000  }
0x76: {  	[sflag:s26] =	ssyncset.done $0x0  }
0x77: {  	s6 =	sor.u32 $0x280, s0;
	[sflag:s26] =	ssyncadd.s32 $0xFFFFC000  }
0x78: {  	[tilespmem:s23], [sflag:$0x2] =	stream.indirect.gather [hbm4b:s14+s21], $0x80, s6, s21, $0xb8;
	[tilespmem:$0x1D000] =	vst v63  }
0x79: {  	_ =	swait.ge [sflag:s25], $0x4000  }
0x7a: {  	[sflag:s25] =	ssyncset.done $0x0  }
0x7b: {  	s20 =	sor.u32 $0x600, s0;
	[sflag:s25] =	ssyncadd.s32 $0xFFFFC000  }
0x7c: {  	[spmem:s1] =	stream.indirect.scatter.add.f32 [tilespmem:s22], [sflag:$0x4], $0x80, s20, s21, $0xb8;
	[tilespmem:$0x1D000] =	vst v63  }
0x7d: {  	_ =	swait.ge [sflag:s26], $0x4000  }
0x7e: {  	[sflag:s26] =	ssyncset.done $0x0  }
0x7f: {  	s6 =	sor.u32 $0x300, s0;
	[sflag:s26] =	ssyncadd.s32 $0xFFFFC000  }
0x80: {  	[tilespmem:s22], [sflag:$0x1] =	stream.indirect.gather [hbm4b:s14+s21], $0x80, s6, s21, $0xb8;
	[tilespmem:$0x1D000] =	vst v63  }
0x81: {  	_ =	swait.ge [sflag:s28], $0x4000  }
0x82: {  	[sflag:s28] =	ssyncset.done $0x0  }
0x83: {  	s20 =	sor.u32 $0x680, s0;
	[sflag:s28] =	ssyncadd.s32 $0xFFFFC000  }
0x84: {  	[spmem:s1] =	stream.indirect.scatter.add.f32 [tilespmem:s23], [sflag:$0x4], $0x80, s20, s21, $0xb8;
	[tilespmem:$0x1D000] =	vst v63  }
0x85: {  	_ =	swait.ge [sflag:s26], $0x4000  }
0x86: {  	[sflag:s26] =	ssyncset.done $0x0  }
0x87: {  	s6 =	sor.u32 $0x380, s0;
	[sflag:s26] =	ssyncadd.s32 $0xFFFFC000  }
0x88: {  	[tilespmem:s23], [sflag:$0x2] =	stream.indirect.gather [hbm4b:s14+s21], $0x80, s6, s21, $0xb8;
	[tilespmem:$0x1D000] =	vst v63  }
0x89: {  	_ =	swait.ge [sflag:s25], $0x4000  }
0x8a: {  	[sflag:s25] =	ssyncset.done $0x0  }
0x8b: {  	s20 =	sor.u32 $0x700, s0;
	[sflag:s25] =	ssyncadd.s32 $0xFFFFC000  }
0x8c: {  	[spmem:s1] =	stream.indirect.scatter.add.f32 [tilespmem:s22], [sflag:$0x4], $0x80, s20, s21, $0xb8;
	[tilespmem:$0x1D000] =	vst v63  }
0x8d: {  	_ =	swait.ge [sflag:s26], $0x4000  }
0x8e: {  	[sflag:s26] =	ssyncset.done $0x0  }
0x8f: {  	s5 =	simm.s32 @!p1 $0x3;
	[sflag:s26] =	ssyncadd.s32 $0xFFFFC000  }
0x90: {  	_ =	swait.ge @!p1 [sflag:s5], $0x400  }
0x91: {  	[sflag:s5] =	ssyncset.done @!p1 $0x0  }
0x92: {  	[sflag:s5] =	ssyncadd.s32 @!p1 $0xFFFFFC00  }
0x93: {  	_ =	swait.ge @!p1 [sflag:s5], $0x400  }
0x94: {  	s29 =	sadd.s32 $0x80, s29;
	[sflag:s5] =	ssyncset.done @!p1 $0x0  }
0x95: {  	s6 =	simm.s32 @!p1 $0x1000;
	[sflag:s5] =	ssyncadd.s32 @!p1 $0xFFFFFC00;
	s5 =	simm.s32 @!p1 $0x80  }
0x96: {  	[tilespmem:s6], [sflag:$0x1] =	stream.indirect.gather @!p1 [hbm4b:s14+s5], $0x80, s31, s5, $0xb8;
	[tilespmem:$0x1D000] =	vst v63  }
0x97: {  	p1 =	sne.s32 s29, $0x500  }
.Ltmp4:
0x98: {  	_ = 	snop;
	(pc) =	sbr.rel @p1 .LBB2_9-.Ltmp4, $4  }
0x99: {  	_ =	swait.ge [sflag:s28], $0x4000  }
0x9a: {  	[sflag:s28] =	ssyncset.done $0x0  }
0x9b: {  	s30 =	sadd.s32 $0x1, s30;
	s0 =	sadd.s32 $0x780, s0;
	[sflag:s28] =	ssyncadd.s32 $0xFFFFC000  }
0x9c: {  	[spmem:s1] =	stream.indirect.scatter.add.f32 [tilespmem:s23], [sflag:$0x4], $0x80, s0, s21, $0xb8;
	[tilespmem:$0x1D000] =	vst v63  }
.Ltmp5:
0x9d: {  	_ = 	snop;
	(pc) =	sbr.rel .LBB2_10-.Ltmp5, $1  }
0x9e: {  	_ =	sdelay $0x3  }
.LBB2_2:
0x9f: {  	s5 =	rddreg [dreg:$0x4]  }
0xa0: {  	[tilespmem:s0], [sflag:$0x5] =	stream.linear.gather [hbm4b:s5+s0], $0x400, $0x38;
	[tilespmem:$0x1D000] =	vst v63  }
0xa1: {  	_ =	swait.ge [sflag:s19], $0x400  }
0xa2: {  	[sflag:s19] =	ssyncset.done $0x0  }
0xa3: {  	s6 =	simm.s32 $0x400;
	s31 =	rddreg [dreg:$0x5];
	[sflag:s19] =	ssyncadd.s32 $0xFFFFFC00  }
0xa4: {  	[tilespmem:s6], [sflag:$0x3] =	stream.linear.gather [hbm4b:s31+s0], $0x400, $0x38;
	[tilespmem:$0x1D000] =	vst v63  }
0xa5: {  	_ = 	snop  }
0xa6: {  	[tilespmem:s22], [sflag:$0x1] =	stream.indirect.gather [hbm4b:s4+s21], $0x80, s0, s21, $0xb8;
	[tilespmem:$0x1D000] =	vst v63  }
0xa7: {  	s29 =	simm.s32 $0x200;
	s0 =	simm.s32 $0x0  }
.LBB2_3:
0xa8: {  	p1 =	sne.s32 s29, $0xFE00;
	[tilespmem:s0+$0x5070] =	vst v0  }
0xa9: {  	[tilespmem:s0+$0x5000] =	vst v0  }
0xaa: {  	[tilespmem:s0+$0x5010] =	vst v0  }
.Ltmp6:
0xab: {  	[tilespmem:s0+$0x5020] =	vst v0;
	(pc) =	sbr.rel @p1 .LBB2_3-.Ltmp6, $4  }
0xac: {  	[tilespmem:s0+$0x5030] =	vst v0  }
0xad: {  	[tilespmem:s0+$0x5040] =	vst v0  }
0xae: {  	[tilespmem:s0+$0x5050] =	vst v0  }
0xaf: {  	[tilespmem:s0+$0x5060] =	vst v0;
	s0 =	sshra.s32 s29, $0x2;
	s29 =	sadd.s32 $0x200, s29  }
0xb0: {  	[tilespmem:s0+$0x5070] =	vst v0  }
0xb1: {  	[tilespmem:s0+$0x5000] =	vst v0  }
0xb2: {  	[tilespmem:s0+$0x5010] =	vst v0  }
0xb3: {  	[tilespmem:s0+$0x5020] =	vst v0  }
0xb4: {  	[tilespmem:s0+$0x5030] =	vst v0  }
0xb5: {  	[tilespmem:s0+$0x5040] =	vst v0  }
0xb6: {  	[tilespmem:s0+$0x5050] =	vst v0  }
0xb7: {  	[tilespmem:s0+$0x5060] =	vst v0  }
0xb8: {  	[spmem:s7] =	stream.linear.scatter [tilespmem:s23], [sflag:$0x5], $0x4000, $0x38;
	[tilespmem:$0x1D000] =	vst v63  }
0xb9: {  	_ =	swait.ge [sflag:s19], $0x4000  }
0xba: {  	[sflag:s19] =	ssyncset.done $0x0  }
0xbb: {  	[sflag:s19] =	ssyncadd.s32 $0xFFFFC000  }
0xbc: {  	[spmem:s8] =	stream.linear.scatter [tilespmem:s23], [sflag:$0x5], $0x4000, $0x38;
	[tilespmem:$0x1D000] =	vst v63  }
0xbd: {  	_ =	swait.ge [sflag:s19], $0x4000  }
0xbe: {  	[sflag:s19] =	ssyncset.done $0x0  }
0xbf: {  	[sflag:s19] =	ssyncadd.s32 $0xFFFFC000  }
0xc0: {  	[spmem:s9] =	stream.linear.scatter [tilespmem:s23], [sflag:$0x5], $0x4000, $0x38;
	[tilespmem:$0x1D000] =	vst v63  }
0xc1: {  	_ =	swait.ge [sflag:s19], $0x4000  }
0xc2: {  	[sflag:s19] =	ssyncset.done $0x0  }
0xc3: {  	[sflag:s19] =	ssyncadd.s32 $0xFFFFC000  }
0xc4: {  	[spmem:s10] =	stream.linear.scatter [tilespmem:s23], [sflag:$0x5], $0x4000, $0x38;
	[tilespmem:$0x1D000] =	vst v63  }
0xc5: {  	_ =	swait.ge [sflag:s19], $0x4000  }
0xc6: {  	[sflag:s19] =	ssyncset.done $0x0  }
0xc7: {  	[sflag:s19] =	ssyncadd.s32 $0xFFFFC000  }
0xc8: {  	[spmem:s11] =	stream.linear.scatter [tilespmem:s23], [sflag:$0x5], $0x4000, $0x38;
	[tilespmem:$0x1D000] =	vst v63  }
0xc9: {  	_ =	swait.ge [sflag:s19], $0x4000  }
0xca: {  	[sflag:s19] =	ssyncset.done $0x0  }
0xcb: {  	[sflag:s19] =	ssyncadd.s32 $0xFFFFC000  }
0xcc: {  	_ =	swait.ge [sflag:s24], $0x400  }
0xcd: {  	[sflag:s24] =	ssyncset.done $0x0  }
0xce: {  	[sflag:s24] =	ssyncadd.s32 $0xFFFFFC00  }
0xcf: {  	s29 =	simm.s32 $0x0;
	s30 =	simm.s32 $0x0;
	[bflag:$0x0] =	sbarrier.arrive $0xFFFF  }
.LBB2_5:
0xd0: {  	s0 =	sand.u32 $0x1, s30;
	p1 =	seq.s32 s29, $0x480  }
0xd1: {  	s31 =	sxor.u32 $0x1, s0;
	s5 =	sadd.s32 @!p1 s29, s17;
	s20 =	simm.s32 @!p1 $0x0  }
0xd2: {  	p2 =	seq.s32 @!p1 s29, $0x0;
	s31 =	sshll.u32 @!p1 s31, $0xB;
	s6 =	sadd.s32 @!p1 $0x80, s5  }
0xd3: {  	[tilespmem:s31], [sflag:$0x3] =	stream.linear.gather @!p1 [hbm4b:s6+s20], $0x400, $0x38;
	[tilespmem:$0x1D000] =	vst v63  }
0xd4: {  	s5 =	sadd.s32 @!p1 $0x5080, s5;
	p2 =	por p1, !p2;
	s6 =	sor.u32 @!p1 $0x400, s31  }
0xd5: {  	[tilespmem:s6], [sflag:$0x3] =	stream.linear.gather @!p1 [hbm4b:s5+s20], $0x400, $0x38;
	[tilespmem:$0x1D000] =	vst v63  }
0xd6: {  	_ =	swait.ge @p2 [sflag:s26], $0x4000  }
0xd7: {  	s0 =	sshll.u32 s0, $0xB;
	[sflag:s26] =	ssyncset.done @p2 $0x0  }
0xd8: {  	s6 =	sor.u32 $0x80, s0;
	[sflag:s26] =	ssyncadd.s32 @p2 $0xFFFFC000  }
0xd9: {  	[tilespmem:s23], [sflag:$0x2] =	stream.indirect.gather [hbm4b:s4+s21], $0x80, s6, s21, $0xb8;
	[tilespmem:$0x1D000] =	vst v63  }
0xda: {  	_ =	swait.ge [sflag:s25], $0x4000  }
0xdb: {  	[sflag:s25] =	ssyncset.done $0x0  }
0xdc: {  	s20 =	sor.u32 $0x400, s0;
	[sflag:s25] =	ssyncadd.s32 $0xFFFFC000  }
0xdd: {  	[spmem:s1] =	stream.indirect.scatter.add.f32 [tilespmem:s22], [sflag:$0x4], $0x80, s20, s21, $0xb8;
	[tilespmem:$0x1D000] =	vst v63  }
0xde: {  	_ =	swait.ge [sflag:s26], $0x4000  }
0xdf: {  	[sflag:s26] =	ssyncset.done $0x0  }
0xe0: {  	s6 =	sor.u32 $0x100, s0;
	[sflag:s26] =	ssyncadd.s32 $0xFFFFC000  }
0xe1: {  	[tilespmem:s22], [sflag:$0x1] =	stream.indirect.gather [hbm4b:s4+s21], $0x80, s6, s21, $0xb8;
	[tilespmem:$0x1D000] =	vst v63  }
0xe2: {  	_ =	swait.ge [sflag:s28], $0x4000  }
0xe3: {  	[sflag:s28] =	ssyncset.done $0x0  }
0xe4: {  	s20 =	sor.u32 $0x480, s0;
	[sflag:s28] =	ssyncadd.s32 $0xFFFFC000  }
0xe5: {  	[spmem:s1] =	stream.indirect.scatter.add.f32 [tilespmem:s23], [sflag:$0x4], $0x80, s20, s21, $0xb8;
	[tilespmem:$0x1D000] =	vst v63  }
0xe6: {  	_ =	swait.ge [sflag:s26], $0x4000  }
0xe7: {  	[sflag:s26] =	ssyncset.done $0x0  }
0xe8: {  	s6 =	sor.u32 $0x180, s0;
	[sflag:s26] =	ssyncadd.s32 $0xFFFFC000  }
0xe9: {  	[tilespmem:s23], [sflag:$0x2] =	stream.indirect.gather [hbm4b:s4+s21], $0x80, s6, s21, $0xb8;
	[tilespmem:$0x1D000] =	vst v63  }
0xea: {  	_ =	swait.ge [sflag:s25], $0x4000  }
0xeb: {  	[sflag:s25] =	ssyncset.done $0x0  }
0xec: {  	s20 =	sor.u32 $0x500, s0;
	[sflag:s25] =	ssyncadd.s32 $0xFFFFC000  }
0xed: {  	[spmem:s1] =	stream.indirect.scatter.add.f32 [tilespmem:s22], [sflag:$0x4], $0x80, s20, s21, $0xb8;
	[tilespmem:$0x1D000] =	vst v63  }
0xee: {  	_ =	swait.ge [sflag:s26], $0x4000  }
0xef: {  	[sflag:s26] =	ssyncset.done $0x0  }
0xf0: {  	s6 =	sor.u32 $0x200, s0;
	[sflag:s26] =	ssyncadd.s32 $0xFFFFC000  }
0xf1: {  	[tilespmem:s22], [sflag:$0x1] =	stream.indirect.gather [hbm4b:s4+s21], $0x80, s6, s21, $0xb8;
	[tilespmem:$0x1D000] =	vst v63  }
0xf2: {  	_ =	swait.ge [sflag:s28], $0x4000  }
0xf3: {  	[sflag:s28] =	ssyncset.done $0x0  }
0xf4: {  	s20 =	sor.u32 $0x580, s0;
	[sflag:s28] =	ssyncadd.s32 $0xFFFFC000  }
0xf5: {  	[spmem:s1] =	stream.indirect.scatter.add.f32 [tilespmem:s23], [sflag:$0x4], $0x80, s20, s21, $0xb8;
	[tilespmem:$0x1D000] =	vst v63  }
0xf6: {  	_ =	swait.ge [sflag:s26], $0x4000  }
0xf7: {  	[sflag:s26] =	ssyncset.done $0x0  }
0xf8: {  	s6 =	sor.u32 $0x280, s0;
	[sflag:s26] =	ssyncadd.s32 $0xFFFFC000  }
0xf9: {  	[tilespmem:s23], [sflag:$0x2] =	stream.indirect.gather [hbm4b:s4+s21], $0x80, s6, s21, $0xb8;
	[tilespmem:$0x1D000] =	vst v63  }
0xfa: {  	_ =	swait.ge [sflag:s25], $0x4000  }
0xfb: {  	[sflag:s25] =	ssyncset.done $0x0  }
0xfc: {  	s20 =	sor.u32 $0x600, s0;
	[sflag:s25] =	ssyncadd.s32 $0xFFFFC000  }
0xfd: {  	[spmem:s1] =	stream.indirect.scatter.add.f32 [tilespmem:s22], [sflag:$0x4], $0x80, s20, s21, $0xb8;
	[tilespmem:$0x1D000] =	vst v63  }
0xfe: {  	_ =	swait.ge [sflag:s26], $0x4000  }
0xff: {  	[sflag:s26] =	ssyncset.done $0x0  }
0x100: {  	s6 =	sor.u32 $0x300, s0;
	[sflag:s26] =	ssyncadd.s32 $0xFFFFC000  }
0x101: {  	[tilespmem:s22], [sflag:$0x1] =	stream.indirect.gather [hbm4b:s4+s21], $0x80, s6, s21, $0xb8;
	[tilespmem:$0x1D000] =	vst v63  }
0x102: {  	_ =	swait.ge [sflag:s28], $0x4000  }
0x103: {  	[sflag:s28] =	ssyncset.done $0x0  }
0x104: {  	s20 =	sor.u32 $0x680, s0;
	[sflag:s28] =	ssyncadd.s32 $0xFFFFC000  }
0x105: {  	[spmem:s1] =	stream.indirect.scatter.add.f32 [tilespmem:s23], [sflag:$0x4], $0x80, s20, s21, $0xb8;
	[tilespmem:$0x1D000] =	vst v63  }
0x106: {  	_ =	swait.ge [sflag:s26], $0x4000  }
0x107: {  	[sflag:s26] =	ssyncset.done $0x0  }
0x108: {  	s6 =	sor.u32 $0x380, s0;
	[sflag:s26] =	ssyncadd.s32 $0xFFFFC000  }
0x109: {  	[tilespmem:s23], [sflag:$0x2] =	stream.indirect.gather [hbm4b:s4+s21], $0x80, s6, s21, $0xb8;
	[tilespmem:$0x1D000] =	vst v63  }
0x10a: {  	_ =	swait.ge [sflag:s25], $0x4000  }
0x10b: {  	[sflag:s25] =	ssyncset.done $0x0  }
0x10c: {  	s20 =	sor.u32 $0x700, s0;
	[sflag:s25] =	ssyncadd.s32 $0xFFFFC000  }
0x10d: {  	[spmem:s1] =	stream.indirect.scatter.add.f32 [tilespmem:s22], [sflag:$0x4], $0x80, s20, s21, $0xb8;
	[tilespmem:$0x1D000] =	vst v63  }
0x10e: {  	_ =	swait.ge [sflag:s26], $0x4000  }
0x10f: {  	[sflag:s26] =	ssyncset.done $0x0  }
0x110: {  	s5 =	simm.s32 @!p1 $0x3;
	[sflag:s26] =	ssyncadd.s32 $0xFFFFC000  }
0x111: {  	_ =	swait.ge @!p1 [sflag:s5], $0x400  }
0x112: {  	[sflag:s5] =	ssyncset.done @!p1 $0x0  }
0x113: {  	[sflag:s5] =	ssyncadd.s32 @!p1 $0xFFFFFC00  }
0x114: {  	_ =	swait.ge @!p1 [sflag:s5], $0x400  }
0x115: {  	s29 =	sadd.s32 $0x80, s29;
	[sflag:s5] =	ssyncset.done @!p1 $0x0  }
0x116: {  	s6 =	simm.s32 @!p1 $0x1000;
	[sflag:s5] =	ssyncadd.s32 @!p1 $0xFFFFFC00;
	s5 =	simm.s32 @!p1 $0x80  }
0x117: {  	[tilespmem:s6], [sflag:$0x1] =	stream.indirect.gather @!p1 [hbm4b:s4+s5], $0x80, s31, s5, $0xb8;
	[tilespmem:$0x1D000] =	vst v63  }
0x118: {  	p1 =	seq.s32 s29, $0x500  }
.Ltmp7:
0x119: {  	_ = 	snop;
	(pc) =	sbr.rel @!p1 .LBB2_5-.Ltmp7, $4  }
0x11a: {  	_ =	swait.ge [sflag:s28], $0x4000  }
0x11b: {  	[sflag:s28] =	ssyncset.done $0x0  }
0x11c: {  	s30 =	sadd.s32 $0x1, s30;
	s0 =	sadd.s32 $0x780, s0;
	[sflag:s28] =	ssyncadd.s32 $0xFFFFC000  }
0x11d: {  	[spmem:s1] =	stream.indirect.scatter.add.f32 [tilespmem:s23], [sflag:$0x4], $0x80, s0, s21, $0xb8;
	[tilespmem:$0x1D000] =	vst v63  }
.Ltmp8:
0x11e: {  	_ = 	snop;
	(pc) =	sbr.rel .LBB2_10-.Ltmp8, $1  }
0x11f: {  	_ =	sdelay $0x3  }
.LBB2_11:
0x120: {  	_ =	sfence.sel $0x180000  }
0x121: {  	[bflag:$0x0] =	sbarrier.arrive $0xFFFF  }
0x122: {  	_ =	strace $0x9000004D  }
0x123: {  	[bflag:$0x2] =	sbarrier.arrive $0xFFFF  }
0x124: {  	p0 =	sne.s32 s2, $0x0;
	s0 =	rddreg [dreg:$0x3]  }
0x125: {  	s0 =	sadd.s32 @!p0 $0x100000, s0  }
0x126: {  	[sflag:s0] =	ssyncadd.tile.s32 @!p0 $0x1;
	_ =	shalt  }
.Lfunc_end2:
_tile_overlayer_lowered:
.L_overlay_start_2:
0x127: {  	(tag) =	ssettag $0x2  }
0x128: {  	s0 =	rddreg [dreg:$0x0];
	s2 =	stileid.u32  }
0x129: {  	s1 =	rddreg [dreg:$0x1];
	p0 =	sne.s32 s2, $0x0  }
0x12a: {  	s3 =	rddreg [dreg:$0x2];
	[bflag:$0x3] =	sbarrier.arrive $0xFFFF;
	s2 =	simm.s32 @!p0 $0x1C05  }
0x12b: {  	[timem:s3], [sflag:s2] =	dma.local @!p0 [hbm:s0], s1  }
0x12c: {  	s0 =	simm.s32 @!p0 $0x5  }
0x12d: {  	_ =	swait.ge @!p0 [sflag:s0], s1  }
0x12e: {  	s1 =	ssub.s32 @!p0 $0x0, s1;
	[sflag:s0] =	ssyncset.done @!p0 $0x0  }
0x12f: {  	[sflag:s0] =	ssyncadd.s32 @!p0 s1  }
0x130: {  	[bflag:$0x3] =	sbarrier.arrive $0xFFFF  }
0x131: {  	_ =	shalt  }

// kernel: kernel.8.cloned.1.call-start
scs
__scs_entry_jumppad:
0x0: {  	(pc) =	sbr.rel $0x88, $3  }
0x1: {  	(tag) =	ssettag $0x0;
	lr =	simm.s32 $0x1  }
0x2: {  	[smem:$0x3F92] =	sst lr;
	_ =	strace $0xD0000000  }
0x3: {  	_ = 	snop  }
0x4: {  	_ = 	snop  }
0x5: {  	_ = 	snop  }
0x6: {  	_ = 	snop  }
0x7: {  	_ = 	snop  }
__scs_overlays_trampoline_lowered:
0x8: {  	[smem:$0x3FA1] =	sst s0  }
0x9: {  	[smem:$0x3FA2] =	sst s1  }
0xa: {  	[smem:$0x3FA3] =	sst s2  }
0xb: {  	[smem:$0x3FA4] =	sst s3  }
0xc: {  	[smem:$0x3FA5] =	sst s4  }
0xd: {  	[smem:$0x3FA6] =	sst s5  }
0xe: {  	[smem:$0x3FA7] =	sst s6  }
0xf: {  	[smem:$0x3FA8] =	sst s7  }
0x10: {  	[smem:$0x3FA9] =	sst s8  }
0x11: {  	[smem:$0x3FAA] =	sst s9;
	s0 =	simm.s32 @!p0 $0x0  }
0x12: {  	s1 =	sld [smem:$0x3F90];
	s0 =	simm.s32 @p0 $0x1  }
0x13: {  	[smem:$0x3FAB] =	sst s0;
	s0 =	simm.s32 @!p1 $0x0  }
0x14: {  	s2 =	sld [smem:$0x3F8F];
	s0 =	simm.s32 @p1 $0x1  }
0x15: {  	[smem:$0x3FAC] =	sst s0;
	s0 =	simm.s32 @!p2 $0x0  }
0x16: {  	s3 =	sld [smem:$0x3FDB];
	s0 =	simm.s32 @p2 $0x1  }
0x17: {  	s4 =	simm.s32 $0x1BF5;
	[smem:$0x3FAE] =	sst s0  }
0x18: {  	s0 =	sld [smem:$0x3F91];
	_ =	swait.ge [sflag:s4], $0x0  }
0x19: {  	s7 =	sld [smem:$0x3F92]  }
0x1a: {  	s8 =	sadd.s32 $0xFFFFE003, lr  }
0x1b: {  	s9 =	sadd.s32 $0xFFFFFEF7, lr;
	s5 =	simm.s32 $0xFFFFFFFF;
	p2 =	slt.u32 s8, $0xFFFFF086  }
0x1c: {  	p1 =	slt.u32 s9, $0xF7A;
	s5 =	simm.s32 @!p2 $0x0  }
0x1d: {  	s5 =	simm.s32 @p1 $0x1;
	p0 =	seq.s32 s7, s2  }
0x1e: {  	s7 =	smul.u32 @!p0 $0xF7A, s2;
	p2 =	seq.s32 @!p0 s5, $0x0  }
0x1f: {  	s9 =	smul.u32 $0xF7A, s1;
	s8 =	simm.s32 @!p0 $0x1BF5;
	p2 =	por !p2, p0  }
0x20: {  	[sflag:s8] =	ssyncset.s32 @!p0 $0xFFFFF086;
	s6 =	sadd.s32 @!p0 s3, s7;
	s7 =	simm.s32 @!p0 $0x108  }
0x21: {  	s3 =	sadd.s32 s3, s9;
	s6 =	sadd.s32 @!p0 $0x88, s6;
	s7 =	simm.s32 @p2 $0x1082  }
0x22: {  	[simem:s7], [sflag:s8] =	dma.local @!p0 [hbm:s6], $0xF7A  }
0x23: {  	s9 =	sor.u32 $0xD0000000, s2;
	s6 =	simm.s32 $0x108;
	_ =	swait.ge @!p0 [sflag:s8], $0x0  }
0x24: {  	s3 =	sadd.s32 $0x88, s3;
	s6 =	simm.s32 @!p1 $0x1082;
	[sflag:s4] =	ssyncset.s32 $0xFFFFF086  }
0x25: {  	[simem:s6], [sflag:s4] =	dma.local [hbm:s3], $0xF7A  }
0x26: {  	[smem:$0x3F92] =	sst s1;
	(tag) =	ssettag s2;
	_ =	strace s9  }
0x27: {  	s1 =	sld [smem:$0x3FA2]  }
0x28: {  	s2 =	sld [smem:$0x3FA3]  }
0x29: {  	s4 =	sld [smem:$0x3FA5]  }
0x2a: {  	p0 =	seq.s32 s5, $0x0;
	s5 =	sld [smem:$0x3FA6]  }
0x2b: {  	s6 =	sld [smem:$0x3FA7]  }
0x2c: {  	s7 =	sld [smem:$0x3FA8]  }
0x2d: {  	s3 =	simm.s32 $0x108;
	s8 =	sld [smem:$0x3FA9]  }
0x2e: {  	s3 =	simm.s32 @!p0 $0x1082;
	s9 =	sld [smem:$0x3FAA]  }
0x2f: {  	lr =	sadd.s32 s0, s3;
	s0 =	sld [smem:$0x3FA1]  }
0x30: {  	s3 =	sld [smem:$0x3FA4]  }
0x31: {  	[smem:$0x3FAD] =	sst s10  }
0x32: {  	s10 =	sld [smem:$0x3FAB];
	_ =	sdelay $0x3  }
0x33: {  	p0 =	seq.s32 s10, $0x1;
	s10 =	sld [smem:$0x3FAD];
	_ =	sdelay $0x3  }
0x34: {  	[smem:$0x3FAD] =	sst s10  }
0x35: {  	s10 =	sld [smem:$0x3FAC];
	_ =	sdelay $0x3  }
0x36: {  	p1 =	seq.s32 s10, $0x1;
	s10 =	sld [smem:$0x3FAD];
	_ =	sdelay $0x3  }
0x37: {  	[smem:$0x3FAD] =	sst s10  }
0x38: {  	s10 =	sld [smem:$0x3FAE]  }
0x39: {  	_ = 	snop;
	(pc) =	sbr.ind lr, $3  }
0x3a: {  	_ = 	snop  }
0x3b: {  	_ = 	snop  }
0x3c: {  	p2 =	seq.s32 s10, $0x1;
	s10 =	sld [smem:$0x3FAD]  }
0x3d: {  	_ =	shalt  }
0x3e: {  	_ =	shalt  }
0x3f: {  	_ =	shalt  }
0x40: {  	_ =	shalt  }
0x41: {  	_ =	shalt  }
0x42: {  	_ =	shalt  }
0x43: {  	_ =	shalt  }
0x44: {  	_ =	shalt  }
0x45: {  	_ =	shalt  }
0x46: {  	_ =	shalt  }
0x47: {  	_ =	shalt  }
0x48: {  	_ =	shalt  }
0x49: {  	_ =	shalt  }
0x4a: {  	_ =	shalt  }
0x4b: {  	_ =	shalt  }
0x4c: {  	_ =	shalt  }
0x4d: {  	_ =	shalt  }
0x4e: {  	_ =	shalt  }
0x4f: {  	_ =	shalt  }
0x50: {  	_ =	shalt  }
0x51: {  	_ =	shalt  }
0x52: {  	_ =	shalt  }
0x53: {  	_ =	shalt  }
0x54: {  	_ =	shalt  }
0x55: {  	_ =	shalt  }
0x56: {  	_ =	shalt  }
0x57: {  	_ =	shalt  }
0x58: {  	_ =	shalt  }
0x59: {  	_ =	shalt  }
0x5a: {  	_ =	shalt  }
0x5b: {  	_ =	shalt  }
0x5c: {  	_ =	shalt  }
0x5d: {  	_ =	shalt  }
0x5e: {  	_ =	shalt  }
0x5f: {  	_ =	shalt  }
0x60: {  	_ =	shalt  }
0x61: {  	_ =	shalt  }
0x62: {  	_ =	shalt  }
0x63: {  	_ =	shalt  }
0x64: {  	_ =	shalt  }
0x65: {  	_ =	shalt  }
0x66: {  	_ =	shalt  }
0x67: {  	_ =	shalt  }
0x68: {  	_ =	shalt  }
0x69: {  	_ =	shalt  }
0x6a: {  	_ =	shalt  }
0x6b: {  	_ =	shalt  }
0x6c: {  	_ =	shalt  }
0x6d: {  	_ =	shalt  }
0x6e: {  	_ =	shalt  }
0x6f: {  	_ =	shalt  }
0x70: {  	_ =	shalt  }
0x71: {  	_ =	shalt  }
0x72: {  	_ =	shalt  }
0x73: {  	_ =	shalt  }
0x74: {  	_ =	shalt  }
0x75: {  	_ =	shalt  }
0x76: {  	_ =	shalt  }
0x77: {  	_ =	shalt  }
0x78: {  	_ =	shalt  }
0x79: {  	_ =	shalt  }
0x7a: {  	_ =	shalt  }
0x7b: {  	_ =	shalt  }
0x7c: {  	_ =	shalt  }
0x7d: {  	_ =	shalt  }
0x7e: {  	_ =	shalt  }
0x7f: {  	_ =	shalt  }
0x80: {  	_ =	shalt  }
0x81: {  	_ =	shalt  }
0x82: {  	_ =	shalt  }
0x83: {  	_ =	shalt  }
0x84: {  	_ =	shalt  }
0x85: {  	_ =	shalt  }
0x86: {  	_ =	shalt  }
0x87: {  	_ =	shalt  }
.Lfunc_end0:
.L_simem_size_0:
called_computation_lowered:
.L_overlay_start_0:
0x88: {  	s2 =	sld [smem:$0x3FD9]  }
0x89: {  	s3 =	sld [smem:$0x3FFE];
	_ =	sdelay $0x1  }
0x8a: {  	s1 =	srdreg.scid  }
0x8b: {  	s0 =	sand.u32 $0x1, s1  }
0x8c: {  	s17 =	sshll.u32 s0, $0xA;
	s2 =	sadd.s32 s3, s2  }
0x8d: {  	s2 =	sadd.s32 s2, s17  }
0x8e: {  	[smem:$0x3FB9] =	sst s2  }
0x8f: {  	_ = 	snop  }
0x90: {  	s2 =	sld [smem:$0x3FD0];
	(tm) =	ssettm $0x1  }
0x91: {  	s18 =	sld [smem:$0x3FFB];
	_ =	sdelay $0x3  }
0x92: {  	_ =	strace s18  }
0x93: {  	s3 =	sld [smem:$0x3FFC];
	_ =	sdelay $0x3  }
0x94: {  	_ =	strace s3  }
0x95: {  	s3 =	sld [smem:$0x3FFD];
	_ =	sdelay $0x3  }
0x96: {  	_ =	strace s3  }
0x97: {  	_ =	strace $0x8FFFFFFF  }
0x98: {  	s19 =	sld [smem:$0x3FDB];
	_ =	sdelay $0x1  }
0x99: {  	s4 =	simm.s32 $_scs_section_size  }
0x9a: {  	s5 =	simm.s32 $_size__tile_overlayer_lowered;
	s6 =	simm.s32 $_tile_overlayer_lowered  }
0x9b: {  	s22 =	simm.s32 $0x1BFF;
	s21 =	sshll.u32 s6, $0x1;
	s3 =	sadd.s32 s4, s19  }
0x9c: {  	s7 =	simm.s32 $0x0;
	s20 =	sshll.u32 s5, $0x1;
	s5 =	sadd.s32 s21, s3  }
0x9d: {  	[timem:s7], [sflag:s22] =	dma.local [hbm:s5], s20  }
0x9e: {  	_ =	swait.ge [sflag:s22], s20  }
0x9f: {  	s4 =	ssub.s32 $0x0, s20;
	[sflag:s22] =	ssyncset.done $0x0  }
0xa0: {  	[sflag:s22] =	ssyncadd.s32 s4;
	_ =	sdelay $0x1  }
0xa1: {  	s23 =	simm.s32 $0x1B8B  }
0xa2: {  	_ =	swait.ge [sflag:s23], $0x1  }
0xa3: {  	[sflag:s23] =	ssyncset.done $0x0  }
0xa4: {  	s25 =	simm.s32 $0x1B8E;
	s24 =	sld [smem:$0x3FFE];
	[sflag:s23] =	ssyncadd.s32 $0xFFFFFFFF  }
0xa5: {  	s26 =	simm.s32 $execute0_lowered;
	[smem:$0x3FD2] =	sst s25  }
0xa6: {  	s5 =	sshll.u32 s26, $0x1;
	_ =	strace $0x80000046;
	[dreg:$0x1] =	wrdreg $0xFFFFFFFF  }
0xa7: {  	s28 =	simm.s32 $_size_execute0_lowered;
	s3 =	sadd.s32 s3, s5;
	[dreg:$0x0] =	wrdreg $0x0  }
0xa8: {  	s5 =	sshll.u32 s28, $0x1;
	[dreg:$0x2] =	wrdreg s3  }
0xa9: {  	[dreg:$0x3] =	wrdreg s5  }
0xaa: {  	[dreg:$0x4] =	wrdreg $0xC0  }
0xab: {  	_ =	task [dreg:s7], $0x5FFFF  }
0xac: {  	[dreg:$0x1] =	wrdreg $0xFFFFFFFF  }
0xad: {  	[dreg:$0x0] =	wrdreg $0x60  }
0xae: {  	[dreg:$0x2] =	wrdreg s2  }
0xaf: {  	[dreg:$0x3] =	wrdreg s24  }
0xb0: {  	[dreg:$0x4] =	wrdreg $0x2C000  }
0xb1: {  	[dreg:$0x5] =	wrdreg $0x9  }
0xb2: {  	_ =	task.clear_ibuf [dreg:s7], $0x6FFFF;
	_ =	strace $0x90000046  }
0xb3: {  	s29 =	simm.s32 $0x9;
	_ =	strace $0x80000048  }
0xb4: {  	_ =	swait.ge [sflag:s29], $0x1  }
0xb5: {  	[sflag:s29] =	ssyncadd.s32 $0xFFFFFFFF  }
0xb6: {  	_ =	strace $0x90000048  }
0xb7: {  	_ =	sfence  }
0xb8: {  	s30 =	sld [smem:$0x0];
	_ =	sdelay $0x2  }
0xb9: {  	s31 =	sshll.u32 s1, $0xD;
	s1 =	sshrl.u32 s1, $0x2  }
0xba: {  	s3 =	sand.u32 $0x4000, s31;
	s1 =	sadd.s32 s1, s30  }
0xbb: {  	s0 =	sor.u32 s3, s0;
	s1 =	sshll.u32 s1, $0x11  }
0xbc: {  	s0 =	sor.u32 s1, s0  }
0xbd: {  	s0 =	sadd.s32 $0x8F2B, s0  }
0xbe: {  	[sflag:s0] =	ssyncadd.remote.s32 $0x1  }
0xbf: {  	_ =	sfence.sel $0xFFFF  }
0xc0: {  	[dreg:$0x0] =	wrdreg $0xFFFFFFFF;
	(pc) =	sbr.abs _section_cstart, $3  }
0xc1: {  	[dreg:$0x1] =	wrdreg $0xFFFFFFFF  }
0xc2: {  	_ =	task.clear_ibuf [dreg:s7], $0x2FFFF;
	_ =	strace $0x9FFFFFFF  }
0xc3: {  	(tm) =	ssettm $0x7FFFFFFF  }
tec
execute0_lowered:
.L_overlay_start_1:
0x0: {  	(tag) =	ssettag $0x1  }
0x1: {  	s5 =	rddreg [dreg:$0x0]  }
0x2: {  	s6 =	rddreg [dreg:$0x1]  }
0x3: {  	s2 =	rddreg [dreg:$0x2]  }
0x4: {  	s0 =	rddreg [dreg:$0x3];
	s3 =	simm.s32 $0x0;
	s1 =	stileid.u32  }
0x5: {  	s4 =	srdreg.scid;
	s14 =	simm.s32 $0x20;
	s15 =	simm.s32 $0x10  }
0x6: {  	s16 =	simm.s32 $0x0;
	[smem:$0x7FF] =	sst s3;
	s7 =	smul.u32 $0x280, s1  }
0x7: {  	s8 =	sand.u32 $0x1, s4;
	s9 =	smul.u32 $0x500, s1;
	s10 =	sadd.s32 $0x4600, s6  }
0x8: {  	s4 =	sadd.s32 $0xE600, s6;
	s13 =	smul.u32 $0x2800, s1;
	s31 =	sshll.u32 s1, $0x6  }
0x9: {  	_ =	strace $0x80000047;
	s11 =	sshll.u32 s8, $0x7;
	s25 =	ssub.s32 $0x2, s8  }
0xa: {  	p0 =	seq.s32 s8, $0x1;
	s24 =	sshrl.u32 s7, $0x3;
	s9 =	sor.u32 s11, s9  }
0xb: {  	s26 =	sshrl.u32 s25, $0x1;
	s29 =	sshrl.u32 s13, $0x3;
	s5 =	smov.u32 @p0 s10  }
0xc: {  	s30 =	sadd.s32 s7, s2;
	s10 =	simm.s32 $0x2800;
	s11 =	sor.u32 $0x1C01, s31  }
0xd: {  	s13 =	simm.s32 $0x80;
	s12 =	sadd.s32 s24, s6;
	s9 =	sshrl.u32 s9, $0x3  }
0xe: {  	s28 =	ssub.s32 s25, s26;
	s6 =	sadd.s32 s9, s6;
	s9 =	sadd.s32 s5, s29  }
0xf: {  	s5 =	sadd.s32 $0xE800, s12;
	s7 =	smax.u32 s28, $0x1;
	s12 =	sshrl.u32 s30, $0x3  }
0x10: {  	s6 =	sadd.s32 $0xEE00, s6;
	s8 =	sadd.s32 $0x5000, s9;
	s9 =	simm.s32 $0x1  }
.LBB2_1:
0x11: {  	[tilespmem:s3], [sflag:$0x1] =	stream.linear.gather [hbm4b:s8+s3], $0x2800, $0x38;
	[tilespmem:$0x2E80] =	vst v63  }
0x12: {  	_ =	swait.ge [sflag:s9], $0x2800  }
0x13: {  	[sflag:s9] =	ssyncset.done $0x0  }
0x14: {  	[sflag:s9] =	ssyncadd.s32 $0xFFFFD800  }
0x15: {  	[tilespmem:s10], [sflag:$0x1] =	stream.linear.gather [hbm4b:s4+s3], $0x400, $0x38;
	[tilespmem:$0x2E80] =	vst v63  }
0x16: {  	_ =	swait.ge [sflag:s9], $0x400  }
0x17: {  	[sflag:s9] =	ssyncset.done $0x0  }
0x18: {  	[sflag:s9] =	ssyncadd.s32 $0xFFFFFC00  }
0x19: {  	[spmem:s12], [sflag:s11] =	dma.local [hbm:s5], $0x50  }
0x1a: {  	_ =	swait.ge [sflag:s9], $0x50  }
0x1b: {  	[sflag:s9] =	ssyncset.done $0x0  }
0x1c: {  	s17 =	sand.u32 $0xFE00, s3;
	[sflag:s9] =	ssyncadd.s32 $0xFFFFFFB0  }
0x1d: {  	s17 =	sshrl.u32 s17, $0x2;
	[bflag:$0x0] =	sbarrier.arrive $0xFFFF  }
0x1e: {  	[spmem:s2] =	stream.indirect.scatter.add.f32 [tilespmem:s10], [sflag:$0x1], $0x1, s17, s13, $0xb8;
	[tilespmem:$0x2E80] =	vst v63  }
0x1f: {  	s17 =	simm.s32 $0x200;
	_ =	swait.ge [sflag:s9], $0x80  }
.LBB2_2:
0x20: {  	s18 =	sand.u32 $0xFE00, s17;
	[sflag:s9] =	ssyncset.done $0x0;
	p0 =	sne.s32 s17, $0x9E00  }
.Ltmp0:
0x21: {  	s18 =	sshrl.u32 s18, $0x2;
	[sflag:s9] =	ssyncadd.s32 $0xFFFFFF80;
	(pc) =	sbr.rel @p0 .LBB2_2-.Ltmp0, $3  }
0x22: {  	[spmem:s2] =	stream.indirect.scatter.add.f32 [tilespmem:s10], [sflag:$0x1], $0x1, s18, s13, $0xb8;
	[tilespmem:$0x2E80] =	vst v63  }
0x23: {  	s17 =	sadd.s32 $0x200, s17;
	_ =	sdelay $0x1  }
0x24: {  	_ =	swait.ge [sflag:s9], $0x80  }
0x25: {  	[sflag:s9] =	ssyncset.done $0x0;
	s16 =	sadd.s32 $0x1, s16  }
0x26: {  	[sflag:s9] =	ssyncadd.s32 $0xFFFFFF80;
	p0 =	sne.s32 s16, s7  }
.Ltmp1:
0x27: {  	[bflag:$0x0] =	sbarrier.arrive $0xFFFF;
	(pc) =	sbr.rel @p0 .LBB2_1-.Ltmp1, $4  }
0x28: {  	[hbm:s6@s14], [sflag:s11] =	dma.strided [spmem:s12@s15], $0x50, s9, $0x10   }
0x29: {  	_ =	swait.ge [sflag:s9], $0x50  }
0x2a: {  	[sflag:s9] =	ssyncset.done $0x0  }
0x2b: {  	[sflag:s9] =	ssyncadd.s32 $0xFFFFFFB0  }
0x2c: {  	_ =	sfence.sel $0x180000  }
0x2d: {  	[bflag:$0x0] =	sbarrier.arrive $0xFFFF  }
0x2e: {  	p0 =	sne.s32 s1, $0x0;
	_ =	strace $0x90000047  }
0x2f: {  	s0 =	sadd.s32 @!p0 $0x100000, s0;
	[bflag:$0x2] =	sbarrier.arrive $0xFFFF  }
0x30: {  	[sflag:s0] =	ssyncadd.tile.s32 @!p0 $0x1;
	_ =	shalt  }
.Lfunc_end2:
_tile_overlayer_lowered:
.L_overlay_start_2:
0x31: {  	(tag) =	ssettag $0x2  }
0x32: {  	s0 =	rddreg [dreg:$0x0];
	s2 =	stileid.u32  }
0x33: {  	s1 =	rddreg [dreg:$0x1];
	p0 =	sne.s32 s2, $0x0  }
0x34: {  	s3 =	rddreg [dreg:$0x2];
	[bflag:$0x3] =	sbarrier.arrive $0xFFFF;
	s2 =	simm.s32 @!p0 $0x1C01  }
0x35: {  	[timem:s3], [sflag:s2] =	dma.local @!p0 [hbm:s0], s1  }
0x36: {  	s0 =	simm.s32 @!p0 $0x1  }
0x37: {  	_ =	swait.ge @!p0 [sflag:s0], s1  }
0x38: {  	s1 =	ssub.s32 @!p0 $0x0, s1;
	[sflag:s0] =	ssyncset.done @!p0 $0x0  }
0x39: {  	[sflag:s0] =	ssyncadd.s32 @!p0 s1  }
0x3a: {  	[bflag:$0x3] =	sbarrier.arrive $0xFFFF  }
0x3b: {  	_ =	shalt  }

</sc_bundles>
